<compile_context>
chip_gen: v7x
topology: tpu7x:2x2x1
jax: 0.10.2.dev20260603
libtpu: 0.0.44.dev20260713+nightly
codegen_flags: <defaults>
</compile_context>

<pallas_src>
import functools
import jax
import jax.numpy as jnp
from jax import lax
from jax.experimental import pallas as pl
from jax.experimental.pallas import tpu as pltpu
from jax.experimental.pallas import tpu_sc as plsc

U0 = 10.0
R = 0.2

_N = 65536
_M = 64
_NC = 2
_NS = 16
_NW = _NC * _NS
_A = 16384
_PW = _A // _NW
_NV = _PW // 16
_BR = 128


def _nsqrt(m):
    m = jnp.maximum(m, jnp.float32(1e-30))
    i = lax.bitcast_convert_type(m, jnp.int32)
    i = jnp.int32(0x5F3759DF) - (i >> 1)
    y = lax.bitcast_convert_type(i, jnp.float32)
    for _ in range(3):
        y = y * (jnp.float32(1.5) - jnp.float32(0.5) * m * y * y)
    return m * y


def _sc_half(xs, ys, bsplat):
    mesh = plsc.VectorSubcoreMesh(core_axis_name="c", subcore_axis_name="s")

    @functools.partial(
        pl.kernel,
        mesh=mesh,
        out_type=[jax.ShapeDtypeStruct((_A,), jnp.float32)] * 2,
        scratch_types=[
            pltpu.VMEM((_PW,), jnp.float32),
            pltpu.VMEM((_PW,), jnp.float32),
            pltpu.VMEM((4 * _M * 16,), jnp.float32),
            pltpu.VMEM((_PW,), jnp.float32),
            pltpu.VMEM((_PW,), jnp.float32),
        ],
    )
    def k(xs_hbm, ys_hbm, bs_hbm, o0_hbm, o1_hbm, x_v, y_v, bs_v, o0_v, o1_v):
        wid = lax.axis_index("s") * _NC + lax.axis_index("c")
        base = wid * _PW
        pltpu.sync_copy(xs_hbm.at[pl.ds(base, _PW)], x_v)
        pltpu.sync_copy(ys_hbm.at[pl.ds(base, _PW)], y_v)
        pltpu.sync_copy(bs_hbm, bs_v)

        def body(i, carry):
            sl = pl.ds(i * 16, 16)
            xv = x_v[sl]
            yv = y_v[sl]

            def min_d2(xrow, yrow):
                m = None
                for j in range(_M):
                    dx = xv - bs_v[pl.ds(xrow * (_M * 16) + 16 * j, 16)]
                    dy = yv - bs_v[pl.ds(yrow * (_M * 16) + 16 * j, 16)]
                    d2 = dx * dx + dy * dy
                    m = d2 if m is None else jnp.minimum(m, d2)
                return m

            o0_v[sl] = U0 * jnp.exp(-_nsqrt(min_d2(0, 1)) / R)
            o1_v[sl] = U0 * jnp.exp(-_nsqrt(min_d2(2, 3)) / R)
            return carry

        lax.fori_loop(0, _NV, body, jnp.int32(0), unroll=2)
        pltpu.sync_copy(o0_v, o0_hbm.at[pl.ds(base, _PW)])
        pltpu.sync_copy(o1_v, o1_hbm.at[pl.ds(base, _PW)])

    return k(xs, ys, bsplat)


def _tc_kernel(b0_ref, b1_ref, x_ref, y_ref, o0_ref, o1_ref):
    x = x_ref[...]
    y = y_ref[...]

    def min_d2(b_ref):
        m = None
        for j in range(_M):
            dx = x - b_ref[j, 0]
            dy = y - b_ref[j, 1]
            d2 = dx * dx + dy * dy
            m = d2 if m is None else jnp.minimum(m, d2)
        return m

    o0_ref[...] = U0 * jnp.exp(-jnp.sqrt(min_d2(b0_ref)) / R)
    o1_ref[...] = U0 * jnp.exp(-jnp.sqrt(min_d2(b1_ref)) / R)


def _tc_half(x2d, y2d, B0, B1):
    rows = (_N - _A) // 128
    off = _A // (128 * _BR)
    plane_in = pl.BlockSpec((_BR, 128), lambda i: (i + off, 0))
    plane_out = pl.BlockSpec((_BR, 128), lambda i: (i, 0))
    smem = pl.BlockSpec(memory_space=pltpu.SMEM)
    return pl.pallas_call(
        _tc_kernel,
        grid=(rows // _BR,),
        in_specs=[smem, smem, plane_in, plane_in],
        out_specs=[plane_out, plane_out],
        out_shape=[jax.ShapeDtypeStruct((rows, 128), jnp.float32)] * 2,
    )(B0, B1, x2d, y2d)


def kernel(state, B0, B1):
    bsplat = jnp.repeat(
        jnp.stack([B0[:, 0], B0[:, 1], B1[:, 0], B1[:, 1]], axis=0),
        16, axis=1).reshape(4 * _M * 16)
    xs = state[:, 0]
    ys = state[:, 1]

    s0, s1 = _sc_half(xs, ys, bsplat)
    t0, t1 = _tc_half(xs.reshape(512, 128), ys.reshape(512, 128), B0, B1)
    o0 = jnp.concatenate([s0, t0.reshape(-1)])
    o1 = jnp.concatenate([s1, t1.reshape(-1)])
    return jnp.stack([o0, o1], axis=1)

# --- scband reference (transcript-rebuilt; emitter-appended) ---
"""Pipeline reference for scband-ped-space-potential-5360119186122 (READ-ONLY COPY).

The authoritative reference and input builder live on the scoring server;
editing this copy changes nothing except your own understanding.
"""

import jax, jax.numpy as jnp
import numpy as np

U0 = 10.0
R = 0.2

def setup_inputs(seed: int = 0) -> dict:
    key = jax.random.key(seed)
    state = jax.random.normal(key, (65536, 4), dtype=jnp.float32)
    B0 = jnp.stack([jnp.arange(64, dtype=jnp.float32), jnp.zeros(64, dtype=jnp.float32)], axis=-1)
    B1 = jnp.stack([jnp.arange(64, dtype=jnp.float32), jnp.full((64,), 50.0, dtype=jnp.float32)], axis=-1)
    return {"state": state, "B0": B0, "B1": B1}

def reference(state, B0, B1):
    # r_a: [N, 1, 2] agent positions
    r_a = state[:, 0:2][:, None, :]
    closest = []
    for B in (B0, B1):
        # brute-force pairwise distances [N, M], argmin = 1-NN retrieval
        d = jnp.linalg.norm(r_a - B[None, :, :], axis=-1)
        idx = jnp.argmin(d, axis=1)
        closest.append(jnp.take(B, idx, axis=0))
    # torch: stack over boundaries then transpose(0,1) -> [N, n_boundaries, 2]
    closest_points = jnp.stack(closest, axis=1)
    r_aB = r_a - closest_points
    return U0 * jnp.exp(-1.0 * jnp.linalg.norm(r_aB, axis=-1) / R)

if __name__ == "__main__":
    import jax
    _d = setup_inputs()
    print(jax.jit(kernel)(*tuple(_d.values())))

</pallas_src>

<mosaic_0001>
#map = affine_map<(d0, d1) -> (0)>
module attributes {stable_mosaic.version = 14 : i64} {
  func.func @k(%arg0: i32, %arg1: i32, %arg2: memref<65536xf32, #tpu.memory_space<hbm>>, %arg3: memref<65536xf32, #tpu.memory_space<hbm>>, %arg4: memref<4096xf32, #tpu.memory_space<hbm>>, %arg5: memref<16384xf32, #tpu.memory_space<hbm>>, %arg6: memref<16384xf32, #tpu.memory_space<hbm>>, %arg7: memref<512xf32, #tpu.memory_space<vmem>>, %arg8: memref<512xf32, #tpu.memory_space<vmem>>, %arg9: memref<4096xf32, #tpu.memory_space<vmem>>, %arg10: memref<512xf32, #tpu.memory_space<vmem>>, %arg11: memref<512xf32, #tpu.memory_space<vmem>>) attributes {dimension_semantics = [#tpu.dimension_semantics<core_parallel>, #tpu.dimension_semantics<subcore_parallel>], iteration_bounds = array<i64: 2, 16>, scalar_prefetch = 0 : i64, scratch_operands = 5 : i64, tpu.core_type = #tpu.core_type<sc_vector_subcore>, window_params = [{transform_indices = #map}, {transform_indices = #map}, {transform_indices = #map}, {transform_indices = #map}, {transform_indices = #map}]} {
    %mul3A = arith.constant 2 : i32
    %mul3A_0 = arith.muli %arg1, %mul3A : i32
    %add3A = arith.addi %mul3A_0, %arg0 : i32
    %mul3A_1 = arith.constant 512 : i32
    %mul3A_2 = arith.muli %add3A, %mul3A_1 : i32
    "tpu.region"() ({
      %run_scoped3A = tpu.sem_alloc : memref<!tpu.dma_semaphore, #tpu.memory_space<semaphore_mem>>
      %dma_start3A = tpu.memref_slice %arg2[%mul3A_2] : memref<65536xf32, #tpu.memory_space<hbm>> -> memref<512xf32, #tpu.memory_space<hbm>>
      %dma_start3A_8 = tpu.memref_slice %arg2[%mul3A_2] : memref<65536xf32, #tpu.memory_space<hbm>> -> memref<512xf32, #tpu.memory_space<hbm>>
      tpu.enqueue_dma source(%dma_start3A_8 : memref<512xf32, #tpu.memory_space<hbm>>) target(%arg7 : memref<512xf32, #tpu.memory_space<vmem>>) target_semaphore(%run_scoped3A : memref<!tpu.dma_semaphore, #tpu.memory_space<semaphore_mem>>)
      %dma_wait3A = tpu.memref_slice %arg2[%mul3A_2] : memref<65536xf32, #tpu.memory_space<hbm>> -> memref<512xf32, #tpu.memory_space<hbm>>
      %dma_wait3A_9 = tpu.memref_slice %arg2[%mul3A_2] : memref<65536xf32, #tpu.memory_space<hbm>> -> memref<512xf32, #tpu.memory_space<hbm>>
      tpu.wait_dma2 semaphore(%run_scoped3A : memref<!tpu.dma_semaphore, #tpu.memory_space<semaphore_mem>>) src(%dma_wait3A_9 : memref<512xf32, #tpu.memory_space<hbm>>) dst(%arg7 : memref<512xf32, #tpu.memory_space<vmem>>)
      tpu.yield
    }) : () -> ()
    "tpu.region"() ({
      %run_scoped3A = tpu.sem_alloc : memref<!tpu.dma_semaphore, #tpu.memory_space<semaphore_mem>>
      %dma_start3A = tpu.memref_slice %arg3[%mul3A_2] : memref<65536xf32, #tpu.memory_space<hbm>> -> memref<512xf32, #tpu.memory_space<hbm>>
      %dma_start3A_8 = tpu.memref_slice %arg3[%mul3A_2] : memref<65536xf32, #tpu.memory_space<hbm>> -> memref<512xf32, #tpu.memory_space<hbm>>
      tpu.enqueue_dma source(%dma_start3A_8 : memref<512xf32, #tpu.memory_space<hbm>>) target(%arg8 : memref<512xf32, #tpu.memory_space<vmem>>) target_semaphore(%run_scoped3A : memref<!tpu.dma_semaphore, #tpu.memory_space<semaphore_mem>>)
      %dma_wait3A = tpu.memref_slice %arg3[%mul3A_2] : memref<65536xf32, #tpu.memory_space<hbm>> -> memref<512xf32, #tpu.memory_space<hbm>>
      %dma_wait3A_9 = tpu.memref_slice %arg3[%mul3A_2] : memref<65536xf32, #tpu.memory_space<hbm>> -> memref<512xf32, #tpu.memory_space<hbm>>
      tpu.wait_dma2 semaphore(%run_scoped3A : memref<!tpu.dma_semaphore, #tpu.memory_space<semaphore_mem>>) src(%dma_wait3A_9 : memref<512xf32, #tpu.memory_space<hbm>>) dst(%arg8 : memref<512xf32, #tpu.memory_space<vmem>>)
      tpu.yield
    }) : () -> ()
    "tpu.region"() ({
      %run_scoped3A = tpu.sem_alloc : memref<!tpu.dma_semaphore, #tpu.memory_space<semaphore_mem>>
      tpu.enqueue_dma source(%arg4 : memref<4096xf32, #tpu.memory_space<hbm>>) target(%arg9 : memref<4096xf32, #tpu.memory_space<vmem>>) target_semaphore(%run_scoped3A : memref<!tpu.dma_semaphore, #tpu.memory_space<semaphore_mem>>)
      tpu.wait_dma2 semaphore(%run_scoped3A : memref<!tpu.dma_semaphore, #tpu.memory_space<semaphore_mem>>) src(%arg4 : memref<4096xf32, #tpu.memory_space<hbm>>) dst(%arg9 : memref<4096xf32, #tpu.memory_space<vmem>>)
      tpu.yield
    }) : () -> ()
    %scan3A = arith.constant 0 : i32
    %scan3A_3 = arith.constant 0 : i32
    %scan3A_4 = arith.constant 32 : i32
    %scan3A_5 = arith.addi %scan3A_3, %scan3A_4 : i32
    %scan3A_6 = arith.constant 2 : i32
    scf.for %scan3A_8 = %scan3A_3 to %scan3A_5 step %scan3A_6  : i32 {
      %mul3A_9 = arith.constant 16 : i32
      %mul3A_10 = arith.muli %scan3A_8, %mul3A_9 : i32
      %get3A = arith.index_cast %mul3A_10 : i32 to index
      %get3A_11 = tpu.vector_load %arg7[%get3A] {strides = array<i32>} : memref<512xf32, #tpu.memory_space<vmem>>, vector<16xf32>,
      %get3A_12 = vector.shape_cast %get3A_11 : vector<16xf32> to vector<16xf32>
      %get3A_13 = arith.index_cast %mul3A_10 : i32 to index
      %get3A_14 = tpu.vector_load %arg8[%get3A_13] {strides = array<i32>} : memref<512xf32, #tpu.memory_space<vmem>>, vector<16xf32>,
      %get3A_15 = vector.shape_cast %get3A_14 : vector<16xf32> to vector<16xf32>
      %get3A_16 = arith.constant 0 : index
      %get3A_17 = tpu.vector_load %arg9[%get3A_16] {strides = array<i32>} : memref<4096xf32, #tpu.memory_space<vmem>>, vector<16xf32>,
      %get3A_18 = vector.shape_cast %get3A_17 : vector<16xf32> to vector<16xf32>
      %sub3A = arith.subf %get3A_12, %get3A_18 : vector<16xf32>
      %get3A_19 = arith.constant 1024 : index
      %get3A_20 = tpu.vector_load %arg9[%get3A_19] {strides = array<i32>} : memref<4096xf32, #tpu.memory_space<vmem>>, vector<16xf32>,
      %get3A_21 = vector.shape_cast %get3A_20 : vector<16xf32> to vector<16xf32>
      %sub3A_22 = arith.subf %get3A_15, %get3A_21 : vector<16xf32>
      %mul3A_23 = arith.mulf %sub3A, %sub3A : vector<16xf32>
      %mul3A_24 = arith.mulf %sub3A_22, %sub3A_22 : vector<16xf32>
      %add3A_25 = arith.addf %mul3A_23, %mul3A_24 : vector<16xf32>
      %get3A_26 = arith.constant 16 : index
      %get3A_27 = tpu.vector_load %arg9[%get3A_26] {strides = array<i32>} : memref<4096xf32, #tpu.memory_space<vmem>>, vector<16xf32>,
      %get3A_28 = vector.shape_cast %get3A_27 : vector<16xf32> to vector<16xf32>
      %sub3A_29 = arith.subf %get3A_12, %get3A_28 : vector<16xf32>
      %get3A_30 = arith.constant 1040 : index
      %get3A_31 = tpu.vector_load %arg9[%get3A_30] {strides = array<i32>} : memref<4096xf32, #tpu.memory_space<vmem>>, vector<16xf32>,
      %get3A_32 = vector.shape_cast %get3A_31 : vector<16xf32> to vector<16xf32>
      %sub3A_33 = arith.subf %get3A_15, %get3A_32 : vector<16xf32>
      %mul3A_34 = arith.mulf %sub3A_29, %sub3A_29 : vector<16xf32>
      %mul3A_35 = arith.mulf %sub3A_33, %sub3A_33 : vector<16xf32>
      %add3A_36 = arith.addf %mul3A_34, %mul3A_35 : vector<16xf32>
      %min3A = arith.minimumf %add3A_25, %add3A_36 : vector<16xf32>
      %get3A_37 = arith.constant 32 : index
      %get3A_38 = tpu.vector_load %arg9[%get3A_37] {strides = array<i32>} : memref<4096xf32, #tpu.memory_space<vmem>>, vector<16xf32>,
      %get3A_39 = vector.shape_cast %get3A_38 : vector<16xf32> to vector<16xf32>
      %sub3A_40 = arith.subf %get3A_12, %get3A_39 : vector<16xf32>
      %get3A_41 = arith.constant 1056 : index
      %get3A_42 = tpu.vector_load %arg9[%get3A_41] {strides = array<i32>} : memref<4096xf32, #tpu.memory_space<vmem>>, vector<16xf32>,
      %get3A_43 = vector.shape_cast %get3A_42 : vector<16xf32> to vector<16xf32>
      %sub3A_44 = arith.subf %get3A_15, %get3A_43 : vector<16xf32>
      %mul3A_45 = arith.mulf %sub3A_40, %sub3A_40 : vector<16xf32>
      %mul3A_46 = arith.mulf %sub3A_44, %sub3A_44 : vector<16xf32>
      %add3A_47 = arith.addf %mul3A_45, %mul3A_46 : vector<16xf32>
      %min3A_48 = arith.minimumf %min3A, %add3A_47 : vector<16xf32>
      %get3A_49 = arith.constant 48 : index
      %get3A_50 = tpu.vector_load %arg9[%get3A_49] {strides = array<i32>} : memref<4096xf32, #tpu.memory_space<vmem>>, vector<16xf32>,
      %get3A_51 = vector.shape_cast %get3A_50 : vector<16xf32> to vector<16xf32>
      %sub3A_52 = arith.subf %get3A_12, %get3A_51 : vector<16xf32>
      %get3A_53 = arith.constant 1072 : index
      %get3A_54 = tpu.vector_load %arg9[%get3A_53] {strides = array<i32>} : memref<4096xf32, #tpu.memory_space<vmem>>, vector<16xf32>,
      %get3A_55 = vector.shape_cast %get3A_54 : vector<16xf32> to vector<16xf32>
      %sub3A_56 = arith.subf %get3A_15, %get3A_55 : vector<16xf32>
      %mul3A_57 = arith.mulf %sub3A_52, %sub3A_52 : vector<16xf32>
      %mul3A_58 = arith.mulf %sub3A_56, %sub3A_56 : vector<16xf32>
      %add3A_59 = arith.addf %mul3A_57, %mul3A_58 : vector<16xf32>
      %min3A_60 = arith.minimumf %min3A_48, %add3A_59 : vector<16xf32>
      %get3A_61 = arith.constant 64 : index
      %get3A_62 = tpu.vector_load %arg9[%get3A_61] {strides = array<i32>} : memref<4096xf32, #tpu.memory_space<vmem>>, vector<16xf32>,
      %get3A_63 = vector.shape_cast %get3A_62 : vector<16xf32> to vector<16xf32>
      %sub3A_64 = arith.subf %get3A_12, %get3A_63 : vector<16xf32>
      %get3A_65 = arith.constant 1088 : index
      %get3A_66 = tpu.vector_load %arg9[%get3A_65] {strides = array<i32>} : memref<4096xf32, #tpu.memory_space<vmem>>, vector<16xf32>,
      %get3A_67 = vector.shape_cast %get3A_66 : vector<16xf32> to vector<16xf32>
      %sub3A_68 = arith.subf %get3A_15, %get3A_67 : vector<16xf32>
      %mul3A_69 = arith.mulf %sub3A_64, %sub3A_64 : vector<16xf32>
      %mul3A_70 = arith.mulf %sub3A_68, %sub3A_68 : vector<16xf32>
      %add3A_71 = arith.addf %mul3A_69, %mul3A_70 : vector<16xf32>
      %min3A_72 = arith.minimumf %min3A_60, %add3A_71 : vector<16xf32>
      %get3A_73 = arith.constant 80 : index
      %get3A_74 = tpu.vector_load %arg9[%get3A_73] {strides = array<i32>} : memref<4096xf32, #tpu.memory_space<vmem>>, vector<16xf32>,
      %get3A_75 = vector.shape_cast %get3A_74 : vector<16xf32> to vector<16xf32>
      %sub3A_76 = arith.subf %get3A_12, %get3A_75 : vector<16xf32>
      %get3A_77 = arith.constant 1104 : index
      %get3A_78 = tpu.vector_load %arg9[%get3A_77] {strides = array<i32>} : memref<4096xf32, #tpu.memory_space<vmem>>, vector<16xf32>,
      %get3A_79 = vector.shape_cast %get3A_78 : vector<16xf32> to vector<16xf32>
      %sub3A_80 = arith.subf %get3A_15, %get3A_79 : vector<16xf32>
      %mul3A_81 = arith.mulf %sub3A_76, %sub3A_76 : vector<16xf32>
      %mul3A_82 = arith.mulf %sub3A_80, %sub3A_80 : vector<16xf32>
      %add3A_83 = arith.addf %mul3A_81, %mul3A_82 : vector<16xf32>
      %min3A_84 = arith.minimumf %min3A_72, %add3A_83 : vector<16xf32>
      %get3A_85 = arith.constant 96 : index
      %get3A_86 = tpu.vector_load %arg9[%get3A_85] {strides = array<i32>} : memref<4096xf32, #tpu.memory_space<vmem>>, vector<16xf32>,
      %get3A_87 = vector.shape_cast %get3A_86 : vector<16xf32> to vector<16xf32>
      %sub3A_88 = arith.subf %get3A_12, %get3A_87 : vector<16xf32>
      %get3A_89 = arith.constant 1120 : index
      %get3A_90 = tpu.vector_load %arg9[%get3A_89] {strides = array<i32>} : memref<4096xf32, #tpu.memory_space<vmem>>, vector<16xf32>,
      %get3A_91 = vector.shape_cast %get3A_90 : vector<16xf32> to vector<16xf32>
      %sub3A_92 = arith.subf %get3A_15, %get3A_91 : vector<16xf32>
      %mul3A_93 = arith.mulf %sub3A_88, %sub3A_88 : vector<16xf32>
      %mul3A_94 = arith.mulf %sub3A_92, %sub3A_92 : vector<16xf32>
      %add3A_95 = arith.addf %mul3A_93, %mul3A_94 : vector<16xf32>
      %min3A_96 = arith.minimumf %min3A_84, %add3A_95 : vector<16xf32>
      %get3A_97 = arith.constant 112 : index
      %get3A_98 = tpu.vector_load %arg9[%get3A_97] {strides = array<i32>} : memref<4096xf32, #tpu.memory_space<vmem>>, vector<16xf32>,
      %get3A_99 = vector.shape_cast %get3A_98 : vector<16xf32> to vector<16xf32>
      %sub3A_100 = arith.subf %get3A_12, %get3A_99 : vector<16xf32>
      %get3A_101 = arith.constant 1136 : index
      %get3A_102 = tpu.vector_load %arg9[%get3A_101] {strides = array<i32>} : memref<4096xf32, #tpu.memory_space<vmem>>, vector<16xf32>,
      %get3A_103 = vector.shape_cast %get3A_102 : vector<16xf32> to vector<16xf32>
      %sub3A_104 = arith.subf %get3A_15, %get3A_103 : vector<16xf32>
      %mul3A_105 = arith.mulf %sub3A_100, %sub3A_100 : vector<16xf32>
      %mul3A_106 = arith.mulf %sub3A_104, %sub3A_104 : vector<16xf32>
      %add3A_107 = arith.addf %mul3A_105, %mul3A_106 : vector<16xf32>
      %min3A_108 = arith.minimumf %min3A_96, %add3A_107 : vector<16xf32>
      %get3A_109 = arith.constant 128 : index
      %get3A_110 = tpu.vector_load %arg9[%get3A_109] {strides = array<i32>} : memref<4096xf32, #tpu.memory_space<vmem>>, vector<16xf32>,
      %get3A_111 = vector.shape_cast %get3A_110 : vector<16xf32> to vector<16xf32>
      %sub3A_112 = arith.subf %get3A_12, %get3A_111 : vector<16xf32>
      %get3A_113 = arith.constant 1152 : index
      %get3A_114 = tpu.vector_load %arg9[%get3A_113] {strides = array<i32>} : memref<4096xf32, #tpu.memory_space<vmem>>, vector<16xf32>,
      %get3A_115 = vector.shape_cast %get3A_114 : vector<16xf32> to vector<16xf32>
      %sub3A_116 = arith.subf %get3A_15, %get3A_115 : vector<16xf32>
      %mul3A_117 = arith.mulf %sub3A_112, %sub3A_112 : vector<16xf32>
      %mul3A_118 = arith.mulf %sub3A_116, %sub3A_116 : vector<16xf32>
      %add3A_119 = arith.addf %mul3A_117, %mul3A_118 : vector<16xf32>
      %min3A_120 = arith.minimumf %min3A_108, %add3A_119 : vector<16xf32>
      %get3A_121 = arith.constant 144 : index
      %get3A_122 = tpu.vector_load %arg9[%get3A_121] {strides = array<i32>} : memref<4096xf32, #tpu.memory_space<vmem>>, vector<16xf32>,
      %get3A_123 = vector.shape_cast %get3A_122 : vector<16xf32> to vector<16xf32>
      %sub3A_124 = arith.subf %get3A_12, %get3A_123 : vector<16xf32>
      %get3A_125 = arith.constant 1168 : index
      %get3A_126 = tpu.vector_load %arg9[%get3A_125] {strides = array<i32>} : memref<4096xf32, #tpu.memory_space<vmem>>, vector<16xf32>,
      %get3A_127 = vector.shape_cast %get3A_126 : vector<16xf32> to vector<16xf32>
      %sub3A_128 = arith.subf %get3A_15, %get3A_127 : vector<16xf32>
      %mul3A_129 = arith.mulf %sub3A_124, %sub3A_124 : vector<16xf32>
      %mul3A_130 = arith.mulf %sub3A_128, %sub3A_128 : vector<16xf32>
      %add3A_131 = arith.addf %mul3A_129, %mul3A_130 : vector<16xf32>
      %min3A_132 = arith.minimumf %min3A_120, %add3A_131 : vector<16xf32>
      %get3A_133 = arith.constant 160 : index
      %get3A_134 = tpu.vector_load %arg9[%get3A_133] {strides = array<i32>} : memref<4096xf32, #tpu.memory_space<vmem>>, vector<16xf32>,
      %get3A_135 = vector.shape_cast %get3A_134 : vector<16xf32> to vector<16xf32>
      %sub3A_136 = arith.subf %get3A_12, %get3A_135 : vector<16xf32>
      %get3A_137 = arith.constant 1184 : index
      %get3A_138 = tpu.vector_load %arg9[%get3A_137] {strides = array<i32>} : memref<4096xf32, #tpu.memory_space<vmem>>, vector<16xf32>,
      %get3A_139 = vector.shape_cast %get3A_138 : vector<16xf32> to vector<16xf32>
      %sub3A_140 = arith.subf %get3A_15, %get3A_139 : vector<16xf32>
      %mul3A_141 = arith.mulf %sub3A_136, %sub3A_136 : vector<16xf32>
      %mul3A_142 = arith.mulf %sub3A_140, %sub3A_140 : vector<16xf32>
      %add3A_143 = arith.addf %mul3A_141, %mul3A_142 : vector<16xf32>
      %min3A_144 = arith.minimumf %min3A_132, %add3A_143 : vector<16xf32>
      %get3A_145 = arith.constant 176 : index
      %get3A_146 = tpu.vector_load %arg9[%get3A_145] {strides = array<i32>} : memref<4096xf32, #tpu.memory_space<vmem>>, vector<16xf32>,
      %get3A_147 = vector.shape_cast %get3A_146 : vector<16xf32> to vector<16xf32>
      %sub3A_148 = arith.subf %get3A_12, %get3A_147 : vector<16xf32>
      %get3A_149 = arith.constant 1200 : index
      %get3A_150 = tpu.vector_load %arg9[%get3A_149] {strides = array<i32>} : memref<4096xf32, #tpu.memory_space<vmem>>, vector<16xf32>,
      %get3A_151 = vector.shape_cast %get3A_150 : vector<16xf32> to vector<16xf32>
      %sub3A_152 = arith.subf %get3A_15, %get3A_151 : vector<16xf32>
      %mul3A_153 = arith.mulf %sub3A_148, %sub3A_148 : vector<16xf32>
      %mul3A_154 = arith.mulf %sub3A_152, %sub3A_152 : vector<16xf32>
      %add3A_155 = arith.addf %mul3A_153, %mul3A_154 : vector<16xf32>
      %min3A_156 = arith.minimumf %min3A_144, %add3A_155 : vector<16xf32>
      %get3A_157 = arith.constant 192 : index
      %get3A_158 = tpu.vector_load %arg9[%get3A_157] {strides = array<i32>} : memref<4096xf32, #tpu.memory_space<vmem>>, vector<16xf32>,
      %get3A_159 = vector.shape_cast %get3A_158 : vector<16xf32> to vector<16xf32>
      %sub3A_160 = arith.subf %get3A_12, %get3A_159 : vector<16xf32>
      %get3A_161 = arith.constant 1216 : index
      %get3A_162 = tpu.vector_load %arg9[%get3A_161] {strides = array<i32>} : memref<4096xf32, #tpu.memory_space<vmem>>, vector<16xf32>,
      %get3A_163 = vector.shape_cast %get3A_162 : vector<16xf32> to vector<16xf32>
      %sub3A_164 = arith.subf %get3A_15, %get3A_163 : vector<16xf32>
      %mul3A_165 = arith.mulf %sub3A_160, %sub3A_160 : vector<16xf32>
      %mul3A_166 = arith.mulf %sub3A_164, %sub3A_164 : vector<16xf32>
      %add3A_167 = arith.addf %mul3A_165, %mul3A_166 : vector<16xf32>
      %min3A_168 = arith.minimumf %min3A_156, %add3A_167 : vector<16xf32>
      %get3A_169 = arith.constant 208 : index
      %get3A_170 = tpu.vector_load %arg9[%get3A_169] {strides = array<i32>} : memref<4096xf32, #tpu.memory_space<vmem>>, vector<16xf32>,
      %get3A_171 = vector.shape_cast %get3A_170 : vector<16xf32> to vector<16xf32>
      %sub3A_172 = arith.subf %get3A_12, %get3A_171 : vector<16xf32>
      %get3A_173 = arith.constant 1232 : index
      %get3A_174 = tpu.vector_load %arg9[%get3A_173] {strides = array<i32>} : memref<4096xf32, #tpu.memory_space<vmem>>, vector<16xf32>,
      %get3A_175 = vector.shape_cast %get3A_174 : vector<16xf32> to vector<16xf32>
      %sub3A_176 = arith.subf %get3A_15, %get3A_175 : vector<16xf32>
      %mul3A_177 = arith.mulf %sub3A_172, %sub3A_172 : vector<16xf32>
      %mul3A_178 = arith.mulf %sub3A_176, %sub3A_176 : vector<16xf32>
      %add3A_179 = arith.addf %mul3A_177, %mul3A_178 : vector<16xf32>
      %min3A_180 = arith.minimumf %min3A_168, %add3A_179 : vector<16xf32>
      %get3A_181 = arith.constant 224 : index
      %get3A_182 = tpu.vector_load %arg9[%get3A_181] {strides = array<i32>} : memref<4096xf32, #tpu.memory_space<vmem>>, vector<16xf32>,
      %get3A_183 = vector.shape_cast %get3A_182 : vector<16xf32> to vector<16xf32>
      %sub3A_184 = arith.subf %get3A_12, %get3A_183 : vector<16xf32>
      %get3A_185 = arith.constant 1248 : index
      %get3A_186 = tpu.vector_load %arg9[%get3A_185] {strides = array<i32>} : memref<4096xf32, #tpu.memory_space<vmem>>, vector<16xf32>,
      %get3A_187 = vector.shape_cast %get3A_186 : vector<16xf32> to vector<16xf32>
      %sub3A_188 = arith.subf %get3A_15, %get3A_187 : vector<16xf32>
      %mul3A_189 = arith.mulf %sub3A_184, %sub3A_184 : vector<16xf32>
      %mul3A_190 = arith.mulf %sub3A_188, %sub3A_188 : vector<16xf32>
      %add3A_191 = arith.addf %mul3A_189, %mul3A_190 : vector<16xf32>
      %min3A_192 = arith.minimumf %min3A_180, %add3A_191 : vector<16xf32>
      %get3A_193 = arith.constant 240 : index
      %get3A_194 = tpu.vector_load %arg9[%get3A_193] {strides = array<i32>} : memref<4096xf32, #tpu.memory_space<vmem>>, vector<16xf32>,
      %get3A_195 = vector.shape_cast %get3A_194 : vector<16xf32> to vector<16xf32>
      %sub3A_196 = arith.subf %get3A_12, %get3A_195 : vector<16xf32>
      %get3A_197 = arith.constant 1264 : index
      %get3A_198 = tpu.vector_load %arg9[%get3A_197] {strides = array<i32>} : memref<4096xf32, #tpu.memory_space<vmem>>, vector<16xf32>,
      %get3A_199 = vector.shape_cast %get3A_198 : vector<16xf32> to vector<16xf32>
      %sub3A_200 = arith.subf %get3A_15, %get3A_199 : vector<16xf32>
      %mul3A_201 = arith.mulf %sub3A_196, %sub3A_196 : vector<16xf32>
      %mul3A_202 = arith.mulf %sub3A_200, %sub3A_200 : vector<16xf32>
      %add3A_203 = arith.addf %mul3A_201, %mul3A_202 : vector<16xf32>
      %min3A_204 = arith.minimumf %min3A_192, %add3A_203 : vector<16xf32>
      %get3A_205 = arith.constant 256 : index
      %get3A_206 = tpu.vector_load %arg9[%get3A_205] {strides = array<i32>} : memref<4096xf32, #tpu.memory_space<vmem>>, vector<16xf32>,
      %get3A_207 = vector.shape_cast %get3A_206 : vector<16xf32> to vector<16xf32>
      %sub3A_208 = arith.subf %get3A_12, %get3A_207 : vector<16xf32>
      %get3A_209 = arith.constant 1280 : index
      %get3A_210 = tpu.vector_load %arg9[%get3A_209] {strides = array<i32>} : memref<4096xf32, #tpu.memory_space<vmem>>, vector<16xf32>,
      %get3A_211 = vector.shape_cast %get3A_210 : vector<16xf32> to vector<16xf32>
      %sub3A_212 = arith.subf %get3A_15, %get3A_211 : vector<16xf32>
      %mul3A_213 = arith.mulf %sub3A_208, %sub3A_208 : vector<16xf32>
      %mul3A_214 = arith.mulf %sub3A_212, %sub3A_212 : vector<16xf32>
      %add3A_215 = arith.addf %mul3A_213, %mul3A_214 : vector<16xf32>
      %min3A_216 = arith.minimumf %min3A_204, %add3A_215 : vector<16xf32>
      %get3A_217 = arith.constant 272 : index
      %get3A_218 = tpu.vector_load %arg9[%get3A_217] {strides = array<i32>} : memref<4096xf32, #tpu.memory_space<vmem>>, vector<16xf32>,
      %get3A_219 = vector.shape_cast %get3A_218 : vector<16xf32> to vector<16xf32>
      %sub3A_220 = arith.subf %get3A_12, %get3A_219 : vector<16xf32>
      %get3A_221 = arith.constant 1296 : index
      %get3A_222 = tpu.vector_load %arg9[%get3A_221] {strides = array<i32>} : memref<4096xf32, #tpu.memory_space<vmem>>, vector<16xf32>,
      %get3A_223 = vector.shape_cast %get3A_222 : vector<16xf32> to vector<16xf32>
      %sub3A_224 = arith.subf %get3A_15, %get3A_223 : vector<16xf32>
      %mul3A_225 = arith.mulf %sub3A_220, %sub3A_220 : vector<16xf32>
      %mul3A_226 = arith.mulf %sub3A_224, %sub3A_224 : vector<16xf32>
      %add3A_227 = arith.addf %mul3A_225, %mul3A_226 : vector<16xf32>
      %min3A_228 = arith.minimumf %min3A_216, %add3A_227 : vector<16xf32>
      %get3A_229 = arith.constant 288 : index
      %get3A_230 = tpu.vector_load %arg9[%get3A_229] {strides = array<i32>} : memref<4096xf32, #tpu.memory_space<vmem>>, vector<16xf32>,
      %get3A_231 = vector.shape_cast %get3A_230 : vector<16xf32> to vector<16xf32>
      %sub3A_232 = arith.subf %get3A_12, %get3A_231 : vector<16xf32>
      %get3A_233 = arith.constant 1312 : index
      %get3A_234 = tpu.vector_load %arg9[%get3A_233] {strides = array<i32>} : memref<4096xf32, #tpu.memory_space<vmem>>, vector<16xf32>,
      %get3A_235 = vector.shape_cast %get3A_234 : vector<16xf32> to vector<16xf32>
      %sub3A_236 = arith.subf %get3A_15, %get3A_235 : vector<16xf32>
      %mul3A_237 = arith.mulf %sub3A_232, %sub3A_232 : vector<16xf32>
      %mul3A_238 = arith.mulf %sub3A_236, %sub3A_236 : vector<16xf32>
      %add3A_239 = arith.addf %mul3A_237, %mul3A_238 : vector<16xf32>
      %min3A_240 = arith.minimumf %min3A_228, %add3A_239 : vector<16xf32>
      %get3A_241 = arith.constant 304 : index
      %get3A_242 = tpu.vector_load %arg9[%get3A_241] {strides = array<i32>} : memref<4096xf32, #tpu.memory_space<vmem>>, vector<16xf32>,
      %get3A_243 = vector.shape_cast %get3A_242 : vector<16xf32> to vector<16xf32>
      %sub3A_244 = arith.subf %get3A_12, %get3A_243 : vector<16xf32>
      %get3A_245 = arith.constant 1328 : index
      %get3A_246 = tpu.vector_load %arg9[%get3A_245] {strides = array<i32>} : memref<4096xf32, #tpu.memory_space<vmem>>, vector<16xf32>,
      %get3A_247 = vector.shape_cast %get3A_246 : vector<16xf32> to vector<16xf32>
      %sub3A_248 = arith.subf %get3A_15, %get3A_247 : vector<16xf32>
      %mul3A_249 = arith.mulf %sub3A_244, %sub3A_244 : vector<16xf32>
      %mul3A_250 = arith.mulf %sub3A_248, %sub3A_248 : vector<16xf32>
      %add3A_251 = arith.addf %mul3A_249, %mul3A_250 : vector<16xf32>
      %min3A_252 = arith.minimumf %min3A_240, %add3A_251 : vector<16xf32>
      %get3A_253 = arith.constant 320 : index
      %get3A_254 = tpu.vector_load %arg9[%get3A_253] {strides = array<i32>} : memref<4096xf32, #tpu.memory_space<vmem>>, vector<16xf32>,
      %get3A_255 = vector.shape_cast %get3A_254 : vector<16xf32> to vector<16xf32>
      %sub3A_256 = arith.subf %get3A_12, %get3A_255 : vector<16xf32>
      %get3A_257 = arith.constant 1344 : index
      %get3A_258 = tpu.vector_load %arg9[%get3A_257] {strides = array<i32>} : memref<4096xf32, #tpu.memory_space<vmem>>, vector<16xf32>,
      %get3A_259 = vector.shape_cast %get3A_258 : vector<16xf32> to vector<16xf32>
      %sub3A_260 = arith.subf %get3A_15, %get3A_259 : vector<16xf32>
      %mul3A_261 = arith.mulf %sub3A_256, %sub3A_256 : vector<16xf32>
      %mul3A_262 = arith.mulf %sub3A_260, %sub3A_260 : vector<16xf32>
      %add3A_263 = arith.addf %mul3A_261, %mul3A_262 : vector<16xf32>
      %min3A_264 = arith.minimumf %min3A_252, %add3A_263 : vector<16xf32>
      %get3A_265 = arith.constant 336 : index
      %get3A_266 = tpu.vector_load %arg9[%get3A_265] {strides = array<i32>} : memref<4096xf32, #tpu.memory_space<vmem>>, vector<16xf32>,
      %get3A_267 = vector.shape_cast %get3A_266 : vector<16xf32> to vector<16xf32>
      %sub3A_268 = arith.subf %get3A_12, %get3A_267 : vector<16xf32>
      %get3A_269 = arith.constant 1360 : index
      %get3A_270 = tpu.vector_load %arg9[%get3A_269] {strides = array<i32>} : memref<4096xf32, #tpu.memory_space<vmem>>, vector<16xf32>,
      %get3A_271 = vector.shape_cast %get3A_270 : vector<16xf32> to vector<16xf32>
      %sub3A_272 = arith.subf %get3A_15, %get3A_271 : vector<16xf32>
      %mul3A_273 = arith.mulf %sub3A_268, %sub3A_268 : vector<16xf32>
      %mul3A_274 = arith.mulf %sub3A_272, %sub3A_272 : vector<16xf32>
      %add3A_275 = arith.addf %mul3A_273, %mul3A_274 : vector<16xf32>
      %min3A_276 = arith.minimumf %min3A_264, %add3A_275 : vector<16xf32>
      %get3A_277 = arith.constant 352 : index
      %get3A_278 = tpu.vector_load %arg9[%get3A_277] {strides = array<i32>} : memref<4096xf32, #tpu.memory_space<vmem>>, vector<16xf32>,
      %get3A_279 = vector.shape_cast %get3A_278 : vector<16xf32> to vector<16xf32>
      %sub3A_280 = arith.subf %get3A_12, %get3A_279 : vector<16xf32>
      %get3A_281 = arith.constant 1376 : index
      %get3A_282 = tpu.vector_load %arg9[%get3A_281] {strides = array<i32>} : memref<4096xf32, #tpu.memory_space<vmem>>, vector<16xf32>,
      %get3A_283 = vector.shape_cast %get3A_282 : vector<16xf32> to vector<16xf32>
      %sub3A_284 = arith.subf %get3A_15, %get3A_283 : vector<16xf32>
      %mul3A_285 = arith.mulf %sub3A_280, %sub3A_280 : vector<16xf32>
      %mul3A_286 = arith.mulf %sub3A_284, %sub3A_284 : vector<16xf32>
      %add3A_287 = arith.addf %mul3A_285, %mul3A_286 : vector<16xf32>
      %min3A_288 = arith.minimumf %min3A_276, %add3A_287 : vector<16xf32>
      %get3A_289 = arith.constant 368 : index
      %get3A_290 = tpu.vector_load %arg9[%get3A_289] {strides = array<i32>} : memref<4096xf32, #tpu.memory_space<vmem>>, vector<16xf32>,
      %get3A_291 = vector.shape_cast %get3A_290 : vector<16xf32> to vector<16xf32>
      %sub3A_292 = arith.subf %get3A_12, %get3A_291 : vector<16xf32>
      %get3A_293 = arith.constant 1392 : index
      %get3A_294 = tpu.vector_load %arg9[%get3A_293] {strides = array<i32>} : memref<4096xf32, #tpu.memory_space<vmem>>, vector<16xf32>,
      %get3A_295 = vector.shape_cast %get3A_294 : vector<16xf32> to vector<16xf32>
      %sub3A_296 = arith.subf %get3A_15, %get3A_295 : vector<16xf32>
      %mul3A_297 = arith.mulf %sub3A_292, %sub3A_292 : vector<16xf32>
      %mul3A_298 = arith.mulf %sub3A_296, %sub3A_296 : vector<16xf32>
      %add3A_299 = arith.addf %mul3A_297, %mul3A_298 : vector<16xf32>
      %min3A_300 = arith.minimumf %min3A_288, %add3A_299 : vector<16xf32>
      %get3A_301 = arith.constant 384 : index
      %get3A_302 = tpu.vector_load %arg9[%get3A_301] {strides = array<i32>} : memref<4096xf32, #tpu.memory_space<vmem>>, vector<16xf32>,
      %get3A_303 = vector.shape_cast %get3A_302 : vector<16xf32> to vector<16xf32>
      %sub3A_304 = arith.subf %get3A_12, %get3A_303 : vector<16xf32>
      %get3A_305 = arith.constant 1408 : index
      %get3A_306 = tpu.vector_load %arg9[%get3A_305] {strides = array<i32>} : memref<4096xf32, #tpu.memory_space<vmem>>, vector<16xf32>,
      %get3A_307 = vector.shape_cast %get3A_306 : vector<16xf32> to vector<16xf32>
      %sub3A_308 = arith.subf %get3A_15, %get3A_307 : vector<16xf32>
      %mul3A_309 = arith.mulf %sub3A_304, %sub3A_304 : vector<16xf32>
      %mul3A_310 = arith.mulf %sub3A_308, %sub3A_308 : vector<16xf32>
      %add3A_311 = arith.addf %mul3A_309, %mul3A_310 : vector<16xf32>
      %min3A_312 = arith.minimumf %min3A_300, %add3A_311 : vector<16xf32>
      %get3A_313 = arith.constant 400 : index
      %get3A_314 = tpu.vector_load %arg9[%get3A_313] {strides = array<i32>} : memref<4096xf32, #tpu.memory_space<vmem>>, vector<16xf32>,
      %get3A_315 = vector.shape_cast %get3A_314 : vector<16xf32> to vector<16xf32>
      %sub3A_316 = arith.subf %get3A_12, %get3A_315 : vector<16xf32>
      %get3A_317 = arith.constant 1424 : index
      %get3A_318 = tpu.vector_load %arg9[%get3A_317] {strides = array<i32>} : memref<4096xf32, #tpu.memory_space<vmem>>, vector<16xf32>,
      %get3A_319 = vector.shape_cast %get3A_318 : vector<16xf32> to vector<16xf32>
      %sub3A_320 = arith.subf %get3A_15, %get3A_319 : vector<16xf32>
      %mul3A_321 = arith.mulf %sub3A_316, %sub3A_316 : vector<16xf32>
      %mul3A_322 = arith.mulf %sub3A_320, %sub3A_320 : vector<16xf32>
      %add3A_323 = arith.addf %mul3A_321, %mul3A_322 : vector<16xf32>
      %min3A_324 = arith.minimumf %min3A_312, %add3A_323 : vector<16xf32>
      %get3A_325 = arith.constant 416 : index
      %get3A_326 = tpu.vector_load %arg9[%get3A_325] {strides = array<i32>} : memref<4096xf32, #tpu.memory_space<vmem>>, vector<16xf32>,
      %get3A_327 = vector.shape_cast %get3A_326 : vector<16xf32> to vector<16xf32>
      %sub3A_328 = arith.subf %get3A_12, %get3A_327 : vector<16xf32>
      %get3A_329 = arith.constant 1440 : index
      %get3A_330 = tpu.vector_load %arg9[%get3A_329] {strides = array<i32>} : memref<4096xf32, #tpu.memory_space<vmem>>, vector<16xf32>,
      %get3A_331 = vector.shape_cast %get3A_330 : vector<16xf32> to vector<16xf32>
      %sub3A_332 = arith.subf %get3A_15, %get3A_331 : vector<16xf32>
      %mul3A_333 = arith.mulf %sub3A_328, %sub3A_328 : vector<16xf32>
      %mul3A_334 = arith.mulf %sub3A_332, %sub3A_332 : vector<16xf32>
      %add3A_335 = arith.addf %mul3A_333, %mul3A_334 : vector<16xf32>
      %min3A_336 = arith.minimumf %min3A_324, %add3A_335 : vector<16xf32>
      %get3A_337 = arith.constant 432 : index
      %get3A_338 = tpu.vector_load %arg9[%get3A_337] {strides = array<i32>} : memref<4096xf32, #tpu.memory_space<vmem>>, vector<16xf32>,
      %get3A_339 = vector.shape_cast %get3A_338 : vector<16xf32> to vector<16xf32>
      %sub3A_340 = arith.subf %get3A_12, %get3A_339 : vector<16xf32>
      %get3A_341 = arith.constant 1456 : index
      %get3A_342 = tpu.vector_load %arg9[%get3A_341] {strides = array<i32>} : memref<4096xf32, #tpu.memory_space<vmem>>, vector<16xf32>,
      %get3A_343 = vector.shape_cast %get3A_342 : vector<16xf32> to vector<16xf32>
      %sub3A_344 = arith.subf %get3A_15, %get3A_343 : vector<16xf32>
      %mul3A_345 = arith.mulf %sub3A_340, %sub3A_340 : vector<16xf32>
      %mul3A_346 = arith.mulf %sub3A_344, %sub3A_344 : vector<16xf32>
      %add3A_347 = arith.addf %mul3A_345, %mul3A_346 : vector<16xf32>
      %min3A_348 = arith.minimumf %min3A_336, %add3A_347 : vector<16xf32>
      %get3A_349 = arith.constant 448 : index
      %get3A_350 = tpu.vector_load %arg9[%get3A_349] {strides = array<i32>} : memref<4096xf32, #tpu.memory_space<vmem>>, vector<16xf32>,
      %get3A_351 = vector.shape_cast %get3A_350 : vector<16xf32> to vector<16xf32>
      %sub3A_352 = arith.subf %get3A_12, %get3A_351 : vector<16xf32>
      %get3A_353 = arith.constant 1472 : index
      %get3A_354 = tpu.vector_load %arg9[%get3A_353] {strides = array<i32>} : memref<4096xf32, #tpu.memory_space<vmem>>, vector<16xf32>,
      %get3A_355 = vector.shape_cast %get3A_354 : vector<16xf32> to vector<16xf32>
      %sub3A_356 = arith.subf %get3A_15, %get3A_355 : vector<16xf32>
      %mul3A_357 = arith.mulf %sub3A_352, %sub3A_352 : vector<16xf32>
      %mul3A_358 = arith.mulf %sub3A_356, %sub3A_356 : vector<16xf32>
      %add3A_359 = arith.addf %mul3A_357, %mul3A_358 : vector<16xf32>
      %min3A_360 = arith.minimumf %min3A_348, %add3A_359 : vector<16xf32>
      %get3A_361 = arith.constant 464 : index
      %get3A_362 = tpu.vector_load %arg9[%get3A_361] {strides = array<i32>} : memref<4096xf32, #tpu.memory_space<vmem>>, vector<16xf32>,
      %get3A_363 = vector.shape_cast %get3A_362 : vector<16xf32> to vector<16xf32>
      %sub3A_364 = arith.subf %get3A_12, %get3A_363 : vector<16xf32>
      %get3A_365 = arith.constant 1488 : index
      %get3A_366 = tpu.vector_load %arg9[%get3A_365] {strides = array<i32>} : memref<4096xf32, #tpu.memory_space<vmem>>, vector<16xf32>,
      %get3A_367 = vector.shape_cast %get3A_366 : vector<16xf32> to vector<16xf32>
      %sub3A_368 = arith.subf %get3A_15, %get3A_367 : vector<16xf32>
      %mul3A_369 = arith.mulf %sub3A_364, %sub3A_364 : vector<16xf32>
      %mul3A_370 = arith.mulf %sub3A_368, %sub3A_368 : vector<16xf32>
      %add3A_371 = arith.addf %mul3A_369, %mul3A_370 : vector<16xf32>
      %min3A_372 = arith.minimumf %min3A_360, %add3A_371 : vector<16xf32>
      %get3A_373 = arith.constant 480 : index
      %get3A_374 = tpu.vector_load %arg9[%get3A_373] {strides = array<i32>} : memref<4096xf32, #tpu.memory_space<vmem>>, vector<16xf32>,
      %get3A_375 = vector.shape_cast %get3A_374 : vector<16xf32> to vector<16xf32>
      %sub3A_376 = arith.subf %get3A_12, %get3A_375 : vector<16xf32>
      %get3A_377 = arith.constant 1504 : index
      %get3A_378 = tpu.vector_load %arg9[%get3A_377] {strides = array<i32>} : memref<4096xf32, #tpu.memory_space<vmem>>, vector<16xf32>,
      %get3A_379 = vector.shape_cast %get3A_378 : vector<16xf32> to vector<16xf32>
      %sub3A_380 = arith.subf %get3A_15, %get3A_379 : vector<16xf32>
      %mul3A_381 = arith.mulf %sub3A_376, %sub3A_376 : vector<16xf32>
      %mul3A_382 = arith.mulf %sub3A_380, %sub3A_380 : vector<16xf32>
      %add3A_383 = arith.addf %mul3A_381, %mul3A_382 : vector<16xf32>
      %min3A_384 = arith.minimumf %min3A_372, %add3A_383 : vector<16xf32>
      %get3A_385 = arith.constant 496 : index
      %get3A_386 = tpu.vector_load %arg9[%get3A_385] {strides = array<i32>} : memref<4096xf32, #tpu.memory_space<vmem>>, vector<16xf32>,
      %get3A_387 = vector.shape_cast %get3A_386 : vector<16xf32> to vector<16xf32>
      %sub3A_388 = arith.subf %get3A_12, %get3A_387 : vector<16xf32>
      %get3A_389 = arith.constant 1520 : index
      %get3A_390 = tpu.vector_load %arg9[%get3A_389] {strides = array<i32>} : memref<4096xf32, #tpu.memory_space<vmem>>, vector<16xf32>,
      %get3A_391 = vector.shape_cast %get3A_390 : vector<16xf32> to vector<16xf32>
      %sub3A_392 = arith.subf %get3A_15, %get3A_391 : vector<16xf32>
      %mul3A_393 = arith.mulf %sub3A_388, %sub3A_388 : vector<16xf32>
      %mul3A_394 = arith.mulf %sub3A_392, %sub3A_392 : vector<16xf32>
      %add3A_395 = arith.addf %mul3A_393, %mul3A_394 : vector<16xf32>
      %min3A_396 = arith.minimumf %min3A_384, %add3A_395 : vector<16xf32>
      %get3A_397 = arith.constant 512 : index
      %get3A_398 = tpu.vector_load %arg9[%get3A_397] {strides = array<i32>} : memref<4096xf32, #tpu.memory_space<vmem>>, vector<16xf32>,
      %get3A_399 = vector.shape_cast %get3A_398 : vector<16xf32> to vector<16xf32>
      %sub3A_400 = arith.subf %get3A_12, %get3A_399 : vector<16xf32>
      %get3A_401 = arith.constant 1536 : index
      %get3A_402 = tpu.vector_load %arg9[%get3A_401] {strides = array<i32>} : memref<4096xf32, #tpu.memory_space<vmem>>, vector<16xf32>,
      %get3A_403 = vector.shape_cast %get3A_402 : vector<16xf32> to vector<16xf32>
      %sub3A_404 = arith.subf %get3A_15, %get3A_403 : vector<16xf32>
      %mul3A_405 = arith.mulf %sub3A_400, %sub3A_400 : vector<16xf32>
      %mul3A_406 = arith.mulf %sub3A_404, %sub3A_404 : vector<16xf32>
      %add3A_407 = arith.addf %mul3A_405, %mul3A_406 : vector<16xf32>
      %min3A_408 = arith.minimumf %min3A_396, %add3A_407 : vector<16xf32>
      %get3A_409 = arith.constant 528 : index
      %get3A_410 = tpu.vector_load %arg9[%get3A_409] {strides = array<i32>} : memref<4096xf32, #tpu.memory_space<vmem>>, vector<16xf32>,
      %get3A_411 = vector.shape_cast %get3A_410 : vector<16xf32> to vector<16xf32>
      %sub3A_412 = arith.subf %get3A_12, %get3A_411 : vector<16xf32>
      %get3A_413 = arith.constant 1552 : index
      %get3A_414 = tpu.vector_load %arg9[%get3A_413] {strides = array<i32>} : memref<4096xf32, #tpu.memory_space<vmem>>, vector<16xf32>,
      %get3A_415 = vector.shape_cast %get3A_414 : vector<16xf32> to vector<16xf32>
      %sub3A_416 = arith.subf %get3A_15, %get3A_415 : vector<16xf32>
      %mul3A_417 = arith.mulf %sub3A_412, %sub3A_412 : vector<16xf32>
      %mul3A_418 = arith.mulf %sub3A_416, %sub3A_416 : vector<16xf32>
      %add3A_419 = arith.addf %mul3A_417, %mul3A_418 : vector<16xf32>
      %min3A_420 = arith.minimumf %min3A_408, %add3A_419 : vector<16xf32>
      %get3A_421 = arith.constant 544 : index
      %get3A_422 = tpu.vector_load %arg9[%get3A_421] {strides = array<i32>} : memref<4096xf32, #tpu.memory_space<vmem>>, vector<16xf32>,
      %get3A_423 = vector.shape_cast %get3A_422 : vector<16xf32> to vector<16xf32>
      %sub3A_424 = arith.subf %get3A_12, %get3A_423 : vector<16xf32>
      %get3A_425 = arith.constant 1568 : index
      %get3A_426 = tpu.vector_load %arg9[%get3A_425] {strides = array<i32>} : memref<4096xf32, #tpu.memory_space<vmem>>, vector<16xf32>,
      %get3A_427 = vector.shape_cast %get3A_426 : vector<16xf32> to vector<16xf32>
      %sub3A_428 = arith.subf %get3A_15, %get3A_427 : vector<16xf32>
      %mul3A_429 = arith.mulf %sub3A_424, %sub3A_424 : vector<16xf32>
      %mul3A_430 = arith.mulf %sub3A_428, %sub3A_428 : vector<16xf32>
      %add3A_431 = arith.addf %mul3A_429, %mul3A_430 : vector<16xf32>
      %min3A_432 = arith.minimumf %min3A_420, %add3A_431 : vector<16xf32>
      %get3A_433 = arith.constant 560 : index
      %get3A_434 = tpu.vector_load %arg9[%get3A_433] {strides = array<i32>} : memref<4096xf32, #tpu.memory_space<vmem>>, vector<16xf32>,
      %get3A_435 = vector.shape_cast %get3A_434 : vector<16xf32> to vector<16xf32>
      %sub3A_436 = arith.subf %get3A_12, %get3A_435 : vector<16xf32>
      %get3A_437 = arith.constant 1584 : index
      %get3A_438 = tpu.vector_load %arg9[%get3A_437] {strides = array<i32>} : memref<4096xf32, #tpu.memory_space<vmem>>, vector<16xf32>,
      %get3A_439 = vector.shape_cast %get3A_438 : vector<16xf32> to vector<16xf32>
      %sub3A_440 = arith.subf %get3A_15, %get3A_439 : vector<16xf32>
      %mul3A_441 = arith.mulf %sub3A_436, %sub3A_436 : vector<16xf32>
      %mul3A_442 = arith.mulf %sub3A_440, %sub3A_440 : vector<16xf32>
      %add3A_443 = arith.addf %mul3A_441, %mul3A_442 : vector<16xf32>
      %min3A_444 = arith.minimumf %min3A_432, %add3A_443 : vector<16xf32>
      %get3A_445 = arith.constant 576 : index
      %get3A_446 = tpu.vector_load %arg9[%get3A_445] {strides = array<i32>} : memref<4096xf32, #tpu.memory_space<vmem>>, vector<16xf32>,
      %get3A_447 = vector.shape_cast %get3A_446 : vector<16xf32> to vector<16xf32>
      %sub3A_448 = arith.subf %get3A_12, %get3A_447 : vector<16xf32>
      %get3A_449 = arith.constant 1600 : index
      %get3A_450 = tpu.vector_load %arg9[%get3A_449] {strides = array<i32>} : memref<4096xf32, #tpu.memory_space<vmem>>, vector<16xf32>,
      %get3A_451 = vector.shape_cast %get3A_450 : vector<16xf32> to vector<16xf32>
      %sub3A_452 = arith.subf %get3A_15, %get3A_451 : vector<16xf32>
      %mul3A_453 = arith.mulf %sub3A_448, %sub3A_448 : vector<16xf32>
      %mul3A_454 = arith.mulf %sub3A_452, %sub3A_452 : vector<16xf32>
      %add3A_455 = arith.addf %mul3A_453, %mul3A_454 : vector<16xf32>
      %min3A_456 = arith.minimumf %min3A_444, %add3A_455 : vector<16xf32>
      %get3A_457 = arith.constant 592 : index
      %get3A_458 = tpu.vector_load %arg9[%get3A_457] {strides = array<i32>} : memref<4096xf32, #tpu.memory_space<vmem>>, vector<16xf32>,
      %get3A_459 = vector.shape_cast %get3A_458 : vector<16xf32> to vector<16xf32>
      %sub3A_460 = arith.subf %get3A_12, %get3A_459 : vector<16xf32>
      %get3A_461 = arith.constant 1616 : index
      %get3A_462 = tpu.vector_load %arg9[%get3A_461] {strides = array<i32>} : memref<4096xf32, #tpu.memory_space<vmem>>, vector<16xf32>,
      %get3A_463 = vector.shape_cast %get3A_462 : vector<16xf32> to vector<16xf32>
      %sub3A_464 = arith.subf %get3A_15, %get3A_463 : vector<16xf32>
      %mul3A_465 = arith.mulf %sub3A_460, %sub3A_460 : vector<16xf32>
      %mul3A_466 = arith.mulf %sub3A_464, %sub3A_464 : vector<16xf32>
      %add3A_467 = arith.addf %mul3A_465, %mul3A_466 : vector<16xf32>
      %min3A_468 = arith.minimumf %min3A_456, %add3A_467 : vector<16xf32>
      %get3A_469 = arith.constant 608 : index
      %get3A_470 = tpu.vector_load %arg9[%get3A_469] {strides = array<i32>} : memref<4096xf32, #tpu.memory_space<vmem>>, vector<16xf32>,
      %get3A_471 = vector.shape_cast %get3A_470 : vector<16xf32> to vector<16xf32>
      %sub3A_472 = arith.subf %get3A_12, %get3A_471 : vector<16xf32>
      %get3A_473 = arith.constant 1632 : index
      %get3A_474 = tpu.vector_load %arg9[%get3A_473] {strides = array<i32>} : memref<4096xf32, #tpu.memory_space<vmem>>, vector<16xf32>,
      %get3A_475 = vector.shape_cast %get3A_474 : vector<16xf32> to vector<16xf32>
      %sub3A_476 = arith.subf %get3A_15, %get3A_475 : vector<16xf32>
      %mul3A_477 = arith.mulf %sub3A_472, %sub3A_472 : vector<16xf32>
      %mul3A_478 = arith.mulf %sub3A_476, %sub3A_476 : vector<16xf32>
      %add3A_479 = arith.addf %mul3A_477, %mul3A_478 : vector<16xf32>
      %min3A_480 = arith.minimumf %min3A_468, %add3A_479 : vector<16xf32>
      %get3A_481 = arith.constant 624 : index
      %get3A_482 = tpu.vector_load %arg9[%get3A_481] {strides = array<i32>} : memref<4096xf32, #tpu.memory_space<vmem>>, vector<16xf32>,
      %get3A_483 = vector.shape_cast %get3A_482 : vector<16xf32> to vector<16xf32>
      %sub3A_484 = arith.subf %get3A_12, %get3A_483 : vector<16xf32>
      %get3A_485 = arith.constant 1648 : index
      %get3A_486 = tpu.vector_load %arg9[%get3A_485] {strides = array<i32>} : memref<4096xf32, #tpu.memory_space<vmem>>, vector<16xf32>,
      %get3A_487 = vector.shape_cast %get3A_486 : vector<16xf32> to vector<16xf32>
      %sub3A_488 = arith.subf %get3A_15, %get3A_487 : vector<16xf32>
      %mul3A_489 = arith.mulf %sub3A_484, %sub3A_484 : vector<16xf32>
      %mul3A_490 = arith.mulf %sub3A_488, %sub3A_488 : vector<16xf32>
      %add3A_491 = arith.addf %mul3A_489, %mul3A_490 : vector<16xf32>
      %min3A_492 = arith.minimumf %min3A_480, %add3A_491 : vector<16xf32>
      %get3A_493 = arith.constant 640 : index
      %get3A_494 = tpu.vector_load %arg9[%get3A_493] {strides = array<i32>} : memref<4096xf32, #tpu.memory_space<vmem>>, vector<16xf32>,
      %get3A_495 = vector.shape_cast %get3A_494 : vector<16xf32> to vector<16xf32>
      %sub3A_496 = arith.subf %get3A_12, %get3A_495 : vector<16xf32>
      %get3A_497 = arith.constant 1664 : index
      %get3A_498 = tpu.vector_load %arg9[%get3A_497] {strides = array<i32>} : memref<4096xf32, #tpu.memory_space<vmem>>, vector<16xf32>,
      %get3A_499 = vector.shape_cast %get3A_498 : vector<16xf32> to vector<16xf32>
      %sub3A_500 = arith.subf %get3A_15, %get3A_499 : vector<16xf32>
      %mul3A_501 = arith.mulf %sub3A_496, %sub3A_496 : vector<16xf32>
      %mul3A_502 = arith.mulf %sub3A_500, %sub3A_500 : vector<16xf32>
      %add3A_503 = arith.addf %mul3A_501, %mul3A_502 : vector<16xf32>
      %min3A_504 = arith.minimumf %min3A_492, %add3A_503 : vector<16xf32>
      %get3A_505 = arith.constant 656 : index
      %get3A_506 = tpu.vector_load %arg9[%get3A_505] {strides = array<i32>} : memref<4096xf32, #tpu.memory_space<vmem>>, vector<16xf32>,
      %get3A_507 = vector.shape_cast %get3A_506 : vector<16xf32> to vector<16xf32>
      %sub3A_508 = arith.subf %get3A_12, %get3A_507 : vector<16xf32>
      %get3A_509 = arith.constant 1680 : index
      %get3A_510 = tpu.vector_load %arg9[%get3A_509] {strides = array<i32>} : memref<4096xf32, #tpu.memory_space<vmem>>, vector<16xf32>,
      %get3A_511 = vector.shape_cast %get3A_510 : vector<16xf32> to vector<16xf32>
      %sub3A_512 = arith.subf %get3A_15, %get3A_511 : vector<16xf32>
      %mul3A_513 = arith.mulf %sub3A_508, %sub3A_508 : vector<16xf32>
      %mul3A_514 = arith.mulf %sub3A_512, %sub3A_512 : vector<16xf32>
      %add3A_515 = arith.addf %mul3A_513, %mul3A_514 : vector<16xf32>
      %min3A_516 = arith.minimumf %min3A_504, %add3A_515 : vector<16xf32>
      %get3A_517 = arith.constant 672 : index
      %get3A_518 = tpu.vector_load %arg9[%get3A_517] {strides = array<i32>} : memref<4096xf32, #tpu.memory_space<vmem>>, vector<16xf32>,
      %get3A_519 = vector.shape_cast %get3A_518 : vector<16xf32> to vector<16xf32>
      %sub3A_520 = arith.subf %get3A_12, %get3A_519 : vector<16xf32>
      %get3A_521 = arith.constant 1696 : index
      %get3A_522 = tpu.vector_load %arg9[%get3A_521] {strides = array<i32>} : memref<4096xf32, #tpu.memory_space<vmem>>, vector<16xf32>,
      %get3A_523 = vector.shape_cast %get3A_522 : vector<16xf32> to vector<16xf32>
      %sub3A_524 = arith.subf %get3A_15, %get3A_523 : vector<16xf32>
      %mul3A_525 = arith.mulf %sub3A_520, %sub3A_520 : vector<16xf32>
      %mul3A_526 = arith.mulf %sub3A_524, %sub3A_524 : vector<16xf32>
      %add3A_527 = arith.addf %mul3A_525, %mul3A_526 : vector<16xf32>
      %min3A_528 = arith.minimumf %min3A_516, %add3A_527 : vector<16xf32>
      %get3A_529 = arith.constant 688 : index
      %get3A_530 = tpu.vector_load %arg9[%get3A_529] {strides = array<i32>} : memref<4096xf32, #tpu.memory_space<vmem>>, vector<16xf32>,
      %get3A_531 = vector.shape_cast %get3A_530 : vector<16xf32> to vector<16xf32>
      %sub3A_532 = arith.subf %get3A_12, %get3A_531 : vector<16xf32>
      %get3A_533 = arith.constant 1712 : index
      %get3A_534 = tpu.vector_load %arg9[%get3A_533] {strides = array<i32>} : memref<4096xf32, #tpu.memory_space<vmem>>, vector<16xf32>,
      %get3A_535 = vector.shape_cast %get3A_534 : vector<16xf32> to vector<16xf32>
      %sub3A_536 = arith.subf %get3A_15, %get3A_535 : vector<16xf32>
      %mul3A_537 = arith.mulf %sub3A_532, %sub3A_532 : vector<16xf32>
      %mul3A_538 = arith.mulf %sub3A_536, %sub3A_536 : vector<16xf32>
      %add3A_539 = arith.addf %mul3A_537, %mul3A_538 : vector<16xf32>
      %min3A_540 = arith.minimumf %min3A_528, %add3A_539 : vector<16xf32>
      %get3A_541 = arith.constant 704 : index
      %get3A_542 = tpu.vector_load %arg9[%get3A_541] {strides = array<i32>} : memref<4096xf32, #tpu.memory_space<vmem>>, vector<16xf32>,
      %get3A_543 = vector.shape_cast %get3A_542 : vector<16xf32> to vector<16xf32>
      %sub3A_544 = arith.subf %get3A_12, %get3A_543 : vector<16xf32>
      %get3A_545 = arith.constant 1728 : index
      %get3A_546 = tpu.vector_load %arg9[%get3A_545] {strides = array<i32>} : memref<4096xf32, #tpu.memory_space<vmem>>, vector<16xf32>,
      %get3A_547 = vector.shape_cast %get3A_546 : vector<16xf32> to vector<16xf32>
      %sub3A_548 = arith.subf %get3A_15, %get3A_547 : vector<16xf32>
      %mul3A_549 = arith.mulf %sub3A_544, %sub3A_544 : vector<16xf32>
      %mul3A_550 = arith.mulf %sub3A_548, %sub3A_548 : vector<16xf32>
      %add3A_551 = arith.addf %mul3A_549, %mul3A_550 : vector<16xf32>
      %min3A_552 = arith.minimumf %min3A_540, %add3A_551 : vector<16xf32>
      %get3A_553 = arith.constant 720 : index
      %get3A_554 = tpu.vector_load %arg9[%get3A_553] {strides = array<i32>} : memref<4096xf32, #tpu.memory_space<vmem>>, vector<16xf32>,
      %get3A_555 = vector.shape_cast %get3A_554 : vector<16xf32> to vector<16xf32>
      %sub3A_556 = arith.subf %get3A_12, %get3A_555 : vector<16xf32>
      %get3A_557 = arith.constant 1744 : index
      %get3A_558 = tpu.vector_load %arg9[%get3A_557] {strides = array<i32>} : memref<4096xf32, #tpu.memory_space<vmem>>, vector<16xf32>,
      %get3A_559 = vector.shape_cast %get3A_558 : vector<16xf32> to vector<16xf32>
      %sub3A_560 = arith.subf %get3A_15, %get3A_559 : vector<16xf32>
      %mul3A_561 = arith.mulf %sub3A_556, %sub3A_556 : vector<16xf32>
      %mul3A_562 = arith.mulf %sub3A_560, %sub3A_560 : vector<16xf32>
      %add3A_563 = arith.addf %mul3A_561, %mul3A_562 : vector<16xf32>
      %min3A_564 = arith.minimumf %min3A_552, %add3A_563 : vector<16xf32>
      %get3A_565 = arith.constant 736 : index
      %get3A_566 = tpu.vector_load %arg9[%get3A_565] {strides = array<i32>} : memref<4096xf32, #tpu.memory_space<vmem>>, vector<16xf32>,
      %get3A_567 = vector.shape_cast %get3A_566 : vector<16xf32> to vector<16xf32>
      %sub3A_568 = arith.subf %get3A_12, %get3A_567 : vector<16xf32>
      %get3A_569 = arith.constant 1760 : index
      %get3A_570 = tpu.vector_load %arg9[%get3A_569] {strides = array<i32>} : memref<4096xf32, #tpu.memory_space<vmem>>, vector<16xf32>,
      %get3A_571 = vector.shape_cast %get3A_570 : vector<16xf32> to vector<16xf32>
      %sub3A_572 = arith.subf %get3A_15, %get3A_571 : vector<16xf32>
      %mul3A_573 = arith.mulf %sub3A_568, %sub3A_568 : vector<16xf32>
      %mul3A_574 = arith.mulf %sub3A_572, %sub3A_572 : vector<16xf32>
      %add3A_575 = arith.addf %mul3A_573, %mul3A_574 : vector<16xf32>
      %min3A_576 = arith.minimumf %min3A_564, %add3A_575 : vector<16xf32>
      %get3A_577 = arith.constant 752 : index
      %get3A_578 = tpu.vector_load %arg9[%get3A_577] {strides = array<i32>} : memref<4096xf32, #tpu.memory_space<vmem>>, vector<16xf32>,
      %get3A_579 = vector.shape_cast %get3A_578 : vector<16xf32> to vector<16xf32>
      %sub3A_580 = arith.subf %get3A_12, %get3A_579 : vector<16xf32>
      %get3A_581 = arith.constant 1776 : index
      %get3A_582 = tpu.vector_load %arg9[%get3A_581] {strides = array<i32>} : memref<4096xf32, #tpu.memory_space<vmem>>, vector<16xf32>,
      %get3A_583 = vector.shape_cast %get3A_582 : vector<16xf32> to vector<16xf32>
      %sub3A_584 = arith.subf %get3A_15, %get3A_583 : vector<16xf32>
      %mul3A_585 = arith.mulf %sub3A_580, %sub3A_580 : vector<16xf32>
      %mul3A_586 = arith.mulf %sub3A_584, %sub3A_584 : vector<16xf32>
      %add3A_587 = arith.addf %mul3A_585, %mul3A_586 : vector<16xf32>
      %min3A_588 = arith.minimumf %min3A_576, %add3A_587 : vector<16xf32>
      %get3A_589 = arith.constant 768 : index
      %get3A_590 = tpu.vector_load %arg9[%get3A_589] {strides = array<i32>} : memref<4096xf32, #tpu.memory_space<vmem>>, vector<16xf32>,
      %get3A_591 = vector.shape_cast %get3A_590 : vector<16xf32> to vector<16xf32>
      %sub3A_592 = arith.subf %get3A_12, %get3A_591 : vector<16xf32>
      %get3A_593 = arith.constant 1792 : index
      %get3A_594 = tpu.vector_load %arg9[%get3A_593] {strides = array<i32>} : memref<4096xf32, #tpu.memory_space<vmem>>, vector<16xf32>,
      %get3A_595 = vector.shape_cast %get3A_594 : vector<16xf32> to vector<16xf32>
      %sub3A_596 = arith.subf %get3A_15, %get3A_595 : vector<16xf32>
      %mul3A_597 = arith.mulf %sub3A_592, %sub3A_592 : vector<16xf32>
      %mul3A_598 = arith.mulf %sub3A_596, %sub3A_596 : vector<16xf32>
      %add3A_599 = arith.addf %mul3A_597, %mul3A_598 : vector<16xf32>
      %min3A_600 = arith.minimumf %min3A_588, %add3A_599 : vector<16xf32>
      %get3A_601 = arith.constant 784 : index
      %get3A_602 = tpu.vector_load %arg9[%get3A_601] {strides = array<i32>} : memref<4096xf32, #tpu.memory_space<vmem>>, vector<16xf32>,
      %get3A_603 = vector.shape_cast %get3A_602 : vector<16xf32> to vector<16xf32>
      %sub3A_604 = arith.subf %get3A_12, %get3A_603 : vector<16xf32>
      %get3A_605 = arith.constant 1808 : index
      %get3A_606 = tpu.vector_load %arg9[%get3A_605] {strides = array<i32>} : memref<4096xf32, #tpu.memory_space<vmem>>, vector<16xf32>,
      %get3A_607 = vector.shape_cast %get3A_606 : vector<16xf32> to vector<16xf32>
      %sub3A_608 = arith.subf %get3A_15, %get3A_607 : vector<16xf32>
      %mul3A_609 = arith.mulf %sub3A_604, %sub3A_604 : vector<16xf32>
      %mul3A_610 = arith.mulf %sub3A_608, %sub3A_608 : vector<16xf32>
      %add3A_611 = arith.addf %mul3A_609, %mul3A_610 : vector<16xf32>
      %min3A_612 = arith.minimumf %min3A_600, %add3A_611 : vector<16xf32>
      %get3A_613 = arith.constant 800 : index
      %get3A_614 = tpu.vector_load %arg9[%get3A_613] {strides = array<i32>} : memref<4096xf32, #tpu.memory_space<vmem>>, vector<16xf32>,
      %get3A_615 = vector.shape_cast %get3A_614 : vector<16xf32> to vector<16xf32>
      %sub3A_616 = arith.subf %get3A_12, %get3A_615 : vector<16xf32>
      %get3A_617 = arith.constant 1824 : index
      %get3A_618 = tpu.vector_load %arg9[%get3A_617] {strides = array<i32>} : memref<4096xf32, #tpu.memory_space<vmem>>, vector<16xf32>,
      %get3A_619 = vector.shape_cast %get3A_618 : vector<16xf32> to vector<16xf32>
      %sub3A_620 = arith.subf %get3A_15, %get3A_619 : vector<16xf32>
      %mul3A_621 = arith.mulf %sub3A_616, %sub3A_616 : vector<16xf32>
      %mul3A_622 = arith.mulf %sub3A_620, %sub3A_620 : vector<16xf32>
      %add3A_623 = arith.addf %mul3A_621, %mul3A_622 : vector<16xf32>
      %min3A_624 = arith.minimumf %min3A_612, %add3A_623 : vector<16xf32>
      %get3A_625 = arith.constant 816 : index
      %get3A_626 = tpu.vector_load %arg9[%get3A_625] {strides = array<i32>} : memref<4096xf32, #tpu.memory_space<vmem>>, vector<16xf32>,
      %get3A_627 = vector.shape_cast %get3A_626 : vector<16xf32> to vector<16xf32>
      %sub3A_628 = arith.subf %get3A_12, %get3A_627 : vector<16xf32>
      %get3A_629 = arith.constant 1840 : index
      %get3A_630 = tpu.vector_load %arg9[%get3A_629] {strides = array<i32>} : memref<4096xf32, #tpu.memory_space<vmem>>, vector<16xf32>,
      %get3A_631 = vector.shape_cast %get3A_630 : vector<16xf32> to vector<16xf32>
      %sub3A_632 = arith.subf %get3A_15, %get3A_631 : vector<16xf32>
      %mul3A_633 = arith.mulf %sub3A_628, %sub3A_628 : vector<16xf32>
      %mul3A_634 = arith.mulf %sub3A_632, %sub3A_632 : vector<16xf32>
      %add3A_635 = arith.addf %mul3A_633, %mul3A_634 : vector<16xf32>
      %min3A_636 = arith.minimumf %min3A_624, %add3A_635 : vector<16xf32>
      %get3A_637 = arith.constant 832 : index
      %get3A_638 = tpu.vector_load %arg9[%get3A_637] {strides = array<i32>} : memref<4096xf32, #tpu.memory_space<vmem>>, vector<16xf32>,
      %get3A_639 = vector.shape_cast %get3A_638 : vector<16xf32> to vector<16xf32>
      %sub3A_640 = arith.subf %get3A_12, %get3A_639 : vector<16xf32>
      %get3A_641 = arith.constant 1856 : index
      %get3A_642 = tpu.vector_load %arg9[%get3A_641] {strides = array<i32>} : memref<4096xf32, #tpu.memory_space<vmem>>, vector<16xf32>,
      %get3A_643 = vector.shape_cast %get3A_642 : vector<16xf32> to vector<16xf32>
      %sub3A_644 = arith.subf %get3A_15, %get3A_643 : vector<16xf32>
      %mul3A_645 = arith.mulf %sub3A_640, %sub3A_640 : vector<16xf32>
      %mul3A_646 = arith.mulf %sub3A_644, %sub3A_644 : vector<16xf32>
      %add3A_647 = arith.addf %mul3A_645, %mul3A_646 : vector<16xf32>
      %min3A_648 = arith.minimumf %min3A_636, %add3A_647 : vector<16xf32>
      %get3A_649 = arith.constant 848 : index
      %get3A_650 = tpu.vector_load %arg9[%get3A_649] {strides = array<i32>} : memref<4096xf32, #tpu.memory_space<vmem>>, vector<16xf32>,
      %get3A_651 = vector.shape_cast %get3A_650 : vector<16xf32> to vector<16xf32>
      %sub3A_652 = arith.subf %get3A_12, %get3A_651 : vector<16xf32>
      %get3A_653 = arith.constant 1872 : index
      %get3A_654 = tpu.vector_load %arg9[%get3A_653] {strides = array<i32>} : memref<4096xf32, #tpu.memory_space<vmem>>, vector<16xf32>,
      %get3A_655 = vector.shape_cast %get3A_654 : vector<16xf32> to vector<16xf32>
      %sub3A_656 = arith.subf %get3A_15, %get3A_655 : vector<16xf32>
      %mul3A_657 = arith.mulf %sub3A_652, %sub3A_652 : vector<16xf32>
      %mul3A_658 = arith.mulf %sub3A_656, %sub3A_656 : vector<16xf32>
      %add3A_659 = arith.addf %mul3A_657, %mul3A_658 : vector<16xf32>
      %min3A_660 = arith.minimumf %min3A_648, %add3A_659 : vector<16xf32>
      %get3A_661 = arith.constant 864 : index
      %get3A_662 = tpu.vector_load %arg9[%get3A_661] {strides = array<i32>} : memref<4096xf32, #tpu.memory_space<vmem>>, vector<16xf32>,
      %get3A_663 = vector.shape_cast %get3A_662 : vector<16xf32> to vector<16xf32>
      %sub3A_664 = arith.subf %get3A_12, %get3A_663 : vector<16xf32>
      %get3A_665 = arith.constant 1888 : index
      %get3A_666 = tpu.vector_load %arg9[%get3A_665] {strides = array<i32>} : memref<4096xf32, #tpu.memory_space<vmem>>, vector<16xf32>,
      %get3A_667 = vector.shape_cast %get3A_666 : vector<16xf32> to vector<16xf32>
      %sub3A_668 = arith.subf %get3A_15, %get3A_667 : vector<16xf32>
      %mul3A_669 = arith.mulf %sub3A_664, %sub3A_664 : vector<16xf32>
      %mul3A_670 = arith.mulf %sub3A_668, %sub3A_668 : vector<16xf32>
      %add3A_671 = arith.addf %mul3A_669, %mul3A_670 : vector<16xf32>
      %min3A_672 = arith.minimumf %min3A_660, %add3A_671 : vector<16xf32>
      %get3A_673 = arith.constant 880 : index
      %get3A_674 = tpu.vector_load %arg9[%get3A_673] {strides = array<i32>} : memref<4096xf32, #tpu.memory_space<vmem>>, vector<16xf32>,
      %get3A_675 = vector.shape_cast %get3A_674 : vector<16xf32> to vector<16xf32>
      %sub3A_676 = arith.subf %get3A_12, %get3A_675 : vector<16xf32>
      %get3A_677 = arith.constant 1904 : index
      %get3A_678 = tpu.vector_load %arg9[%get3A_677] {strides = array<i32>} : memref<4096xf32, #tpu.memory_space<vmem>>, vector<16xf32>,
      %get3A_679 = vector.shape_cast %get3A_678 : vector<16xf32> to vector<16xf32>
      %sub3A_680 = arith.subf %get3A_15, %get3A_679 : vector<16xf32>
      %mul3A_681 = arith.mulf %sub3A_676, %sub3A_676 : vector<16xf32>
      %mul3A_682 = arith.mulf %sub3A_680, %sub3A_680 : vector<16xf32>
      %add3A_683 = arith.addf %mul3A_681, %mul3A_682 : vector<16xf32>
      %min3A_684 = arith.minimumf %min3A_672, %add3A_683 : vector<16xf32>
      %get3A_685 = arith.constant 896 : index
      %get3A_686 = tpu.vector_load %arg9[%get3A_685] {strides = array<i32>} : memref<4096xf32, #tpu.memory_space<vmem>>, vector<16xf32>,
      %get3A_687 = vector.shape_cast %get3A_686 : vector<16xf32> to vector<16xf32>
      %sub3A_688 = arith.subf %get3A_12, %get3A_687 : vector<16xf32>
      %get3A_689 = arith.constant 1920 : index
      %get3A_690 = tpu.vector_load %arg9[%get3A_689] {strides = array<i32>} : memref<4096xf32, #tpu.memory_space<vmem>>, vector<16xf32>,
      %get3A_691 = vector.shape_cast %get3A_690 : vector<16xf32> to vector<16xf32>
      %sub3A_692 = arith.subf %get3A_15, %get3A_691 : vector<16xf32>
      %mul3A_693 = arith.mulf %sub3A_688, %sub3A_688 : vector<16xf32>
      %mul3A_694 = arith.mulf %sub3A_692, %sub3A_692 : vector<16xf32>
      %add3A_695 = arith.addf %mul3A_693, %mul3A_694 : vector<16xf32>
      %min3A_696 = arith.minimumf %min3A_684, %add3A_695 : vector<16xf32>
      %get3A_697 = arith.constant 912 : index
      %get3A_698 = tpu.vector_load %arg9[%get3A_697] {strides = array<i32>} : memref<4096xf32, #tpu.memory_space<vmem>>, vector<16xf32>,
      %get3A_699 = vector.shape_cast %get3A_698 : vector<16xf32> to vector<16xf32>
      %sub3A_700 = arith.subf %get3A_12, %get3A_699 : vector<16xf32>
      %get3A_701 = arith.constant 1936 : index
      %get3A_702 = tpu.vector_load %arg9[%get3A_701] {strides = array<i32>} : memref<4096xf32, #tpu.memory_space<vmem>>, vector<16xf32>,
      %get3A_703 = vector.shape_cast %get3A_702 : vector<16xf32> to vector<16xf32>
      %sub3A_704 = arith.subf %get3A_15, %get3A_703 : vector<16xf32>
      %mul3A_705 = arith.mulf %sub3A_700, %sub3A_700 : vector<16xf32>
      %mul3A_706 = arith.mulf %sub3A_704, %sub3A_704 : vector<16xf32>
      %add3A_707 = arith.addf %mul3A_705, %mul3A_706 : vector<16xf32>
      %min3A_708 = arith.minimumf %min3A_696, %add3A_707 : vector<16xf32>
      %get3A_709 = arith.constant 928 : index
      %get3A_710 = tpu.vector_load %arg9[%get3A_709] {strides = array<i32>} : memref<4096xf32, #tpu.memory_space<vmem>>, vector<16xf32>,
      %get3A_711 = vector.shape_cast %get3A_710 : vector<16xf32> to vector<16xf32>
      %sub3A_712 = arith.subf %get3A_12, %get3A_711 : vector<16xf32>
      %get3A_713 = arith.constant 1952 : index
      %get3A_714 = tpu.vector_load %arg9[%get3A_713] {strides = array<i32>} : memref<4096xf32, #tpu.memory_space<vmem>>, vector<16xf32>,
      %get3A_715 = vector.shape_cast %get3A_714 : vector<16xf32> to vector<16xf32>
      %sub3A_716 = arith.subf %get3A_15, %get3A_715 : vector<16xf32>
      %mul3A_717 = arith.mulf %sub3A_712, %sub3A_712 : vector<16xf32>
      %mul3A_718 = arith.mulf %sub3A_716, %sub3A_716 : vector<16xf32>
      %add3A_719 = arith.addf %mul3A_717, %mul3A_718 : vector<16xf32>
      %min3A_720 = arith.minimumf %min3A_708, %add3A_719 : vector<16xf32>
      %get3A_721 = arith.constant 944 : index
      %get3A_722 = tpu.vector_load %arg9[%get3A_721] {strides = array<i32>} : memref<4096xf32, #tpu.memory_space<vmem>>, vector<16xf32>,
      %get3A_723 = vector.shape_cast %get3A_722 : vector<16xf32> to vector<16xf32>
      %sub3A_724 = arith.subf %get3A_12, %get3A_723 : vector<16xf32>
      %get3A_725 = arith.constant 1968 : index
      %get3A_726 = tpu.vector_load %arg9[%get3A_725] {strides = array<i32>} : memref<4096xf32, #tpu.memory_space<vmem>>, vector<16xf32>,
      %get3A_727 = vector.shape_cast %get3A_726 : vector<16xf32> to vector<16xf32>
      %sub3A_728 = arith.subf %get3A_15, %get3A_727 : vector<16xf32>
      %mul3A_729 = arith.mulf %sub3A_724, %sub3A_724 : vector<16xf32>
      %mul3A_730 = arith.mulf %sub3A_728, %sub3A_728 : vector<16xf32>
      %add3A_731 = arith.addf %mul3A_729, %mul3A_730 : vector<16xf32>
      %min3A_732 = arith.minimumf %min3A_720, %add3A_731 : vector<16xf32>
      %get3A_733 = arith.constant 960 : index
      %get3A_734 = tpu.vector_load %arg9[%get3A_733] {strides = array<i32>} : memref<4096xf32, #tpu.memory_space<vmem>>, vector<16xf32>,
      %get3A_735 = vector.shape_cast %get3A_734 : vector<16xf32> to vector<16xf32>
      %sub3A_736 = arith.subf %get3A_12, %get3A_735 : vector<16xf32>
      %get3A_737 = arith.constant 1984 : index
      %get3A_738 = tpu.vector_load %arg9[%get3A_737] {strides = array<i32>} : memref<4096xf32, #tpu.memory_space<vmem>>, vector<16xf32>,
      %get3A_739 = vector.shape_cast %get3A_738 : vector<16xf32> to vector<16xf32>
      %sub3A_740 = arith.subf %get3A_15, %get3A_739 : vector<16xf32>
      %mul3A_741 = arith.mulf %sub3A_736, %sub3A_736 : vector<16xf32>
      %mul3A_742 = arith.mulf %sub3A_740, %sub3A_740 : vector<16xf32>
      %add3A_743 = arith.addf %mul3A_741, %mul3A_742 : vector<16xf32>
      %min3A_744 = arith.minimumf %min3A_732, %add3A_743 : vector<16xf32>
      %get3A_745 = arith.constant 976 : index
      %get3A_746 = tpu.vector_load %arg9[%get3A_745] {strides = array<i32>} : memref<4096xf32, #tpu.memory_space<vmem>>, vector<16xf32>,
      %get3A_747 = vector.shape_cast %get3A_746 : vector<16xf32> to vector<16xf32>
      %sub3A_748 = arith.subf %get3A_12, %get3A_747 : vector<16xf32>
      %get3A_749 = arith.constant 2000 : index
      %get3A_750 = tpu.vector_load %arg9[%get3A_749] {strides = array<i32>} : memref<4096xf32, #tpu.memory_space<vmem>>, vector<16xf32>,
      %get3A_751 = vector.shape_cast %get3A_750 : vector<16xf32> to vector<16xf32>
      %sub3A_752 = arith.subf %get3A_15, %get3A_751 : vector<16xf32>
      %mul3A_753 = arith.mulf %sub3A_748, %sub3A_748 : vector<16xf32>
      %mul3A_754 = arith.mulf %sub3A_752, %sub3A_752 : vector<16xf32>
      %add3A_755 = arith.addf %mul3A_753, %mul3A_754 : vector<16xf32>
      %min3A_756 = arith.minimumf %min3A_744, %add3A_755 : vector<16xf32>
      %get3A_757 = arith.constant 992 : index
      %get3A_758 = tpu.vector_load %arg9[%get3A_757] {strides = array<i32>} : memref<4096xf32, #tpu.memory_space<vmem>>, vector<16xf32>,
      %get3A_759 = vector.shape_cast %get3A_758 : vector<16xf32> to vector<16xf32>
      %sub3A_760 = arith.subf %get3A_12, %get3A_759 : vector<16xf32>
      %get3A_761 = arith.constant 2016 : index
      %get3A_762 = tpu.vector_load %arg9[%get3A_761] {strides = array<i32>} : memref<4096xf32, #tpu.memory_space<vmem>>, vector<16xf32>,
      %get3A_763 = vector.shape_cast %get3A_762 : vector<16xf32> to vector<16xf32>
      %sub3A_764 = arith.subf %get3A_15, %get3A_763 : vector<16xf32>
      %mul3A_765 = arith.mulf %sub3A_760, %sub3A_760 : vector<16xf32>
      %mul3A_766 = arith.mulf %sub3A_764, %sub3A_764 : vector<16xf32>
      %add3A_767 = arith.addf %mul3A_765, %mul3A_766 : vector<16xf32>
      %min3A_768 = arith.minimumf %min3A_756, %add3A_767 : vector<16xf32>
      %get3A_769 = arith.constant 1008 : index
      %get3A_770 = tpu.vector_load %arg9[%get3A_769] {strides = array<i32>} : memref<4096xf32, #tpu.memory_space<vmem>>, vector<16xf32>,
      %get3A_771 = vector.shape_cast %get3A_770 : vector<16xf32> to vector<16xf32>
      %sub3A_772 = arith.subf %get3A_12, %get3A_771 : vector<16xf32>
      %get3A_773 = arith.constant 2032 : index
      %get3A_774 = tpu.vector_load %arg9[%get3A_773] {strides = array<i32>} : memref<4096xf32, #tpu.memory_space<vmem>>, vector<16xf32>,
      %get3A_775 = vector.shape_cast %get3A_774 : vector<16xf32> to vector<16xf32>
      %sub3A_776 = arith.subf %get3A_15, %get3A_775 : vector<16xf32>
      %mul3A_777 = arith.mulf %sub3A_772, %sub3A_772 : vector<16xf32>
      %mul3A_778 = arith.mulf %sub3A_776, %sub3A_776 : vector<16xf32>
      %add3A_779 = arith.addf %mul3A_777, %mul3A_778 : vector<16xf32>
      %min3A_780 = arith.minimumf %min3A_768, %add3A_779 : vector<16xf32>
      %max3A = arith.constant 1.000000e-30 : f32
      %max3A_781 = vector.broadcast %max3A : f32 to vector<16xf32>
      %max3A_782 = arith.maximumf %min3A_780, %max3A_781 : vector<16xf32>
      %bitcast_convert_type3A = tpu.bitcast %max3A_782 : vector<16xf32> -> vector<16xi32>
      %shift_right_arithmetic3A = arith.constant 1 : i32
      %shift_right_arithmetic3A_783 = vector.broadcast %shift_right_arithmetic3A : i32 to vector<16xi32>
      %shift_right_arithmetic3A_784 = arith.shrsi %bitcast_convert_type3A, %shift_right_arithmetic3A_783 : vector<16xi32>
      %sub3A_785 = arith.constant 1597463007 : i32
      %sub3A_786 = vector.broadcast %sub3A_785 : i32 to vector<16xi32>
      %sub3A_787 = arith.subi %sub3A_786, %shift_right_arithmetic3A_784 : vector<16xi32>
      %bitcast_convert_type3A_788 = tpu.bitcast %sub3A_787 : vector<16xi32> -> vector<16xf32>
      %mul3A_789 = arith.constant 5.000000e-01 : f32
      %mul3A_790 = vector.broadcast %mul3A_789 : f32 to vector<16xf32>
      %mul3A_791 = arith.mulf %mul3A_790, %max3A_782 : vector<16xf32>
      %mul3A_792 = arith.mulf %mul3A_791, %bitcast_convert_type3A_788 : vector<16xf32>
      %mul3A_793 = arith.mulf %mul3A_792, %bitcast_convert_type3A_788 : vector<16xf32>
      %sub3A_794 = arith.constant 1.500000e+00 : f32
      %sub3A_795 = vector.broadcast %sub3A_794 : f32 to vector<16xf32>
      %sub3A_796 = arith.subf %sub3A_795, %mul3A_793 : vector<16xf32>
      %mul3A_797 = arith.mulf %bitcast_convert_type3A_788, %sub3A_796 : vector<16xf32>
      %mul3A_798 = arith.constant 5.000000e-01 : f32
      %mul3A_799 = vector.broadcast %mul3A_798 : f32 to vector<16xf32>
      %mul3A_800 = arith.mulf %mul3A_799, %max3A_782 : vector<16xf32>
      %mul3A_801 = arith.mulf %mul3A_800, %mul3A_797 : vector<16xf32>
      %mul3A_802 = arith.mulf %mul3A_801, %mul3A_797 : vector<16xf32>
      %sub3A_803 = arith.constant 1.500000e+00 : f32
      %sub3A_804 = vector.broadcast %sub3A_803 : f32 to vector<16xf32>
      %sub3A_805 = arith.subf %sub3A_804, %mul3A_802 : vector<16xf32>
      %mul3A_806 = arith.mulf %mul3A_797, %sub3A_805 : vector<16xf32>
      %mul3A_807 = arith.constant 5.000000e-01 : f32
      %mul3A_808 = vector.broadcast %mul3A_807 : f32 to vector<16xf32>
      %mul3A_809 = arith.mulf %mul3A_808, %max3A_782 : vector<16xf32>
      %mul3A_810 = arith.mulf %mul3A_809, %mul3A_806 : vector<16xf32>
      %mul3A_811 = arith.mulf %mul3A_810, %mul3A_806 : vector<16xf32>
      %sub3A_812 = arith.constant 1.500000e+00 : f32
      %sub3A_813 = vector.broadcast %sub3A_812 : f32 to vector<16xf32>
      %sub3A_814 = arith.subf %sub3A_813, %mul3A_811 : vector<16xf32>
      %mul3A_815 = arith.mulf %mul3A_806, %sub3A_814 : vector<16xf32>
      %mul3A_816 = arith.mulf %max3A_782, %mul3A_815 : vector<16xf32>
      %neg3A = arith.constant 0.000000e+00 : f32
      %neg3A_817 = vector.broadcast %neg3A : f32 to vector<16xf32>
      %neg3A_818 = arith.subf %neg3A_817, %mul3A_816 : vector<16xf32>
      %div3A = arith.constant 2.000000e-01 : f32
      %div3A_819 = vector.broadcast %div3A : f32 to vector<16xf32>
      %div3A_820 = arith.divf %neg3A_818, %div3A_819 : vector<16xf32>
      %exp3A = math.exp %div3A_820 : vector<16xf32>
      %mul3A_821 = arith.constant 1.000000e+01 : f32
      %mul3A_822 = vector.broadcast %mul3A_821 : f32 to vector<16xf32>
      %mul3A_823 = arith.mulf %mul3A_822, %exp3A : vector<16xf32>
      %swap3A = arith.index_cast %mul3A_10 : i32 to index
      %swap3A_824 = tpu.vector_load %arg10[%swap3A] {strides = array<i32>} : memref<512xf32, #tpu.memory_space<vmem>>, vector<16xf32>,
      %swap3A_825 = vector.shape_cast %swap3A_824 : vector<16xf32> to vector<16xf32>
      %swap3A_826 = vector.shape_cast %mul3A_823 : vector<16xf32> to vector<16xf32>
      tpu.vector_store %arg10[%swap3A], %swap3A_826 {strides = array<i32>} : memref<512xf32, #tpu.memory_space<vmem>>, vector<16xf32>,
      %get3A_827 = arith.constant 2048 : index
      %get3A_828 = tpu.vector_load %arg9[%get3A_827] {strides = array<i32>} : memref<4096xf32, #tpu.memory_space<vmem>>, vector<16xf32>,
      %get3A_829 = vector.shape_cast %get3A_828 : vector<16xf32> to vector<16xf32>
      %sub3A_830 = arith.subf %get3A_12, %get3A_829 : vector<16xf32>
      %get3A_831 = arith.constant 3072 : index
      %get3A_832 = tpu.vector_load %arg9[%get3A_831] {strides = array<i32>} : memref<4096xf32, #tpu.memory_space<vmem>>, vector<16xf32>,
      %get3A_833 = vector.shape_cast %get3A_832 : vector<16xf32> to vector<16xf32>
      %sub3A_834 = arith.subf %get3A_15, %get3A_833 : vector<16xf32>
      %mul3A_835 = arith.mulf %sub3A_830, %sub3A_830 : vector<16xf32>
      %mul3A_836 = arith.mulf %sub3A_834, %sub3A_834 : vector<16xf32>
      %add3A_837 = arith.addf %mul3A_835, %mul3A_836 : vector<16xf32>
      %get3A_838 = arith.constant 2064 : index
      %get3A_839 = tpu.vector_load %arg9[%get3A_838] {strides = array<i32>} : memref<4096xf32, #tpu.memory_space<vmem>>, vector<16xf32>,
      %get3A_840 = vector.shape_cast %get3A_839 : vector<16xf32> to vector<16xf32>
      %sub3A_841 = arith.subf %get3A_12, %get3A_840 : vector<16xf32>
      %get3A_842 = arith.constant 3088 : index
      %get3A_843 = tpu.vector_load %arg9[%get3A_842] {strides = array<i32>} : memref<4096xf32, #tpu.memory_space<vmem>>, vector<16xf32>,
      %get3A_844 = vector.shape_cast %get3A_843 : vector<16xf32> to vector<16xf32>
      %sub3A_845 = arith.subf %get3A_15, %get3A_844 : vector<16xf32>
      %mul3A_846 = arith.mulf %sub3A_841, %sub3A_841 : vector<16xf32>
      %mul3A_847 = arith.mulf %sub3A_845, %sub3A_845 : vector<16xf32>
      %add3A_848 = arith.addf %mul3A_846, %mul3A_847 : vector<16xf32>
      %min3A_849 = arith.minimumf %add3A_837, %add3A_848 : vector<16xf32>
      %get3A_850 = arith.constant 2080 : index
      %get3A_851 = tpu.vector_load %arg9[%get3A_850] {strides = array<i32>} : memref<4096xf32, #tpu.memory_space<vmem>>, vector<16xf32>,
      %get3A_852 = vector.shape_cast %get3A_851 : vector<16xf32> to vector<16xf32>
      %sub3A_853 = arith.subf %get3A_12, %get3A_852 : vector<16xf32>
      %get3A_854 = arith.constant 3104 : index
      %get3A_855 = tpu.vector_load %arg9[%get3A_854] {strides = array<i32>} : memref<4096xf32, #tpu.memory_space<vmem>>, vector<16xf32>,
      %get3A_856 = vector.shape_cast %get3A_855 : vector<16xf32> to vector<16xf32>
      %sub3A_857 = arith.subf %get3A_15, %get3A_856 : vector<16xf32>
      %mul3A_858 = arith.mulf %sub3A_853, %sub3A_853 : vector<16xf32>
      %mul3A_859 = arith.mulf %sub3A_857, %sub3A_857 : vector<16xf32>
      %add3A_860 = arith.addf %mul3A_858, %mul3A_859 : vector<16xf32>
      %min3A_861 = arith.minimumf %min3A_849, %add3A_860 : vector<16xf32>
      %get3A_862 = arith.constant 2096 : index
      %get3A_863 = tpu.vector_load %arg9[%get3A_862] {strides = array<i32>} : memref<4096xf32, #tpu.memory_space<vmem>>, vector<16xf32>,
      %get3A_864 = vector.shape_cast %get3A_863 : vector<16xf32> to vector<16xf32>
      %sub3A_865 = arith.subf %get3A_12, %get3A_864 : vector<16xf32>
      %get3A_866 = arith.constant 3120 : index
      %get3A_867 = tpu.vector_load %arg9[%get3A_866] {strides = array<i32>} : memref<4096xf32, #tpu.memory_space<vmem>>, vector<16xf32>,
      %get3A_868 = vector.shape_cast %get3A_867 : vector<16xf32> to vector<16xf32>
      %sub3A_869 = arith.subf %get3A_15, %get3A_868 : vector<16xf32>
      %mul3A_870 = arith.mulf %sub3A_865, %sub3A_865 : vector<16xf32>
      %mul3A_871 = arith.mulf %sub3A_869, %sub3A_869 : vector<16xf32>
      %add3A_872 = arith.addf %mul3A_870, %mul3A_871 : vector<16xf32>
      %min3A_873 = arith.minimumf %min3A_861, %add3A_872 : vector<16xf32>
      %get3A_874 = arith.constant 2112 : index
      %get3A_875 = tpu.vector_load %arg9[%get3A_874] {strides = array<i32>} : memref<4096xf32, #tpu.memory_space<vmem>>, vector<16xf32>,
      %get3A_876 = vector.shape_cast %get3A_875 : vector<16xf32> to vector<16xf32>
      %sub3A_877 = arith.subf %get3A_12, %get3A_876 : vector<16xf32>
      %get3A_878 = arith.constant 3136 : index
      %get3A_879 = tpu.vector_load %arg9[%get3A_878] {strides = array<i32>} : memref<4096xf32, #tpu.memory_space<vmem>>, vector<16xf32>,
      %get3A_880 = vector.shape_cast %get3A_879 : vector<16xf32> to vector<16xf32>
      %sub3A_881 = arith.subf %get3A_15, %get3A_880 : vector<16xf32>
      %mul3A_882 = arith.mulf %sub3A_877, %sub3A_877 : vector<16xf32>
      %mul3A_883 = arith.mulf %sub3A_881, %sub3A_881 : vector<16xf32>
      %add3A_884 = arith.addf %mul3A_882, %mul3A_883 : vector<16xf32>
      %min3A_885 = arith.minimumf %min3A_873, %add3A_884 : vector<16xf32>
      %get3A_886 = arith.constant 2128 : index
      %get3A_887 = tpu.vector_load %arg9[%get3A_886] {strides = array<i32>} : memref<4096xf32, #tpu.memory_space<vmem>>, vector<16xf32>,
      %get3A_888 = vector.shape_cast %get3A_887 : vector<16xf32> to vector<16xf32>
      %sub3A_889 = arith.subf %get3A_12, %get3A_888 : vector<16xf32>
      %get3A_890 = arith.constant 3152 : index
      %get3A_891 = tpu.vector_load %arg9[%get3A_890] {strides = array<i32>} : memref<4096xf32, #tpu.memory_space<vmem>>, vector<16xf32>,
      %get3A_892 = vector.shape_cast %get3A_891 : vector<16xf32> to vector<16xf32>
      %sub3A_893 = arith.subf %get3A_15, %get3A_892 : vector<16xf32>
      %mul3A_894 = arith.mulf %sub3A_889, %sub3A_889 : vector<16xf32>
      %mul3A_895 = arith.mulf %sub3A_893, %sub3A_893 : vector<16xf32>
      %add3A_896 = arith.addf %mul3A_894, %mul3A_895 : vector<16xf32>
      %min3A_897 = arith.minimumf %min3A_885, %add3A_896 : vector<16xf32>
      %get3A_898 = arith.constant 2144 : index
      %get3A_899 = tpu.vector_load %arg9[%get3A_898] {strides = array<i32>} : memref<4096xf32, #tpu.memory_space<vmem>>, vector<16xf32>,
      %get3A_900 = vector.shape_cast %get3A_899 : vector<16xf32> to vector<16xf32>
      %sub3A_901 = arith.subf %get3A_12, %get3A_900 : vector<16xf32>
      %get3A_902 = arith.constant 3168 : index
      %get3A_903 = tpu.vector_load %arg9[%get3A_902] {strides = array<i32>} : memref<4096xf32, #tpu.memory_space<vmem>>, vector<16xf32>,
      %get3A_904 = vector.shape_cast %get3A_903 : vector<16xf32> to vector<16xf32>
      %sub3A_905 = arith.subf %get3A_15, %get3A_904 : vector<16xf32>
      %mul3A_906 = arith.mulf %sub3A_901, %sub3A_901 : vector<16xf32>
      %mul3A_907 = arith.mulf %sub3A_905, %sub3A_905 : vector<16xf32>
      %add3A_908 = arith.addf %mul3A_906, %mul3A_907 : vector<16xf32>
      %min3A_909 = arith.minimumf %min3A_897, %add3A_908 : vector<16xf32>
      %get3A_910 = arith.constant 2160 : index
      %get3A_911 = tpu.vector_load %arg9[%get3A_910] {strides = array<i32>} : memref<4096xf32, #tpu.memory_space<vmem>>, vector<16xf32>,
      %get3A_912 = vector.shape_cast %get3A_911 : vector<16xf32> to vector<16xf32>
      %sub3A_913 = arith.subf %get3A_12, %get3A_912 : vector<16xf32>
      %get3A_914 = arith.constant 3184 : index
      %get3A_915 = tpu.vector_load %arg9[%get3A_914] {strides = array<i32>} : memref<4096xf32, #tpu.memory_space<vmem>>, vector<16xf32>,
      %get3A_916 = vector.shape_cast %get3A_915 : vector<16xf32> to vector<16xf32>
      %sub3A_917 = arith.subf %get3A_15, %get3A_916 : vector<16xf32>
      %mul3A_918 = arith.mulf %sub3A_913, %sub3A_913 : vector<16xf32>
      %mul3A_919 = arith.mulf %sub3A_917, %sub3A_917 : vector<16xf32>
      %add3A_920 = arith.addf %mul3A_918, %mul3A_919 : vector<16xf32>
      %min3A_921 = arith.minimumf %min3A_909, %add3A_920 : vector<16xf32>
      %get3A_922 = arith.constant 2176 : index
      %get3A_923 = tpu.vector_load %arg9[%get3A_922] {strides = array<i32>} : memref<4096xf32, #tpu.memory_space<vmem>>, vector<16xf32>,
      %get3A_924 = vector.shape_cast %get3A_923 : vector<16xf32> to vector<16xf32>
      %sub3A_925 = arith.subf %get3A_12, %get3A_924 : vector<16xf32>
      %get3A_926 = arith.constant 3200 : index
      %get3A_927 = tpu.vector_load %arg9[%get3A_926] {strides = array<i32>} : memref<4096xf32, #tpu.memory_space<vmem>>, vector<16xf32>,
      %get3A_928 = vector.shape_cast %get3A_927 : vector<16xf32> to vector<16xf32>
      %sub3A_929 = arith.subf %get3A_15, %get3A_928 : vector<16xf32>
      %mul3A_930 = arith.mulf %sub3A_925, %sub3A_925 : vector<16xf32>
      %mul3A_931 = arith.mulf %sub3A_929, %sub3A_929 : vector<16xf32>
      %add3A_932 = arith.addf %mul3A_930, %mul3A_931 : vector<16xf32>
      %min3A_933 = arith.minimumf %min3A_921, %add3A_932 : vector<16xf32>
      %get3A_934 = arith.constant 2192 : index
      %get3A_935 = tpu.vector_load %arg9[%get3A_934] {strides = array<i32>} : memref<4096xf32, #tpu.memory_space<vmem>>, vector<16xf32>,
      %get3A_936 = vector.shape_cast %get3A_935 : vector<16xf32> to vector<16xf32>
      %sub3A_937 = arith.subf %get3A_12, %get3A_936 : vector<16xf32>
      %get3A_938 = arith.constant 3216 : index
      %get3A_939 = tpu.vector_load %arg9[%get3A_938] {strides = array<i32>} : memref<4096xf32, #tpu.memory_space<vmem>>, vector<16xf32>,
      %get3A_940 = vector.shape_cast %get3A_939 : vector<16xf32> to vector<16xf32>
      %sub3A_941 = arith.subf %get3A_15, %get3A_940 : vector<16xf32>
      %mul3A_942 = arith.mulf %sub3A_937, %sub3A_937 : vector<16xf32>
      %mul3A_943 = arith.mulf %sub3A_941, %sub3A_941 : vector<16xf32>
      %add3A_944 = arith.addf %mul3A_942, %mul3A_943 : vector<16xf32>
      %min3A_945 = arith.minimumf %min3A_933, %add3A_944 : vector<16xf32>
      %get3A_946 = arith.constant 2208 : index
      %get3A_947 = tpu.vector_load %arg9[%get3A_946] {strides = array<i32>} : memref<4096xf32, #tpu.memory_space<vmem>>, vector<16xf32>,
      %get3A_948 = vector.shape_cast %get3A_947 : vector<16xf32> to vector<16xf32>
      %sub3A_949 = arith.subf %get3A_12, %get3A_948 : vector<16xf32>
      %get3A_950 = arith.constant 3232 : index
      %get3A_951 = tpu.vector_load %arg9[%get3A_950] {strides = array<i32>} : memref<4096xf32, #tpu.memory_space<vmem>>, vector<16xf32>,
      %get3A_952 = vector.shape_cast %get3A_951 : vector<16xf32> to vector<16xf32>
      %sub3A_953 = arith.subf %get3A_15, %get3A_952 : vector<16xf32>
      %mul3A_954 = arith.mulf %sub3A_949, %sub3A_949 : vector<16xf32>
      %mul3A_955 = arith.mulf %sub3A_953, %sub3A_953 : vector<16xf32>
      %add3A_956 = arith.addf %mul3A_954, %mul3A_955 : vector<16xf32>
      %min3A_957 = arith.minimumf %min3A_945, %add3A_956 : vector<16xf32>
      %get3A_958 = arith.constant 2224 : index
      %get3A_959 = tpu.vector_load %arg9[%get3A_958] {strides = array<i32>} : memref<4096xf32, #tpu.memory_space<vmem>>, vector<16xf32>,
      %get3A_960 = vector.shape_cast %get3A_959 : vector<16xf32> to vector<16xf32>
      %sub3A_961 = arith.subf %get3A_12, %get3A_960 : vector<16xf32>
      %get3A_962 = arith.constant 3248 : index
      %get3A_963 = tpu.vector_load %arg9[%get3A_962] {strides = array<i32>} : memref<4096xf32, #tpu.memory_space<vmem>>, vector<16xf32>,
      %get3A_964 = vector.shape_cast %get3A_963 : vector<16xf32> to vector<16xf32>
      %sub3A_965 = arith.subf %get3A_15, %get3A_964 : vector<16xf32>
      %mul3A_966 = arith.mulf %sub3A_961, %sub3A_961 : vector<16xf32>
      %mul3A_967 = arith.mulf %sub3A_965, %sub3A_965 : vector<16xf32>
      %add3A_968 = arith.addf %mul3A_966, %mul3A_967 : vector<16xf32>
      %min3A_969 = arith.minimumf %min3A_957, %add3A_968 : vector<16xf32>
      %get3A_970 = arith.constant 2240 : index
      %get3A_971 = tpu.vector_load %arg9[%get3A_970] {strides = array<i32>} : memref<4096xf32, #tpu.memory_space<vmem>>, vector<16xf32>,
      %get3A_972 = vector.shape_cast %get3A_971 : vector<16xf32> to vector<16xf32>
      %sub3A_973 = arith.subf %get3A_12, %get3A_972 : vector<16xf32>
      %get3A_974 = arith.constant 3264 : index
      %get3A_975 = tpu.vector_load %arg9[%get3A_974] {strides = array<i32>} : memref<4096xf32, #tpu.memory_space<vmem>>, vector<16xf32>,
      %get3A_976 = vector.shape_cast %get3A_975 : vector<16xf32> to vector<16xf32>
      %sub3A_977 = arith.subf %get3A_15, %get3A_976 : vector<16xf32>
      %mul3A_978 = arith.mulf %sub3A_973, %sub3A_973 : vector<16xf32>
      %mul3A_979 = arith.mulf %sub3A_977, %sub3A_977 : vector<16xf32>
      %add3A_980 = arith.addf %mul3A_978, %mul3A_979 : vector<16xf32>
      %min3A_981 = arith.minimumf %min3A_969, %add3A_980 : vector<16xf32>
      %get3A_982 = arith.constant 2256 : index
      %get3A_983 = tpu.vector_load %arg9[%get3A_982] {strides = array<i32>} : memref<4096xf32, #tpu.memory_space<vmem>>, vector<16xf32>,
      %get3A_984 = vector.shape_cast %get3A_983 : vector<16xf32> to vector<16xf32>
      %sub3A_985 = arith.subf %get3A_12, %get3A_984 : vector<16xf32>
      %get3A_986 = arith.constant 3280 : index
      %get3A_987 = tpu.vector_load %arg9[%get3A_986] {strides = array<i32>} : memref<4096xf32, #tpu.memory_space<vmem>>, vector<16xf32>,
      %get3A_988 = vector.shape_cast %get3A_987 : vector<16xf32> to vector<16xf32>
      %sub3A_989 = arith.subf %get3A_15, %get3A_988 : vector<16xf32>
      %mul3A_990 = arith.mulf %sub3A_985, %sub3A_985 : vector<16xf32>
      %mul3A_991 = arith.mulf %sub3A_989, %sub3A_989 : vector<16xf32>
      %add3A_992 = arith.addf %mul3A_990, %mul3A_991 : vector<16xf32>
      %min3A_993 = arith.minimumf %min3A_981, %add3A_992 : vector<16xf32>
      %get3A_994 = arith.constant 2272 : index
      %get3A_995 = tpu.vector_load %arg9[%get3A_994] {strides = array<i32>} : memref<4096xf32, #tpu.memory_space<vmem>>, vector<16xf32>,
      %get3A_996 = vector.shape_cast %get3A_995 : vector<16xf32> to vector<16xf32>
      %sub3A_997 = arith.subf %get3A_12, %get3A_996 : vector<16xf32>
      %get3A_998 = arith.constant 3296 : index
      %get3A_999 = tpu.vector_load %arg9[%get3A_998] {strides = array<i32>} : memref<4096xf32, #tpu.memory_space<vmem>>, vector<16xf32>,
      %get3A_1000 = vector.shape_cast %get3A_999 : vector<16xf32> to vector<16xf32>
      %sub3A_1001 = arith.subf %get3A_15, %get3A_1000 : vector<16xf32>
      %mul3A_1002 = arith.mulf %sub3A_997, %sub3A_997 : vector<16xf32>
      %mul3A_1003 = arith.mulf %sub3A_1001, %sub3A_1001 : vector<16xf32>
      %add3A_1004 = arith.addf %mul3A_1002, %mul3A_1003 : vector<16xf32>
      %min3A_1005 = arith.minimumf %min3A_993, %add3A_1004 : vector<16xf32>
      %get3A_1006 = arith.constant 2288 : index
      %get3A_1007 = tpu.vector_load %arg9[%get3A_1006] {strides = array<i32>} : memref<4096xf32, #tpu.memory_space<vmem>>, vector<16xf32>,
      %get3A_1008 = vector.shape_cast %get3A_1007 : vector<16xf32> to vector<16xf32>
      %sub3A_1009 = arith.subf %get3A_12, %get3A_1008 : vector<16xf32>
      %get3A_1010 = arith.constant 3312 : index
      %get3A_1011 = tpu.vector_load %arg9[%get3A_1010] {strides = array<i32>} : memref<4096xf32, #tpu.memory_space<vmem>>, vector<16xf32>,
      %get3A_1012 = vector.shape_cast %get3A_1011 : vector<16xf32> to vector<16xf32>
      %sub3A_1013 = arith.subf %get3A_15, %get3A_1012 : vector<16xf32>
      %mul3A_1014 = arith.mulf %sub3A_1009, %sub3A_1009 : vector<16xf32>
      %mul3A_1015 = arith.mulf %sub3A_1013, %sub3A_1013 : vector<16xf32>
      %add3A_1016 = arith.addf %mul3A_1014, %mul3A_1015 : vector<16xf32>
      %min3A_1017 = arith.minimumf %min3A_1005, %add3A_1016 : vector<16xf32>
      %get3A_1018 = arith.constant 2304 : index
      %get3A_1019 = tpu.vector_load %arg9[%get3A_1018] {strides = array<i32>} : memref<4096xf32, #tpu.memory_space<vmem>>, vector<16xf32>,
      %get3A_1020 = vector.shape_cast %get3A_1019 : vector<16xf32> to vector<16xf32>
      %sub3A_1021 = arith.subf %get3A_12, %get3A_1020 : vector<16xf32>
      %get3A_1022 = arith.constant 3328 : index
      %get3A_1023 = tpu.vector_load %arg9[%get3A_1022] {strides = array<i32>} : memref<4096xf32, #tpu.memory_space<vmem>>, vector<16xf32>,
      %get3A_1024 = vector.shape_cast %get3A_1023 : vector<16xf32> to vector<16xf32>
      %sub3A_1025 = arith.subf %get3A_15, %get3A_1024 : vector<16xf32>
      %mul3A_1026 = arith.mulf %sub3A_1021, %sub3A_1021 : vector<16xf32>
      %mul3A_1027 = arith.mulf %sub3A_1025, %sub3A_1025 : vector<16xf32>
      %add3A_1028 = arith.addf %mul3A_1026, %mul3A_1027 : vector<16xf32>
      %min3A_1029 = arith.minimumf %min3A_1017, %add3A_1028 : vector<16xf32>
      %get3A_1030 = arith.constant 2320 : index
      %get3A_1031 = tpu.vector_load %arg9[%get3A_1030] {strides = array<i32>} : memref<4096xf32, #tpu.memory_space<vmem>>, vector<16xf32>,
      %get3A_1032 = vector.shape_cast %get3A_1031 : vector<16xf32> to vector<16xf32>
      %sub3A_1033 = arith.subf %get3A_12, %get3A_1032 : vector<16xf32>
      %get3A_1034 = arith.constant 3344 : index
      %get3A_1035 = tpu.vector_load %arg9[%get3A_1034] {strides = array<i32>} : memref<4096xf32, #tpu.memory_space<vmem>>, vector<16xf32>,
      %get3A_1036 = vector.shape_cast %get3A_1035 : vector<16xf32> to vector<16xf32>
      %sub3A_1037 = arith.subf %get3A_15, %get3A_1036 : vector<16xf32>
      %mul3A_1038 = arith.mulf %sub3A_1033, %sub3A_1033 : vector<16xf32>
      %mul3A_1039 = arith.mulf %sub3A_1037, %sub3A_1037 : vector<16xf32>
      %add3A_1040 = arith.addf %mul3A_1038, %mul3A_1039 : vector<16xf32>
      %min3A_1041 = arith.minimumf %min3A_1029, %add3A_1040 : vector<16xf32>
      %get3A_1042 = arith.constant 2336 : index
      %get3A_1043 = tpu.vector_load %arg9[%get3A_1042] {strides = array<i32>} : memref<4096xf32, #tpu.memory_space<vmem>>, vector<16xf32>,
      %get3A_1044 = vector.shape_cast %get3A_1043 : vector<16xf32> to vector<16xf32>
      %sub3A_1045 = arith.subf %get3A_12, %get3A_1044 : vector<16xf32>
      %get3A_1046 = arith.constant 3360 : index
      %get3A_1047 = tpu.vector_load %arg9[%get3A_1046] {strides = array<i32>} : memref<4096xf32, #tpu.memory_space<vmem>>, vector<16xf32>,
      %get3A_1048 = vector.shape_cast %get3A_1047 : vector<16xf32> to vector<16xf32>
      %sub3A_1049 = arith.subf %get3A_15, %get3A_1048 : vector<16xf32>
      %mul3A_1050 = arith.mulf %sub3A_1045, %sub3A_1045 : vector<16xf32>
      %mul3A_1051 = arith.mulf %sub3A_1049, %sub3A_1049 : vector<16xf32>
      %add3A_1052 = arith.addf %mul3A_1050, %mul3A_1051 : vector<16xf32>
      %min3A_1053 = arith.minimumf %min3A_1041, %add3A_1052 : vector<16xf32>
      %get3A_1054 = arith.constant 2352 : index
      %get3A_1055 = tpu.vector_load %arg9[%get3A_1054] {strides = array<i32>} : memref<4096xf32, #tpu.memory_space<vmem>>, vector<16xf32>,
      %get3A_1056 = vector.shape_cast %get3A_1055 : vector<16xf32> to vector<16xf32>
      %sub3A_1057 = arith.subf %get3A_12, %get3A_1056 : vector<16xf32>
      %get3A_1058 = arith.constant 3376 : index
      %get3A_1059 = tpu.vector_load %arg9[%get3A_1058] {strides = array<i32>} : memref<4096xf32, #tpu.memory_space<vmem>>, vector<16xf32>,
      %get3A_1060 = vector.shape_cast %get3A_1059 : vector<16xf32> to vector<16xf32>
      %sub3A_1061 = arith.subf %get3A_15, %get3A_1060 : vector<16xf32>
      %mul3A_1062 = arith.mulf %sub3A_1057, %sub3A_1057 : vector<16xf32>
      %mul3A_1063 = arith.mulf %sub3A_1061, %sub3A_1061 : vector<16xf32>
      %add3A_1064 = arith.addf %mul3A_1062, %mul3A_1063 : vector<16xf32>
      %min3A_1065 = arith.minimumf %min3A_1053, %add3A_1064 : vector<16xf32>
      %get3A_1066 = arith.constant 2368 : index
      %get3A_1067 = tpu.vector_load %arg9[%get3A_1066] {strides = array<i32>} : memref<4096xf32, #tpu.memory_space<vmem>>, vector<16xf32>,
      %get3A_1068 = vector.shape_cast %get3A_1067 : vector<16xf32> to vector<16xf32>
      %sub3A_1069 = arith.subf %get3A_12, %get3A_1068 : vector<16xf32>
      %get3A_1070 = arith.constant 3392 : index
      %get3A_1071 = tpu.vector_load %arg9[%get3A_1070] {strides = array<i32>} : memref<4096xf32, #tpu.memory_space<vmem>>, vector<16xf32>,
      %get3A_1072 = vector.shape_cast %get3A_1071 : vector<16xf32> to vector<16xf32>
      %sub3A_1073 = arith.subf %get3A_15, %get3A_1072 : vector<16xf32>
      %mul3A_1074 = arith.mulf %sub3A_1069, %sub3A_1069 : vector<16xf32>
      %mul3A_1075 = arith.mulf %sub3A_1073, %sub3A_1073 : vector<16xf32>
      %add3A_1076 = arith.addf %mul3A_1074, %mul3A_1075 : vector<16xf32>
      %min3A_1077 = arith.minimumf %min3A_1065, %add3A_1076 : vector<16xf32>
      %get3A_1078 = arith.constant 2384 : index
      %get3A_1079 = tpu.vector_load %arg9[%get3A_1078] {strides = array<i32>} : memref<4096xf32, #tpu.memory_space<vmem>>, vector<16xf32>,
      %get3A_1080 = vector.shape_cast %get3A_1079 : vector<16xf32> to vector<16xf32>
      %sub3A_1081 = arith.subf %get3A_12, %get3A_1080 : vector<16xf32>
      %get3A_1082 = arith.constant 3408 : index
      %get3A_1083 = tpu.vector_load %arg9[%get3A_1082] {strides = array<i32>} : memref<4096xf32, #tpu.memory_space<vmem>>, vector<16xf32>,
      %get3A_1084 = vector.shape_cast %get3A_1083 : vector<16xf32> to vector<16xf32>
      %sub3A_1085 = arith.subf %get3A_15, %get3A_1084 : vector<16xf32>
      %mul3A_1086 = arith.mulf %sub3A_1081, %sub3A_1081 : vector<16xf32>
      %mul3A_1087 = arith.mulf %sub3A_1085, %sub3A_1085 : vector<16xf32>
      %add3A_1088 = arith.addf %mul3A_1086, %mul3A_1087 : vector<16xf32>
      %min3A_1089 = arith.minimumf %min3A_1077, %add3A_1088 : vector<16xf32>
      %get3A_1090 = arith.constant 2400 : index
      %get3A_1091 = tpu.vector_load %arg9[%get3A_1090] {strides = array<i32>} : memref<4096xf32, #tpu.memory_space<vmem>>, vector<16xf32>,
      %get3A_1092 = vector.shape_cast %get3A_1091 : vector<16xf32> to vector<16xf32>
      %sub3A_1093 = arith.subf %get3A_12, %get3A_1092 : vector<16xf32>
      %get3A_1094 = arith.constant 3424 : index
      %get3A_1095 = tpu.vector_load %arg9[%get3A_1094] {strides = array<i32>} : memref<4096xf32, #tpu.memory_space<vmem>>, vector<16xf32>,
      %get3A_1096 = vector.shape_cast %get3A_1095 : vector<16xf32> to vector<16xf32>
      %sub3A_1097 = arith.subf %get3A_15, %get3A_1096 : vector<16xf32>
      %mul3A_1098 = arith.mulf %sub3A_1093, %sub3A_1093 : vector<16xf32>
      %mul3A_1099 = arith.mulf %sub3A_1097, %sub3A_1097 : vector<16xf32>
      %add3A_1100 = arith.addf %mul3A_1098, %mul3A_1099 : vector<16xf32>
      %min3A_1101 = arith.minimumf %min3A_1089, %add3A_1100 : vector<16xf32>
      %get3A_1102 = arith.constant 2416 : index
      %get3A_1103 = tpu.vector_load %arg9[%get3A_1102] {strides = array<i32>} : memref<4096xf32, #tpu.memory_space<vmem>>, vector<16xf32>,
      %get3A_1104 = vector.shape_cast %get3A_1103 : vector<16xf32> to vector<16xf32>
      %sub3A_1105 = arith.subf %get3A_12, %get3A_1104 : vector<16xf32>
      %get3A_1106 = arith.constant 3440 : index
      %get3A_1107 = tpu.vector_load %arg9[%get3A_1106] {strides = array<i32>} : memref<4096xf32, #tpu.memory_space<vmem>>, vector<16xf32>,
      %get3A_1108 = vector.shape_cast %get3A_1107 : vector<16xf32> to vector<16xf32>
      %sub3A_1109 = arith.subf %get3A_15, %get3A_1108 : vector<16xf32>
      %mul3A_1110 = arith.mulf %sub3A_1105, %sub3A_1105 : vector<16xf32>
      %mul3A_1111 = arith.mulf %sub3A_1109, %sub3A_1109 : vector<16xf32>
      %add3A_1112 = arith.addf %mul3A_1110, %mul3A_1111 : vector<16xf32>
      %min3A_1113 = arith.minimumf %min3A_1101, %add3A_1112 : vector<16xf32>
      %get3A_1114 = arith.constant 2432 : index
      %get3A_1115 = tpu.vector_load %arg9[%get3A_1114] {strides = array<i32>} : memref<4096xf32, #tpu.memory_space<vmem>>, vector<16xf32>,
      %get3A_1116 = vector.shape_cast %get3A_1115 : vector<16xf32> to vector<16xf32>
      %sub3A_1117 = arith.subf %get3A_12, %get3A_1116 : vector<16xf32>
      %get3A_1118 = arith.constant 3456 : index
      %get3A_1119 = tpu.vector_load %arg9[%get3A_1118] {strides = array<i32>} : memref<4096xf32, #tpu.memory_space<vmem>>, vector<16xf32>,
      %get3A_1120 = vector.shape_cast %get3A_1119 : vector<16xf32> to vector<16xf32>
      %sub3A_1121 = arith.subf %get3A_15, %get3A_1120 : vector<16xf32>
      %mul3A_1122 = arith.mulf %sub3A_1117, %sub3A_1117 : vector<16xf32>
      %mul3A_1123 = arith.mulf %sub3A_1121, %sub3A_1121 : vector<16xf32>
      %add3A_1124 = arith.addf %mul3A_1122, %mul3A_1123 : vector<16xf32>
      %min3A_1125 = arith.minimumf %min3A_1113, %add3A_1124 : vector<16xf32>
      %get3A_1126 = arith.constant 2448 : index
      %get3A_1127 = tpu.vector_load %arg9[%get3A_1126] {strides = array<i32>} : memref<4096xf32, #tpu.memory_space<vmem>>, vector<16xf32>,
      %get3A_1128 = vector.shape_cast %get3A_1127 : vector<16xf32> to vector<16xf32>
      %sub3A_1129 = arith.subf %get3A_12, %get3A_1128 : vector<16xf32>
      %get3A_1130 = arith.constant 3472 : index
      %get3A_1131 = tpu.vector_load %arg9[%get3A_1130] {strides = array<i32>} : memref<4096xf32, #tpu.memory_space<vmem>>, vector<16xf32>,
      %get3A_1132 = vector.shape_cast %get3A_1131 : vector<16xf32> to vector<16xf32>
      %sub3A_1133 = arith.subf %get3A_15, %get3A_1132 : vector<16xf32>
      %mul3A_1134 = arith.mulf %sub3A_1129, %sub3A_1129 : vector<16xf32>
      %mul3A_1135 = arith.mulf %sub3A_1133, %sub3A_1133 : vector<16xf32>
      %add3A_1136 = arith.addf %mul3A_1134, %mul3A_1135 : vector<16xf32>
      %min3A_1137 = arith.minimumf %min3A_1125, %add3A_1136 : vector<16xf32>
      %get3A_1138 = arith.constant 2464 : index
      %get3A_1139 = tpu.vector_load %arg9[%get3A_1138] {strides = array<i32>} : memref<4096xf32, #tpu.memory_space<vmem>>, vector<16xf32>,
      %get3A_1140 = vector.shape_cast %get3A_1139 : vector<16xf32> to vector<16xf32>
      %sub3A_1141 = arith.subf %get3A_12, %get3A_1140 : vector<16xf32>
      %get3A_1142 = arith.constant 3488 : index
      %get3A_1143 = tpu.vector_load %arg9[%get3A_1142] {strides = array<i32>} : memref<4096xf32, #tpu.memory_space<vmem>>, vector<16xf32>,
      %get3A_1144 = vector.shape_cast %get3A_1143 : vector<16xf32> to vector<16xf32>
      %sub3A_1145 = arith.subf %get3A_15, %get3A_1144 : vector<16xf32>
      %mul3A_1146 = arith.mulf %sub3A_1141, %sub3A_1141 : vector<16xf32>
      %mul3A_1147 = arith.mulf %sub3A_1145, %sub3A_1145 : vector<16xf32>
      %add3A_1148 = arith.addf %mul3A_1146, %mul3A_1147 : vector<16xf32>
      %min3A_1149 = arith.minimumf %min3A_1137, %add3A_1148 : vector<16xf32>
      %get3A_1150 = arith.constant 2480 : index
      %get3A_1151 = tpu.vector_load %arg9[%get3A_1150] {strides = array<i32>} : memref<4096xf32, #tpu.memory_space<vmem>>, vector<16xf32>,
      %get3A_1152 = vector.shape_cast %get3A_1151 : vector<16xf32> to vector<16xf32>
      %sub3A_1153 = arith.subf %get3A_12, %get3A_1152 : vector<16xf32>
      %get3A_1154 = arith.constant 3504 : index
      %get3A_1155 = tpu.vector_load %arg9[%get3A_1154] {strides = array<i32>} : memref<4096xf32, #tpu.memory_space<vmem>>, vector<16xf32>,
      %get3A_1156 = vector.shape_cast %get3A_1155 : vector<16xf32> to vector<16xf32>
      %sub3A_1157 = arith.subf %get3A_15, %get3A_1156 : vector<16xf32>
      %mul3A_1158 = arith.mulf %sub3A_1153, %sub3A_1153 : vector<16xf32>
      %mul3A_1159 = arith.mulf %sub3A_1157, %sub3A_1157 : vector<16xf32>
      %add3A_1160 = arith.addf %mul3A_1158, %mul3A_1159 : vector<16xf32>
      %min3A_1161 = arith.minimumf %min3A_1149, %add3A_1160 : vector<16xf32>
      %get3A_1162 = arith.constant 2496 : index
      %get3A_1163 = tpu.vector_load %arg9[%get3A_1162] {strides = array<i32>} : memref<4096xf32, #tpu.memory_space<vmem>>, vector<16xf32>,
      %get3A_1164 = vector.shape_cast %get3A_1163 : vector<16xf32> to vector<16xf32>
      %sub3A_1165 = arith.subf %get3A_12, %get3A_1164 : vector<16xf32>
      %get3A_1166 = arith.constant 3520 : index
      %get3A_1167 = tpu.vector_load %arg9[%get3A_1166] {strides = array<i32>} : memref<4096xf32, #tpu.memory_space<vmem>>, vector<16xf32>,
      %get3A_1168 = vector.shape_cast %get3A_1167 : vector<16xf32> to vector<16xf32>
      %sub3A_1169 = arith.subf %get3A_15, %get3A_1168 : vector<16xf32>
      %mul3A_1170 = arith.mulf %sub3A_1165, %sub3A_1165 : vector<16xf32>
      %mul3A_1171 = arith.mulf %sub3A_1169, %sub3A_1169 : vector<16xf32>
      %add3A_1172 = arith.addf %mul3A_1170, %mul3A_1171 : vector<16xf32>
      %min3A_1173 = arith.minimumf %min3A_1161, %add3A_1172 : vector<16xf32>
      %get3A_1174 = arith.constant 2512 : index
      %get3A_1175 = tpu.vector_load %arg9[%get3A_1174] {strides = array<i32>} : memref<4096xf32, #tpu.memory_space<vmem>>, vector<16xf32>,
      %get3A_1176 = vector.shape_cast %get3A_1175 : vector<16xf32> to vector<16xf32>
      %sub3A_1177 = arith.subf %get3A_12, %get3A_1176 : vector<16xf32>
      %get3A_1178 = arith.constant 3536 : index
      %get3A_1179 = tpu.vector_load %arg9[%get3A_1178] {strides = array<i32>} : memref<4096xf32, #tpu.memory_space<vmem>>, vector<16xf32>,
      %get3A_1180 = vector.shape_cast %get3A_1179 : vector<16xf32> to vector<16xf32>
      %sub3A_1181 = arith.subf %get3A_15, %get3A_1180 : vector<16xf32>
      %mul3A_1182 = arith.mulf %sub3A_1177, %sub3A_1177 : vector<16xf32>
      %mul3A_1183 = arith.mulf %sub3A_1181, %sub3A_1181 : vector<16xf32>
      %add3A_1184 = arith.addf %mul3A_1182, %mul3A_1183 : vector<16xf32>
      %min3A_1185 = arith.minimumf %min3A_1173, %add3A_1184 : vector<16xf32>
      %get3A_1186 = arith.constant 2528 : index
      %get3A_1187 = tpu.vector_load %arg9[%get3A_1186] {strides = array<i32>} : memref<4096xf32, #tpu.memory_space<vmem>>, vector<16xf32>,
      %get3A_1188 = vector.shape_cast %get3A_1187 : vector<16xf32> to vector<16xf32>
      %sub3A_1189 = arith.subf %get3A_12, %get3A_1188 : vector<16xf32>
      %get3A_1190 = arith.constant 3552 : index
      %get3A_1191 = tpu.vector_load %arg9[%get3A_1190] {strides = array<i32>} : memref<4096xf32, #tpu.memory_space<vmem>>, vector<16xf32>,
      %get3A_1192 = vector.shape_cast %get3A_1191 : vector<16xf32> to vector<16xf32>
      %sub3A_1193 = arith.subf %get3A_15, %get3A_1192 : vector<16xf32>
      %mul3A_1194 = arith.mulf %sub3A_1189, %sub3A_1189 : vector<16xf32>
      %mul3A_1195 = arith.mulf %sub3A_1193, %sub3A_1193 : vector<16xf32>
      %add3A_1196 = arith.addf %mul3A_1194, %mul3A_1195 : vector<16xf32>
      %min3A_1197 = arith.minimumf %min3A_1185, %add3A_1196 : vector<16xf32>
      %get3A_1198 = arith.constant 2544 : index
      %get3A_1199 = tpu.vector_load %arg9[%get3A_1198] {strides = array<i32>} : memref<4096xf32, #tpu.memory_space<vmem>>, vector<16xf32>,
      %get3A_1200 = vector.shape_cast %get3A_1199 : vector<16xf32> to vector<16xf32>
      %sub3A_1201 = arith.subf %get3A_12, %get3A_1200 : vector<16xf32>
      %get3A_1202 = arith.constant 3568 : index
      %get3A_1203 = tpu.vector_load %arg9[%get3A_1202] {strides = array<i32>} : memref<4096xf32, #tpu.memory_space<vmem>>, vector<16xf32>,
      %get3A_1204 = vector.shape_cast %get3A_1203 : vector<16xf32> to vector<16xf32>
      %sub3A_1205 = arith.subf %get3A_15, %get3A_1204 : vector<16xf32>
      %mul3A_1206 = arith.mulf %sub3A_1201, %sub3A_1201 : vector<16xf32>
      %mul3A_1207 = arith.mulf %sub3A_1205, %sub3A_1205 : vector<16xf32>
      %add3A_1208 = arith.addf %mul3A_1206, %mul3A_1207 : vector<16xf32>
      %min3A_1209 = arith.minimumf %min3A_1197, %add3A_1208 : vector<16xf32>
      %get3A_1210 = arith.constant 2560 : index
      %get3A_1211 = tpu.vector_load %arg9[%get3A_1210] {strides = array<i32>} : memref<4096xf32, #tpu.memory_space<vmem>>, vector<16xf32>,
      %get3A_1212 = vector.shape_cast %get3A_1211 : vector<16xf32> to vector<16xf32>
      %sub3A_1213 = arith.subf %get3A_12, %get3A_1212 : vector<16xf32>
      %get3A_1214 = arith.constant 3584 : index
      %get3A_1215 = tpu.vector_load %arg9[%get3A_1214] {strides = array<i32>} : memref<4096xf32, #tpu.memory_space<vmem>>, vector<16xf32>,
      %get3A_1216 = vector.shape_cast %get3A_1215 : vector<16xf32> to vector<16xf32>
      %sub3A_1217 = arith.subf %get3A_15, %get3A_1216 : vector<16xf32>
      %mul3A_1218 = arith.mulf %sub3A_1213, %sub3A_1213 : vector<16xf32>
      %mul3A_1219 = arith.mulf %sub3A_1217, %sub3A_1217 : vector<16xf32>
      %add3A_1220 = arith.addf %mul3A_1218, %mul3A_1219 : vector<16xf32>
      %min3A_1221 = arith.minimumf %min3A_1209, %add3A_1220 : vector<16xf32>
      %get3A_1222 = arith.constant 2576 : index
      %get3A_1223 = tpu.vector_load %arg9[%get3A_1222] {strides = array<i32>} : memref<4096xf32, #tpu.memory_space<vmem>>, vector<16xf32>,
      %get3A_1224 = vector.shape_cast %get3A_1223 : vector<16xf32> to vector<16xf32>
      %sub3A_1225 = arith.subf %get3A_12, %get3A_1224 : vector<16xf32>
      %get3A_1226 = arith.constant 3600 : index
      %get3A_1227 = tpu.vector_load %arg9[%get3A_1226] {strides = array<i32>} : memref<4096xf32, #tpu.memory_space<vmem>>, vector<16xf32>,
      %get3A_1228 = vector.shape_cast %get3A_1227 : vector<16xf32> to vector<16xf32>
      %sub3A_1229 = arith.subf %get3A_15, %get3A_1228 : vector<16xf32>
      %mul3A_1230 = arith.mulf %sub3A_1225, %sub3A_1225 : vector<16xf32>
      %mul3A_1231 = arith.mulf %sub3A_1229, %sub3A_1229 : vector<16xf32>
      %add3A_1232 = arith.addf %mul3A_1230, %mul3A_1231 : vector<16xf32>
      %min3A_1233 = arith.minimumf %min3A_1221, %add3A_1232 : vector<16xf32>
      %get3A_1234 = arith.constant 2592 : index
      %get3A_1235 = tpu.vector_load %arg9[%get3A_1234] {strides = array<i32>} : memref<4096xf32, #tpu.memory_space<vmem>>, vector<16xf32>,
      %get3A_1236 = vector.shape_cast %get3A_1235 : vector<16xf32> to vector<16xf32>
      %sub3A_1237 = arith.subf %get3A_12, %get3A_1236 : vector<16xf32>
      %get3A_1238 = arith.constant 3616 : index
      %get3A_1239 = tpu.vector_load %arg9[%get3A_1238] {strides = array<i32>} : memref<4096xf32, #tpu.memory_space<vmem>>, vector<16xf32>,
      %get3A_1240 = vector.shape_cast %get3A_1239 : vector<16xf32> to vector<16xf32>
      %sub3A_1241 = arith.subf %get3A_15, %get3A_1240 : vector<16xf32>
      %mul3A_1242 = arith.mulf %sub3A_1237, %sub3A_1237 : vector<16xf32>
      %mul3A_1243 = arith.mulf %sub3A_1241, %sub3A_1241 : vector<16xf32>
      %add3A_1244 = arith.addf %mul3A_1242, %mul3A_1243 : vector<16xf32>
      %min3A_1245 = arith.minimumf %min3A_1233, %add3A_1244 : vector<16xf32>
      %get3A_1246 = arith.constant 2608 : index
      %get3A_1247 = tpu.vector_load %arg9[%get3A_1246] {strides = array<i32>} : memref<4096xf32, #tpu.memory_space<vmem>>, vector<16xf32>,
      %get3A_1248 = vector.shape_cast %get3A_1247 : vector<16xf32> to vector<16xf32>
      %sub3A_1249 = arith.subf %get3A_12, %get3A_1248 : vector<16xf32>
      %get3A_1250 = arith.constant 3632 : index
      %get3A_1251 = tpu.vector_load %arg9[%get3A_1250] {strides = array<i32>} : memref<4096xf32, #tpu.memory_space<vmem>>, vector<16xf32>,
      %get3A_1252 = vector.shape_cast %get3A_1251 : vector<16xf32> to vector<16xf32>
      %sub3A_1253 = arith.subf %get3A_15, %get3A_1252 : vector<16xf32>
      %mul3A_1254 = arith.mulf %sub3A_1249, %sub3A_1249 : vector<16xf32>
      %mul3A_1255 = arith.mulf %sub3A_1253, %sub3A_1253 : vector<16xf32>
      %add3A_1256 = arith.addf %mul3A_1254, %mul3A_1255 : vector<16xf32>
      %min3A_1257 = arith.minimumf %min3A_1245, %add3A_1256 : vector<16xf32>
      %get3A_1258 = arith.constant 2624 : index
      %get3A_1259 = tpu.vector_load %arg9[%get3A_1258] {strides = array<i32>} : memref<4096xf32, #tpu.memory_space<vmem>>, vector<16xf32>,
      %get3A_1260 = vector.shape_cast %get3A_1259 : vector<16xf32> to vector<16xf32>
      %sub3A_1261 = arith.subf %get3A_12, %get3A_1260 : vector<16xf32>
      %get3A_1262 = arith.constant 3648 : index
      %get3A_1263 = tpu.vector_load %arg9[%get3A_1262] {strides = array<i32>} : memref<4096xf32, #tpu.memory_space<vmem>>, vector<16xf32>,
      %get3A_1264 = vector.shape_cast %get3A_1263 : vector<16xf32> to vector<16xf32>
      %sub3A_1265 = arith.subf %get3A_15, %get3A_1264 : vector<16xf32>
      %mul3A_1266 = arith.mulf %sub3A_1261, %sub3A_1261 : vector<16xf32>
      %mul3A_1267 = arith.mulf %sub3A_1265, %sub3A_1265 : vector<16xf32>
      %add3A_1268 = arith.addf %mul3A_1266, %mul3A_1267 : vector<16xf32>
      %min3A_1269 = arith.minimumf %min3A_1257, %add3A_1268 : vector<16xf32>
      %get3A_1270 = arith.constant 2640 : index
      %get3A_1271 = tpu.vector_load %arg9[%get3A_1270] {strides = array<i32>} : memref<4096xf32, #tpu.memory_space<vmem>>, vector<16xf32>,
      %get3A_1272 = vector.shape_cast %get3A_1271 : vector<16xf32> to vector<16xf32>
      %sub3A_1273 = arith.subf %get3A_12, %get3A_1272 : vector<16xf32>
      %get3A_1274 = arith.constant 3664 : index
      %get3A_1275 = tpu.vector_load %arg9[%get3A_1274] {strides = array<i32>} : memref<4096xf32, #tpu.memory_space<vmem>>, vector<16xf32>,
      %get3A_1276 = vector.shape_cast %get3A_1275 : vector<16xf32> to vector<16xf32>
      %sub3A_1277 = arith.subf %get3A_15, %get3A_1276 : vector<16xf32>
      %mul3A_1278 = arith.mulf %sub3A_1273, %sub3A_1273 : vector<16xf32>
      %mul3A_1279 = arith.mulf %sub3A_1277, %sub3A_1277 : vector<16xf32>
      %add3A_1280 = arith.addf %mul3A_1278, %mul3A_1279 : vector<16xf32>
      %min3A_1281 = arith.minimumf %min3A_1269, %add3A_1280 : vector<16xf32>
      %get3A_1282 = arith.constant 2656 : index
      %get3A_1283 = tpu.vector_load %arg9[%get3A_1282] {strides = array<i32>} : memref<4096xf32, #tpu.memory_space<vmem>>, vector<16xf32>,
      %get3A_1284 = vector.shape_cast %get3A_1283 : vector<16xf32> to vector<16xf32>
      %sub3A_1285 = arith.subf %get3A_12, %get3A_1284 : vector<16xf32>
      %get3A_1286 = arith.constant 3680 : index
      %get3A_1287 = tpu.vector_load %arg9[%get3A_1286] {strides = array<i32>} : memref<4096xf32, #tpu.memory_space<vmem>>, vector<16xf32>,
      %get3A_1288 = vector.shape_cast %get3A_1287 : vector<16xf32> to vector<16xf32>
      %sub3A_1289 = arith.subf %get3A_15, %get3A_1288 : vector<16xf32>
      %mul3A_1290 = arith.mulf %sub3A_1285, %sub3A_1285 : vector<16xf32>
      %mul3A_1291 = arith.mulf %sub3A_1289, %sub3A_1289 : vector<16xf32>
      %add3A_1292 = arith.addf %mul3A_1290, %mul3A_1291 : vector<16xf32>
      %min3A_1293 = arith.minimumf %min3A_1281, %add3A_1292 : vector<16xf32>
      %get3A_1294 = arith.constant 2672 : index
      %get3A_1295 = tpu.vector_load %arg9[%get3A_1294] {strides = array<i32>} : memref<4096xf32, #tpu.memory_space<vmem>>, vector<16xf32>,
      %get3A_1296 = vector.shape_cast %get3A_1295 : vector<16xf32> to vector<16xf32>
      %sub3A_1297 = arith.subf %get3A_12, %get3A_1296 : vector<16xf32>
      %get3A_1298 = arith.constant 3696 : index
      %get3A_1299 = tpu.vector_load %arg9[%get3A_1298] {strides = array<i32>} : memref<4096xf32, #tpu.memory_space<vmem>>, vector<16xf32>,
      %get3A_1300 = vector.shape_cast %get3A_1299 : vector<16xf32> to vector<16xf32>
      %sub3A_1301 = arith.subf %get3A_15, %get3A_1300 : vector<16xf32>
      %mul3A_1302 = arith.mulf %sub3A_1297, %sub3A_1297 : vector<16xf32>
      %mul3A_1303 = arith.mulf %sub3A_1301, %sub3A_1301 : vector<16xf32>
      %add3A_1304 = arith.addf %mul3A_1302, %mul3A_1303 : vector<16xf32>
      %min3A_1305 = arith.minimumf %min3A_1293, %add3A_1304 : vector<16xf32>
      %get3A_1306 = arith.constant 2688 : index
      %get3A_1307 = tpu.vector_load %arg9[%get3A_1306] {strides = array<i32>} : memref<4096xf32, #tpu.memory_space<vmem>>, vector<16xf32>,
      %get3A_1308 = vector.shape_cast %get3A_1307 : vector<16xf32> to vector<16xf32>
      %sub3A_1309 = arith.subf %get3A_12, %get3A_1308 : vector<16xf32>
      %get3A_1310 = arith.constant 3712 : index
      %get3A_1311 = tpu.vector_load %arg9[%get3A_1310] {strides = array<i32>} : memref<4096xf32, #tpu.memory_space<vmem>>, vector<16xf32>,
      %get3A_1312 = vector.shape_cast %get3A_1311 : vector<16xf32> to vector<16xf32>
      %sub3A_1313 = arith.subf %get3A_15, %get3A_1312 : vector<16xf32>
      %mul3A_1314 = arith.mulf %sub3A_1309, %sub3A_1309 : vector<16xf32>
      %mul3A_1315 = arith.mulf %sub3A_1313, %sub3A_1313 : vector<16xf32>
      %add3A_1316 = arith.addf %mul3A_1314, %mul3A_1315 : vector<16xf32>
      %min3A_1317 = arith.minimumf %min3A_1305, %add3A_1316 : vector<16xf32>
      %get3A_1318 = arith.constant 2704 : index
      %get3A_1319 = tpu.vector_load %arg9[%get3A_1318] {strides = array<i32>} : memref<4096xf32, #tpu.memory_space<vmem>>, vector<16xf32>,
      %get3A_1320 = vector.shape_cast %get3A_1319 : vector<16xf32> to vector<16xf32>
      %sub3A_1321 = arith.subf %get3A_12, %get3A_1320 : vector<16xf32>
      %get3A_1322 = arith.constant 3728 : index
      %get3A_1323 = tpu.vector_load %arg9[%get3A_1322] {strides = array<i32>} : memref<4096xf32, #tpu.memory_space<vmem>>, vector<16xf32>,
      %get3A_1324 = vector.shape_cast %get3A_1323 : vector<16xf32> to vector<16xf32>
      %sub3A_1325 = arith.subf %get3A_15, %get3A_1324 : vector<16xf32>
      %mul3A_1326 = arith.mulf %sub3A_1321, %sub3A_1321 : vector<16xf32>
      %mul3A_1327 = arith.mulf %sub3A_1325, %sub3A_1325 : vector<16xf32>
      %add3A_1328 = arith.addf %mul3A_1326, %mul3A_1327 : vector<16xf32>
      %min3A_1329 = arith.minimumf %min3A_1317, %add3A_1328 : vector<16xf32>
      %get3A_1330 = arith.constant 2720 : index
      %get3A_1331 = tpu.vector_load %arg9[%get3A_1330] {strides = array<i32>} : memref<4096xf32, #tpu.memory_space<vmem>>, vector<16xf32>,
      %get3A_1332 = vector.shape_cast %get3A_1331 : vector<16xf32> to vector<16xf32>
      %sub3A_1333 = arith.subf %get3A_12, %get3A_1332 : vector<16xf32>
      %get3A_1334 = arith.constant 3744 : index
      %get3A_1335 = tpu.vector_load %arg9[%get3A_1334] {strides = array<i32>} : memref<4096xf32, #tpu.memory_space<vmem>>, vector<16xf32>,
      %get3A_1336 = vector.shape_cast %get3A_1335 : vector<16xf32> to vector<16xf32>
      %sub3A_1337 = arith.subf %get3A_15, %get3A_1336 : vector<16xf32>
      %mul3A_1338 = arith.mulf %sub3A_1333, %sub3A_1333 : vector<16xf32>
      %mul3A_1339 = arith.mulf %sub3A_1337, %sub3A_1337 : vector<16xf32>
      %add3A_1340 = arith.addf %mul3A_1338, %mul3A_1339 : vector<16xf32>
      %min3A_1341 = arith.minimumf %min3A_1329, %add3A_1340 : vector<16xf32>
      %get3A_1342 = arith.constant 2736 : index
      %get3A_1343 = tpu.vector_load %arg9[%get3A_1342] {strides = array<i32>} : memref<4096xf32, #tpu.memory_space<vmem>>, vector<16xf32>,
      %get3A_1344 = vector.shape_cast %get3A_1343 : vector<16xf32> to vector<16xf32>
      %sub3A_1345 = arith.subf %get3A_12, %get3A_1344 : vector<16xf32>
      %get3A_1346 = arith.constant 3760 : index
      %get3A_1347 = tpu.vector_load %arg9[%get3A_1346] {strides = array<i32>} : memref<4096xf32, #tpu.memory_space<vmem>>, vector<16xf32>,
      %get3A_1348 = vector.shape_cast %get3A_1347 : vector<16xf32> to vector<16xf32>
      %sub3A_1349 = arith.subf %get3A_15, %get3A_1348 : vector<16xf32>
      %mul3A_1350 = arith.mulf %sub3A_1345, %sub3A_1345 : vector<16xf32>
      %mul3A_1351 = arith.mulf %sub3A_1349, %sub3A_1349 : vector<16xf32>
      %add3A_1352 = arith.addf %mul3A_1350, %mul3A_1351 : vector<16xf32>
      %min3A_1353 = arith.minimumf %min3A_1341, %add3A_1352 : vector<16xf32>
      %get3A_1354 = arith.constant 2752 : index
      %get3A_1355 = tpu.vector_load %arg9[%get3A_1354] {strides = array<i32>} : memref<4096xf32, #tpu.memory_space<vmem>>, vector<16xf32>,
      %get3A_1356 = vector.shape_cast %get3A_1355 : vector<16xf32> to vector<16xf32>
      %sub3A_1357 = arith.subf %get3A_12, %get3A_1356 : vector<16xf32>
      %get3A_1358 = arith.constant 3776 : index
      %get3A_1359 = tpu.vector_load %arg9[%get3A_1358] {strides = array<i32>} : memref<4096xf32, #tpu.memory_space<vmem>>, vector<16xf32>,
      %get3A_1360 = vector.shape_cast %get3A_1359 : vector<16xf32> to vector<16xf32>
      %sub3A_1361 = arith.subf %get3A_15, %get3A_1360 : vector<16xf32>
      %mul3A_1362 = arith.mulf %sub3A_1357, %sub3A_1357 : vector<16xf32>
      %mul3A_1363 = arith.mulf %sub3A_1361, %sub3A_1361 : vector<16xf32>
      %add3A_1364 = arith.addf %mul3A_1362, %mul3A_1363 : vector<16xf32>
      %min3A_1365 = arith.minimumf %min3A_1353, %add3A_1364 : vector<16xf32>
      %get3A_1366 = arith.constant 2768 : index
      %get3A_1367 = tpu.vector_load %arg9[%get3A_1366] {strides = array<i32>} : memref<4096xf32, #tpu.memory_space<vmem>>, vector<16xf32>,
      %get3A_1368 = vector.shape_cast %get3A_1367 : vector<16xf32> to vector<16xf32>
      %sub3A_1369 = arith.subf %get3A_12, %get3A_1368 : vector<16xf32>
      %get3A_1370 = arith.constant 3792 : index
      %get3A_1371 = tpu.vector_load %arg9[%get3A_1370] {strides = array<i32>} : memref<4096xf32, #tpu.memory_space<vmem>>, vector<16xf32>,
      %get3A_1372 = vector.shape_cast %get3A_1371 : vector<16xf32> to vector<16xf32>
      %sub3A_1373 = arith.subf %get3A_15, %get3A_1372 : vector<16xf32>
      %mul3A_1374 = arith.mulf %sub3A_1369, %sub3A_1369 : vector<16xf32>
      %mul3A_1375 = arith.mulf %sub3A_1373, %sub3A_1373 : vector<16xf32>
      %add3A_1376 = arith.addf %mul3A_1374, %mul3A_1375 : vector<16xf32>
      %min3A_1377 = arith.minimumf %min3A_1365, %add3A_1376 : vector<16xf32>
      %get3A_1378 = arith.constant 2784 : index
      %get3A_1379 = tpu.vector_load %arg9[%get3A_1378] {strides = array<i32>} : memref<4096xf32, #tpu.memory_space<vmem>>, vector<16xf32>,
      %get3A_1380 = vector.shape_cast %get3A_1379 : vector<16xf32> to vector<16xf32>
      %sub3A_1381 = arith.subf %get3A_12, %get3A_1380 : vector<16xf32>
      %get3A_1382 = arith.constant 3808 : index
      %get3A_1383 = tpu.vector_load %arg9[%get3A_1382] {strides = array<i32>} : memref<4096xf32, #tpu.memory_space<vmem>>, vector<16xf32>,
      %get3A_1384 = vector.shape_cast %get3A_1383 : vector<16xf32> to vector<16xf32>
      %sub3A_1385 = arith.subf %get3A_15, %get3A_1384 : vector<16xf32>
      %mul3A_1386 = arith.mulf %sub3A_1381, %sub3A_1381 : vector<16xf32>
      %mul3A_1387 = arith.mulf %sub3A_1385, %sub3A_1385 : vector<16xf32>
      %add3A_1388 = arith.addf %mul3A_1386, %mul3A_1387 : vector<16xf32>
      %min3A_1389 = arith.minimumf %min3A_1377, %add3A_1388 : vector<16xf32>
      %get3A_1390 = arith.constant 2800 : index
      %get3A_1391 = tpu.vector_load %arg9[%get3A_1390] {strides = array<i32>} : memref<4096xf32, #tpu.memory_space<vmem>>, vector<16xf32>,
      %get3A_1392 = vector.shape_cast %get3A_1391 : vector<16xf32> to vector<16xf32>
      %sub3A_1393 = arith.subf %get3A_12, %get3A_1392 : vector<16xf32>
      %get3A_1394 = arith.constant 3824 : index
      %get3A_1395 = tpu.vector_load %arg9[%get3A_1394] {strides = array<i32>} : memref<4096xf32, #tpu.memory_space<vmem>>, vector<16xf32>,
      %get3A_1396 = vector.shape_cast %get3A_1395 : vector<16xf32> to vector<16xf32>
      %sub3A_1397 = arith.subf %get3A_15, %get3A_1396 : vector<16xf32>
      %mul3A_1398 = arith.mulf %sub3A_1393, %sub3A_1393 : vector<16xf32>
      %mul3A_1399 = arith.mulf %sub3A_1397, %sub3A_1397 : vector<16xf32>
      %add3A_1400 = arith.addf %mul3A_1398, %mul3A_1399 : vector<16xf32>
      %min3A_1401 = arith.minimumf %min3A_1389, %add3A_1400 : vector<16xf32>
      %get3A_1402 = arith.constant 2816 : index
      %get3A_1403 = tpu.vector_load %arg9[%get3A_1402] {strides = array<i32>} : memref<4096xf32, #tpu.memory_space<vmem>>, vector<16xf32>,
      %get3A_1404 = vector.shape_cast %get3A_1403 : vector<16xf32> to vector<16xf32>
      %sub3A_1405 = arith.subf %get3A_12, %get3A_1404 : vector<16xf32>
      %get3A_1406 = arith.constant 3840 : index
      %get3A_1407 = tpu.vector_load %arg9[%get3A_1406] {strides = array<i32>} : memref<4096xf32, #tpu.memory_space<vmem>>, vector<16xf32>,
      %get3A_1408 = vector.shape_cast %get3A_1407 : vector<16xf32> to vector<16xf32>
      %sub3A_1409 = arith.subf %get3A_15, %get3A_1408 : vector<16xf32>
      %mul3A_1410 = arith.mulf %sub3A_1405, %sub3A_1405 : vector<16xf32>
      %mul3A_1411 = arith.mulf %sub3A_1409, %sub3A_1409 : vector<16xf32>
      %add3A_1412 = arith.addf %mul3A_1410, %mul3A_1411 : vector<16xf32>
      %min3A_1413 = arith.minimumf %min3A_1401, %add3A_1412 : vector<16xf32>
      %get3A_1414 = arith.constant 2832 : index
      %get3A_1415 = tpu.vector_load %arg9[%get3A_1414] {strides = array<i32>} : memref<4096xf32, #tpu.memory_space<vmem>>, vector<16xf32>,
      %get3A_1416 = vector.shape_cast %get3A_1415 : vector<16xf32> to vector<16xf32>
      %sub3A_1417 = arith.subf %get3A_12, %get3A_1416 : vector<16xf32>
      %get3A_1418 = arith.constant 3856 : index
      %get3A_1419 = tpu.vector_load %arg9[%get3A_1418] {strides = array<i32>} : memref<4096xf32, #tpu.memory_space<vmem>>, vector<16xf32>,
      %get3A_1420 = vector.shape_cast %get3A_1419 : vector<16xf32> to vector<16xf32>
      %sub3A_1421 = arith.subf %get3A_15, %get3A_1420 : vector<16xf32>
      %mul3A_1422 = arith.mulf %sub3A_1417, %sub3A_1417 : vector<16xf32>
      %mul3A_1423 = arith.mulf %sub3A_1421, %sub3A_1421 : vector<16xf32>
      %add3A_1424 = arith.addf %mul3A_1422, %mul3A_1423 : vector<16xf32>
      %min3A_1425 = arith.minimumf %min3A_1413, %add3A_1424 : vector<16xf32>
      %get3A_1426 = arith.constant 2848 : index
      %get3A_1427 = tpu.vector_load %arg9[%get3A_1426] {strides = array<i32>} : memref<4096xf32, #tpu.memory_space<vmem>>, vector<16xf32>,
      %get3A_1428 = vector.shape_cast %get3A_1427 : vector<16xf32> to vector<16xf32>
      %sub3A_1429 = arith.subf %get3A_12, %get3A_1428 : vector<16xf32>
      %get3A_1430 = arith.constant 3872 : index
      %get3A_1431 = tpu.vector_load %arg9[%get3A_1430] {strides = array<i32>} : memref<4096xf32, #tpu.memory_space<vmem>>, vector<16xf32>,
      %get3A_1432 = vector.shape_cast %get3A_1431 : vector<16xf32> to vector<16xf32>
      %sub3A_1433 = arith.subf %get3A_15, %get3A_1432 : vector<16xf32>
      %mul3A_1434 = arith.mulf %sub3A_1429, %sub3A_1429 : vector<16xf32>
      %mul3A_1435 = arith.mulf %sub3A_1433, %sub3A_1433 : vector<16xf32>
      %add3A_1436 = arith.addf %mul3A_1434, %mul3A_1435 : vector<16xf32>
      %min3A_1437 = arith.minimumf %min3A_1425, %add3A_1436 : vector<16xf32>
      %get3A_1438 = arith.constant 2864 : index
      %get3A_1439 = tpu.vector_load %arg9[%get3A_1438] {strides = array<i32>} : memref<4096xf32, #tpu.memory_space<vmem>>, vector<16xf32>,
      %get3A_1440 = vector.shape_cast %get3A_1439 : vector<16xf32> to vector<16xf32>
      %sub3A_1441 = arith.subf %get3A_12, %get3A_1440 : vector<16xf32>
      %get3A_1442 = arith.constant 3888 : index
      %get3A_1443 = tpu.vector_load %arg9[%get3A_1442] {strides = array<i32>} : memref<4096xf32, #tpu.memory_space<vmem>>, vector<16xf32>,
      %get3A_1444 = vector.shape_cast %get3A_1443 : vector<16xf32> to vector<16xf32>
      %sub3A_1445 = arith.subf %get3A_15, %get3A_1444 : vector<16xf32>
      %mul3A_1446 = arith.mulf %sub3A_1441, %sub3A_1441 : vector<16xf32>
      %mul3A_1447 = arith.mulf %sub3A_1445, %sub3A_1445 : vector<16xf32>
      %add3A_1448 = arith.addf %mul3A_1446, %mul3A_1447 : vector<16xf32>
      %min3A_1449 = arith.minimumf %min3A_1437, %add3A_1448 : vector<16xf32>
      %get3A_1450 = arith.constant 2880 : index
      %get3A_1451 = tpu.vector_load %arg9[%get3A_1450] {strides = array<i32>} : memref<4096xf32, #tpu.memory_space<vmem>>, vector<16xf32>,
      %get3A_1452 = vector.shape_cast %get3A_1451 : vector<16xf32> to vector<16xf32>
      %sub3A_1453 = arith.subf %get3A_12, %get3A_1452 : vector<16xf32>
      %get3A_1454 = arith.constant 3904 : index
      %get3A_1455 = tpu.vector_load %arg9[%get3A_1454] {strides = array<i32>} : memref<4096xf32, #tpu.memory_space<vmem>>, vector<16xf32>,
      %get3A_1456 = vector.shape_cast %get3A_1455 : vector<16xf32> to vector<16xf32>
      %sub3A_1457 = arith.subf %get3A_15, %get3A_1456 : vector<16xf32>
      %mul3A_1458 = arith.mulf %sub3A_1453, %sub3A_1453 : vector<16xf32>
      %mul3A_1459 = arith.mulf %sub3A_1457, %sub3A_1457 : vector<16xf32>
      %add3A_1460 = arith.addf %mul3A_1458, %mul3A_1459 : vector<16xf32>
      %min3A_1461 = arith.minimumf %min3A_1449, %add3A_1460 : vector<16xf32>
      %get3A_1462 = arith.constant 2896 : index
      %get3A_1463 = tpu.vector_load %arg9[%get3A_1462] {strides = array<i32>} : memref<4096xf32, #tpu.memory_space<vmem>>, vector<16xf32>,
      %get3A_1464 = vector.shape_cast %get3A_1463 : vector<16xf32> to vector<16xf32>
      %sub3A_1465 = arith.subf %get3A_12, %get3A_1464 : vector<16xf32>
      %get3A_1466 = arith.constant 3920 : index
      %get3A_1467 = tpu.vector_load %arg9[%get3A_1466] {strides = array<i32>} : memref<4096xf32, #tpu.memory_space<vmem>>, vector<16xf32>,
      %get3A_1468 = vector.shape_cast %get3A_1467 : vector<16xf32> to vector<16xf32>
      %sub3A_1469 = arith.subf %get3A_15, %get3A_1468 : vector<16xf32>
      %mul3A_1470 = arith.mulf %sub3A_1465, %sub3A_1465 : vector<16xf32>
      %mul3A_1471 = arith.mulf %sub3A_1469, %sub3A_1469 : vector<16xf32>
      %add3A_1472 = arith.addf %mul3A_1470, %mul3A_1471 : vector<16xf32>
      %min3A_1473 = arith.minimumf %min3A_1461, %add3A_1472 : vector<16xf32>
      %get3A_1474 = arith.constant 2912 : index
      %get3A_1475 = tpu.vector_load %arg9[%get3A_1474] {strides = array<i32>} : memref<4096xf32, #tpu.memory_space<vmem>>, vector<16xf32>,
      %get3A_1476 = vector.shape_cast %get3A_1475 : vector<16xf32> to vector<16xf32>
      %sub3A_1477 = arith.subf %get3A_12, %get3A_1476 : vector<16xf32>
      %get3A_1478 = arith.constant 3936 : index
      %get3A_1479 = tpu.vector_load %arg9[%get3A_1478] {strides = array<i32>} : memref<4096xf32, #tpu.memory_space<vmem>>, vector<16xf32>,
      %get3A_1480 = vector.shape_cast %get3A_1479 : vector<16xf32> to vector<16xf32>
      %sub3A_1481 = arith.subf %get3A_15, %get3A_1480 : vector<16xf32>
      %mul3A_1482 = arith.mulf %sub3A_1477, %sub3A_1477 : vector<16xf32>
      %mul3A_1483 = arith.mulf %sub3A_1481, %sub3A_1481 : vector<16xf32>
      %add3A_1484 = arith.addf %mul3A_1482, %mul3A_1483 : vector<16xf32>
      %min3A_1485 = arith.minimumf %min3A_1473, %add3A_1484 : vector<16xf32>
      %get3A_1486 = arith.constant 2928 : index
      %get3A_1487 = tpu.vector_load %arg9[%get3A_1486] {strides = array<i32>} : memref<4096xf32, #tpu.memory_space<vmem>>, vector<16xf32>,
      %get3A_1488 = vector.shape_cast %get3A_1487 : vector<16xf32> to vector<16xf32>
      %sub3A_1489 = arith.subf %get3A_12, %get3A_1488 : vector<16xf32>
      %get3A_1490 = arith.constant 3952 : index
      %get3A_1491 = tpu.vector_load %arg9[%get3A_1490] {strides = array<i32>} : memref<4096xf32, #tpu.memory_space<vmem>>, vector<16xf32>,
      %get3A_1492 = vector.shape_cast %get3A_1491 : vector<16xf32> to vector<16xf32>
      %sub3A_1493 = arith.subf %get3A_15, %get3A_1492 : vector<16xf32>
      %mul3A_1494 = arith.mulf %sub3A_1489, %sub3A_1489 : vector<16xf32>
      %mul3A_1495 = arith.mulf %sub3A_1493, %sub3A_1493 : vector<16xf32>
      %add3A_1496 = arith.addf %mul3A_1494, %mul3A_1495 : vector<16xf32>
      %min3A_1497 = arith.minimumf %min3A_1485, %add3A_1496 : vector<16xf32>
      %get3A_1498 = arith.constant 2944 : index
      %get3A_1499 = tpu.vector_load %arg9[%get3A_1498] {strides = array<i32>} : memref<4096xf32, #tpu.memory_space<vmem>>, vector<16xf32>,
      %get3A_1500 = vector.shape_cast %get3A_1499 : vector<16xf32> to vector<16xf32>
      %sub3A_1501 = arith.subf %get3A_12, %get3A_1500 : vector<16xf32>
      %get3A_1502 = arith.constant 3968 : index
      %get3A_1503 = tpu.vector_load %arg9[%get3A_1502] {strides = array<i32>} : memref<4096xf32, #tpu.memory_space<vmem>>, vector<16xf32>,
      %get3A_1504 = vector.shape_cast %get3A_1503 : vector<16xf32> to vector<16xf32>
      %sub3A_1505 = arith.subf %get3A_15, %get3A_1504 : vector<16xf32>
      %mul3A_1506 = arith.mulf %sub3A_1501, %sub3A_1501 : vector<16xf32>
      %mul3A_1507 = arith.mulf %sub3A_1505, %sub3A_1505 : vector<16xf32>
      %add3A_1508 = arith.addf %mul3A_1506, %mul3A_1507 : vector<16xf32>
      %min3A_1509 = arith.minimumf %min3A_1497, %add3A_1508 : vector<16xf32>
      %get3A_1510 = arith.constant 2960 : index
      %get3A_1511 = tpu.vector_load %arg9[%get3A_1510] {strides = array<i32>} : memref<4096xf32, #tpu.memory_space<vmem>>, vector<16xf32>,
      %get3A_1512 = vector.shape_cast %get3A_1511 : vector<16xf32> to vector<16xf32>
      %sub3A_1513 = arith.subf %get3A_12, %get3A_1512 : vector<16xf32>
      %get3A_1514 = arith.constant 3984 : index
      %get3A_1515 = tpu.vector_load %arg9[%get3A_1514] {strides = array<i32>} : memref<4096xf32, #tpu.memory_space<vmem>>, vector<16xf32>,
      %get3A_1516 = vector.shape_cast %get3A_1515 : vector<16xf32> to vector<16xf32>
      %sub3A_1517 = arith.subf %get3A_15, %get3A_1516 : vector<16xf32>
      %mul3A_1518 = arith.mulf %sub3A_1513, %sub3A_1513 : vector<16xf32>
      %mul3A_1519 = arith.mulf %sub3A_1517, %sub3A_1517 : vector<16xf32>
      %add3A_1520 = arith.addf %mul3A_1518, %mul3A_1519 : vector<16xf32>
      %min3A_1521 = arith.minimumf %min3A_1509, %add3A_1520 : vector<16xf32>
      %get3A_1522 = arith.constant 2976 : index
      %get3A_1523 = tpu.vector_load %arg9[%get3A_1522] {strides = array<i32>} : memref<4096xf32, #tpu.memory_space<vmem>>, vector<16xf32>,
      %get3A_1524 = vector.shape_cast %get3A_1523 : vector<16xf32> to vector<16xf32>
      %sub3A_1525 = arith.subf %get3A_12, %get3A_1524 : vector<16xf32>
      %get3A_1526 = arith.constant 4000 : index
      %get3A_1527 = tpu.vector_load %arg9[%get3A_1526] {strides = array<i32>} : memref<4096xf32, #tpu.memory_space<vmem>>, vector<16xf32>,
      %get3A_1528 = vector.shape_cast %get3A_1527 : vector<16xf32> to vector<16xf32>
      %sub3A_1529 = arith.subf %get3A_15, %get3A_1528 : vector<16xf32>
      %mul3A_1530 = arith.mulf %sub3A_1525, %sub3A_1525 : vector<16xf32>
      %mul3A_1531 = arith.mulf %sub3A_1529, %sub3A_1529 : vector<16xf32>
      %add3A_1532 = arith.addf %mul3A_1530, %mul3A_1531 : vector<16xf32>
      %min3A_1533 = arith.minimumf %min3A_1521, %add3A_1532 : vector<16xf32>
      %get3A_1534 = arith.constant 2992 : index
      %get3A_1535 = tpu.vector_load %arg9[%get3A_1534] {strides = array<i32>} : memref<4096xf32, #tpu.memory_space<vmem>>, vector<16xf32>,
      %get3A_1536 = vector.shape_cast %get3A_1535 : vector<16xf32> to vector<16xf32>
      %sub3A_1537 = arith.subf %get3A_12, %get3A_1536 : vector<16xf32>
      %get3A_1538 = arith.constant 4016 : index
      %get3A_1539 = tpu.vector_load %arg9[%get3A_1538] {strides = array<i32>} : memref<4096xf32, #tpu.memory_space<vmem>>, vector<16xf32>,
      %get3A_1540 = vector.shape_cast %get3A_1539 : vector<16xf32> to vector<16xf32>
      %sub3A_1541 = arith.subf %get3A_15, %get3A_1540 : vector<16xf32>
      %mul3A_1542 = arith.mulf %sub3A_1537, %sub3A_1537 : vector<16xf32>
      %mul3A_1543 = arith.mulf %sub3A_1541, %sub3A_1541 : vector<16xf32>
      %add3A_1544 = arith.addf %mul3A_1542, %mul3A_1543 : vector<16xf32>
      %min3A_1545 = arith.minimumf %min3A_1533, %add3A_1544 : vector<16xf32>
      %get3A_1546 = arith.constant 3008 : index
      %get3A_1547 = tpu.vector_load %arg9[%get3A_1546] {strides = array<i32>} : memref<4096xf32, #tpu.memory_space<vmem>>, vector<16xf32>,
      %get3A_1548 = vector.shape_cast %get3A_1547 : vector<16xf32> to vector<16xf32>
      %sub3A_1549 = arith.subf %get3A_12, %get3A_1548 : vector<16xf32>
      %get3A_1550 = arith.constant 4032 : index
      %get3A_1551 = tpu.vector_load %arg9[%get3A_1550] {strides = array<i32>} : memref<4096xf32, #tpu.memory_space<vmem>>, vector<16xf32>,
      %get3A_1552 = vector.shape_cast %get3A_1551 : vector<16xf32> to vector<16xf32>
      %sub3A_1553 = arith.subf %get3A_15, %get3A_1552 : vector<16xf32>
      %mul3A_1554 = arith.mulf %sub3A_1549, %sub3A_1549 : vector<16xf32>
      %mul3A_1555 = arith.mulf %sub3A_1553, %sub3A_1553 : vector<16xf32>
      %add3A_1556 = arith.addf %mul3A_1554, %mul3A_1555 : vector<16xf32>
      %min3A_1557 = arith.minimumf %min3A_1545, %add3A_1556 : vector<16xf32>
      %get3A_1558 = arith.constant 3024 : index
      %get3A_1559 = tpu.vector_load %arg9[%get3A_1558] {strides = array<i32>} : memref<4096xf32, #tpu.memory_space<vmem>>, vector<16xf32>,
      %get3A_1560 = vector.shape_cast %get3A_1559 : vector<16xf32> to vector<16xf32>
      %sub3A_1561 = arith.subf %get3A_12, %get3A_1560 : vector<16xf32>
      %get3A_1562 = arith.constant 4048 : index
      %get3A_1563 = tpu.vector_load %arg9[%get3A_1562] {strides = array<i32>} : memref<4096xf32, #tpu.memory_space<vmem>>, vector<16xf32>,
      %get3A_1564 = vector.shape_cast %get3A_1563 : vector<16xf32> to vector<16xf32>
      %sub3A_1565 = arith.subf %get3A_15, %get3A_1564 : vector<16xf32>
      %mul3A_1566 = arith.mulf %sub3A_1561, %sub3A_1561 : vector<16xf32>
      %mul3A_1567 = arith.mulf %sub3A_1565, %sub3A_1565 : vector<16xf32>
      %add3A_1568 = arith.addf %mul3A_1566, %mul3A_1567 : vector<16xf32>
      %min3A_1569 = arith.minimumf %min3A_1557, %add3A_1568 : vector<16xf32>
      %get3A_1570 = arith.constant 3040 : index
      %get3A_1571 = tpu.vector_load %arg9[%get3A_1570] {strides = array<i32>} : memref<4096xf32, #tpu.memory_space<vmem>>, vector<16xf32>,
      %get3A_1572 = vector.shape_cast %get3A_1571 : vector<16xf32> to vector<16xf32>
      %sub3A_1573 = arith.subf %get3A_12, %get3A_1572 : vector<16xf32>
      %get3A_1574 = arith.constant 4064 : index
      %get3A_1575 = tpu.vector_load %arg9[%get3A_1574] {strides = array<i32>} : memref<4096xf32, #tpu.memory_space<vmem>>, vector<16xf32>,
      %get3A_1576 = vector.shape_cast %get3A_1575 : vector<16xf32> to vector<16xf32>
      %sub3A_1577 = arith.subf %get3A_15, %get3A_1576 : vector<16xf32>
      %mul3A_1578 = arith.mulf %sub3A_1573, %sub3A_1573 : vector<16xf32>
      %mul3A_1579 = arith.mulf %sub3A_1577, %sub3A_1577 : vector<16xf32>
      %add3A_1580 = arith.addf %mul3A_1578, %mul3A_1579 : vector<16xf32>
      %min3A_1581 = arith.minimumf %min3A_1569, %add3A_1580 : vector<16xf32>
      %get3A_1582 = arith.constant 3056 : index
      %get3A_1583 = tpu.vector_load %arg9[%get3A_1582] {strides = array<i32>} : memref<4096xf32, #tpu.memory_space<vmem>>, vector<16xf32>,
      %get3A_1584 = vector.shape_cast %get3A_1583 : vector<16xf32> to vector<16xf32>
      %sub3A_1585 = arith.subf %get3A_12, %get3A_1584 : vector<16xf32>
      %get3A_1586 = arith.constant 4080 : index
      %get3A_1587 = tpu.vector_load %arg9[%get3A_1586] {strides = array<i32>} : memref<4096xf32, #tpu.memory_space<vmem>>, vector<16xf32>,
      %get3A_1588 = vector.shape_cast %get3A_1587 : vector<16xf32> to vector<16xf32>
      %sub3A_1589 = arith.subf %get3A_15, %get3A_1588 : vector<16xf32>
      %mul3A_1590 = arith.mulf %sub3A_1585, %sub3A_1585 : vector<16xf32>
      %mul3A_1591 = arith.mulf %sub3A_1589, %sub3A_1589 : vector<16xf32>
      %add3A_1592 = arith.addf %mul3A_1590, %mul3A_1591 : vector<16xf32>
      %min3A_1593 = arith.minimumf %min3A_1581, %add3A_1592 : vector<16xf32>
      %max3A_1594 = arith.constant 1.000000e-30 : f32
      %max3A_1595 = vector.broadcast %max3A_1594 : f32 to vector<16xf32>
      %max3A_1596 = arith.maximumf %min3A_1593, %max3A_1595 : vector<16xf32>
      %bitcast_convert_type3A_1597 = tpu.bitcast %max3A_1596 : vector<16xf32> -> vector<16xi32>
      %shift_right_arithmetic3A_1598 = arith.constant 1 : i32
      %shift_right_arithmetic3A_1599 = vector.broadcast %shift_right_arithmetic3A_1598 : i32 to vector<16xi32>
      %shift_right_arithmetic3A_1600 = arith.shrsi %bitcast_convert_type3A_1597, %shift_right_arithmetic3A_1599 : vector<16xi32>
      %sub3A_1601 = arith.constant 1597463007 : i32
      %sub3A_1602 = vector.broadcast %sub3A_1601 : i32 to vector<16xi32>
      %sub3A_1603 = arith.subi %sub3A_1602, %shift_right_arithmetic3A_1600 : vector<16xi32>
      %bitcast_convert_type3A_1604 = tpu.bitcast %sub3A_1603 : vector<16xi32> -> vector<16xf32>
      %mul3A_1605 = arith.constant 5.000000e-01 : f32
      %mul3A_1606 = vector.broadcast %mul3A_1605 : f32 to vector<16xf32>
      %mul3A_1607 = arith.mulf %mul3A_1606, %max3A_1596 : vector<16xf32>
      %mul3A_1608 = arith.mulf %mul3A_1607, %bitcast_convert_type3A_1604 : vector<16xf32>
      %mul3A_1609 = arith.mulf %mul3A_1608, %bitcast_convert_type3A_1604 : vector<16xf32>
      %sub3A_1610 = arith.constant 1.500000e+00 : f32
      %sub3A_1611 = vector.broadcast %sub3A_1610 : f32 to vector<16xf32>
      %sub3A_1612 = arith.subf %sub3A_1611, %mul3A_1609 : vector<16xf32>
      %mul3A_1613 = arith.mulf %bitcast_convert_type3A_1604, %sub3A_1612 : vector<16xf32>
      %mul3A_1614 = arith.constant 5.000000e-01 : f32
      %mul3A_1615 = vector.broadcast %mul3A_1614 : f32 to vector<16xf32>
      %mul3A_1616 = arith.mulf %mul3A_1615, %max3A_1596 : vector<16xf32>
      %mul3A_1617 = arith.mulf %mul3A_1616, %mul3A_1613 : vector<16xf32>
      %mul3A_1618 = arith.mulf %mul3A_1617, %mul3A_1613 : vector<16xf32>
      %sub3A_1619 = arith.constant 1.500000e+00 : f32
      %sub3A_1620 = vector.broadcast %sub3A_1619 : f32 to vector<16xf32>
      %sub3A_1621 = arith.subf %sub3A_1620, %mul3A_1618 : vector<16xf32>
      %mul3A_1622 = arith.mulf %mul3A_1613, %sub3A_1621 : vector<16xf32>
      %mul3A_1623 = arith.constant 5.000000e-01 : f32
      %mul3A_1624 = vector.broadcast %mul3A_1623 : f32 to vector<16xf32>
      %mul3A_1625 = arith.mulf %mul3A_1624, %max3A_1596 : vector<16xf32>
      %mul3A_1626 = arith.mulf %mul3A_1625, %mul3A_1622 : vector<16xf32>
      %mul3A_1627 = arith.mulf %mul3A_1626, %mul3A_1622 : vector<16xf32>
      %sub3A_1628 = arith.constant 1.500000e+00 : f32
      %sub3A_1629 = vector.broadcast %sub3A_1628 : f32 to vector<16xf32>
      %sub3A_1630 = arith.subf %sub3A_1629, %mul3A_1627 : vector<16xf32>
      %mul3A_1631 = arith.mulf %mul3A_1622, %sub3A_1630 : vector<16xf32>
      %mul3A_1632 = arith.mulf %max3A_1596, %mul3A_1631 : vector<16xf32>
      %neg3A_1633 = arith.constant 0.000000e+00 : f32
      %neg3A_1634 = vector.broadcast %neg3A_1633 : f32 to vector<16xf32>
      %neg3A_1635 = arith.subf %neg3A_1634, %mul3A_1632 : vector<16xf32>
      %div3A_1636 = arith.constant 2.000000e-01 : f32
      %div3A_1637 = vector.broadcast %div3A_1636 : f32 to vector<16xf32>
      %div3A_1638 = arith.divf %neg3A_1635, %div3A_1637 : vector<16xf32>
      %exp3A_1639 = math.exp %div3A_1638 : vector<16xf32>
      %mul3A_1640 = arith.constant 1.000000e+01 : f32
      %mul3A_1641 = vector.broadcast %mul3A_1640 : f32 to vector<16xf32>
      %mul3A_1642 = arith.mulf %mul3A_1641, %exp3A_1639 : vector<16xf32>
      %swap3A_1643 = arith.index_cast %mul3A_10 : i32 to index
      %swap3A_1644 = tpu.vector_load %arg11[%swap3A_1643] {strides = array<i32>} : memref<512xf32, #tpu.memory_space<vmem>>, vector<16xf32>,
      %swap3A_1645 = vector.shape_cast %swap3A_1644 : vector<16xf32> to vector<16xf32>
      %swap3A_1646 = vector.shape_cast %mul3A_1642 : vector<16xf32> to vector<16xf32>
      tpu.vector_store %arg11[%swap3A_1643], %swap3A_1646 {strides = array<i32>} : memref<512xf32, #tpu.memory_space<vmem>>, vector<16xf32>,
      %scan3A_1647 = arith.constant 1 : i32
      %scan3A_1648 = arith.addi %scan3A_8, %scan3A_1647 : i32
      %mul3A_1649 = arith.constant 16 : i32
      %mul3A_1650 = arith.muli %scan3A_1648, %mul3A_1649 : i32
      %get3A_1651 = arith.index_cast %mul3A_1650 : i32 to index
      %get3A_1652 = tpu.vector_load %arg7[%get3A_1651] {strides = array<i32>} : memref<512xf32, #tpu.memory_space<vmem>>, vector<16xf32>,
      %get3A_1653 = vector.shape_cast %get3A_1652 : vector<16xf32> to vector<16xf32>
      %get3A_1654 = arith.index_cast %mul3A_1650 : i32 to index
      %get3A_1655 = tpu.vector_load %arg8[%get3A_1654] {strides = array<i32>} : memref<512xf32, #tpu.memory_space<vmem>>, vector<16xf32>,
      %get3A_1656 = vector.shape_cast %get3A_1655 : vector<16xf32> to vector<16xf32>
      %get3A_1657 = arith.constant 0 : index
      %get3A_1658 = tpu.vector_load %arg9[%get3A_1657] {strides = array<i32>} : memref<4096xf32, #tpu.memory_space<vmem>>, vector<16xf32>,
      %get3A_1659 = vector.shape_cast %get3A_1658 : vector<16xf32> to vector<16xf32>
      %sub3A_1660 = arith.subf %get3A_1653, %get3A_1659 : vector<16xf32>
      %get3A_1661 = arith.constant 1024 : index
      %get3A_1662 = tpu.vector_load %arg9[%get3A_1661] {strides = array<i32>} : memref<4096xf32, #tpu.memory_space<vmem>>, vector<16xf32>,
      %get3A_1663 = vector.shape_cast %get3A_1662 : vector<16xf32> to vector<16xf32>
      %sub3A_1664 = arith.subf %get3A_1656, %get3A_1663 : vector<16xf32>
      %mul3A_1665 = arith.mulf %sub3A_1660, %sub3A_1660 : vector<16xf32>
      %mul3A_1666 = arith.mulf %sub3A_1664, %sub3A_1664 : vector<16xf32>
      %add3A_1667 = arith.addf %mul3A_1665, %mul3A_1666 : vector<16xf32>
      %get3A_1668 = arith.constant 16 : index
      %get3A_1669 = tpu.vector_load %arg9[%get3A_1668] {strides = array<i32>} : memref<4096xf32, #tpu.memory_space<vmem>>, vector<16xf32>,
      %get3A_1670 = vector.shape_cast %get3A_1669 : vector<16xf32> to vector<16xf32>
      %sub3A_1671 = arith.subf %get3A_1653, %get3A_1670 : vector<16xf32>
      %get3A_1672 = arith.constant 1040 : index
      %get3A_1673 = tpu.vector_load %arg9[%get3A_1672] {strides = array<i32>} : memref<4096xf32, #tpu.memory_space<vmem>>, vector<16xf32>,
      %get3A_1674 = vector.shape_cast %get3A_1673 : vector<16xf32> to vector<16xf32>
      %sub3A_1675 = arith.subf %get3A_1656, %get3A_1674 : vector<16xf32>
      %mul3A_1676 = arith.mulf %sub3A_1671, %sub3A_1671 : vector<16xf32>
      %mul3A_1677 = arith.mulf %sub3A_1675, %sub3A_1675 : vector<16xf32>
      %add3A_1678 = arith.addf %mul3A_1676, %mul3A_1677 : vector<16xf32>
      %min3A_1679 = arith.minimumf %add3A_1667, %add3A_1678 : vector<16xf32>
      %get3A_1680 = arith.constant 32 : index
      %get3A_1681 = tpu.vector_load %arg9[%get3A_1680] {strides = array<i32>} : memref<4096xf32, #tpu.memory_space<vmem>>, vector<16xf32>,
      %get3A_1682 = vector.shape_cast %get3A_1681 : vector<16xf32> to vector<16xf32>
      %sub3A_1683 = arith.subf %get3A_1653, %get3A_1682 : vector<16xf32>
      %get3A_1684 = arith.constant 1056 : index
      %get3A_1685 = tpu.vector_load %arg9[%get3A_1684] {strides = array<i32>} : memref<4096xf32, #tpu.memory_space<vmem>>, vector<16xf32>,
      %get3A_1686 = vector.shape_cast %get3A_1685 : vector<16xf32> to vector<16xf32>
      %sub3A_1687 = arith.subf %get3A_1656, %get3A_1686 : vector<16xf32>
      %mul3A_1688 = arith.mulf %sub3A_1683, %sub3A_1683 : vector<16xf32>
      %mul3A_1689 = arith.mulf %sub3A_1687, %sub3A_1687 : vector<16xf32>
      %add3A_1690 = arith.addf %mul3A_1688, %mul3A_1689 : vector<16xf32>
      %min3A_1691 = arith.minimumf %min3A_1679, %add3A_1690 : vector<16xf32>
      %get3A_1692 = arith.constant 48 : index
      %get3A_1693 = tpu.vector_load %arg9[%get3A_1692] {strides = array<i32>} : memref<4096xf32, #tpu.memory_space<vmem>>, vector<16xf32>,
      %get3A_1694 = vector.shape_cast %get3A_1693 : vector<16xf32> to vector<16xf32>
      %sub3A_1695 = arith.subf %get3A_1653, %get3A_1694 : vector<16xf32>
      %get3A_1696 = arith.constant 1072 : index
      %get3A_1697 = tpu.vector_load %arg9[%get3A_1696] {strides = array<i32>} : memref<4096xf32, #tpu.memory_space<vmem>>, vector<16xf32>,
      %get3A_1698 = vector.shape_cast %get3A_1697 : vector<16xf32> to vector<16xf32>
      %sub3A_1699 = arith.subf %get3A_1656, %get3A_1698 : vector<16xf32>
      %mul3A_1700 = arith.mulf %sub3A_1695, %sub3A_1695 : vector<16xf32>
      %mul3A_1701 = arith.mulf %sub3A_1699, %sub3A_1699 : vector<16xf32>
      %add3A_1702 = arith.addf %mul3A_1700, %mul3A_1701 : vector<16xf32>
      %min3A_1703 = arith.minimumf %min3A_1691, %add3A_1702 : vector<16xf32>
      %get3A_1704 = arith.constant 64 : index
      %get3A_1705 = tpu.vector_load %arg9[%get3A_1704] {strides = array<i32>} : memref<4096xf32, #tpu.memory_space<vmem>>, vector<16xf32>,
      %get3A_1706 = vector.shape_cast %get3A_1705 : vector<16xf32> to vector<16xf32>
      %sub3A_1707 = arith.subf %get3A_1653, %get3A_1706 : vector<16xf32>
      %get3A_1708 = arith.constant 1088 : index
      %get3A_1709 = tpu.vector_load %arg9[%get3A_1708] {strides = array<i32>} : memref<4096xf32, #tpu.memory_space<vmem>>, vector<16xf32>,
      %get3A_1710 = vector.shape_cast %get3A_1709 : vector<16xf32> to vector<16xf32>
      %sub3A_1711 = arith.subf %get3A_1656, %get3A_1710 : vector<16xf32>
      %mul3A_1712 = arith.mulf %sub3A_1707, %sub3A_1707 : vector<16xf32>
      %mul3A_1713 = arith.mulf %sub3A_1711, %sub3A_1711 : vector<16xf32>
      %add3A_1714 = arith.addf %mul3A_1712, %mul3A_1713 : vector<16xf32>
      %min3A_1715 = arith.minimumf %min3A_1703, %add3A_1714 : vector<16xf32>
      %get3A_1716 = arith.constant 80 : index
      %get3A_1717 = tpu.vector_load %arg9[%get3A_1716] {strides = array<i32>} : memref<4096xf32, #tpu.memory_space<vmem>>, vector<16xf32>,
      %get3A_1718 = vector.shape_cast %get3A_1717 : vector<16xf32> to vector<16xf32>
      %sub3A_1719 = arith.subf %get3A_1653, %get3A_1718 : vector<16xf32>
      %get3A_1720 = arith.constant 1104 : index
      %get3A_1721 = tpu.vector_load %arg9[%get3A_1720] {strides = array<i32>} : memref<4096xf32, #tpu.memory_space<vmem>>, vector<16xf32>,
      %get3A_1722 = vector.shape_cast %get3A_1721 : vector<16xf32> to vector<16xf32>
      %sub3A_1723 = arith.subf %get3A_1656, %get3A_1722 : vector<16xf32>
      %mul3A_1724 = arith.mulf %sub3A_1719, %sub3A_1719 : vector<16xf32>
      %mul3A_1725 = arith.mulf %sub3A_1723, %sub3A_1723 : vector<16xf32>
      %add3A_1726 = arith.addf %mul3A_1724, %mul3A_1725 : vector<16xf32>
      %min3A_1727 = arith.minimumf %min3A_1715, %add3A_1726 : vector<16xf32>
      %get3A_1728 = arith.constant 96 : index
      %get3A_1729 = tpu.vector_load %arg9[%get3A_1728] {strides = array<i32>} : memref<4096xf32, #tpu.memory_space<vmem>>, vector<16xf32>,
      %get3A_1730 = vector.shape_cast %get3A_1729 : vector<16xf32> to vector<16xf32>
      %sub3A_1731 = arith.subf %get3A_1653, %get3A_1730 : vector<16xf32>
      %get3A_1732 = arith.constant 1120 : index
      %get3A_1733 = tpu.vector_load %arg9[%get3A_1732] {strides = array<i32>} : memref<4096xf32, #tpu.memory_space<vmem>>, vector<16xf32>,
      %get3A_1734 = vector.shape_cast %get3A_1733 : vector<16xf32> to vector<16xf32>
      %sub3A_1735 = arith.subf %get3A_1656, %get3A_1734 : vector<16xf32>
      %mul3A_1736 = arith.mulf %sub3A_1731, %sub3A_1731 : vector<16xf32>
      %mul3A_1737 = arith.mulf %sub3A_1735, %sub3A_1735 : vector<16xf32>
      %add3A_1738 = arith.addf %mul3A_1736, %mul3A_1737 : vector<16xf32>
      %min3A_1739 = arith.minimumf %min3A_1727, %add3A_1738 : vector<16xf32>
      %get3A_1740 = arith.constant 112 : index
      %get3A_1741 = tpu.vector_load %arg9[%get3A_1740] {strides = array<i32>} : memref<4096xf32, #tpu.memory_space<vmem>>, vector<16xf32>,
      %get3A_1742 = vector.shape_cast %get3A_1741 : vector<16xf32> to vector<16xf32>
      %sub3A_1743 = arith.subf %get3A_1653, %get3A_1742 : vector<16xf32>
      %get3A_1744 = arith.constant 1136 : index
      %get3A_1745 = tpu.vector_load %arg9[%get3A_1744] {strides = array<i32>} : memref<4096xf32, #tpu.memory_space<vmem>>, vector<16xf32>,
      %get3A_1746 = vector.shape_cast %get3A_1745 : vector<16xf32> to vector<16xf32>
      %sub3A_1747 = arith.subf %get3A_1656, %get3A_1746 : vector<16xf32>
      %mul3A_1748 = arith.mulf %sub3A_1743, %sub3A_1743 : vector<16xf32>
      %mul3A_1749 = arith.mulf %sub3A_1747, %sub3A_1747 : vector<16xf32>
      %add3A_1750 = arith.addf %mul3A_1748, %mul3A_1749 : vector<16xf32>
      %min3A_1751 = arith.minimumf %min3A_1739, %add3A_1750 : vector<16xf32>
      %get3A_1752 = arith.constant 128 : index
      %get3A_1753 = tpu.vector_load %arg9[%get3A_1752] {strides = array<i32>} : memref<4096xf32, #tpu.memory_space<vmem>>, vector<16xf32>,
      %get3A_1754 = vector.shape_cast %get3A_1753 : vector<16xf32> to vector<16xf32>
      %sub3A_1755 = arith.subf %get3A_1653, %get3A_1754 : vector<16xf32>
      %get3A_1756 = arith.constant 1152 : index
      %get3A_1757 = tpu.vector_load %arg9[%get3A_1756] {strides = array<i32>} : memref<4096xf32, #tpu.memory_space<vmem>>, vector<16xf32>,
      %get3A_1758 = vector.shape_cast %get3A_1757 : vector<16xf32> to vector<16xf32>
      %sub3A_1759 = arith.subf %get3A_1656, %get3A_1758 : vector<16xf32>
      %mul3A_1760 = arith.mulf %sub3A_1755, %sub3A_1755 : vector<16xf32>
      %mul3A_1761 = arith.mulf %sub3A_1759, %sub3A_1759 : vector<16xf32>
      %add3A_1762 = arith.addf %mul3A_1760, %mul3A_1761 : vector<16xf32>
      %min3A_1763 = arith.minimumf %min3A_1751, %add3A_1762 : vector<16xf32>
      %get3A_1764 = arith.constant 144 : index
      %get3A_1765 = tpu.vector_load %arg9[%get3A_1764] {strides = array<i32>} : memref<4096xf32, #tpu.memory_space<vmem>>, vector<16xf32>,
      %get3A_1766 = vector.shape_cast %get3A_1765 : vector<16xf32> to vector<16xf32>
      %sub3A_1767 = arith.subf %get3A_1653, %get3A_1766 : vector<16xf32>
      %get3A_1768 = arith.constant 1168 : index
      %get3A_1769 = tpu.vector_load %arg9[%get3A_1768] {strides = array<i32>} : memref<4096xf32, #tpu.memory_space<vmem>>, vector<16xf32>,
      %get3A_1770 = vector.shape_cast %get3A_1769 : vector<16xf32> to vector<16xf32>
      %sub3A_1771 = arith.subf %get3A_1656, %get3A_1770 : vector<16xf32>
      %mul3A_1772 = arith.mulf %sub3A_1767, %sub3A_1767 : vector<16xf32>
      %mul3A_1773 = arith.mulf %sub3A_1771, %sub3A_1771 : vector<16xf32>
      %add3A_1774 = arith.addf %mul3A_1772, %mul3A_1773 : vector<16xf32>
      %min3A_1775 = arith.minimumf %min3A_1763, %add3A_1774 : vector<16xf32>
      %get3A_1776 = arith.constant 160 : index
      %get3A_1777 = tpu.vector_load %arg9[%get3A_1776] {strides = array<i32>} : memref<4096xf32, #tpu.memory_space<vmem>>, vector<16xf32>,
      %get3A_1778 = vector.shape_cast %get3A_1777 : vector<16xf32> to vector<16xf32>
      %sub3A_1779 = arith.subf %get3A_1653, %get3A_1778 : vector<16xf32>
      %get3A_1780 = arith.constant 1184 : index
      %get3A_1781 = tpu.vector_load %arg9[%get3A_1780] {strides = array<i32>} : memref<4096xf32, #tpu.memory_space<vmem>>, vector<16xf32>,
      %get3A_1782 = vector.shape_cast %get3A_1781 : vector<16xf32> to vector<16xf32>
      %sub3A_1783 = arith.subf %get3A_1656, %get3A_1782 : vector<16xf32>
      %mul3A_1784 = arith.mulf %sub3A_1779, %sub3A_1779 : vector<16xf32>
      %mul3A_1785 = arith.mulf %sub3A_1783, %sub3A_1783 : vector<16xf32>
      %add3A_1786 = arith.addf %mul3A_1784, %mul3A_1785 : vector<16xf32>
      %min3A_1787 = arith.minimumf %min3A_1775, %add3A_1786 : vector<16xf32>
      %get3A_1788 = arith.constant 176 : index
      %get3A_1789 = tpu.vector_load %arg9[%get3A_1788] {strides = array<i32>} : memref<4096xf32, #tpu.memory_space<vmem>>, vector<16xf32>,
      %get3A_1790 = vector.shape_cast %get3A_1789 : vector<16xf32> to vector<16xf32>
      %sub3A_1791 = arith.subf %get3A_1653, %get3A_1790 : vector<16xf32>
      %get3A_1792 = arith.constant 1200 : index
      %get3A_1793 = tpu.vector_load %arg9[%get3A_1792] {strides = array<i32>} : memref<4096xf32, #tpu.memory_space<vmem>>, vector<16xf32>,
      %get3A_1794 = vector.shape_cast %get3A_1793 : vector<16xf32> to vector<16xf32>
      %sub3A_1795 = arith.subf %get3A_1656, %get3A_1794 : vector<16xf32>
      %mul3A_1796 = arith.mulf %sub3A_1791, %sub3A_1791 : vector<16xf32>
      %mul3A_1797 = arith.mulf %sub3A_1795, %sub3A_1795 : vector<16xf32>
      %add3A_1798 = arith.addf %mul3A_1796, %mul3A_1797 : vector<16xf32>
      %min3A_1799 = arith.minimumf %min3A_1787, %add3A_1798 : vector<16xf32>
      %get3A_1800 = arith.constant 192 : index
      %get3A_1801 = tpu.vector_load %arg9[%get3A_1800] {strides = array<i32>} : memref<4096xf32, #tpu.memory_space<vmem>>, vector<16xf32>,
      %get3A_1802 = vector.shape_cast %get3A_1801 : vector<16xf32> to vector<16xf32>
      %sub3A_1803 = arith.subf %get3A_1653, %get3A_1802 : vector<16xf32>
      %get3A_1804 = arith.constant 1216 : index
      %get3A_1805 = tpu.vector_load %arg9[%get3A_1804] {strides = array<i32>} : memref<4096xf32, #tpu.memory_space<vmem>>, vector<16xf32>,
      %get3A_1806 = vector.shape_cast %get3A_1805 : vector<16xf32> to vector<16xf32>
      %sub3A_1807 = arith.subf %get3A_1656, %get3A_1806 : vector<16xf32>
      %mul3A_1808 = arith.mulf %sub3A_1803, %sub3A_1803 : vector<16xf32>
      %mul3A_1809 = arith.mulf %sub3A_1807, %sub3A_1807 : vector<16xf32>
      %add3A_1810 = arith.addf %mul3A_1808, %mul3A_1809 : vector<16xf32>
      %min3A_1811 = arith.minimumf %min3A_1799, %add3A_1810 : vector<16xf32>
      %get3A_1812 = arith.constant 208 : index
      %get3A_1813 = tpu.vector_load %arg9[%get3A_1812] {strides = array<i32>} : memref<4096xf32, #tpu.memory_space<vmem>>, vector<16xf32>,
      %get3A_1814 = vector.shape_cast %get3A_1813 : vector<16xf32> to vector<16xf32>
      %sub3A_1815 = arith.subf %get3A_1653, %get3A_1814 : vector<16xf32>
      %get3A_1816 = arith.constant 1232 : index
      %get3A_1817 = tpu.vector_load %arg9[%get3A_1816] {strides = array<i32>} : memref<4096xf32, #tpu.memory_space<vmem>>, vector<16xf32>,
      %get3A_1818 = vector.shape_cast %get3A_1817 : vector<16xf32> to vector<16xf32>
      %sub3A_1819 = arith.subf %get3A_1656, %get3A_1818 : vector<16xf32>
      %mul3A_1820 = arith.mulf %sub3A_1815, %sub3A_1815 : vector<16xf32>
      %mul3A_1821 = arith.mulf %sub3A_1819, %sub3A_1819 : vector<16xf32>
      %add3A_1822 = arith.addf %mul3A_1820, %mul3A_1821 : vector<16xf32>
      %min3A_1823 = arith.minimumf %min3A_1811, %add3A_1822 : vector<16xf32>
      %get3A_1824 = arith.constant 224 : index
      %get3A_1825 = tpu.vector_load %arg9[%get3A_1824] {strides = array<i32>} : memref<4096xf32, #tpu.memory_space<vmem>>, vector<16xf32>,
      %get3A_1826 = vector.shape_cast %get3A_1825 : vector<16xf32> to vector<16xf32>
      %sub3A_1827 = arith.subf %get3A_1653, %get3A_1826 : vector<16xf32>
      %get3A_1828 = arith.constant 1248 : index
      %get3A_1829 = tpu.vector_load %arg9[%get3A_1828] {strides = array<i32>} : memref<4096xf32, #tpu.memory_space<vmem>>, vector<16xf32>,
      %get3A_1830 = vector.shape_cast %get3A_1829 : vector<16xf32> to vector<16xf32>
      %sub3A_1831 = arith.subf %get3A_1656, %get3A_1830 : vector<16xf32>
      %mul3A_1832 = arith.mulf %sub3A_1827, %sub3A_1827 : vector<16xf32>
      %mul3A_1833 = arith.mulf %sub3A_1831, %sub3A_1831 : vector<16xf32>
      %add3A_1834 = arith.addf %mul3A_1832, %mul3A_1833 : vector<16xf32>
      %min3A_1835 = arith.minimumf %min3A_1823, %add3A_1834 : vector<16xf32>
      %get3A_1836 = arith.constant 240 : index
      %get3A_1837 = tpu.vector_load %arg9[%get3A_1836] {strides = array<i32>} : memref<4096xf32, #tpu.memory_space<vmem>>, vector<16xf32>,
      %get3A_1838 = vector.shape_cast %get3A_1837 : vector<16xf32> to vector<16xf32>
      %sub3A_1839 = arith.subf %get3A_1653, %get3A_1838 : vector<16xf32>
      %get3A_1840 = arith.constant 1264 : index
      %get3A_1841 = tpu.vector_load %arg9[%get3A_1840] {strides = array<i32>} : memref<4096xf32, #tpu.memory_space<vmem>>, vector<16xf32>,
      %get3A_1842 = vector.shape_cast %get3A_1841 : vector<16xf32> to vector<16xf32>
      %sub3A_1843 = arith.subf %get3A_1656, %get3A_1842 : vector<16xf32>
      %mul3A_1844 = arith.mulf %sub3A_1839, %sub3A_1839 : vector<16xf32>
      %mul3A_1845 = arith.mulf %sub3A_1843, %sub3A_1843 : vector<16xf32>
      %add3A_1846 = arith.addf %mul3A_1844, %mul3A_1845 : vector<16xf32>
      %min3A_1847 = arith.minimumf %min3A_1835, %add3A_1846 : vector<16xf32>
      %get3A_1848 = arith.constant 256 : index
      %get3A_1849 = tpu.vector_load %arg9[%get3A_1848] {strides = array<i32>} : memref<4096xf32, #tpu.memory_space<vmem>>, vector<16xf32>,
      %get3A_1850 = vector.shape_cast %get3A_1849 : vector<16xf32> to vector<16xf32>
      %sub3A_1851 = arith.subf %get3A_1653, %get3A_1850 : vector<16xf32>
      %get3A_1852 = arith.constant 1280 : index
      %get3A_1853 = tpu.vector_load %arg9[%get3A_1852] {strides = array<i32>} : memref<4096xf32, #tpu.memory_space<vmem>>, vector<16xf32>,
      %get3A_1854 = vector.shape_cast %get3A_1853 : vector<16xf32> to vector<16xf32>
      %sub3A_1855 = arith.subf %get3A_1656, %get3A_1854 : vector<16xf32>
      %mul3A_1856 = arith.mulf %sub3A_1851, %sub3A_1851 : vector<16xf32>
      %mul3A_1857 = arith.mulf %sub3A_1855, %sub3A_1855 : vector<16xf32>
      %add3A_1858 = arith.addf %mul3A_1856, %mul3A_1857 : vector<16xf32>
      %min3A_1859 = arith.minimumf %min3A_1847, %add3A_1858 : vector<16xf32>
      %get3A_1860 = arith.constant 272 : index
      %get3A_1861 = tpu.vector_load %arg9[%get3A_1860] {strides = array<i32>} : memref<4096xf32, #tpu.memory_space<vmem>>, vector<16xf32>,
      %get3A_1862 = vector.shape_cast %get3A_1861 : vector<16xf32> to vector<16xf32>
      %sub3A_1863 = arith.subf %get3A_1653, %get3A_1862 : vector<16xf32>
      %get3A_1864 = arith.constant 1296 : index
      %get3A_1865 = tpu.vector_load %arg9[%get3A_1864] {strides = array<i32>} : memref<4096xf32, #tpu.memory_space<vmem>>, vector<16xf32>,
      %get3A_1866 = vector.shape_cast %get3A_1865 : vector<16xf32> to vector<16xf32>
      %sub3A_1867 = arith.subf %get3A_1656, %get3A_1866 : vector<16xf32>
      %mul3A_1868 = arith.mulf %sub3A_1863, %sub3A_1863 : vector<16xf32>
      %mul3A_1869 = arith.mulf %sub3A_1867, %sub3A_1867 : vector<16xf32>
      %add3A_1870 = arith.addf %mul3A_1868, %mul3A_1869 : vector<16xf32>
      %min3A_1871 = arith.minimumf %min3A_1859, %add3A_1870 : vector<16xf32>
      %get3A_1872 = arith.constant 288 : index
      %get3A_1873 = tpu.vector_load %arg9[%get3A_1872] {strides = array<i32>} : memref<4096xf32, #tpu.memory_space<vmem>>, vector<16xf32>,
      %get3A_1874 = vector.shape_cast %get3A_1873 : vector<16xf32> to vector<16xf32>
      %sub3A_1875 = arith.subf %get3A_1653, %get3A_1874 : vector<16xf32>
      %get3A_1876 = arith.constant 1312 : index
      %get3A_1877 = tpu.vector_load %arg9[%get3A_1876] {strides = array<i32>} : memref<4096xf32, #tpu.memory_space<vmem>>, vector<16xf32>,
      %get3A_1878 = vector.shape_cast %get3A_1877 : vector<16xf32> to vector<16xf32>
      %sub3A_1879 = arith.subf %get3A_1656, %get3A_1878 : vector<16xf32>
      %mul3A_1880 = arith.mulf %sub3A_1875, %sub3A_1875 : vector<16xf32>
      %mul3A_1881 = arith.mulf %sub3A_1879, %sub3A_1879 : vector<16xf32>
      %add3A_1882 = arith.addf %mul3A_1880, %mul3A_1881 : vector<16xf32>
      %min3A_1883 = arith.minimumf %min3A_1871, %add3A_1882 : vector<16xf32>
      %get3A_1884 = arith.constant 304 : index
      %get3A_1885 = tpu.vector_load %arg9[%get3A_1884] {strides = array<i32>} : memref<4096xf32, #tpu.memory_space<vmem>>, vector<16xf32>,
      %get3A_1886 = vector.shape_cast %get3A_1885 : vector<16xf32> to vector<16xf32>
      %sub3A_1887 = arith.subf %get3A_1653, %get3A_1886 : vector<16xf32>
      %get3A_1888 = arith.constant 1328 : index
      %get3A_1889 = tpu.vector_load %arg9[%get3A_1888] {strides = array<i32>} : memref<4096xf32, #tpu.memory_space<vmem>>, vector<16xf32>,
      %get3A_1890 = vector.shape_cast %get3A_1889 : vector<16xf32> to vector<16xf32>
      %sub3A_1891 = arith.subf %get3A_1656, %get3A_1890 : vector<16xf32>
      %mul3A_1892 = arith.mulf %sub3A_1887, %sub3A_1887 : vector<16xf32>
      %mul3A_1893 = arith.mulf %sub3A_1891, %sub3A_1891 : vector<16xf32>
      %add3A_1894 = arith.addf %mul3A_1892, %mul3A_1893 : vector<16xf32>
      %min3A_1895 = arith.minimumf %min3A_1883, %add3A_1894 : vector<16xf32>
      %get3A_1896 = arith.constant 320 : index
      %get3A_1897 = tpu.vector_load %arg9[%get3A_1896] {strides = array<i32>} : memref<4096xf32, #tpu.memory_space<vmem>>, vector<16xf32>,
      %get3A_1898 = vector.shape_cast %get3A_1897 : vector<16xf32> to vector<16xf32>
      %sub3A_1899 = arith.subf %get3A_1653, %get3A_1898 : vector<16xf32>
      %get3A_1900 = arith.constant 1344 : index
      %get3A_1901 = tpu.vector_load %arg9[%get3A_1900] {strides = array<i32>} : memref<4096xf32, #tpu.memory_space<vmem>>, vector<16xf32>,
      %get3A_1902 = vector.shape_cast %get3A_1901 : vector<16xf32> to vector<16xf32>
      %sub3A_1903 = arith.subf %get3A_1656, %get3A_1902 : vector<16xf32>
      %mul3A_1904 = arith.mulf %sub3A_1899, %sub3A_1899 : vector<16xf32>
      %mul3A_1905 = arith.mulf %sub3A_1903, %sub3A_1903 : vector<16xf32>
      %add3A_1906 = arith.addf %mul3A_1904, %mul3A_1905 : vector<16xf32>
      %min3A_1907 = arith.minimumf %min3A_1895, %add3A_1906 : vector<16xf32>
      %get3A_1908 = arith.constant 336 : index
      %get3A_1909 = tpu.vector_load %arg9[%get3A_1908] {strides = array<i32>} : memref<4096xf32, #tpu.memory_space<vmem>>, vector<16xf32>,
      %get3A_1910 = vector.shape_cast %get3A_1909 : vector<16xf32> to vector<16xf32>
      %sub3A_1911 = arith.subf %get3A_1653, %get3A_1910 : vector<16xf32>
      %get3A_1912 = arith.constant 1360 : index
      %get3A_1913 = tpu.vector_load %arg9[%get3A_1912] {strides = array<i32>} : memref<4096xf32, #tpu.memory_space<vmem>>, vector<16xf32>,
      %get3A_1914 = vector.shape_cast %get3A_1913 : vector<16xf32> to vector<16xf32>
      %sub3A_1915 = arith.subf %get3A_1656, %get3A_1914 : vector<16xf32>
      %mul3A_1916 = arith.mulf %sub3A_1911, %sub3A_1911 : vector<16xf32>
      %mul3A_1917 = arith.mulf %sub3A_1915, %sub3A_1915 : vector<16xf32>
      %add3A_1918 = arith.addf %mul3A_1916, %mul3A_1917 : vector<16xf32>
      %min3A_1919 = arith.minimumf %min3A_1907, %add3A_1918 : vector<16xf32>
      %get3A_1920 = arith.constant 352 : index
      %get3A_1921 = tpu.vector_load %arg9[%get3A_1920] {strides = array<i32>} : memref<4096xf32, #tpu.memory_space<vmem>>, vector<16xf32>,
      %get3A_1922 = vector.shape_cast %get3A_1921 : vector<16xf32> to vector<16xf32>
      %sub3A_1923 = arith.subf %get3A_1653, %get3A_1922 : vector<16xf32>
      %get3A_1924 = arith.constant 1376 : index
      %get3A_1925 = tpu.vector_load %arg9[%get3A_1924] {strides = array<i32>} : memref<4096xf32, #tpu.memory_space<vmem>>, vector<16xf32>,
      %get3A_1926 = vector.shape_cast %get3A_1925 : vector<16xf32> to vector<16xf32>
      %sub3A_1927 = arith.subf %get3A_1656, %get3A_1926 : vector<16xf32>
      %mul3A_1928 = arith.mulf %sub3A_1923, %sub3A_1923 : vector<16xf32>
      %mul3A_1929 = arith.mulf %sub3A_1927, %sub3A_1927 : vector<16xf32>
      %add3A_1930 = arith.addf %mul3A_1928, %mul3A_1929 : vector<16xf32>
      %min3A_1931 = arith.minimumf %min3A_1919, %add3A_1930 : vector<16xf32>
      %get3A_1932 = arith.constant 368 : index
      %get3A_1933 = tpu.vector_load %arg9[%get3A_1932] {strides = array<i32>} : memref<4096xf32, #tpu.memory_space<vmem>>, vector<16xf32>,
      %get3A_1934 = vector.shape_cast %get3A_1933 : vector<16xf32> to vector<16xf32>
      %sub3A_1935 = arith.subf %get3A_1653, %get3A_1934 : vector<16xf32>
      %get3A_1936 = arith.constant 1392 : index
      %get3A_1937 = tpu.vector_load %arg9[%get3A_1936] {strides = array<i32>} : memref<4096xf32, #tpu.memory_space<vmem>>, vector<16xf32>,
      %get3A_1938 = vector.shape_cast %get3A_1937 : vector<16xf32> to vector<16xf32>
      %sub3A_1939 = arith.subf %get3A_1656, %get3A_1938 : vector<16xf32>
      %mul3A_1940 = arith.mulf %sub3A_1935, %sub3A_1935 : vector<16xf32>
      %mul3A_1941 = arith.mulf %sub3A_1939, %sub3A_1939 : vector<16xf32>
      %add3A_1942 = arith.addf %mul3A_1940, %mul3A_1941 : vector<16xf32>
      %min3A_1943 = arith.minimumf %min3A_1931, %add3A_1942 : vector<16xf32>
      %get3A_1944 = arith.constant 384 : index
      %get3A_1945 = tpu.vector_load %arg9[%get3A_1944] {strides = array<i32>} : memref<4096xf32, #tpu.memory_space<vmem>>, vector<16xf32>,
      %get3A_1946 = vector.shape_cast %get3A_1945 : vector<16xf32> to vector<16xf32>
      %sub3A_1947 = arith.subf %get3A_1653, %get3A_1946 : vector<16xf32>
      %get3A_1948 = arith.constant 1408 : index
      %get3A_1949 = tpu.vector_load %arg9[%get3A_1948] {strides = array<i32>} : memref<4096xf32, #tpu.memory_space<vmem>>, vector<16xf32>,
      %get3A_1950 = vector.shape_cast %get3A_1949 : vector<16xf32> to vector<16xf32>
      %sub3A_1951 = arith.subf %get3A_1656, %get3A_1950 : vector<16xf32>
      %mul3A_1952 = arith.mulf %sub3A_1947, %sub3A_1947 : vector<16xf32>
      %mul3A_1953 = arith.mulf %sub3A_1951, %sub3A_1951 : vector<16xf32>
      %add3A_1954 = arith.addf %mul3A_1952, %mul3A_1953 : vector<16xf32>
      %min3A_1955 = arith.minimumf %min3A_1943, %add3A_1954 : vector<16xf32>
      %get3A_1956 = arith.constant 400 : index
      %get3A_1957 = tpu.vector_load %arg9[%get3A_1956] {strides = array<i32>} : memref<4096xf32, #tpu.memory_space<vmem>>, vector<16xf32>,
      %get3A_1958 = vector.shape_cast %get3A_1957 : vector<16xf32> to vector<16xf32>
      %sub3A_1959 = arith.subf %get3A_1653, %get3A_1958 : vector<16xf32>
      %get3A_1960 = arith.constant 1424 : index
      %get3A_1961 = tpu.vector_load %arg9[%get3A_1960] {strides = array<i32>} : memref<4096xf32, #tpu.memory_space<vmem>>, vector<16xf32>,
      %get3A_1962 = vector.shape_cast %get3A_1961 : vector<16xf32> to vector<16xf32>
      %sub3A_1963 = arith.subf %get3A_1656, %get3A_1962 : vector<16xf32>
      %mul3A_1964 = arith.mulf %sub3A_1959, %sub3A_1959 : vector<16xf32>
      %mul3A_1965 = arith.mulf %sub3A_1963, %sub3A_1963 : vector<16xf32>
      %add3A_1966 = arith.addf %mul3A_1964, %mul3A_1965 : vector<16xf32>
      %min3A_1967 = arith.minimumf %min3A_1955, %add3A_1966 : vector<16xf32>
      %get3A_1968 = arith.constant 416 : index
      %get3A_1969 = tpu.vector_load %arg9[%get3A_1968] {strides = array<i32>} : memref<4096xf32, #tpu.memory_space<vmem>>, vector<16xf32>,
      %get3A_1970 = vector.shape_cast %get3A_1969 : vector<16xf32> to vector<16xf32>
      %sub3A_1971 = arith.subf %get3A_1653, %get3A_1970 : vector<16xf32>
      %get3A_1972 = arith.constant 1440 : index
      %get3A_1973 = tpu.vector_load %arg9[%get3A_1972] {strides = array<i32>} : memref<4096xf32, #tpu.memory_space<vmem>>, vector<16xf32>,
      %get3A_1974 = vector.shape_cast %get3A_1973 : vector<16xf32> to vector<16xf32>
      %sub3A_1975 = arith.subf %get3A_1656, %get3A_1974 : vector<16xf32>
      %mul3A_1976 = arith.mulf %sub3A_1971, %sub3A_1971 : vector<16xf32>
      %mul3A_1977 = arith.mulf %sub3A_1975, %sub3A_1975 : vector<16xf32>
      %add3A_1978 = arith.addf %mul3A_1976, %mul3A_1977 : vector<16xf32>
      %min3A_1979 = arith.minimumf %min3A_1967, %add3A_1978 : vector<16xf32>
      %get3A_1980 = arith.constant 432 : index
      %get3A_1981 = tpu.vector_load %arg9[%get3A_1980] {strides = array<i32>} : memref<4096xf32, #tpu.memory_space<vmem>>, vector<16xf32>,
      %get3A_1982 = vector.shape_cast %get3A_1981 : vector<16xf32> to vector<16xf32>
      %sub3A_1983 = arith.subf %get3A_1653, %get3A_1982 : vector<16xf32>
      %get3A_1984 = arith.constant 1456 : index
      %get3A_1985 = tpu.vector_load %arg9[%get3A_1984] {strides = array<i32>} : memref<4096xf32, #tpu.memory_space<vmem>>, vector<16xf32>,
      %get3A_1986 = vector.shape_cast %get3A_1985 : vector<16xf32> to vector<16xf32>
      %sub3A_1987 = arith.subf %get3A_1656, %get3A_1986 : vector<16xf32>
      %mul3A_1988 = arith.mulf %sub3A_1983, %sub3A_1983 : vector<16xf32>
      %mul3A_1989 = arith.mulf %sub3A_1987, %sub3A_1987 : vector<16xf32>
      %add3A_1990 = arith.addf %mul3A_1988, %mul3A_1989 : vector<16xf32>
      %min3A_1991 = arith.minimumf %min3A_1979, %add3A_1990 : vector<16xf32>
      %get3A_1992 = arith.constant 448 : index
      %get3A_1993 = tpu.vector_load %arg9[%get3A_1992] {strides = array<i32>} : memref<4096xf32, #tpu.memory_space<vmem>>, vector<16xf32>,
      %get3A_1994 = vector.shape_cast %get3A_1993 : vector<16xf32> to vector<16xf32>
      %sub3A_1995 = arith.subf %get3A_1653, %get3A_1994 : vector<16xf32>
      %get3A_1996 = arith.constant 1472 : index
      %get3A_1997 = tpu.vector_load %arg9[%get3A_1996] {strides = array<i32>} : memref<4096xf32, #tpu.memory_space<vmem>>, vector<16xf32>,
      %get3A_1998 = vector.shape_cast %get3A_1997 : vector<16xf32> to vector<16xf32>
      %sub3A_1999 = arith.subf %get3A_1656, %get3A_1998 : vector<16xf32>
      %mul3A_2000 = arith.mulf %sub3A_1995, %sub3A_1995 : vector<16xf32>
      %mul3A_2001 = arith.mulf %sub3A_1999, %sub3A_1999 : vector<16xf32>
      %add3A_2002 = arith.addf %mul3A_2000, %mul3A_2001 : vector<16xf32>
      %min3A_2003 = arith.minimumf %min3A_1991, %add3A_2002 : vector<16xf32>
      %get3A_2004 = arith.constant 464 : index
      %get3A_2005 = tpu.vector_load %arg9[%get3A_2004] {strides = array<i32>} : memref<4096xf32, #tpu.memory_space<vmem>>, vector<16xf32>,
      %get3A_2006 = vector.shape_cast %get3A_2005 : vector<16xf32> to vector<16xf32>
      %sub3A_2007 = arith.subf %get3A_1653, %get3A_2006 : vector<16xf32>
      %get3A_2008 = arith.constant 1488 : index
      %get3A_2009 = tpu.vector_load %arg9[%get3A_2008] {strides = array<i32>} : memref<4096xf32, #tpu.memory_space<vmem>>, vector<16xf32>,
      %get3A_2010 = vector.shape_cast %get3A_2009 : vector<16xf32> to vector<16xf32>
      %sub3A_2011 = arith.subf %get3A_1656, %get3A_2010 : vector<16xf32>
      %mul3A_2012 = arith.mulf %sub3A_2007, %sub3A_2007 : vector<16xf32>
      %mul3A_2013 = arith.mulf %sub3A_2011, %sub3A_2011 : vector<16xf32>
      %add3A_2014 = arith.addf %mul3A_2012, %mul3A_2013 : vector<16xf32>
      %min3A_2015 = arith.minimumf %min3A_2003, %add3A_2014 : vector<16xf32>
      %get3A_2016 = arith.constant 480 : index
      %get3A_2017 = tpu.vector_load %arg9[%get3A_2016] {strides = array<i32>} : memref<4096xf32, #tpu.memory_space<vmem>>, vector<16xf32>,
      %get3A_2018 = vector.shape_cast %get3A_2017 : vector<16xf32> to vector<16xf32>
      %sub3A_2019 = arith.subf %get3A_1653, %get3A_2018 : vector<16xf32>
      %get3A_2020 = arith.constant 1504 : index
      %get3A_2021 = tpu.vector_load %arg9[%get3A_2020] {strides = array<i32>} : memref<4096xf32, #tpu.memory_space<vmem>>, vector<16xf32>,
      %get3A_2022 = vector.shape_cast %get3A_2021 : vector<16xf32> to vector<16xf32>
      %sub3A_2023 = arith.subf %get3A_1656, %get3A_2022 : vector<16xf32>
      %mul3A_2024 = arith.mulf %sub3A_2019, %sub3A_2019 : vector<16xf32>
      %mul3A_2025 = arith.mulf %sub3A_2023, %sub3A_2023 : vector<16xf32>
      %add3A_2026 = arith.addf %mul3A_2024, %mul3A_2025 : vector<16xf32>
      %min3A_2027 = arith.minimumf %min3A_2015, %add3A_2026 : vector<16xf32>
      %get3A_2028 = arith.constant 496 : index
      %get3A_2029 = tpu.vector_load %arg9[%get3A_2028] {strides = array<i32>} : memref<4096xf32, #tpu.memory_space<vmem>>, vector<16xf32>,
      %get3A_2030 = vector.shape_cast %get3A_2029 : vector<16xf32> to vector<16xf32>
      %sub3A_2031 = arith.subf %get3A_1653, %get3A_2030 : vector<16xf32>
      %get3A_2032 = arith.constant 1520 : index
      %get3A_2033 = tpu.vector_load %arg9[%get3A_2032] {strides = array<i32>} : memref<4096xf32, #tpu.memory_space<vmem>>, vector<16xf32>,
      %get3A_2034 = vector.shape_cast %get3A_2033 : vector<16xf32> to vector<16xf32>
      %sub3A_2035 = arith.subf %get3A_1656, %get3A_2034 : vector<16xf32>
      %mul3A_2036 = arith.mulf %sub3A_2031, %sub3A_2031 : vector<16xf32>
      %mul3A_2037 = arith.mulf %sub3A_2035, %sub3A_2035 : vector<16xf32>
      %add3A_2038 = arith.addf %mul3A_2036, %mul3A_2037 : vector<16xf32>
      %min3A_2039 = arith.minimumf %min3A_2027, %add3A_2038 : vector<16xf32>
      %get3A_2040 = arith.constant 512 : index
      %get3A_2041 = tpu.vector_load %arg9[%get3A_2040] {strides = array<i32>} : memref<4096xf32, #tpu.memory_space<vmem>>, vector<16xf32>,
      %get3A_2042 = vector.shape_cast %get3A_2041 : vector<16xf32> to vector<16xf32>
      %sub3A_2043 = arith.subf %get3A_1653, %get3A_2042 : vector<16xf32>
      %get3A_2044 = arith.constant 1536 : index
      %get3A_2045 = tpu.vector_load %arg9[%get3A_2044] {strides = array<i32>} : memref<4096xf32, #tpu.memory_space<vmem>>, vector<16xf32>,
      %get3A_2046 = vector.shape_cast %get3A_2045 : vector<16xf32> to vector<16xf32>
      %sub3A_2047 = arith.subf %get3A_1656, %get3A_2046 : vector<16xf32>
      %mul3A_2048 = arith.mulf %sub3A_2043, %sub3A_2043 : vector<16xf32>
      %mul3A_2049 = arith.mulf %sub3A_2047, %sub3A_2047 : vector<16xf32>
      %add3A_2050 = arith.addf %mul3A_2048, %mul3A_2049 : vector<16xf32>
      %min3A_2051 = arith.minimumf %min3A_2039, %add3A_2050 : vector<16xf32>
      %get3A_2052 = arith.constant 528 : index
      %get3A_2053 = tpu.vector_load %arg9[%get3A_2052] {strides = array<i32>} : memref<4096xf32, #tpu.memory_space<vmem>>, vector<16xf32>,
      %get3A_2054 = vector.shape_cast %get3A_2053 : vector<16xf32> to vector<16xf32>
      %sub3A_2055 = arith.subf %get3A_1653, %get3A_2054 : vector<16xf32>
      %get3A_2056 = arith.constant 1552 : index
      %get3A_2057 = tpu.vector_load %arg9[%get3A_2056] {strides = array<i32>} : memref<4096xf32, #tpu.memory_space<vmem>>, vector<16xf32>,
      %get3A_2058 = vector.shape_cast %get3A_2057 : vector<16xf32> to vector<16xf32>
      %sub3A_2059 = arith.subf %get3A_1656, %get3A_2058 : vector<16xf32>
      %mul3A_2060 = arith.mulf %sub3A_2055, %sub3A_2055 : vector<16xf32>
      %mul3A_2061 = arith.mulf %sub3A_2059, %sub3A_2059 : vector<16xf32>
      %add3A_2062 = arith.addf %mul3A_2060, %mul3A_2061 : vector<16xf32>
      %min3A_2063 = arith.minimumf %min3A_2051, %add3A_2062 : vector<16xf32>
      %get3A_2064 = arith.constant 544 : index
      %get3A_2065 = tpu.vector_load %arg9[%get3A_2064] {strides = array<i32>} : memref<4096xf32, #tpu.memory_space<vmem>>, vector<16xf32>,
      %get3A_2066 = vector.shape_cast %get3A_2065 : vector<16xf32> to vector<16xf32>
      %sub3A_2067 = arith.subf %get3A_1653, %get3A_2066 : vector<16xf32>
      %get3A_2068 = arith.constant 1568 : index
      %get3A_2069 = tpu.vector_load %arg9[%get3A_2068] {strides = array<i32>} : memref<4096xf32, #tpu.memory_space<vmem>>, vector<16xf32>,
      %get3A_2070 = vector.shape_cast %get3A_2069 : vector<16xf32> to vector<16xf32>
      %sub3A_2071 = arith.subf %get3A_1656, %get3A_2070 : vector<16xf32>
      %mul3A_2072 = arith.mulf %sub3A_2067, %sub3A_2067 : vector<16xf32>
      %mul3A_2073 = arith.mulf %sub3A_2071, %sub3A_2071 : vector<16xf32>
      %add3A_2074 = arith.addf %mul3A_2072, %mul3A_2073 : vector<16xf32>
      %min3A_2075 = arith.minimumf %min3A_2063, %add3A_2074 : vector<16xf32>
      %get3A_2076 = arith.constant 560 : index
      %get3A_2077 = tpu.vector_load %arg9[%get3A_2076] {strides = array<i32>} : memref<4096xf32, #tpu.memory_space<vmem>>, vector<16xf32>,
      %get3A_2078 = vector.shape_cast %get3A_2077 : vector<16xf32> to vector<16xf32>
      %sub3A_2079 = arith.subf %get3A_1653, %get3A_2078 : vector<16xf32>
      %get3A_2080 = arith.constant 1584 : index
      %get3A_2081 = tpu.vector_load %arg9[%get3A_2080] {strides = array<i32>} : memref<4096xf32, #tpu.memory_space<vmem>>, vector<16xf32>,
      %get3A_2082 = vector.shape_cast %get3A_2081 : vector<16xf32> to vector<16xf32>
      %sub3A_2083 = arith.subf %get3A_1656, %get3A_2082 : vector<16xf32>
      %mul3A_2084 = arith.mulf %sub3A_2079, %sub3A_2079 : vector<16xf32>
      %mul3A_2085 = arith.mulf %sub3A_2083, %sub3A_2083 : vector<16xf32>
      %add3A_2086 = arith.addf %mul3A_2084, %mul3A_2085 : vector<16xf32>
      %min3A_2087 = arith.minimumf %min3A_2075, %add3A_2086 : vector<16xf32>
      %get3A_2088 = arith.constant 576 : index
      %get3A_2089 = tpu.vector_load %arg9[%get3A_2088] {strides = array<i32>} : memref<4096xf32, #tpu.memory_space<vmem>>, vector<16xf32>,
      %get3A_2090 = vector.shape_cast %get3A_2089 : vector<16xf32> to vector<16xf32>
      %sub3A_2091 = arith.subf %get3A_1653, %get3A_2090 : vector<16xf32>
      %get3A_2092 = arith.constant 1600 : index
      %get3A_2093 = tpu.vector_load %arg9[%get3A_2092] {strides = array<i32>} : memref<4096xf32, #tpu.memory_space<vmem>>, vector<16xf32>,
      %get3A_2094 = vector.shape_cast %get3A_2093 : vector<16xf32> to vector<16xf32>
      %sub3A_2095 = arith.subf %get3A_1656, %get3A_2094 : vector<16xf32>
      %mul3A_2096 = arith.mulf %sub3A_2091, %sub3A_2091 : vector<16xf32>
      %mul3A_2097 = arith.mulf %sub3A_2095, %sub3A_2095 : vector<16xf32>
      %add3A_2098 = arith.addf %mul3A_2096, %mul3A_2097 : vector<16xf32>
      %min3A_2099 = arith.minimumf %min3A_2087, %add3A_2098 : vector<16xf32>
      %get3A_2100 = arith.constant 592 : index
      %get3A_2101 = tpu.vector_load %arg9[%get3A_2100] {strides = array<i32>} : memref<4096xf32, #tpu.memory_space<vmem>>, vector<16xf32>,
      %get3A_2102 = vector.shape_cast %get3A_2101 : vector<16xf32> to vector<16xf32>
      %sub3A_2103 = arith.subf %get3A_1653, %get3A_2102 : vector<16xf32>
      %get3A_2104 = arith.constant 1616 : index
      %get3A_2105 = tpu.vector_load %arg9[%get3A_2104] {strides = array<i32>} : memref<4096xf32, #tpu.memory_space<vmem>>, vector<16xf32>,
      %get3A_2106 = vector.shape_cast %get3A_2105 : vector<16xf32> to vector<16xf32>
      %sub3A_2107 = arith.subf %get3A_1656, %get3A_2106 : vector<16xf32>
      %mul3A_2108 = arith.mulf %sub3A_2103, %sub3A_2103 : vector<16xf32>
      %mul3A_2109 = arith.mulf %sub3A_2107, %sub3A_2107 : vector<16xf32>
      %add3A_2110 = arith.addf %mul3A_2108, %mul3A_2109 : vector<16xf32>
      %min3A_2111 = arith.minimumf %min3A_2099, %add3A_2110 : vector<16xf32>
      %get3A_2112 = arith.constant 608 : index
      %get3A_2113 = tpu.vector_load %arg9[%get3A_2112] {strides = array<i32>} : memref<4096xf32, #tpu.memory_space<vmem>>, vector<16xf32>,
      %get3A_2114 = vector.shape_cast %get3A_2113 : vector<16xf32> to vector<16xf32>
      %sub3A_2115 = arith.subf %get3A_1653, %get3A_2114 : vector<16xf32>
      %get3A_2116 = arith.constant 1632 : index
      %get3A_2117 = tpu.vector_load %arg9[%get3A_2116] {strides = array<i32>} : memref<4096xf32, #tpu.memory_space<vmem>>, vector<16xf32>,
      %get3A_2118 = vector.shape_cast %get3A_2117 : vector<16xf32> to vector<16xf32>
      %sub3A_2119 = arith.subf %get3A_1656, %get3A_2118 : vector<16xf32>
      %mul3A_2120 = arith.mulf %sub3A_2115, %sub3A_2115 : vector<16xf32>
      %mul3A_2121 = arith.mulf %sub3A_2119, %sub3A_2119 : vector<16xf32>
      %add3A_2122 = arith.addf %mul3A_2120, %mul3A_2121 : vector<16xf32>
      %min3A_2123 = arith.minimumf %min3A_2111, %add3A_2122 : vector<16xf32>
      %get3A_2124 = arith.constant 624 : index
      %get3A_2125 = tpu.vector_load %arg9[%get3A_2124] {strides = array<i32>} : memref<4096xf32, #tpu.memory_space<vmem>>, vector<16xf32>,
      %get3A_2126 = vector.shape_cast %get3A_2125 : vector<16xf32> to vector<16xf32>
      %sub3A_2127 = arith.subf %get3A_1653, %get3A_2126 : vector<16xf32>
      %get3A_2128 = arith.constant 1648 : index
      %get3A_2129 = tpu.vector_load %arg9[%get3A_2128] {strides = array<i32>} : memref<4096xf32, #tpu.memory_space<vmem>>, vector<16xf32>,
      %get3A_2130 = vector.shape_cast %get3A_2129 : vector<16xf32> to vector<16xf32>
      %sub3A_2131 = arith.subf %get3A_1656, %get3A_2130 : vector<16xf32>
      %mul3A_2132 = arith.mulf %sub3A_2127, %sub3A_2127 : vector<16xf32>
      %mul3A_2133 = arith.mulf %sub3A_2131, %sub3A_2131 : vector<16xf32>
      %add3A_2134 = arith.addf %mul3A_2132, %mul3A_2133 : vector<16xf32>
      %min3A_2135 = arith.minimumf %min3A_2123, %add3A_2134 : vector<16xf32>
      %get3A_2136 = arith.constant 640 : index
      %get3A_2137 = tpu.vector_load %arg9[%get3A_2136] {strides = array<i32>} : memref<4096xf32, #tpu.memory_space<vmem>>, vector<16xf32>,
      %get3A_2138 = vector.shape_cast %get3A_2137 : vector<16xf32> to vector<16xf32>
      %sub3A_2139 = arith.subf %get3A_1653, %get3A_2138 : vector<16xf32>
      %get3A_2140 = arith.constant 1664 : index
      %get3A_2141 = tpu.vector_load %arg9[%get3A_2140] {strides = array<i32>} : memref<4096xf32, #tpu.memory_space<vmem>>, vector<16xf32>,
      %get3A_2142 = vector.shape_cast %get3A_2141 : vector<16xf32> to vector<16xf32>
      %sub3A_2143 = arith.subf %get3A_1656, %get3A_2142 : vector<16xf32>
      %mul3A_2144 = arith.mulf %sub3A_2139, %sub3A_2139 : vector<16xf32>
      %mul3A_2145 = arith.mulf %sub3A_2143, %sub3A_2143 : vector<16xf32>
      %add3A_2146 = arith.addf %mul3A_2144, %mul3A_2145 : vector<16xf32>
      %min3A_2147 = arith.minimumf %min3A_2135, %add3A_2146 : vector<16xf32>
      %get3A_2148 = arith.constant 656 : index
      %get3A_2149 = tpu.vector_load %arg9[%get3A_2148] {strides = array<i32>} : memref<4096xf32, #tpu.memory_space<vmem>>, vector<16xf32>,
      %get3A_2150 = vector.shape_cast %get3A_2149 : vector<16xf32> to vector<16xf32>
      %sub3A_2151 = arith.subf %get3A_1653, %get3A_2150 : vector<16xf32>
      %get3A_2152 = arith.constant 1680 : index
      %get3A_2153 = tpu.vector_load %arg9[%get3A_2152] {strides = array<i32>} : memref<4096xf32, #tpu.memory_space<vmem>>, vector<16xf32>,
      %get3A_2154 = vector.shape_cast %get3A_2153 : vector<16xf32> to vector<16xf32>
      %sub3A_2155 = arith.subf %get3A_1656, %get3A_2154 : vector<16xf32>
      %mul3A_2156 = arith.mulf %sub3A_2151, %sub3A_2151 : vector<16xf32>
      %mul3A_2157 = arith.mulf %sub3A_2155, %sub3A_2155 : vector<16xf32>
      %add3A_2158 = arith.addf %mul3A_2156, %mul3A_2157 : vector<16xf32>
      %min3A_2159 = arith.minimumf %min3A_2147, %add3A_2158 : vector<16xf32>
      %get3A_2160 = arith.constant 672 : index
      %get3A_2161 = tpu.vector_load %arg9[%get3A_2160] {strides = array<i32>} : memref<4096xf32, #tpu.memory_space<vmem>>, vector<16xf32>,
      %get3A_2162 = vector.shape_cast %get3A_2161 : vector<16xf32> to vector<16xf32>
      %sub3A_2163 = arith.subf %get3A_1653, %get3A_2162 : vector<16xf32>
      %get3A_2164 = arith.constant 1696 : index
      %get3A_2165 = tpu.vector_load %arg9[%get3A_2164] {strides = array<i32>} : memref<4096xf32, #tpu.memory_space<vmem>>, vector<16xf32>,
      %get3A_2166 = vector.shape_cast %get3A_2165 : vector<16xf32> to vector<16xf32>
      %sub3A_2167 = arith.subf %get3A_1656, %get3A_2166 : vector<16xf32>
      %mul3A_2168 = arith.mulf %sub3A_2163, %sub3A_2163 : vector<16xf32>
      %mul3A_2169 = arith.mulf %sub3A_2167, %sub3A_2167 : vector<16xf32>
      %add3A_2170 = arith.addf %mul3A_2168, %mul3A_2169 : vector<16xf32>
      %min3A_2171 = arith.minimumf %min3A_2159, %add3A_2170 : vector<16xf32>
      %get3A_2172 = arith.constant 688 : index
      %get3A_2173 = tpu.vector_load %arg9[%get3A_2172] {strides = array<i32>} : memref<4096xf32, #tpu.memory_space<vmem>>, vector<16xf32>,
      %get3A_2174 = vector.shape_cast %get3A_2173 : vector<16xf32> to vector<16xf32>
      %sub3A_2175 = arith.subf %get3A_1653, %get3A_2174 : vector<16xf32>
      %get3A_2176 = arith.constant 1712 : index
      %get3A_2177 = tpu.vector_load %arg9[%get3A_2176] {strides = array<i32>} : memref<4096xf32, #tpu.memory_space<vmem>>, vector<16xf32>,
      %get3A_2178 = vector.shape_cast %get3A_2177 : vector<16xf32> to vector<16xf32>
      %sub3A_2179 = arith.subf %get3A_1656, %get3A_2178 : vector<16xf32>
      %mul3A_2180 = arith.mulf %sub3A_2175, %sub3A_2175 : vector<16xf32>
      %mul3A_2181 = arith.mulf %sub3A_2179, %sub3A_2179 : vector<16xf32>
      %add3A_2182 = arith.addf %mul3A_2180, %mul3A_2181 : vector<16xf32>
      %min3A_2183 = arith.minimumf %min3A_2171, %add3A_2182 : vector<16xf32>
      %get3A_2184 = arith.constant 704 : index
      %get3A_2185 = tpu.vector_load %arg9[%get3A_2184] {strides = array<i32>} : memref<4096xf32, #tpu.memory_space<vmem>>, vector<16xf32>,
      %get3A_2186 = vector.shape_cast %get3A_2185 : vector<16xf32> to vector<16xf32>
      %sub3A_2187 = arith.subf %get3A_1653, %get3A_2186 : vector<16xf32>
      %get3A_2188 = arith.constant 1728 : index
      %get3A_2189 = tpu.vector_load %arg9[%get3A_2188] {strides = array<i32>} : memref<4096xf32, #tpu.memory_space<vmem>>, vector<16xf32>,
      %get3A_2190 = vector.shape_cast %get3A_2189 : vector<16xf32> to vector<16xf32>
      %sub3A_2191 = arith.subf %get3A_1656, %get3A_2190 : vector<16xf32>
      %mul3A_2192 = arith.mulf %sub3A_2187, %sub3A_2187 : vector<16xf32>
      %mul3A_2193 = arith.mulf %sub3A_2191, %sub3A_2191 : vector<16xf32>
      %add3A_2194 = arith.addf %mul3A_2192, %mul3A_2193 : vector<16xf32>
      %min3A_2195 = arith.minimumf %min3A_2183, %add3A_2194 : vector<16xf32>
      %get3A_2196 = arith.constant 720 : index
      %get3A_2197 = tpu.vector_load %arg9[%get3A_2196] {strides = array<i32>} : memref<4096xf32, #tpu.memory_space<vmem>>, vector<16xf32>,
      %get3A_2198 = vector.shape_cast %get3A_2197 : vector<16xf32> to vector<16xf32>
      %sub3A_2199 = arith.subf %get3A_1653, %get3A_2198 : vector<16xf32>
      %get3A_2200 = arith.constant 1744 : index
      %get3A_2201 = tpu.vector_load %arg9[%get3A_2200] {strides = array<i32>} : memref<4096xf32, #tpu.memory_space<vmem>>, vector<16xf32>,
      %get3A_2202 = vector.shape_cast %get3A_2201 : vector<16xf32> to vector<16xf32>
      %sub3A_2203 = arith.subf %get3A_1656, %get3A_2202 : vector<16xf32>
      %mul3A_2204 = arith.mulf %sub3A_2199, %sub3A_2199 : vector<16xf32>
      %mul3A_2205 = arith.mulf %sub3A_2203, %sub3A_2203 : vector<16xf32>
      %add3A_2206 = arith.addf %mul3A_2204, %mul3A_2205 : vector<16xf32>
      %min3A_2207 = arith.minimumf %min3A_2195, %add3A_2206 : vector<16xf32>
      %get3A_2208 = arith.constant 736 : index
      %get3A_2209 = tpu.vector_load %arg9[%get3A_2208] {strides = array<i32>} : memref<4096xf32, #tpu.memory_space<vmem>>, vector<16xf32>,
      %get3A_2210 = vector.shape_cast %get3A_2209 : vector<16xf32> to vector<16xf32>
      %sub3A_2211 = arith.subf %get3A_1653, %get3A_2210 : vector<16xf32>
      %get3A_2212 = arith.constant 1760 : index
      %get3A_2213 = tpu.vector_load %arg9[%get3A_2212] {strides = array<i32>} : memref<4096xf32, #tpu.memory_space<vmem>>, vector<16xf32>,
      %get3A_2214 = vector.shape_cast %get3A_2213 : vector<16xf32> to vector<16xf32>
      %sub3A_2215 = arith.subf %get3A_1656, %get3A_2214 : vector<16xf32>
      %mul3A_2216 = arith.mulf %sub3A_2211, %sub3A_2211 : vector<16xf32>
      %mul3A_2217 = arith.mulf %sub3A_2215, %sub3A_2215 : vector<16xf32>
      %add3A_2218 = arith.addf %mul3A_2216, %mul3A_2217 : vector<16xf32>
      %min3A_2219 = arith.minimumf %min3A_2207, %add3A_2218 : vector<16xf32>
      %get3A_2220 = arith.constant 752 : index
      %get3A_2221 = tpu.vector_load %arg9[%get3A_2220] {strides = array<i32>} : memref<4096xf32, #tpu.memory_space<vmem>>, vector<16xf32>,
      %get3A_2222 = vector.shape_cast %get3A_2221 : vector<16xf32> to vector<16xf32>
      %sub3A_2223 = arith.subf %get3A_1653, %get3A_2222 : vector<16xf32>
      %get3A_2224 = arith.constant 1776 : index
      %get3A_2225 = tpu.vector_load %arg9[%get3A_2224] {strides = array<i32>} : memref<4096xf32, #tpu.memory_space<vmem>>, vector<16xf32>,
      %get3A_2226 = vector.shape_cast %get3A_2225 : vector<16xf32> to vector<16xf32>
      %sub3A_2227 = arith.subf %get3A_1656, %get3A_2226 : vector<16xf32>
      %mul3A_2228 = arith.mulf %sub3A_2223, %sub3A_2223 : vector<16xf32>
      %mul3A_2229 = arith.mulf %sub3A_2227, %sub3A_2227 : vector<16xf32>
      %add3A_2230 = arith.addf %mul3A_2228, %mul3A_2229 : vector<16xf32>
      %min3A_2231 = arith.minimumf %min3A_2219, %add3A_2230 : vector<16xf32>
      %get3A_2232 = arith.constant 768 : index
      %get3A_2233 = tpu.vector_load %arg9[%get3A_2232] {strides = array<i32>} : memref<4096xf32, #tpu.memory_space<vmem>>, vector<16xf32>,
      %get3A_2234 = vector.shape_cast %get3A_2233 : vector<16xf32> to vector<16xf32>
      %sub3A_2235 = arith.subf %get3A_1653, %get3A_2234 : vector<16xf32>
      %get3A_2236 = arith.constant 1792 : index
      %get3A_2237 = tpu.vector_load %arg9[%get3A_2236] {strides = array<i32>} : memref<4096xf32, #tpu.memory_space<vmem>>, vector<16xf32>,
      %get3A_2238 = vector.shape_cast %get3A_2237 : vector<16xf32> to vector<16xf32>
      %sub3A_2239 = arith.subf %get3A_1656, %get3A_2238 : vector<16xf32>
      %mul3A_2240 = arith.mulf %sub3A_2235, %sub3A_2235 : vector<16xf32>
      %mul3A_2241 = arith.mulf %sub3A_2239, %sub3A_2239 : vector<16xf32>
      %add3A_2242 = arith.addf %mul3A_2240, %mul3A_2241 : vector<16xf32>
      %min3A_2243 = arith.minimumf %min3A_2231, %add3A_2242 : vector<16xf32>
      %get3A_2244 = arith.constant 784 : index
      %get3A_2245 = tpu.vector_load %arg9[%get3A_2244] {strides = array<i32>} : memref<4096xf32, #tpu.memory_space<vmem>>, vector<16xf32>,
      %get3A_2246 = vector.shape_cast %get3A_2245 : vector<16xf32> to vector<16xf32>
      %sub3A_2247 = arith.subf %get3A_1653, %get3A_2246 : vector<16xf32>
      %get3A_2248 = arith.constant 1808 : index
      %get3A_2249 = tpu.vector_load %arg9[%get3A_2248] {strides = array<i32>} : memref<4096xf32, #tpu.memory_space<vmem>>, vector<16xf32>,
      %get3A_2250 = vector.shape_cast %get3A_2249 : vector<16xf32> to vector<16xf32>
      %sub3A_2251 = arith.subf %get3A_1656, %get3A_2250 : vector<16xf32>
      %mul3A_2252 = arith.mulf %sub3A_2247, %sub3A_2247 : vector<16xf32>
      %mul3A_2253 = arith.mulf %sub3A_2251, %sub3A_2251 : vector<16xf32>
      %add3A_2254 = arith.addf %mul3A_2252, %mul3A_2253 : vector<16xf32>
      %min3A_2255 = arith.minimumf %min3A_2243, %add3A_2254 : vector<16xf32>
      %get3A_2256 = arith.constant 800 : index
      %get3A_2257 = tpu.vector_load %arg9[%get3A_2256] {strides = array<i32>} : memref<4096xf32, #tpu.memory_space<vmem>>, vector<16xf32>,
      %get3A_2258 = vector.shape_cast %get3A_2257 : vector<16xf32> to vector<16xf32>
      %sub3A_2259 = arith.subf %get3A_1653, %get3A_2258 : vector<16xf32>
      %get3A_2260 = arith.constant 1824 : index
      %get3A_2261 = tpu.vector_load %arg9[%get3A_2260] {strides = array<i32>} : memref<4096xf32, #tpu.memory_space<vmem>>, vector<16xf32>,
      %get3A_2262 = vector.shape_cast %get3A_2261 : vector<16xf32> to vector<16xf32>
      %sub3A_2263 = arith.subf %get3A_1656, %get3A_2262 : vector<16xf32>
      %mul3A_2264 = arith.mulf %sub3A_2259, %sub3A_2259 : vector<16xf32>
      %mul3A_2265 = arith.mulf %sub3A_2263, %sub3A_2263 : vector<16xf32>
      %add3A_2266 = arith.addf %mul3A_2264, %mul3A_2265 : vector<16xf32>
      %min3A_2267 = arith.minimumf %min3A_2255, %add3A_2266 : vector<16xf32>
      %get3A_2268 = arith.constant 816 : index
      %get3A_2269 = tpu.vector_load %arg9[%get3A_2268] {strides = array<i32>} : memref<4096xf32, #tpu.memory_space<vmem>>, vector<16xf32>,
      %get3A_2270 = vector.shape_cast %get3A_2269 : vector<16xf32> to vector<16xf32>
      %sub3A_2271 = arith.subf %get3A_1653, %get3A_2270 : vector<16xf32>
      %get3A_2272 = arith.constant 1840 : index
      %get3A_2273 = tpu.vector_load %arg9[%get3A_2272] {strides = array<i32>} : memref<4096xf32, #tpu.memory_space<vmem>>, vector<16xf32>,
      %get3A_2274 = vector.shape_cast %get3A_2273 : vector<16xf32> to vector<16xf32>
      %sub3A_2275 = arith.subf %get3A_1656, %get3A_2274 : vector<16xf32>
      %mul3A_2276 = arith.mulf %sub3A_2271, %sub3A_2271 : vector<16xf32>
      %mul3A_2277 = arith.mulf %sub3A_2275, %sub3A_2275 : vector<16xf32>
      %add3A_2278 = arith.addf %mul3A_2276, %mul3A_2277 : vector<16xf32>
      %min3A_2279 = arith.minimumf %min3A_2267, %add3A_2278 : vector<16xf32>
      %get3A_2280 = arith.constant 832 : index
      %get3A_2281 = tpu.vector_load %arg9[%get3A_2280] {strides = array<i32>} : memref<4096xf32, #tpu.memory_space<vmem>>, vector<16xf32>,
      %get3A_2282 = vector.shape_cast %get3A_2281 : vector<16xf32> to vector<16xf32>
      %sub3A_2283 = arith.subf %get3A_1653, %get3A_2282 : vector<16xf32>
      %get3A_2284 = arith.constant 1856 : index
      %get3A_2285 = tpu.vector_load %arg9[%get3A_2284] {strides = array<i32>} : memref<4096xf32, #tpu.memory_space<vmem>>, vector<16xf32>,
      %get3A_2286 = vector.shape_cast %get3A_2285 : vector<16xf32> to vector<16xf32>
      %sub3A_2287 = arith.subf %get3A_1656, %get3A_2286 : vector<16xf32>
      %mul3A_2288 = arith.mulf %sub3A_2283, %sub3A_2283 : vector<16xf32>
      %mul3A_2289 = arith.mulf %sub3A_2287, %sub3A_2287 : vector<16xf32>
      %add3A_2290 = arith.addf %mul3A_2288, %mul3A_2289 : vector<16xf32>
      %min3A_2291 = arith.minimumf %min3A_2279, %add3A_2290 : vector<16xf32>
      %get3A_2292 = arith.constant 848 : index
      %get3A_2293 = tpu.vector_load %arg9[%get3A_2292] {strides = array<i32>} : memref<4096xf32, #tpu.memory_space<vmem>>, vector<16xf32>,
      %get3A_2294 = vector.shape_cast %get3A_2293 : vector<16xf32> to vector<16xf32>
      %sub3A_2295 = arith.subf %get3A_1653, %get3A_2294 : vector<16xf32>
      %get3A_2296 = arith.constant 1872 : index
      %get3A_2297 = tpu.vector_load %arg9[%get3A_2296] {strides = array<i32>} : memref<4096xf32, #tpu.memory_space<vmem>>, vector<16xf32>,
      %get3A_2298 = vector.shape_cast %get3A_2297 : vector<16xf32> to vector<16xf32>
      %sub3A_2299 = arith.subf %get3A_1656, %get3A_2298 : vector<16xf32>
      %mul3A_2300 = arith.mulf %sub3A_2295, %sub3A_2295 : vector<16xf32>
      %mul3A_2301 = arith.mulf %sub3A_2299, %sub3A_2299 : vector<16xf32>
      %add3A_2302 = arith.addf %mul3A_2300, %mul3A_2301 : vector<16xf32>
      %min3A_2303 = arith.minimumf %min3A_2291, %add3A_2302 : vector<16xf32>
      %get3A_2304 = arith.constant 864 : index
      %get3A_2305 = tpu.vector_load %arg9[%get3A_2304] {strides = array<i32>} : memref<4096xf32, #tpu.memory_space<vmem>>, vector<16xf32>,
      %get3A_2306 = vector.shape_cast %get3A_2305 : vector<16xf32> to vector<16xf32>
      %sub3A_2307 = arith.subf %get3A_1653, %get3A_2306 : vector<16xf32>
      %get3A_2308 = arith.constant 1888 : index
      %get3A_2309 = tpu.vector_load %arg9[%get3A_2308] {strides = array<i32>} : memref<4096xf32, #tpu.memory_space<vmem>>, vector<16xf32>,
      %get3A_2310 = vector.shape_cast %get3A_2309 : vector<16xf32> to vector<16xf32>
      %sub3A_2311 = arith.subf %get3A_1656, %get3A_2310 : vector<16xf32>
      %mul3A_2312 = arith.mulf %sub3A_2307, %sub3A_2307 : vector<16xf32>
      %mul3A_2313 = arith.mulf %sub3A_2311, %sub3A_2311 : vector<16xf32>
      %add3A_2314 = arith.addf %mul3A_2312, %mul3A_2313 : vector<16xf32>
      %min3A_2315 = arith.minimumf %min3A_2303, %add3A_2314 : vector<16xf32>
      %get3A_2316 = arith.constant 880 : index
      %get3A_2317 = tpu.vector_load %arg9[%get3A_2316] {strides = array<i32>} : memref<4096xf32, #tpu.memory_space<vmem>>, vector<16xf32>,
      %get3A_2318 = vector.shape_cast %get3A_2317 : vector<16xf32> to vector<16xf32>
      %sub3A_2319 = arith.subf %get3A_1653, %get3A_2318 : vector<16xf32>
      %get3A_2320 = arith.constant 1904 : index
      %get3A_2321 = tpu.vector_load %arg9[%get3A_2320] {strides = array<i32>} : memref<4096xf32, #tpu.memory_space<vmem>>, vector<16xf32>,
      %get3A_2322 = vector.shape_cast %get3A_2321 : vector<16xf32> to vector<16xf32>
      %sub3A_2323 = arith.subf %get3A_1656, %get3A_2322 : vector<16xf32>
      %mul3A_2324 = arith.mulf %sub3A_2319, %sub3A_2319 : vector<16xf32>
      %mul3A_2325 = arith.mulf %sub3A_2323, %sub3A_2323 : vector<16xf32>
      %add3A_2326 = arith.addf %mul3A_2324, %mul3A_2325 : vector<16xf32>
      %min3A_2327 = arith.minimumf %min3A_2315, %add3A_2326 : vector<16xf32>
      %get3A_2328 = arith.constant 896 : index
      %get3A_2329 = tpu.vector_load %arg9[%get3A_2328] {strides = array<i32>} : memref<4096xf32, #tpu.memory_space<vmem>>, vector<16xf32>,
      %get3A_2330 = vector.shape_cast %get3A_2329 : vector<16xf32> to vector<16xf32>
      %sub3A_2331 = arith.subf %get3A_1653, %get3A_2330 : vector<16xf32>
      %get3A_2332 = arith.constant 1920 : index
      %get3A_2333 = tpu.vector_load %arg9[%get3A_2332] {strides = array<i32>} : memref<4096xf32, #tpu.memory_space<vmem>>, vector<16xf32>,
      %get3A_2334 = vector.shape_cast %get3A_2333 : vector<16xf32> to vector<16xf32>
      %sub3A_2335 = arith.subf %get3A_1656, %get3A_2334 : vector<16xf32>
      %mul3A_2336 = arith.mulf %sub3A_2331, %sub3A_2331 : vector<16xf32>
      %mul3A_2337 = arith.mulf %sub3A_2335, %sub3A_2335 : vector<16xf32>
      %add3A_2338 = arith.addf %mul3A_2336, %mul3A_2337 : vector<16xf32>
      %min3A_2339 = arith.minimumf %min3A_2327, %add3A_2338 : vector<16xf32>
      %get3A_2340 = arith.constant 912 : index
      %get3A_2341 = tpu.vector_load %arg9[%get3A_2340] {strides = array<i32>} : memref<4096xf32, #tpu.memory_space<vmem>>, vector<16xf32>,
      %get3A_2342 = vector.shape_cast %get3A_2341 : vector<16xf32> to vector<16xf32>
      %sub3A_2343 = arith.subf %get3A_1653, %get3A_2342 : vector<16xf32>
      %get3A_2344 = arith.constant 1936 : index
      %get3A_2345 = tpu.vector_load %arg9[%get3A_2344] {strides = array<i32>} : memref<4096xf32, #tpu.memory_space<vmem>>, vector<16xf32>,
      %get3A_2346 = vector.shape_cast %get3A_2345 : vector<16xf32> to vector<16xf32>
      %sub3A_2347 = arith.subf %get3A_1656, %get3A_2346 : vector<16xf32>
      %mul3A_2348 = arith.mulf %sub3A_2343, %sub3A_2343 : vector<16xf32>
      %mul3A_2349 = arith.mulf %sub3A_2347, %sub3A_2347 : vector<16xf32>
      %add3A_2350 = arith.addf %mul3A_2348, %mul3A_2349 : vector<16xf32>
      %min3A_2351 = arith.minimumf %min3A_2339, %add3A_2350 : vector<16xf32>
      %get3A_2352 = arith.constant 928 : index
      %get3A_2353 = tpu.vector_load %arg9[%get3A_2352] {strides = array<i32>} : memref<4096xf32, #tpu.memory_space<vmem>>, vector<16xf32>,
      %get3A_2354 = vector.shape_cast %get3A_2353 : vector<16xf32> to vector<16xf32>
      %sub3A_2355 = arith.subf %get3A_1653, %get3A_2354 : vector<16xf32>
      %get3A_2356 = arith.constant 1952 : index
      %get3A_2357 = tpu.vector_load %arg9[%get3A_2356] {strides = array<i32>} : memref<4096xf32, #tpu.memory_space<vmem>>, vector<16xf32>,
      %get3A_2358 = vector.shape_cast %get3A_2357 : vector<16xf32> to vector<16xf32>
      %sub3A_2359 = arith.subf %get3A_1656, %get3A_2358 : vector<16xf32>
      %mul3A_2360 = arith.mulf %sub3A_2355, %sub3A_2355 : vector<16xf32>
      %mul3A_2361 = arith.mulf %sub3A_2359, %sub3A_2359 : vector<16xf32>
      %add3A_2362 = arith.addf %mul3A_2360, %mul3A_2361 : vector<16xf32>
      %min3A_2363 = arith.minimumf %min3A_2351, %add3A_2362 : vector<16xf32>
      %get3A_2364 = arith.constant 944 : index
      %get3A_2365 = tpu.vector_load %arg9[%get3A_2364] {strides = array<i32>} : memref<4096xf32, #tpu.memory_space<vmem>>, vector<16xf32>,
      %get3A_2366 = vector.shape_cast %get3A_2365 : vector<16xf32> to vector<16xf32>
      %sub3A_2367 = arith.subf %get3A_1653, %get3A_2366 : vector<16xf32>
      %get3A_2368 = arith.constant 1968 : index
      %get3A_2369 = tpu.vector_load %arg9[%get3A_2368] {strides = array<i32>} : memref<4096xf32, #tpu.memory_space<vmem>>, vector<16xf32>,
      %get3A_2370 = vector.shape_cast %get3A_2369 : vector<16xf32> to vector<16xf32>
      %sub3A_2371 = arith.subf %get3A_1656, %get3A_2370 : vector<16xf32>
      %mul3A_2372 = arith.mulf %sub3A_2367, %sub3A_2367 : vector<16xf32>
      %mul3A_2373 = arith.mulf %sub3A_2371, %sub3A_2371 : vector<16xf32>
      %add3A_2374 = arith.addf %mul3A_2372, %mul3A_2373 : vector<16xf32>
      %min3A_2375 = arith.minimumf %min3A_2363, %add3A_2374 : vector<16xf32>
      %get3A_2376 = arith.constant 960 : index
      %get3A_2377 = tpu.vector_load %arg9[%get3A_2376] {strides = array<i32>} : memref<4096xf32, #tpu.memory_space<vmem>>, vector<16xf32>,
      %get3A_2378 = vector.shape_cast %get3A_2377 : vector<16xf32> to vector<16xf32>
      %sub3A_2379 = arith.subf %get3A_1653, %get3A_2378 : vector<16xf32>
      %get3A_2380 = arith.constant 1984 : index
      %get3A_2381 = tpu.vector_load %arg9[%get3A_2380] {strides = array<i32>} : memref<4096xf32, #tpu.memory_space<vmem>>, vector<16xf32>,
      %get3A_2382 = vector.shape_cast %get3A_2381 : vector<16xf32> to vector<16xf32>
      %sub3A_2383 = arith.subf %get3A_1656, %get3A_2382 : vector<16xf32>
      %mul3A_2384 = arith.mulf %sub3A_2379, %sub3A_2379 : vector<16xf32>
      %mul3A_2385 = arith.mulf %sub3A_2383, %sub3A_2383 : vector<16xf32>
      %add3A_2386 = arith.addf %mul3A_2384, %mul3A_2385 : vector<16xf32>
      %min3A_2387 = arith.minimumf %min3A_2375, %add3A_2386 : vector<16xf32>
      %get3A_2388 = arith.constant 976 : index
      %get3A_2389 = tpu.vector_load %arg9[%get3A_2388] {strides = array<i32>} : memref<4096xf32, #tpu.memory_space<vmem>>, vector<16xf32>,
      %get3A_2390 = vector.shape_cast %get3A_2389 : vector<16xf32> to vector<16xf32>
      %sub3A_2391 = arith.subf %get3A_1653, %get3A_2390 : vector<16xf32>
      %get3A_2392 = arith.constant 2000 : index
      %get3A_2393 = tpu.vector_load %arg9[%get3A_2392] {strides = array<i32>} : memref<4096xf32, #tpu.memory_space<vmem>>, vector<16xf32>,
      %get3A_2394 = vector.shape_cast %get3A_2393 : vector<16xf32> to vector<16xf32>
      %sub3A_2395 = arith.subf %get3A_1656, %get3A_2394 : vector<16xf32>
      %mul3A_2396 = arith.mulf %sub3A_2391, %sub3A_2391 : vector<16xf32>
      %mul3A_2397 = arith.mulf %sub3A_2395, %sub3A_2395 : vector<16xf32>
      %add3A_2398 = arith.addf %mul3A_2396, %mul3A_2397 : vector<16xf32>
      %min3A_2399 = arith.minimumf %min3A_2387, %add3A_2398 : vector<16xf32>
      %get3A_2400 = arith.constant 992 : index
      %get3A_2401 = tpu.vector_load %arg9[%get3A_2400] {strides = array<i32>} : memref<4096xf32, #tpu.memory_space<vmem>>, vector<16xf32>,
      %get3A_2402 = vector.shape_cast %get3A_2401 : vector<16xf32> to vector<16xf32>
      %sub3A_2403 = arith.subf %get3A_1653, %get3A_2402 : vector<16xf32>
      %get3A_2404 = arith.constant 2016 : index
      %get3A_2405 = tpu.vector_load %arg9[%get3A_2404] {strides = array<i32>} : memref<4096xf32, #tpu.memory_space<vmem>>, vector<16xf32>,
      %get3A_2406 = vector.shape_cast %get3A_2405 : vector<16xf32> to vector<16xf32>
      %sub3A_2407 = arith.subf %get3A_1656, %get3A_2406 : vector<16xf32>
      %mul3A_2408 = arith.mulf %sub3A_2403, %sub3A_2403 : vector<16xf32>
      %mul3A_2409 = arith.mulf %sub3A_2407, %sub3A_2407 : vector<16xf32>
      %add3A_2410 = arith.addf %mul3A_2408, %mul3A_2409 : vector<16xf32>
      %min3A_2411 = arith.minimumf %min3A_2399, %add3A_2410 : vector<16xf32>
      %get3A_2412 = arith.constant 1008 : index
      %get3A_2413 = tpu.vector_load %arg9[%get3A_2412] {strides = array<i32>} : memref<4096xf32, #tpu.memory_space<vmem>>, vector<16xf32>,
      %get3A_2414 = vector.shape_cast %get3A_2413 : vector<16xf32> to vector<16xf32>
      %sub3A_2415 = arith.subf %get3A_1653, %get3A_2414 : vector<16xf32>
      %get3A_2416 = arith.constant 2032 : index
      %get3A_2417 = tpu.vector_load %arg9[%get3A_2416] {strides = array<i32>} : memref<4096xf32, #tpu.memory_space<vmem>>, vector<16xf32>,
      %get3A_2418 = vector.shape_cast %get3A_2417 : vector<16xf32> to vector<16xf32>
      %sub3A_2419 = arith.subf %get3A_1656, %get3A_2418 : vector<16xf32>
      %mul3A_2420 = arith.mulf %sub3A_2415, %sub3A_2415 : vector<16xf32>
      %mul3A_2421 = arith.mulf %sub3A_2419, %sub3A_2419 : vector<16xf32>
      %add3A_2422 = arith.addf %mul3A_2420, %mul3A_2421 : vector<16xf32>
      %min3A_2423 = arith.minimumf %min3A_2411, %add3A_2422 : vector<16xf32>
      %max3A_2424 = arith.constant 1.000000e-30 : f32
      %max3A_2425 = vector.broadcast %max3A_2424 : f32 to vector<16xf32>
      %max3A_2426 = arith.maximumf %min3A_2423, %max3A_2425 : vector<16xf32>
      %bitcast_convert_type3A_2427 = tpu.bitcast %max3A_2426 : vector<16xf32> -> vector<16xi32>
      %shift_right_arithmetic3A_2428 = arith.constant 1 : i32
      %shift_right_arithmetic3A_2429 = vector.broadcast %shift_right_arithmetic3A_2428 : i32 to vector<16xi32>
      %shift_right_arithmetic3A_2430 = arith.shrsi %bitcast_convert_type3A_2427, %shift_right_arithmetic3A_2429 : vector<16xi32>
      %sub3A_2431 = arith.constant 1597463007 : i32
      %sub3A_2432 = vector.broadcast %sub3A_2431 : i32 to vector<16xi32>
      %sub3A_2433 = arith.subi %sub3A_2432, %shift_right_arithmetic3A_2430 : vector<16xi32>
      %bitcast_convert_type3A_2434 = tpu.bitcast %sub3A_2433 : vector<16xi32> -> vector<16xf32>
      %mul3A_2435 = arith.constant 5.000000e-01 : f32
      %mul3A_2436 = vector.broadcast %mul3A_2435 : f32 to vector<16xf32>
      %mul3A_2437 = arith.mulf %mul3A_2436, %max3A_2426 : vector<16xf32>
      %mul3A_2438 = arith.mulf %mul3A_2437, %bitcast_convert_type3A_2434 : vector<16xf32>
      %mul3A_2439 = arith.mulf %mul3A_2438, %bitcast_convert_type3A_2434 : vector<16xf32>
      %sub3A_2440 = arith.constant 1.500000e+00 : f32
      %sub3A_2441 = vector.broadcast %sub3A_2440 : f32 to vector<16xf32>
      %sub3A_2442 = arith.subf %sub3A_2441, %mul3A_2439 : vector<16xf32>
      %mul3A_2443 = arith.mulf %bitcast_convert_type3A_2434, %sub3A_2442 : vector<16xf32>
      %mul3A_2444 = arith.constant 5.000000e-01 : f32
      %mul3A_2445 = vector.broadcast %mul3A_2444 : f32 to vector<16xf32>
      %mul3A_2446 = arith.mulf %mul3A_2445, %max3A_2426 : vector<16xf32>
      %mul3A_2447 = arith.mulf %mul3A_2446, %mul3A_2443 : vector<16xf32>
      %mul3A_2448 = arith.mulf %mul3A_2447, %mul3A_2443 : vector<16xf32>
      %sub3A_2449 = arith.constant 1.500000e+00 : f32
      %sub3A_2450 = vector.broadcast %sub3A_2449 : f32 to vector<16xf32>
      %sub3A_2451 = arith.subf %sub3A_2450, %mul3A_2448 : vector<16xf32>
      %mul3A_2452 = arith.mulf %mul3A_2443, %sub3A_2451 : vector<16xf32>
      %mul3A_2453 = arith.constant 5.000000e-01 : f32
      %mul3A_2454 = vector.broadcast %mul3A_2453 : f32 to vector<16xf32>
      %mul3A_2455 = arith.mulf %mul3A_2454, %max3A_2426 : vector<16xf32>
      %mul3A_2456 = arith.mulf %mul3A_2455, %mul3A_2452 : vector<16xf32>
      %mul3A_2457 = arith.mulf %mul3A_2456, %mul3A_2452 : vector<16xf32>
      %sub3A_2458 = arith.constant 1.500000e+00 : f32
      %sub3A_2459 = vector.broadcast %sub3A_2458 : f32 to vector<16xf32>
      %sub3A_2460 = arith.subf %sub3A_2459, %mul3A_2457 : vector<16xf32>
      %mul3A_2461 = arith.mulf %mul3A_2452, %sub3A_2460 : vector<16xf32>
      %mul3A_2462 = arith.mulf %max3A_2426, %mul3A_2461 : vector<16xf32>
      %neg3A_2463 = arith.constant 0.000000e+00 : f32
      %neg3A_2464 = vector.broadcast %neg3A_2463 : f32 to vector<16xf32>
      %neg3A_2465 = arith.subf %neg3A_2464, %mul3A_2462 : vector<16xf32>
      %div3A_2466 = arith.constant 2.000000e-01 : f32
      %div3A_2467 = vector.broadcast %div3A_2466 : f32 to vector<16xf32>
      %div3A_2468 = arith.divf %neg3A_2465, %div3A_2467 : vector<16xf32>
      %exp3A_2469 = math.exp %div3A_2468 : vector<16xf32>
      %mul3A_2470 = arith.constant 1.000000e+01 : f32
      %mul3A_2471 = vector.broadcast %mul3A_2470 : f32 to vector<16xf32>
      %mul3A_2472 = arith.mulf %mul3A_2471, %exp3A_2469 : vector<16xf32>
      %swap3A_2473 = arith.index_cast %mul3A_1650 : i32 to index
      %swap3A_2474 = tpu.vector_load %arg10[%swap3A_2473] {strides = array<i32>} : memref<512xf32, #tpu.memory_space<vmem>>, vector<16xf32>,
      %swap3A_2475 = vector.shape_cast %swap3A_2474 : vector<16xf32> to vector<16xf32>
      %swap3A_2476 = vector.shape_cast %mul3A_2472 : vector<16xf32> to vector<16xf32>
      tpu.vector_store %arg10[%swap3A_2473], %swap3A_2476 {strides = array<i32>} : memref<512xf32, #tpu.memory_space<vmem>>, vector<16xf32>,
      %get3A_2477 = arith.constant 2048 : index
      %get3A_2478 = tpu.vector_load %arg9[%get3A_2477] {strides = array<i32>} : memref<4096xf32, #tpu.memory_space<vmem>>, vector<16xf32>,
      %get3A_2479 = vector.shape_cast %get3A_2478 : vector<16xf32> to vector<16xf32>
      %sub3A_2480 = arith.subf %get3A_1653, %get3A_2479 : vector<16xf32>
      %get3A_2481 = arith.constant 3072 : index
      %get3A_2482 = tpu.vector_load %arg9[%get3A_2481] {strides = array<i32>} : memref<4096xf32, #tpu.memory_space<vmem>>, vector<16xf32>,
      %get3A_2483 = vector.shape_cast %get3A_2482 : vector<16xf32> to vector<16xf32>
      %sub3A_2484 = arith.subf %get3A_1656, %get3A_2483 : vector<16xf32>
      %mul3A_2485 = arith.mulf %sub3A_2480, %sub3A_2480 : vector<16xf32>
      %mul3A_2486 = arith.mulf %sub3A_2484, %sub3A_2484 : vector<16xf32>
      %add3A_2487 = arith.addf %mul3A_2485, %mul3A_2486 : vector<16xf32>
      %get3A_2488 = arith.constant 2064 : index
      %get3A_2489 = tpu.vector_load %arg9[%get3A_2488] {strides = array<i32>} : memref<4096xf32, #tpu.memory_space<vmem>>, vector<16xf32>,
      %get3A_2490 = vector.shape_cast %get3A_2489 : vector<16xf32> to vector<16xf32>
      %sub3A_2491 = arith.subf %get3A_1653, %get3A_2490 : vector<16xf32>
      %get3A_2492 = arith.constant 3088 : index
      %get3A_2493 = tpu.vector_load %arg9[%get3A_2492] {strides = array<i32>} : memref<4096xf32, #tpu.memory_space<vmem>>, vector<16xf32>,
      %get3A_2494 = vector.shape_cast %get3A_2493 : vector<16xf32> to vector<16xf32>
      %sub3A_2495 = arith.subf %get3A_1656, %get3A_2494 : vector<16xf32>
      %mul3A_2496 = arith.mulf %sub3A_2491, %sub3A_2491 : vector<16xf32>
      %mul3A_2497 = arith.mulf %sub3A_2495, %sub3A_2495 : vector<16xf32>
      %add3A_2498 = arith.addf %mul3A_2496, %mul3A_2497 : vector<16xf32>
      %min3A_2499 = arith.minimumf %add3A_2487, %add3A_2498 : vector<16xf32>
      %get3A_2500 = arith.constant 2080 : index
      %get3A_2501 = tpu.vector_load %arg9[%get3A_2500] {strides = array<i32>} : memref<4096xf32, #tpu.memory_space<vmem>>, vector<16xf32>,
      %get3A_2502 = vector.shape_cast %get3A_2501 : vector<16xf32> to vector<16xf32>
      %sub3A_2503 = arith.subf %get3A_1653, %get3A_2502 : vector<16xf32>
      %get3A_2504 = arith.constant 3104 : index
      %get3A_2505 = tpu.vector_load %arg9[%get3A_2504] {strides = array<i32>} : memref<4096xf32, #tpu.memory_space<vmem>>, vector<16xf32>,
      %get3A_2506 = vector.shape_cast %get3A_2505 : vector<16xf32> to vector<16xf32>
      %sub3A_2507 = arith.subf %get3A_1656, %get3A_2506 : vector<16xf32>
      %mul3A_2508 = arith.mulf %sub3A_2503, %sub3A_2503 : vector<16xf32>
      %mul3A_2509 = arith.mulf %sub3A_2507, %sub3A_2507 : vector<16xf32>
      %add3A_2510 = arith.addf %mul3A_2508, %mul3A_2509 : vector<16xf32>
      %min3A_2511 = arith.minimumf %min3A_2499, %add3A_2510 : vector<16xf32>
      %get3A_2512 = arith.constant 2096 : index
      %get3A_2513 = tpu.vector_load %arg9[%get3A_2512] {strides = array<i32>} : memref<4096xf32, #tpu.memory_space<vmem>>, vector<16xf32>,
      %get3A_2514 = vector.shape_cast %get3A_2513 : vector<16xf32> to vector<16xf32>
      %sub3A_2515 = arith.subf %get3A_1653, %get3A_2514 : vector<16xf32>
      %get3A_2516 = arith.constant 3120 : index
      %get3A_2517 = tpu.vector_load %arg9[%get3A_2516] {strides = array<i32>} : memref<4096xf32, #tpu.memory_space<vmem>>, vector<16xf32>,
      %get3A_2518 = vector.shape_cast %get3A_2517 : vector<16xf32> to vector<16xf32>
      %sub3A_2519 = arith.subf %get3A_1656, %get3A_2518 : vector<16xf32>
      %mul3A_2520 = arith.mulf %sub3A_2515, %sub3A_2515 : vector<16xf32>
      %mul3A_2521 = arith.mulf %sub3A_2519, %sub3A_2519 : vector<16xf32>
      %add3A_2522 = arith.addf %mul3A_2520, %mul3A_2521 : vector<16xf32>
      %min3A_2523 = arith.minimumf %min3A_2511, %add3A_2522 : vector<16xf32>
      %get3A_2524 = arith.constant 2112 : index
      %get3A_2525 = tpu.vector_load %arg9[%get3A_2524] {strides = array<i32>} : memref<4096xf32, #tpu.memory_space<vmem>>, vector<16xf32>,
      %get3A_2526 = vector.shape_cast %get3A_2525 : vector<16xf32> to vector<16xf32>
      %sub3A_2527 = arith.subf %get3A_1653, %get3A_2526 : vector<16xf32>
      %get3A_2528 = arith.constant 3136 : index
      %get3A_2529 = tpu.vector_load %arg9[%get3A_2528] {strides = array<i32>} : memref<4096xf32, #tpu.memory_space<vmem>>, vector<16xf32>,
      %get3A_2530 = vector.shape_cast %get3A_2529 : vector<16xf32> to vector<16xf32>
      %sub3A_2531 = arith.subf %get3A_1656, %get3A_2530 : vector<16xf32>
      %mul3A_2532 = arith.mulf %sub3A_2527, %sub3A_2527 : vector<16xf32>
      %mul3A_2533 = arith.mulf %sub3A_2531, %sub3A_2531 : vector<16xf32>
      %add3A_2534 = arith.addf %mul3A_2532, %mul3A_2533 : vector<16xf32>
      %min3A_2535 = arith.minimumf %min3A_2523, %add3A_2534 : vector<16xf32>
      %get3A_2536 = arith.constant 2128 : index
      %get3A_2537 = tpu.vector_load %arg9[%get3A_2536] {strides = array<i32>} : memref<4096xf32, #tpu.memory_space<vmem>>, vector<16xf32>,
      %get3A_2538 = vector.shape_cast %get3A_2537 : vector<16xf32> to vector<16xf32>
      %sub3A_2539 = arith.subf %get3A_1653, %get3A_2538 : vector<16xf32>
      %get3A_2540 = arith.constant 3152 : index
      %get3A_2541 = tpu.vector_load %arg9[%get3A_2540] {strides = array<i32>} : memref<4096xf32, #tpu.memory_space<vmem>>, vector<16xf32>,
      %get3A_2542 = vector.shape_cast %get3A_2541 : vector<16xf32> to vector<16xf32>
      %sub3A_2543 = arith.subf %get3A_1656, %get3A_2542 : vector<16xf32>
      %mul3A_2544 = arith.mulf %sub3A_2539, %sub3A_2539 : vector<16xf32>
      %mul3A_2545 = arith.mulf %sub3A_2543, %sub3A_2543 : vector<16xf32>
      %add3A_2546 = arith.addf %mul3A_2544, %mul3A_2545 : vector<16xf32>
      %min3A_2547 = arith.minimumf %min3A_2535, %add3A_2546 : vector<16xf32>
      %get3A_2548 = arith.constant 2144 : index
      %get3A_2549 = tpu.vector_load %arg9[%get3A_2548] {strides = array<i32>} : memref<4096xf32, #tpu.memory_space<vmem>>, vector<16xf32>,
      %get3A_2550 = vector.shape_cast %get3A_2549 : vector<16xf32> to vector<16xf32>
      %sub3A_2551 = arith.subf %get3A_1653, %get3A_2550 : vector<16xf32>
      %get3A_2552 = arith.constant 3168 : index
      %get3A_2553 = tpu.vector_load %arg9[%get3A_2552] {strides = array<i32>} : memref<4096xf32, #tpu.memory_space<vmem>>, vector<16xf32>,
      %get3A_2554 = vector.shape_cast %get3A_2553 : vector<16xf32> to vector<16xf32>
      %sub3A_2555 = arith.subf %get3A_1656, %get3A_2554 : vector<16xf32>
      %mul3A_2556 = arith.mulf %sub3A_2551, %sub3A_2551 : vector<16xf32>
      %mul3A_2557 = arith.mulf %sub3A_2555, %sub3A_2555 : vector<16xf32>
      %add3A_2558 = arith.addf %mul3A_2556, %mul3A_2557 : vector<16xf32>
      %min3A_2559 = arith.minimumf %min3A_2547, %add3A_2558 : vector<16xf32>
      %get3A_2560 = arith.constant 2160 : index
      %get3A_2561 = tpu.vector_load %arg9[%get3A_2560] {strides = array<i32>} : memref<4096xf32, #tpu.memory_space<vmem>>, vector<16xf32>,
      %get3A_2562 = vector.shape_cast %get3A_2561 : vector<16xf32> to vector<16xf32>
      %sub3A_2563 = arith.subf %get3A_1653, %get3A_2562 : vector<16xf32>
      %get3A_2564 = arith.constant 3184 : index
      %get3A_2565 = tpu.vector_load %arg9[%get3A_2564] {strides = array<i32>} : memref<4096xf32, #tpu.memory_space<vmem>>, vector<16xf32>,
      %get3A_2566 = vector.shape_cast %get3A_2565 : vector<16xf32> to vector<16xf32>
      %sub3A_2567 = arith.subf %get3A_1656, %get3A_2566 : vector<16xf32>
      %mul3A_2568 = arith.mulf %sub3A_2563, %sub3A_2563 : vector<16xf32>
      %mul3A_2569 = arith.mulf %sub3A_2567, %sub3A_2567 : vector<16xf32>
      %add3A_2570 = arith.addf %mul3A_2568, %mul3A_2569 : vector<16xf32>
      %min3A_2571 = arith.minimumf %min3A_2559, %add3A_2570 : vector<16xf32>
      %get3A_2572 = arith.constant 2176 : index
      %get3A_2573 = tpu.vector_load %arg9[%get3A_2572] {strides = array<i32>} : memref<4096xf32, #tpu.memory_space<vmem>>, vector<16xf32>,
      %get3A_2574 = vector.shape_cast %get3A_2573 : vector<16xf32> to vector<16xf32>
      %sub3A_2575 = arith.subf %get3A_1653, %get3A_2574 : vector<16xf32>
      %get3A_2576 = arith.constant 3200 : index
      %get3A_2577 = tpu.vector_load %arg9[%get3A_2576] {strides = array<i32>} : memref<4096xf32, #tpu.memory_space<vmem>>, vector<16xf32>,
      %get3A_2578 = vector.shape_cast %get3A_2577 : vector<16xf32> to vector<16xf32>
      %sub3A_2579 = arith.subf %get3A_1656, %get3A_2578 : vector<16xf32>
      %mul3A_2580 = arith.mulf %sub3A_2575, %sub3A_2575 : vector<16xf32>
      %mul3A_2581 = arith.mulf %sub3A_2579, %sub3A_2579 : vector<16xf32>
      %add3A_2582 = arith.addf %mul3A_2580, %mul3A_2581 : vector<16xf32>
      %min3A_2583 = arith.minimumf %min3A_2571, %add3A_2582 : vector<16xf32>
      %get3A_2584 = arith.constant 2192 : index
      %get3A_2585 = tpu.vector_load %arg9[%get3A_2584] {strides = array<i32>} : memref<4096xf32, #tpu.memory_space<vmem>>, vector<16xf32>,
      %get3A_2586 = vector.shape_cast %get3A_2585 : vector<16xf32> to vector<16xf32>
      %sub3A_2587 = arith.subf %get3A_1653, %get3A_2586 : vector<16xf32>
      %get3A_2588 = arith.constant 3216 : index
      %get3A_2589 = tpu.vector_load %arg9[%get3A_2588] {strides = array<i32>} : memref<4096xf32, #tpu.memory_space<vmem>>, vector<16xf32>,
      %get3A_2590 = vector.shape_cast %get3A_2589 : vector<16xf32> to vector<16xf32>
      %sub3A_2591 = arith.subf %get3A_1656, %get3A_2590 : vector<16xf32>
      %mul3A_2592 = arith.mulf %sub3A_2587, %sub3A_2587 : vector<16xf32>
      %mul3A_2593 = arith.mulf %sub3A_2591, %sub3A_2591 : vector<16xf32>
      %add3A_2594 = arith.addf %mul3A_2592, %mul3A_2593 : vector<16xf32>
      %min3A_2595 = arith.minimumf %min3A_2583, %add3A_2594 : vector<16xf32>
      %get3A_2596 = arith.constant 2208 : index
      %get3A_2597 = tpu.vector_load %arg9[%get3A_2596] {strides = array<i32>} : memref<4096xf32, #tpu.memory_space<vmem>>, vector<16xf32>,
      %get3A_2598 = vector.shape_cast %get3A_2597 : vector<16xf32> to vector<16xf32>
      %sub3A_2599 = arith.subf %get3A_1653, %get3A_2598 : vector<16xf32>
      %get3A_2600 = arith.constant 3232 : index
      %get3A_2601 = tpu.vector_load %arg9[%get3A_2600] {strides = array<i32>} : memref<4096xf32, #tpu.memory_space<vmem>>, vector<16xf32>,
      %get3A_2602 = vector.shape_cast %get3A_2601 : vector<16xf32> to vector<16xf32>
      %sub3A_2603 = arith.subf %get3A_1656, %get3A_2602 : vector<16xf32>
      %mul3A_2604 = arith.mulf %sub3A_2599, %sub3A_2599 : vector<16xf32>
      %mul3A_2605 = arith.mulf %sub3A_2603, %sub3A_2603 : vector<16xf32>
      %add3A_2606 = arith.addf %mul3A_2604, %mul3A_2605 : vector<16xf32>
      %min3A_2607 = arith.minimumf %min3A_2595, %add3A_2606 : vector<16xf32>
      %get3A_2608 = arith.constant 2224 : index
      %get3A_2609 = tpu.vector_load %arg9[%get3A_2608] {strides = array<i32>} : memref<4096xf32, #tpu.memory_space<vmem>>, vector<16xf32>,
      %get3A_2610 = vector.shape_cast %get3A_2609 : vector<16xf32> to vector<16xf32>
      %sub3A_2611 = arith.subf %get3A_1653, %get3A_2610 : vector<16xf32>
      %get3A_2612 = arith.constant 3248 : index
      %get3A_2613 = tpu.vector_load %arg9[%get3A_2612] {strides = array<i32>} : memref<4096xf32, #tpu.memory_space<vmem>>, vector<16xf32>,
      %get3A_2614 = vector.shape_cast %get3A_2613 : vector<16xf32> to vector<16xf32>
      %sub3A_2615 = arith.subf %get3A_1656, %get3A_2614 : vector<16xf32>
      %mul3A_2616 = arith.mulf %sub3A_2611, %sub3A_2611 : vector<16xf32>
      %mul3A_2617 = arith.mulf %sub3A_2615, %sub3A_2615 : vector<16xf32>
      %add3A_2618 = arith.addf %mul3A_2616, %mul3A_2617 : vector<16xf32>
      %min3A_2619 = arith.minimumf %min3A_2607, %add3A_2618 : vector<16xf32>
      %get3A_2620 = arith.constant 2240 : index
      %get3A_2621 = tpu.vector_load %arg9[%get3A_2620] {strides = array<i32>} : memref<4096xf32, #tpu.memory_space<vmem>>, vector<16xf32>,
      %get3A_2622 = vector.shape_cast %get3A_2621 : vector<16xf32> to vector<16xf32>
      %sub3A_2623 = arith.subf %get3A_1653, %get3A_2622 : vector<16xf32>
      %get3A_2624 = arith.constant 3264 : index
      %get3A_2625 = tpu.vector_load %arg9[%get3A_2624] {strides = array<i32>} : memref<4096xf32, #tpu.memory_space<vmem>>, vector<16xf32>,
      %get3A_2626 = vector.shape_cast %get3A_2625 : vector<16xf32> to vector<16xf32>
      %sub3A_2627 = arith.subf %get3A_1656, %get3A_2626 : vector<16xf32>
      %mul3A_2628 = arith.mulf %sub3A_2623, %sub3A_2623 : vector<16xf32>
      %mul3A_2629 = arith.mulf %sub3A_2627, %sub3A_2627 : vector<16xf32>
      %add3A_2630 = arith.addf %mul3A_2628, %mul3A_2629 : vector<16xf32>
      %min3A_2631 = arith.minimumf %min3A_2619, %add3A_2630 : vector<16xf32>
      %get3A_2632 = arith.constant 2256 : index
      %get3A_2633 = tpu.vector_load %arg9[%get3A_2632] {strides = array<i32>} : memref<4096xf32, #tpu.memory_space<vmem>>, vector<16xf32>,
      %get3A_2634 = vector.shape_cast %get3A_2633 : vector<16xf32> to vector<16xf32>
      %sub3A_2635 = arith.subf %get3A_1653, %get3A_2634 : vector<16xf32>
      %get3A_2636 = arith.constant 3280 : index
      %get3A_2637 = tpu.vector_load %arg9[%get3A_2636] {strides = array<i32>} : memref<4096xf32, #tpu.memory_space<vmem>>, vector<16xf32>,
      %get3A_2638 = vector.shape_cast %get3A_2637 : vector<16xf32> to vector<16xf32>
      %sub3A_2639 = arith.subf %get3A_1656, %get3A_2638 : vector<16xf32>
      %mul3A_2640 = arith.mulf %sub3A_2635, %sub3A_2635 : vector<16xf32>
      %mul3A_2641 = arith.mulf %sub3A_2639, %sub3A_2639 : vector<16xf32>
      %add3A_2642 = arith.addf %mul3A_2640, %mul3A_2641 : vector<16xf32>
      %min3A_2643 = arith.minimumf %min3A_2631, %add3A_2642 : vector<16xf32>
      %get3A_2644 = arith.constant 2272 : index
      %get3A_2645 = tpu.vector_load %arg9[%get3A_2644] {strides = array<i32>} : memref<4096xf32, #tpu.memory_space<vmem>>, vector<16xf32>,
      %get3A_2646 = vector.shape_cast %get3A_2645 : vector<16xf32> to vector<16xf32>
      %sub3A_2647 = arith.subf %get3A_1653, %get3A_2646 : vector<16xf32>
      %get3A_2648 = arith.constant 3296 : index
      %get3A_2649 = tpu.vector_load %arg9[%get3A_2648] {strides = array<i32>} : memref<4096xf32, #tpu.memory_space<vmem>>, vector<16xf32>,
      %get3A_2650 = vector.shape_cast %get3A_2649 : vector<16xf32> to vector<16xf32>
      %sub3A_2651 = arith.subf %get3A_1656, %get3A_2650 : vector<16xf32>
      %mul3A_2652 = arith.mulf %sub3A_2647, %sub3A_2647 : vector<16xf32>
      %mul3A_2653 = arith.mulf %sub3A_2651, %sub3A_2651 : vector<16xf32>
      %add3A_2654 = arith.addf %mul3A_2652, %mul3A_2653 : vector<16xf32>
      %min3A_2655 = arith.minimumf %min3A_2643, %add3A_2654 : vector<16xf32>
      %get3A_2656 = arith.constant 2288 : index
      %get3A_2657 = tpu.vector_load %arg9[%get3A_2656] {strides = array<i32>} : memref<4096xf32, #tpu.memory_space<vmem>>, vector<16xf32>,
      %get3A_2658 = vector.shape_cast %get3A_2657 : vector<16xf32> to vector<16xf32>
      %sub3A_2659 = arith.subf %get3A_1653, %get3A_2658 : vector<16xf32>
      %get3A_2660 = arith.constant 3312 : index
      %get3A_2661 = tpu.vector_load %arg9[%get3A_2660] {strides = array<i32>} : memref<4096xf32, #tpu.memory_space<vmem>>, vector<16xf32>,
      %get3A_2662 = vector.shape_cast %get3A_2661 : vector<16xf32> to vector<16xf32>
      %sub3A_2663 = arith.subf %get3A_1656, %get3A_2662 : vector<16xf32>
      %mul3A_2664 = arith.mulf %sub3A_2659, %sub3A_2659 : vector<16xf32>
      %mul3A_2665 = arith.mulf %sub3A_2663, %sub3A_2663 : vector<16xf32>
      %add3A_2666 = arith.addf %mul3A_2664, %mul3A_2665 : vector<16xf32>
      %min3A_2667 = arith.minimumf %min3A_2655, %add3A_2666 : vector<16xf32>
      %get3A_2668 = arith.constant 2304 : index
      %get3A_2669 = tpu.vector_load %arg9[%get3A_2668] {strides = array<i32>} : memref<4096xf32, #tpu.memory_space<vmem>>, vector<16xf32>,
      %get3A_2670 = vector.shape_cast %get3A_2669 : vector<16xf32> to vector<16xf32>
      %sub3A_2671 = arith.subf %get3A_1653, %get3A_2670 : vector<16xf32>
      %get3A_2672 = arith.constant 3328 : index
      %get3A_2673 = tpu.vector_load %arg9[%get3A_2672] {strides = array<i32>} : memref<4096xf32, #tpu.memory_space<vmem>>, vector<16xf32>,
      %get3A_2674 = vector.shape_cast %get3A_2673 : vector<16xf32> to vector<16xf32>
      %sub3A_2675 = arith.subf %get3A_1656, %get3A_2674 : vector<16xf32>
      %mul3A_2676 = arith.mulf %sub3A_2671, %sub3A_2671 : vector<16xf32>
      %mul3A_2677 = arith.mulf %sub3A_2675, %sub3A_2675 : vector<16xf32>
      %add3A_2678 = arith.addf %mul3A_2676, %mul3A_2677 : vector<16xf32>
      %min3A_2679 = arith.minimumf %min3A_2667, %add3A_2678 : vector<16xf32>
      %get3A_2680 = arith.constant 2320 : index
      %get3A_2681 = tpu.vector_load %arg9[%get3A_2680] {strides = array<i32>} : memref<4096xf32, #tpu.memory_space<vmem>>, vector<16xf32>,
      %get3A_2682 = vector.shape_cast %get3A_2681 : vector<16xf32> to vector<16xf32>
      %sub3A_2683 = arith.subf %get3A_1653, %get3A_2682 : vector<16xf32>
      %get3A_2684 = arith.constant 3344 : index
      %get3A_2685 = tpu.vector_load %arg9[%get3A_2684] {strides = array<i32>} : memref<4096xf32, #tpu.memory_space<vmem>>, vector<16xf32>,
      %get3A_2686 = vector.shape_cast %get3A_2685 : vector<16xf32> to vector<16xf32>
      %sub3A_2687 = arith.subf %get3A_1656, %get3A_2686 : vector<16xf32>
      %mul3A_2688 = arith.mulf %sub3A_2683, %sub3A_2683 : vector<16xf32>
      %mul3A_2689 = arith.mulf %sub3A_2687, %sub3A_2687 : vector<16xf32>
      %add3A_2690 = arith.addf %mul3A_2688, %mul3A_2689 : vector<16xf32>
      %min3A_2691 = arith.minimumf %min3A_2679, %add3A_2690 : vector<16xf32>
      %get3A_2692 = arith.constant 2336 : index
      %get3A_2693 = tpu.vector_load %arg9[%get3A_2692] {strides = array<i32>} : memref<4096xf32, #tpu.memory_space<vmem>>, vector<16xf32>,
      %get3A_2694 = vector.shape_cast %get3A_2693 : vector<16xf32> to vector<16xf32>
      %sub3A_2695 = arith.subf %get3A_1653, %get3A_2694 : vector<16xf32>
      %get3A_2696 = arith.constant 3360 : index
      %get3A_2697 = tpu.vector_load %arg9[%get3A_2696] {strides = array<i32>} : memref<4096xf32, #tpu.memory_space<vmem>>, vector<16xf32>,
      %get3A_2698 = vector.shape_cast %get3A_2697 : vector<16xf32> to vector<16xf32>
      %sub3A_2699 = arith.subf %get3A_1656, %get3A_2698 : vector<16xf32>
      %mul3A_2700 = arith.mulf %sub3A_2695, %sub3A_2695 : vector<16xf32>
      %mul3A_2701 = arith.mulf %sub3A_2699, %sub3A_2699 : vector<16xf32>
      %add3A_2702 = arith.addf %mul3A_2700, %mul3A_2701 : vector<16xf32>
      %min3A_2703 = arith.minimumf %min3A_2691, %add3A_2702 : vector<16xf32>
      %get3A_2704 = arith.constant 2352 : index
      %get3A_2705 = tpu.vector_load %arg9[%get3A_2704] {strides = array<i32>} : memref<4096xf32, #tpu.memory_space<vmem>>, vector<16xf32>,
      %get3A_2706 = vector.shape_cast %get3A_2705 : vector<16xf32> to vector<16xf32>
      %sub3A_2707 = arith.subf %get3A_1653, %get3A_2706 : vector<16xf32>
      %get3A_2708 = arith.constant 3376 : index
      %get3A_2709 = tpu.vector_load %arg9[%get3A_2708] {strides = array<i32>} : memref<4096xf32, #tpu.memory_space<vmem>>, vector<16xf32>,
      %get3A_2710 = vector.shape_cast %get3A_2709 : vector<16xf32> to vector<16xf32>
      %sub3A_2711 = arith.subf %get3A_1656, %get3A_2710 : vector<16xf32>
      %mul3A_2712 = arith.mulf %sub3A_2707, %sub3A_2707 : vector<16xf32>
      %mul3A_2713 = arith.mulf %sub3A_2711, %sub3A_2711 : vector<16xf32>
      %add3A_2714 = arith.addf %mul3A_2712, %mul3A_2713 : vector<16xf32>
      %min3A_2715 = arith.minimumf %min3A_2703, %add3A_2714 : vector<16xf32>
      %get3A_2716 = arith.constant 2368 : index
      %get3A_2717 = tpu.vector_load %arg9[%get3A_2716] {strides = array<i32>} : memref<4096xf32, #tpu.memory_space<vmem>>, vector<16xf32>,
      %get3A_2718 = vector.shape_cast %get3A_2717 : vector<16xf32> to vector<16xf32>
      %sub3A_2719 = arith.subf %get3A_1653, %get3A_2718 : vector<16xf32>
      %get3A_2720 = arith.constant 3392 : index
      %get3A_2721 = tpu.vector_load %arg9[%get3A_2720] {strides = array<i32>} : memref<4096xf32, #tpu.memory_space<vmem>>, vector<16xf32>,
      %get3A_2722 = vector.shape_cast %get3A_2721 : vector<16xf32> to vector<16xf32>
      %sub3A_2723 = arith.subf %get3A_1656, %get3A_2722 : vector<16xf32>
      %mul3A_2724 = arith.mulf %sub3A_2719, %sub3A_2719 : vector<16xf32>
      %mul3A_2725 = arith.mulf %sub3A_2723, %sub3A_2723 : vector<16xf32>
      %add3A_2726 = arith.addf %mul3A_2724, %mul3A_2725 : vector<16xf32>
      %min3A_2727 = arith.minimumf %min3A_2715, %add3A_2726 : vector<16xf32>
      %get3A_2728 = arith.constant 2384 : index
      %get3A_2729 = tpu.vector_load %arg9[%get3A_2728] {strides = array<i32>} : memref<4096xf32, #tpu.memory_space<vmem>>, vector<16xf32>,
      %get3A_2730 = vector.shape_cast %get3A_2729 : vector<16xf32> to vector<16xf32>
      %sub3A_2731 = arith.subf %get3A_1653, %get3A_2730 : vector<16xf32>
      %get3A_2732 = arith.constant 3408 : index
      %get3A_2733 = tpu.vector_load %arg9[%get3A_2732] {strides = array<i32>} : memref<4096xf32, #tpu.memory_space<vmem>>, vector<16xf32>,
      %get3A_2734 = vector.shape_cast %get3A_2733 : vector<16xf32> to vector<16xf32>
      %sub3A_2735 = arith.subf %get3A_1656, %get3A_2734 : vector<16xf32>
      %mul3A_2736 = arith.mulf %sub3A_2731, %sub3A_2731 : vector<16xf32>
      %mul3A_2737 = arith.mulf %sub3A_2735, %sub3A_2735 : vector<16xf32>
      %add3A_2738 = arith.addf %mul3A_2736, %mul3A_2737 : vector<16xf32>
      %min3A_2739 = arith.minimumf %min3A_2727, %add3A_2738 : vector<16xf32>
      %get3A_2740 = arith.constant 2400 : index
      %get3A_2741 = tpu.vector_load %arg9[%get3A_2740] {strides = array<i32>} : memref<4096xf32, #tpu.memory_space<vmem>>, vector<16xf32>,
      %get3A_2742 = vector.shape_cast %get3A_2741 : vector<16xf32> to vector<16xf32>
      %sub3A_2743 = arith.subf %get3A_1653, %get3A_2742 : vector<16xf32>
      %get3A_2744 = arith.constant 3424 : index
      %get3A_2745 = tpu.vector_load %arg9[%get3A_2744] {strides = array<i32>} : memref<4096xf32, #tpu.memory_space<vmem>>, vector<16xf32>,
      %get3A_2746 = vector.shape_cast %get3A_2745 : vector<16xf32> to vector<16xf32>
      %sub3A_2747 = arith.subf %get3A_1656, %get3A_2746 : vector<16xf32>
      %mul3A_2748 = arith.mulf %sub3A_2743, %sub3A_2743 : vector<16xf32>
      %mul3A_2749 = arith.mulf %sub3A_2747, %sub3A_2747 : vector<16xf32>
      %add3A_2750 = arith.addf %mul3A_2748, %mul3A_2749 : vector<16xf32>
      %min3A_2751 = arith.minimumf %min3A_2739, %add3A_2750 : vector<16xf32>
      %get3A_2752 = arith.constant 2416 : index
      %get3A_2753 = tpu.vector_load %arg9[%get3A_2752] {strides = array<i32>} : memref<4096xf32, #tpu.memory_space<vmem>>, vector<16xf32>,
      %get3A_2754 = vector.shape_cast %get3A_2753 : vector<16xf32> to vector<16xf32>
      %sub3A_2755 = arith.subf %get3A_1653, %get3A_2754 : vector<16xf32>
      %get3A_2756 = arith.constant 3440 : index
      %get3A_2757 = tpu.vector_load %arg9[%get3A_2756] {strides = array<i32>} : memref<4096xf32, #tpu.memory_space<vmem>>, vector<16xf32>,
      %get3A_2758 = vector.shape_cast %get3A_2757 : vector<16xf32> to vector<16xf32>
      %sub3A_2759 = arith.subf %get3A_1656, %get3A_2758 : vector<16xf32>
      %mul3A_2760 = arith.mulf %sub3A_2755, %sub3A_2755 : vector<16xf32>
      %mul3A_2761 = arith.mulf %sub3A_2759, %sub3A_2759 : vector<16xf32>
      %add3A_2762 = arith.addf %mul3A_2760, %mul3A_2761 : vector<16xf32>
      %min3A_2763 = arith.minimumf %min3A_2751, %add3A_2762 : vector<16xf32>
      %get3A_2764 = arith.constant 2432 : index
      %get3A_2765 = tpu.vector_load %arg9[%get3A_2764] {strides = array<i32>} : memref<4096xf32, #tpu.memory_space<vmem>>, vector<16xf32>,
      %get3A_2766 = vector.shape_cast %get3A_2765 : vector<16xf32> to vector<16xf32>
      %sub3A_2767 = arith.subf %get3A_1653, %get3A_2766 : vector<16xf32>
      %get3A_2768 = arith.constant 3456 : index
      %get3A_2769 = tpu.vector_load %arg9[%get3A_2768] {strides = array<i32>} : memref<4096xf32, #tpu.memory_space<vmem>>, vector<16xf32>,
      %get3A_2770 = vector.shape_cast %get3A_2769 : vector<16xf32> to vector<16xf32>
      %sub3A_2771 = arith.subf %get3A_1656, %get3A_2770 : vector<16xf32>
      %mul3A_2772 = arith.mulf %sub3A_2767, %sub3A_2767 : vector<16xf32>
      %mul3A_2773 = arith.mulf %sub3A_2771, %sub3A_2771 : vector<16xf32>
      %add3A_2774 = arith.addf %mul3A_2772, %mul3A_2773 : vector<16xf32>
      %min3A_2775 = arith.minimumf %min3A_2763, %add3A_2774 : vector<16xf32>
      %get3A_2776 = arith.constant 2448 : index
      %get3A_2777 = tpu.vector_load %arg9[%get3A_2776] {strides = array<i32>} : memref<4096xf32, #tpu.memory_space<vmem>>, vector<16xf32>,
      %get3A_2778 = vector.shape_cast %get3A_2777 : vector<16xf32> to vector<16xf32>
      %sub3A_2779 = arith.subf %get3A_1653, %get3A_2778 : vector<16xf32>
      %get3A_2780 = arith.constant 3472 : index
      %get3A_2781 = tpu.vector_load %arg9[%get3A_2780] {strides = array<i32>} : memref<4096xf32, #tpu.memory_space<vmem>>, vector<16xf32>,
      %get3A_2782 = vector.shape_cast %get3A_2781 : vector<16xf32> to vector<16xf32>
      %sub3A_2783 = arith.subf %get3A_1656, %get3A_2782 : vector<16xf32>
      %mul3A_2784 = arith.mulf %sub3A_2779, %sub3A_2779 : vector<16xf32>
      %mul3A_2785 = arith.mulf %sub3A_2783, %sub3A_2783 : vector<16xf32>
      %add3A_2786 = arith.addf %mul3A_2784, %mul3A_2785 : vector<16xf32>
      %min3A_2787 = arith.minimumf %min3A_2775, %add3A_2786 : vector<16xf32>
      %get3A_2788 = arith.constant 2464 : index
      %get3A_2789 = tpu.vector_load %arg9[%get3A_2788] {strides = array<i32>} : memref<4096xf32, #tpu.memory_space<vmem>>, vector<16xf32>,
      %get3A_2790 = vector.shape_cast %get3A_2789 : vector<16xf32> to vector<16xf32>
      %sub3A_2791 = arith.subf %get3A_1653, %get3A_2790 : vector<16xf32>
      %get3A_2792 = arith.constant 3488 : index
      %get3A_2793 = tpu.vector_load %arg9[%get3A_2792] {strides = array<i32>} : memref<4096xf32, #tpu.memory_space<vmem>>, vector<16xf32>,
      %get3A_2794 = vector.shape_cast %get3A_2793 : vector<16xf32> to vector<16xf32>
      %sub3A_2795 = arith.subf %get3A_1656, %get3A_2794 : vector<16xf32>
      %mul3A_2796 = arith.mulf %sub3A_2791, %sub3A_2791 : vector<16xf32>
      %mul3A_2797 = arith.mulf %sub3A_2795, %sub3A_2795 : vector<16xf32>
      %add3A_2798 = arith.addf %mul3A_2796, %mul3A_2797 : vector<16xf32>
      %min3A_2799 = arith.minimumf %min3A_2787, %add3A_2798 : vector<16xf32>
      %get3A_2800 = arith.constant 2480 : index
      %get3A_2801 = tpu.vector_load %arg9[%get3A_2800] {strides = array<i32>} : memref<4096xf32, #tpu.memory_space<vmem>>, vector<16xf32>,
      %get3A_2802 = vector.shape_cast %get3A_2801 : vector<16xf32> to vector<16xf32>
      %sub3A_2803 = arith.subf %get3A_1653, %get3A_2802 : vector<16xf32>
      %get3A_2804 = arith.constant 3504 : index
      %get3A_2805 = tpu.vector_load %arg9[%get3A_2804] {strides = array<i32>} : memref<4096xf32, #tpu.memory_space<vmem>>, vector<16xf32>,
      %get3A_2806 = vector.shape_cast %get3A_2805 : vector<16xf32> to vector<16xf32>
      %sub3A_2807 = arith.subf %get3A_1656, %get3A_2806 : vector<16xf32>
      %mul3A_2808 = arith.mulf %sub3A_2803, %sub3A_2803 : vector<16xf32>
      %mul3A_2809 = arith.mulf %sub3A_2807, %sub3A_2807 : vector<16xf32>
      %add3A_2810 = arith.addf %mul3A_2808, %mul3A_2809 : vector<16xf32>
      %min3A_2811 = arith.minimumf %min3A_2799, %add3A_2810 : vector<16xf32>
      %get3A_2812 = arith.constant 2496 : index
      %get3A_2813 = tpu.vector_load %arg9[%get3A_2812] {strides = array<i32>} : memref<4096xf32, #tpu.memory_space<vmem>>, vector<16xf32>,
      %get3A_2814 = vector.shape_cast %get3A_2813 : vector<16xf32> to vector<16xf32>
      %sub3A_2815 = arith.subf %get3A_1653, %get3A_2814 : vector<16xf32>
      %get3A_2816 = arith.constant 3520 : index
      %get3A_2817 = tpu.vector_load %arg9[%get3A_2816] {strides = array<i32>} : memref<4096xf32, #tpu.memory_space<vmem>>, vector<16xf32>,
      %get3A_2818 = vector.shape_cast %get3A_2817 : vector<16xf32> to vector<16xf32>
      %sub3A_2819 = arith.subf %get3A_1656, %get3A_2818 : vector<16xf32>
      %mul3A_2820 = arith.mulf %sub3A_2815, %sub3A_2815 : vector<16xf32>
      %mul3A_2821 = arith.mulf %sub3A_2819, %sub3A_2819 : vector<16xf32>
      %add3A_2822 = arith.addf %mul3A_2820, %mul3A_2821 : vector<16xf32>
      %min3A_2823 = arith.minimumf %min3A_2811, %add3A_2822 : vector<16xf32>
      %get3A_2824 = arith.constant 2512 : index
      %get3A_2825 = tpu.vector_load %arg9[%get3A_2824] {strides = array<i32>} : memref<4096xf32, #tpu.memory_space<vmem>>, vector<16xf32>,
      %get3A_2826 = vector.shape_cast %get3A_2825 : vector<16xf32> to vector<16xf32>
      %sub3A_2827 = arith.subf %get3A_1653, %get3A_2826 : vector<16xf32>
      %get3A_2828 = arith.constant 3536 : index
      %get3A_2829 = tpu.vector_load %arg9[%get3A_2828] {strides = array<i32>} : memref<4096xf32, #tpu.memory_space<vmem>>, vector<16xf32>,
      %get3A_2830 = vector.shape_cast %get3A_2829 : vector<16xf32> to vector<16xf32>
      %sub3A_2831 = arith.subf %get3A_1656, %get3A_2830 : vector<16xf32>
      %mul3A_2832 = arith.mulf %sub3A_2827, %sub3A_2827 : vector<16xf32>
      %mul3A_2833 = arith.mulf %sub3A_2831, %sub3A_2831 : vector<16xf32>
      %add3A_2834 = arith.addf %mul3A_2832, %mul3A_2833 : vector<16xf32>
      %min3A_2835 = arith.minimumf %min3A_2823, %add3A_2834 : vector<16xf32>
      %get3A_2836 = arith.constant 2528 : index
      %get3A_2837 = tpu.vector_load %arg9[%get3A_2836] {strides = array<i32>} : memref<4096xf32, #tpu.memory_space<vmem>>, vector<16xf32>,
      %get3A_2838 = vector.shape_cast %get3A_2837 : vector<16xf32> to vector<16xf32>
      %sub3A_2839 = arith.subf %get3A_1653, %get3A_2838 : vector<16xf32>
      %get3A_2840 = arith.constant 3552 : index
      %get3A_2841 = tpu.vector_load %arg9[%get3A_2840] {strides = array<i32>} : memref<4096xf32, #tpu.memory_space<vmem>>, vector<16xf32>,
      %get3A_2842 = vector.shape_cast %get3A_2841 : vector<16xf32> to vector<16xf32>
      %sub3A_2843 = arith.subf %get3A_1656, %get3A_2842 : vector<16xf32>
      %mul3A_2844 = arith.mulf %sub3A_2839, %sub3A_2839 : vector<16xf32>
      %mul3A_2845 = arith.mulf %sub3A_2843, %sub3A_2843 : vector<16xf32>
      %add3A_2846 = arith.addf %mul3A_2844, %mul3A_2845 : vector<16xf32>
      %min3A_2847 = arith.minimumf %min3A_2835, %add3A_2846 : vector<16xf32>
      %get3A_2848 = arith.constant 2544 : index
      %get3A_2849 = tpu.vector_load %arg9[%get3A_2848] {strides = array<i32>} : memref<4096xf32, #tpu.memory_space<vmem>>, vector<16xf32>,
      %get3A_2850 = vector.shape_cast %get3A_2849 : vector<16xf32> to vector<16xf32>
      %sub3A_2851 = arith.subf %get3A_1653, %get3A_2850 : vector<16xf32>
      %get3A_2852 = arith.constant 3568 : index
      %get3A_2853 = tpu.vector_load %arg9[%get3A_2852] {strides = array<i32>} : memref<4096xf32, #tpu.memory_space<vmem>>, vector<16xf32>,
      %get3A_2854 = vector.shape_cast %get3A_2853 : vector<16xf32> to vector<16xf32>
      %sub3A_2855 = arith.subf %get3A_1656, %get3A_2854 : vector<16xf32>
      %mul3A_2856 = arith.mulf %sub3A_2851, %sub3A_2851 : vector<16xf32>
      %mul3A_2857 = arith.mulf %sub3A_2855, %sub3A_2855 : vector<16xf32>
      %add3A_2858 = arith.addf %mul3A_2856, %mul3A_2857 : vector<16xf32>
      %min3A_2859 = arith.minimumf %min3A_2847, %add3A_2858 : vector<16xf32>
      %get3A_2860 = arith.constant 2560 : index
      %get3A_2861 = tpu.vector_load %arg9[%get3A_2860] {strides = array<i32>} : memref<4096xf32, #tpu.memory_space<vmem>>, vector<16xf32>,
      %get3A_2862 = vector.shape_cast %get3A_2861 : vector<16xf32> to vector<16xf32>
      %sub3A_2863 = arith.subf %get3A_1653, %get3A_2862 : vector<16xf32>
      %get3A_2864 = arith.constant 3584 : index
      %get3A_2865 = tpu.vector_load %arg9[%get3A_2864] {strides = array<i32>} : memref<4096xf32, #tpu.memory_space<vmem>>, vector<16xf32>,
      %get3A_2866 = vector.shape_cast %get3A_2865 : vector<16xf32> to vector<16xf32>
      %sub3A_2867 = arith.subf %get3A_1656, %get3A_2866 : vector<16xf32>
      %mul3A_2868 = arith.mulf %sub3A_2863, %sub3A_2863 : vector<16xf32>
      %mul3A_2869 = arith.mulf %sub3A_2867, %sub3A_2867 : vector<16xf32>
      %add3A_2870 = arith.addf %mul3A_2868, %mul3A_2869 : vector<16xf32>
      %min3A_2871 = arith.minimumf %min3A_2859, %add3A_2870 : vector<16xf32>
      %get3A_2872 = arith.constant 2576 : index
      %get3A_2873 = tpu.vector_load %arg9[%get3A_2872] {strides = array<i32>} : memref<4096xf32, #tpu.memory_space<vmem>>, vector<16xf32>,
      %get3A_2874 = vector.shape_cast %get3A_2873 : vector<16xf32> to vector<16xf32>
      %sub3A_2875 = arith.subf %get3A_1653, %get3A_2874 : vector<16xf32>
      %get3A_2876 = arith.constant 3600 : index
      %get3A_2877 = tpu.vector_load %arg9[%get3A_2876] {strides = array<i32>} : memref<4096xf32, #tpu.memory_space<vmem>>, vector<16xf32>,
      %get3A_2878 = vector.shape_cast %get3A_2877 : vector<16xf32> to vector<16xf32>
      %sub3A_2879 = arith.subf %get3A_1656, %get3A_2878 : vector<16xf32>
      %mul3A_2880 = arith.mulf %sub3A_2875, %sub3A_2875 : vector<16xf32>
      %mul3A_2881 = arith.mulf %sub3A_2879, %sub3A_2879 : vector<16xf32>
      %add3A_2882 = arith.addf %mul3A_2880, %mul3A_2881 : vector<16xf32>
      %min3A_2883 = arith.minimumf %min3A_2871, %add3A_2882 : vector<16xf32>
      %get3A_2884 = arith.constant 2592 : index
      %get3A_2885 = tpu.vector_load %arg9[%get3A_2884] {strides = array<i32>} : memref<4096xf32, #tpu.memory_space<vmem>>, vector<16xf32>,
      %get3A_2886 = vector.shape_cast %get3A_2885 : vector<16xf32> to vector<16xf32>
      %sub3A_2887 = arith.subf %get3A_1653, %get3A_2886 : vector<16xf32>
      %get3A_2888 = arith.constant 3616 : index
      %get3A_2889 = tpu.vector_load %arg9[%get3A_2888] {strides = array<i32>} : memref<4096xf32, #tpu.memory_space<vmem>>, vector<16xf32>,
      %get3A_2890 = vector.shape_cast %get3A_2889 : vector<16xf32> to vector<16xf32>
      %sub3A_2891 = arith.subf %get3A_1656, %get3A_2890 : vector<16xf32>
      %mul3A_2892 = arith.mulf %sub3A_2887, %sub3A_2887 : vector<16xf32>
      %mul3A_2893 = arith.mulf %sub3A_2891, %sub3A_2891 : vector<16xf32>
      %add3A_2894 = arith.addf %mul3A_2892, %mul3A_2893 : vector<16xf32>
      %min3A_2895 = arith.minimumf %min3A_2883, %add3A_2894 : vector<16xf32>
      %get3A_2896 = arith.constant 2608 : index
      %get3A_2897 = tpu.vector_load %arg9[%get3A_2896] {strides = array<i32>} : memref<4096xf32, #tpu.memory_space<vmem>>, vector<16xf32>,
      %get3A_2898 = vector.shape_cast %get3A_2897 : vector<16xf32> to vector<16xf32>
      %sub3A_2899 = arith.subf %get3A_1653, %get3A_2898 : vector<16xf32>
      %get3A_2900 = arith.constant 3632 : index
      %get3A_2901 = tpu.vector_load %arg9[%get3A_2900] {strides = array<i32>} : memref<4096xf32, #tpu.memory_space<vmem>>, vector<16xf32>,
      %get3A_2902 = vector.shape_cast %get3A_2901 : vector<16xf32> to vector<16xf32>
      %sub3A_2903 = arith.subf %get3A_1656, %get3A_2902 : vector<16xf32>
      %mul3A_2904 = arith.mulf %sub3A_2899, %sub3A_2899 : vector<16xf32>
      %mul3A_2905 = arith.mulf %sub3A_2903, %sub3A_2903 : vector<16xf32>
      %add3A_2906 = arith.addf %mul3A_2904, %mul3A_2905 : vector<16xf32>
      %min3A_2907 = arith.minimumf %min3A_2895, %add3A_2906 : vector<16xf32>
      %get3A_2908 = arith.constant 2624 : index
      %get3A_2909 = tpu.vector_load %arg9[%get3A_2908] {strides = array<i32>} : memref<4096xf32, #tpu.memory_space<vmem>>, vector<16xf32>,
      %get3A_2910 = vector.shape_cast %get3A_2909 : vector<16xf32> to vector<16xf32>
      %sub3A_2911 = arith.subf %get3A_1653, %get3A_2910 : vector<16xf32>
      %get3A_2912 = arith.constant 3648 : index
      %get3A_2913 = tpu.vector_load %arg9[%get3A_2912] {strides = array<i32>} : memref<4096xf32, #tpu.memory_space<vmem>>, vector<16xf32>,
      %get3A_2914 = vector.shape_cast %get3A_2913 : vector<16xf32> to vector<16xf32>
      %sub3A_2915 = arith.subf %get3A_1656, %get3A_2914 : vector<16xf32>
      %mul3A_2916 = arith.mulf %sub3A_2911, %sub3A_2911 : vector<16xf32>
      %mul3A_2917 = arith.mulf %sub3A_2915, %sub3A_2915 : vector<16xf32>
      %add3A_2918 = arith.addf %mul3A_2916, %mul3A_2917 : vector<16xf32>
      %min3A_2919 = arith.minimumf %min3A_2907, %add3A_2918 : vector<16xf32>
      %get3A_2920 = arith.constant 2640 : index
      %get3A_2921 = tpu.vector_load %arg9[%get3A_2920] {strides = array<i32>} : memref<4096xf32, #tpu.memory_space<vmem>>, vector<16xf32>,
      %get3A_2922 = vector.shape_cast %get3A_2921 : vector<16xf32> to vector<16xf32>
      %sub3A_2923 = arith.subf %get3A_1653, %get3A_2922 : vector<16xf32>
      %get3A_2924 = arith.constant 3664 : index
      %get3A_2925 = tpu.vector_load %arg9[%get3A_2924] {strides = array<i32>} : memref<4096xf32, #tpu.memory_space<vmem>>, vector<16xf32>,
      %get3A_2926 = vector.shape_cast %get3A_2925 : vector<16xf32> to vector<16xf32>
      %sub3A_2927 = arith.subf %get3A_1656, %get3A_2926 : vector<16xf32>
      %mul3A_2928 = arith.mulf %sub3A_2923, %sub3A_2923 : vector<16xf32>
      %mul3A_2929 = arith.mulf %sub3A_2927, %sub3A_2927 : vector<16xf32>
      %add3A_2930 = arith.addf %mul3A_2928, %mul3A_2929 : vector<16xf32>
      %min3A_2931 = arith.minimumf %min3A_2919, %add3A_2930 : vector<16xf32>
      %get3A_2932 = arith.constant 2656 : index
      %get3A_2933 = tpu.vector_load %arg9[%get3A_2932] {strides = array<i32>} : memref<4096xf32, #tpu.memory_space<vmem>>, vector<16xf32>,
      %get3A_2934 = vector.shape_cast %get3A_2933 : vector<16xf32> to vector<16xf32>
      %sub3A_2935 = arith.subf %get3A_1653, %get3A_2934 : vector<16xf32>
      %get3A_2936 = arith.constant 3680 : index
      %get3A_2937 = tpu.vector_load %arg9[%get3A_2936] {strides = array<i32>} : memref<4096xf32, #tpu.memory_space<vmem>>, vector<16xf32>,
      %get3A_2938 = vector.shape_cast %get3A_2937 : vector<16xf32> to vector<16xf32>
      %sub3A_2939 = arith.subf %get3A_1656, %get3A_2938 : vector<16xf32>
      %mul3A_2940 = arith.mulf %sub3A_2935, %sub3A_2935 : vector<16xf32>
      %mul3A_2941 = arith.mulf %sub3A_2939, %sub3A_2939 : vector<16xf32>
      %add3A_2942 = arith.addf %mul3A_2940, %mul3A_2941 : vector<16xf32>
      %min3A_2943 = arith.minimumf %min3A_2931, %add3A_2942 : vector<16xf32>
      %get3A_2944 = arith.constant 2672 : index
      %get3A_2945 = tpu.vector_load %arg9[%get3A_2944] {strides = array<i32>} : memref<4096xf32, #tpu.memory_space<vmem>>, vector<16xf32>,
      %get3A_2946 = vector.shape_cast %get3A_2945 : vector<16xf32> to vector<16xf32>
      %sub3A_2947 = arith.subf %get3A_1653, %get3A_2946 : vector<16xf32>
      %get3A_2948 = arith.constant 3696 : index
      %get3A_2949 = tpu.vector_load %arg9[%get3A_2948] {strides = array<i32>} : memref<4096xf32, #tpu.memory_space<vmem>>, vector<16xf32>,
      %get3A_2950 = vector.shape_cast %get3A_2949 : vector<16xf32> to vector<16xf32>
      %sub3A_2951 = arith.subf %get3A_1656, %get3A_2950 : vector<16xf32>
      %mul3A_2952 = arith.mulf %sub3A_2947, %sub3A_2947 : vector<16xf32>
      %mul3A_2953 = arith.mulf %sub3A_2951, %sub3A_2951 : vector<16xf32>
      %add3A_2954 = arith.addf %mul3A_2952, %mul3A_2953 : vector<16xf32>
      %min3A_2955 = arith.minimumf %min3A_2943, %add3A_2954 : vector<16xf32>
      %get3A_2956 = arith.constant 2688 : index
      %get3A_2957 = tpu.vector_load %arg9[%get3A_2956] {strides = array<i32>} : memref<4096xf32, #tpu.memory_space<vmem>>, vector<16xf32>,
      %get3A_2958 = vector.shape_cast %get3A_2957 : vector<16xf32> to vector<16xf32>
      %sub3A_2959 = arith.subf %get3A_1653, %get3A_2958 : vector<16xf32>
      %get3A_2960 = arith.constant 3712 : index
      %get3A_2961 = tpu.vector_load %arg9[%get3A_2960] {strides = array<i32>} : memref<4096xf32, #tpu.memory_space<vmem>>, vector<16xf32>,
      %get3A_2962 = vector.shape_cast %get3A_2961 : vector<16xf32> to vector<16xf32>
      %sub3A_2963 = arith.subf %get3A_1656, %get3A_2962 : vector<16xf32>
      %mul3A_2964 = arith.mulf %sub3A_2959, %sub3A_2959 : vector<16xf32>
      %mul3A_2965 = arith.mulf %sub3A_2963, %sub3A_2963 : vector<16xf32>
      %add3A_2966 = arith.addf %mul3A_2964, %mul3A_2965 : vector<16xf32>
      %min3A_2967 = arith.minimumf %min3A_2955, %add3A_2966 : vector<16xf32>
      %get3A_2968 = arith.constant 2704 : index
      %get3A_2969 = tpu.vector_load %arg9[%get3A_2968] {strides = array<i32>} : memref<4096xf32, #tpu.memory_space<vmem>>, vector<16xf32>,
      %get3A_2970 = vector.shape_cast %get3A_2969 : vector<16xf32> to vector<16xf32>
      %sub3A_2971 = arith.subf %get3A_1653, %get3A_2970 : vector<16xf32>
      %get3A_2972 = arith.constant 3728 : index
      %get3A_2973 = tpu.vector_load %arg9[%get3A_2972] {strides = array<i32>} : memref<4096xf32, #tpu.memory_space<vmem>>, vector<16xf32>,
      %get3A_2974 = vector.shape_cast %get3A_2973 : vector<16xf32> to vector<16xf32>
      %sub3A_2975 = arith.subf %get3A_1656, %get3A_2974 : vector<16xf32>
      %mul3A_2976 = arith.mulf %sub3A_2971, %sub3A_2971 : vector<16xf32>
      %mul3A_2977 = arith.mulf %sub3A_2975, %sub3A_2975 : vector<16xf32>
      %add3A_2978 = arith.addf %mul3A_2976, %mul3A_2977 : vector<16xf32>
      %min3A_2979 = arith.minimumf %min3A_2967, %add3A_2978 : vector<16xf32>
      %get3A_2980 = arith.constant 2720 : index
      %get3A_2981 = tpu.vector_load %arg9[%get3A_2980] {strides = array<i32>} : memref<4096xf32, #tpu.memory_space<vmem>>, vector<16xf32>,
      %get3A_2982 = vector.shape_cast %get3A_2981 : vector<16xf32> to vector<16xf32>
      %sub3A_2983 = arith.subf %get3A_1653, %get3A_2982 : vector<16xf32>
      %get3A_2984 = arith.constant 3744 : index
      %get3A_2985 = tpu.vector_load %arg9[%get3A_2984] {strides = array<i32>} : memref<4096xf32, #tpu.memory_space<vmem>>, vector<16xf32>,
      %get3A_2986 = vector.shape_cast %get3A_2985 : vector<16xf32> to vector<16xf32>
      %sub3A_2987 = arith.subf %get3A_1656, %get3A_2986 : vector<16xf32>
      %mul3A_2988 = arith.mulf %sub3A_2983, %sub3A_2983 : vector<16xf32>
      %mul3A_2989 = arith.mulf %sub3A_2987, %sub3A_2987 : vector<16xf32>
      %add3A_2990 = arith.addf %mul3A_2988, %mul3A_2989 : vector<16xf32>
      %min3A_2991 = arith.minimumf %min3A_2979, %add3A_2990 : vector<16xf32>
      %get3A_2992 = arith.constant 2736 : index
      %get3A_2993 = tpu.vector_load %arg9[%get3A_2992] {strides = array<i32>} : memref<4096xf32, #tpu.memory_space<vmem>>, vector<16xf32>,
      %get3A_2994 = vector.shape_cast %get3A_2993 : vector<16xf32> to vector<16xf32>
      %sub3A_2995 = arith.subf %get3A_1653, %get3A_2994 : vector<16xf32>
      %get3A_2996 = arith.constant 3760 : index
      %get3A_2997 = tpu.vector_load %arg9[%get3A_2996] {strides = array<i32>} : memref<4096xf32, #tpu.memory_space<vmem>>, vector<16xf32>,
      %get3A_2998 = vector.shape_cast %get3A_2997 : vector<16xf32> to vector<16xf32>
      %sub3A_2999 = arith.subf %get3A_1656, %get3A_2998 : vector<16xf32>
      %mul3A_3000 = arith.mulf %sub3A_2995, %sub3A_2995 : vector<16xf32>
      %mul3A_3001 = arith.mulf %sub3A_2999, %sub3A_2999 : vector<16xf32>
      %add3A_3002 = arith.addf %mul3A_3000, %mul3A_3001 : vector<16xf32>
      %min3A_3003 = arith.minimumf %min3A_2991, %add3A_3002 : vector<16xf32>
      %get3A_3004 = arith.constant 2752 : index
      %get3A_3005 = tpu.vector_load %arg9[%get3A_3004] {strides = array<i32>} : memref<4096xf32, #tpu.memory_space<vmem>>, vector<16xf32>,
      %get3A_3006 = vector.shape_cast %get3A_3005 : vector<16xf32> to vector<16xf32>
      %sub3A_3007 = arith.subf %get3A_1653, %get3A_3006 : vector<16xf32>
      %get3A_3008 = arith.constant 3776 : index
      %get3A_3009 = tpu.vector_load %arg9[%get3A_3008] {strides = array<i32>} : memref<4096xf32, #tpu.memory_space<vmem>>, vector<16xf32>,
      %get3A_3010 = vector.shape_cast %get3A_3009 : vector<16xf32> to vector<16xf32>
      %sub3A_3011 = arith.subf %get3A_1656, %get3A_3010 : vector<16xf32>
      %mul3A_3012 = arith.mulf %sub3A_3007, %sub3A_3007 : vector<16xf32>
      %mul3A_3013 = arith.mulf %sub3A_3011, %sub3A_3011 : vector<16xf32>
      %add3A_3014 = arith.addf %mul3A_3012, %mul3A_3013 : vector<16xf32>
      %min3A_3015 = arith.minimumf %min3A_3003, %add3A_3014 : vector<16xf32>
      %get3A_3016 = arith.constant 2768 : index
      %get3A_3017 = tpu.vector_load %arg9[%get3A_3016] {strides = array<i32>} : memref<4096xf32, #tpu.memory_space<vmem>>, vector<16xf32>,
      %get3A_3018 = vector.shape_cast %get3A_3017 : vector<16xf32> to vector<16xf32>
      %sub3A_3019 = arith.subf %get3A_1653, %get3A_3018 : vector<16xf32>
      %get3A_3020 = arith.constant 3792 : index
      %get3A_3021 = tpu.vector_load %arg9[%get3A_3020] {strides = array<i32>} : memref<4096xf32, #tpu.memory_space<vmem>>, vector<16xf32>,
      %get3A_3022 = vector.shape_cast %get3A_3021 : vector<16xf32> to vector<16xf32>
      %sub3A_3023 = arith.subf %get3A_1656, %get3A_3022 : vector<16xf32>
      %mul3A_3024 = arith.mulf %sub3A_3019, %sub3A_3019 : vector<16xf32>
      %mul3A_3025 = arith.mulf %sub3A_3023, %sub3A_3023 : vector<16xf32>
      %add3A_3026 = arith.addf %mul3A_3024, %mul3A_3025 : vector<16xf32>
      %min3A_3027 = arith.minimumf %min3A_3015, %add3A_3026 : vector<16xf32>
      %get3A_3028 = arith.constant 2784 : index
      %get3A_3029 = tpu.vector_load %arg9[%get3A_3028] {strides = array<i32>} : memref<4096xf32, #tpu.memory_space<vmem>>, vector<16xf32>,
      %get3A_3030 = vector.shape_cast %get3A_3029 : vector<16xf32> to vector<16xf32>
      %sub3A_3031 = arith.subf %get3A_1653, %get3A_3030 : vector<16xf32>
      %get3A_3032 = arith.constant 3808 : index
      %get3A_3033 = tpu.vector_load %arg9[%get3A_3032] {strides = array<i32>} : memref<4096xf32, #tpu.memory_space<vmem>>, vector<16xf32>,
      %get3A_3034 = vector.shape_cast %get3A_3033 : vector<16xf32> to vector<16xf32>
      %sub3A_3035 = arith.subf %get3A_1656, %get3A_3034 : vector<16xf32>
      %mul3A_3036 = arith.mulf %sub3A_3031, %sub3A_3031 : vector<16xf32>
      %mul3A_3037 = arith.mulf %sub3A_3035, %sub3A_3035 : vector<16xf32>
      %add3A_3038 = arith.addf %mul3A_3036, %mul3A_3037 : vector<16xf32>
      %min3A_3039 = arith.minimumf %min3A_3027, %add3A_3038 : vector<16xf32>
      %get3A_3040 = arith.constant 2800 : index
      %get3A_3041 = tpu.vector_load %arg9[%get3A_3040] {strides = array<i32>} : memref<4096xf32, #tpu.memory_space<vmem>>, vector<16xf32>,
      %get3A_3042 = vector.shape_cast %get3A_3041 : vector<16xf32> to vector<16xf32>
      %sub3A_3043 = arith.subf %get3A_1653, %get3A_3042 : vector<16xf32>
      %get3A_3044 = arith.constant 3824 : index
      %get3A_3045 = tpu.vector_load %arg9[%get3A_3044] {strides = array<i32>} : memref<4096xf32, #tpu.memory_space<vmem>>, vector<16xf32>,
      %get3A_3046 = vector.shape_cast %get3A_3045 : vector<16xf32> to vector<16xf32>
      %sub3A_3047 = arith.subf %get3A_1656, %get3A_3046 : vector<16xf32>
      %mul3A_3048 = arith.mulf %sub3A_3043, %sub3A_3043 : vector<16xf32>
      %mul3A_3049 = arith.mulf %sub3A_3047, %sub3A_3047 : vector<16xf32>
      %add3A_3050 = arith.addf %mul3A_3048, %mul3A_3049 : vector<16xf32>
      %min3A_3051 = arith.minimumf %min3A_3039, %add3A_3050 : vector<16xf32>
      %get3A_3052 = arith.constant 2816 : index
      %get3A_3053 = tpu.vector_load %arg9[%get3A_3052] {strides = array<i32>} : memref<4096xf32, #tpu.memory_space<vmem>>, vector<16xf32>,
      %get3A_3054 = vector.shape_cast %get3A_3053 : vector<16xf32> to vector<16xf32>
      %sub3A_3055 = arith.subf %get3A_1653, %get3A_3054 : vector<16xf32>
      %get3A_3056 = arith.constant 3840 : index
      %get3A_3057 = tpu.vector_load %arg9[%get3A_3056] {strides = array<i32>} : memref<4096xf32, #tpu.memory_space<vmem>>, vector<16xf32>,
      %get3A_3058 = vector.shape_cast %get3A_3057 : vector<16xf32> to vector<16xf32>
      %sub3A_3059 = arith.subf %get3A_1656, %get3A_3058 : vector<16xf32>
      %mul3A_3060 = arith.mulf %sub3A_3055, %sub3A_3055 : vector<16xf32>
      %mul3A_3061 = arith.mulf %sub3A_3059, %sub3A_3059 : vector<16xf32>
      %add3A_3062 = arith.addf %mul3A_3060, %mul3A_3061 : vector<16xf32>
      %min3A_3063 = arith.minimumf %min3A_3051, %add3A_3062 : vector<16xf32>
      %get3A_3064 = arith.constant 2832 : index
      %get3A_3065 = tpu.vector_load %arg9[%get3A_3064] {strides = array<i32>} : memref<4096xf32, #tpu.memory_space<vmem>>, vector<16xf32>,
      %get3A_3066 = vector.shape_cast %get3A_3065 : vector<16xf32> to vector<16xf32>
      %sub3A_3067 = arith.subf %get3A_1653, %get3A_3066 : vector<16xf32>
      %get3A_3068 = arith.constant 3856 : index
      %get3A_3069 = tpu.vector_load %arg9[%get3A_3068] {strides = array<i32>} : memref<4096xf32, #tpu.memory_space<vmem>>, vector<16xf32>,
      %get3A_3070 = vector.shape_cast %get3A_3069 : vector<16xf32> to vector<16xf32>
      %sub3A_3071 = arith.subf %get3A_1656, %get3A_3070 : vector<16xf32>
      %mul3A_3072 = arith.mulf %sub3A_3067, %sub3A_3067 : vector<16xf32>
      %mul3A_3073 = arith.mulf %sub3A_3071, %sub3A_3071 : vector<16xf32>
      %add3A_3074 = arith.addf %mul3A_3072, %mul3A_3073 : vector<16xf32>
      %min3A_3075 = arith.minimumf %min3A_3063, %add3A_3074 : vector<16xf32>
      %get3A_3076 = arith.constant 2848 : index
      %get3A_3077 = tpu.vector_load %arg9[%get3A_3076] {strides = array<i32>} : memref<4096xf32, #tpu.memory_space<vmem>>, vector<16xf32>,
      %get3A_3078 = vector.shape_cast %get3A_3077 : vector<16xf32> to vector<16xf32>
      %sub3A_3079 = arith.subf %get3A_1653, %get3A_3078 : vector<16xf32>
      %get3A_3080 = arith.constant 3872 : index
      %get3A_3081 = tpu.vector_load %arg9[%get3A_3080] {strides = array<i32>} : memref<4096xf32, #tpu.memory_space<vmem>>, vector<16xf32>,
      %get3A_3082 = vector.shape_cast %get3A_3081 : vector<16xf32> to vector<16xf32>
      %sub3A_3083 = arith.subf %get3A_1656, %get3A_3082 : vector<16xf32>
      %mul3A_3084 = arith.mulf %sub3A_3079, %sub3A_3079 : vector<16xf32>
      %mul3A_3085 = arith.mulf %sub3A_3083, %sub3A_3083 : vector<16xf32>
      %add3A_3086 = arith.addf %mul3A_3084, %mul3A_3085 : vector<16xf32>
      %min3A_3087 = arith.minimumf %min3A_3075, %add3A_3086 : vector<16xf32>
      %get3A_3088 = arith.constant 2864 : index
      %get3A_3089 = tpu.vector_load %arg9[%get3A_3088] {strides = array<i32>} : memref<4096xf32, #tpu.memory_space<vmem>>, vector<16xf32>,
      %get3A_3090 = vector.shape_cast %get3A_3089 : vector<16xf32> to vector<16xf32>
      %sub3A_3091 = arith.subf %get3A_1653, %get3A_3090 : vector<16xf32>
      %get3A_3092 = arith.constant 3888 : index
      %get3A_3093 = tpu.vector_load %arg9[%get3A_3092] {strides = array<i32>} : memref<4096xf32, #tpu.memory_space<vmem>>, vector<16xf32>,
      %get3A_3094 = vector.shape_cast %get3A_3093 : vector<16xf32> to vector<16xf32>
      %sub3A_3095 = arith.subf %get3A_1656, %get3A_3094 : vector<16xf32>
      %mul3A_3096 = arith.mulf %sub3A_3091, %sub3A_3091 : vector<16xf32>
      %mul3A_3097 = arith.mulf %sub3A_3095, %sub3A_3095 : vector<16xf32>
      %add3A_3098 = arith.addf %mul3A_3096, %mul3A_3097 : vector<16xf32>
      %min3A_3099 = arith.minimumf %min3A_3087, %add3A_3098 : vector<16xf32>
      %get3A_3100 = arith.constant 2880 : index
      %get3A_3101 = tpu.vector_load %arg9[%get3A_3100] {strides = array<i32>} : memref<4096xf32, #tpu.memory_space<vmem>>, vector<16xf32>,
      %get3A_3102 = vector.shape_cast %get3A_3101 : vector<16xf32> to vector<16xf32>
      %sub3A_3103 = arith.subf %get3A_1653, %get3A_3102 : vector<16xf32>
      %get3A_3104 = arith.constant 3904 : index
      %get3A_3105 = tpu.vector_load %arg9[%get3A_3104] {strides = array<i32>} : memref<4096xf32, #tpu.memory_space<vmem>>, vector<16xf32>,
      %get3A_3106 = vector.shape_cast %get3A_3105 : vector<16xf32> to vector<16xf32>
      %sub3A_3107 = arith.subf %get3A_1656, %get3A_3106 : vector<16xf32>
      %mul3A_3108 = arith.mulf %sub3A_3103, %sub3A_3103 : vector<16xf32>
      %mul3A_3109 = arith.mulf %sub3A_3107, %sub3A_3107 : vector<16xf32>
      %add3A_3110 = arith.addf %mul3A_3108, %mul3A_3109 : vector<16xf32>
      %min3A_3111 = arith.minimumf %min3A_3099, %add3A_3110 : vector<16xf32>
      %get3A_3112 = arith.constant 2896 : index
      %get3A_3113 = tpu.vector_load %arg9[%get3A_3112] {strides = array<i32>} : memref<4096xf32, #tpu.memory_space<vmem>>, vector<16xf32>,
      %get3A_3114 = vector.shape_cast %get3A_3113 : vector<16xf32> to vector<16xf32>
      %sub3A_3115 = arith.subf %get3A_1653, %get3A_3114 : vector<16xf32>
      %get3A_3116 = arith.constant 3920 : index
      %get3A_3117 = tpu.vector_load %arg9[%get3A_3116] {strides = array<i32>} : memref<4096xf32, #tpu.memory_space<vmem>>, vector<16xf32>,
      %get3A_3118 = vector.shape_cast %get3A_3117 : vector<16xf32> to vector<16xf32>
      %sub3A_3119 = arith.subf %get3A_1656, %get3A_3118 : vector<16xf32>
      %mul3A_3120 = arith.mulf %sub3A_3115, %sub3A_3115 : vector<16xf32>
      %mul3A_3121 = arith.mulf %sub3A_3119, %sub3A_3119 : vector<16xf32>
      %add3A_3122 = arith.addf %mul3A_3120, %mul3A_3121 : vector<16xf32>
      %min3A_3123 = arith.minimumf %min3A_3111, %add3A_3122 : vector<16xf32>
      %get3A_3124 = arith.constant 2912 : index
      %get3A_3125 = tpu.vector_load %arg9[%get3A_3124] {strides = array<i32>} : memref<4096xf32, #tpu.memory_space<vmem>>, vector<16xf32>,
      %get3A_3126 = vector.shape_cast %get3A_3125 : vector<16xf32> to vector<16xf32>
      %sub3A_3127 = arith.subf %get3A_1653, %get3A_3126 : vector<16xf32>
      %get3A_3128 = arith.constant 3936 : index
      %get3A_3129 = tpu.vector_load %arg9[%get3A_3128] {strides = array<i32>} : memref<4096xf32, #tpu.memory_space<vmem>>, vector<16xf32>,
      %get3A_3130 = vector.shape_cast %get3A_3129 : vector<16xf32> to vector<16xf32>
      %sub3A_3131 = arith.subf %get3A_1656, %get3A_3130 : vector<16xf32>
      %mul3A_3132 = arith.mulf %sub3A_3127, %sub3A_3127 : vector<16xf32>
      %mul3A_3133 = arith.mulf %sub3A_3131, %sub3A_3131 : vector<16xf32>
      %add3A_3134 = arith.addf %mul3A_3132, %mul3A_3133 : vector<16xf32>
      %min3A_3135 = arith.minimumf %min3A_3123, %add3A_3134 : vector<16xf32>
      %get3A_3136 = arith.constant 2928 : index
      %get3A_3137 = tpu.vector_load %arg9[%get3A_3136] {strides = array<i32>} : memref<4096xf32, #tpu.memory_space<vmem>>, vector<16xf32>,
      %get3A_3138 = vector.shape_cast %get3A_3137 : vector<16xf32> to vector<16xf32>
      %sub3A_3139 = arith.subf %get3A_1653, %get3A_3138 : vector<16xf32>
      %get3A_3140 = arith.constant 3952 : index
      %get3A_3141 = tpu.vector_load %arg9[%get3A_3140] {strides = array<i32>} : memref<4096xf32, #tpu.memory_space<vmem>>, vector<16xf32>,
      %get3A_3142 = vector.shape_cast %get3A_3141 : vector<16xf32> to vector<16xf32>
      %sub3A_3143 = arith.subf %get3A_1656, %get3A_3142 : vector<16xf32>
      %mul3A_3144 = arith.mulf %sub3A_3139, %sub3A_3139 : vector<16xf32>
      %mul3A_3145 = arith.mulf %sub3A_3143, %sub3A_3143 : vector<16xf32>
      %add3A_3146 = arith.addf %mul3A_3144, %mul3A_3145 : vector<16xf32>
      %min3A_3147 = arith.minimumf %min3A_3135, %add3A_3146 : vector<16xf32>
      %get3A_3148 = arith.constant 2944 : index
      %get3A_3149 = tpu.vector_load %arg9[%get3A_3148] {strides = array<i32>} : memref<4096xf32, #tpu.memory_space<vmem>>, vector<16xf32>,
      %get3A_3150 = vector.shape_cast %get3A_3149 : vector<16xf32> to vector<16xf32>
      %sub3A_3151 = arith.subf %get3A_1653, %get3A_3150 : vector<16xf32>
      %get3A_3152 = arith.constant 3968 : index
      %get3A_3153 = tpu.vector_load %arg9[%get3A_3152] {strides = array<i32>} : memref<4096xf32, #tpu.memory_space<vmem>>, vector<16xf32>,
      %get3A_3154 = vector.shape_cast %get3A_3153 : vector<16xf32> to vector<16xf32>
      %sub3A_3155 = arith.subf %get3A_1656, %get3A_3154 : vector<16xf32>
      %mul3A_3156 = arith.mulf %sub3A_3151, %sub3A_3151 : vector<16xf32>
      %mul3A_3157 = arith.mulf %sub3A_3155, %sub3A_3155 : vector<16xf32>
      %add3A_3158 = arith.addf %mul3A_3156, %mul3A_3157 : vector<16xf32>
      %min3A_3159 = arith.minimumf %min3A_3147, %add3A_3158 : vector<16xf32>
      %get3A_3160 = arith.constant 2960 : index
      %get3A_3161 = tpu.vector_load %arg9[%get3A_3160] {strides = array<i32>} : memref<4096xf32, #tpu.memory_space<vmem>>, vector<16xf32>,
      %get3A_3162 = vector.shape_cast %get3A_3161 : vector<16xf32> to vector<16xf32>
      %sub3A_3163 = arith.subf %get3A_1653, %get3A_3162 : vector<16xf32>
      %get3A_3164 = arith.constant 3984 : index
      %get3A_3165 = tpu.vector_load %arg9[%get3A_3164] {strides = array<i32>} : memref<4096xf32, #tpu.memory_space<vmem>>, vector<16xf32>,
      %get3A_3166 = vector.shape_cast %get3A_3165 : vector<16xf32> to vector<16xf32>
      %sub3A_3167 = arith.subf %get3A_1656, %get3A_3166 : vector<16xf32>
      %mul3A_3168 = arith.mulf %sub3A_3163, %sub3A_3163 : vector<16xf32>
      %mul3A_3169 = arith.mulf %sub3A_3167, %sub3A_3167 : vector<16xf32>
      %add3A_3170 = arith.addf %mul3A_3168, %mul3A_3169 : vector<16xf32>
      %min3A_3171 = arith.minimumf %min3A_3159, %add3A_3170 : vector<16xf32>
      %get3A_3172 = arith.constant 2976 : index
      %get3A_3173 = tpu.vector_load %arg9[%get3A_3172] {strides = array<i32>} : memref<4096xf32, #tpu.memory_space<vmem>>, vector<16xf32>,
      %get3A_3174 = vector.shape_cast %get3A_3173 : vector<16xf32> to vector<16xf32>
      %sub3A_3175 = arith.subf %get3A_1653, %get3A_3174 : vector<16xf32>
      %get3A_3176 = arith.constant 4000 : index
      %get3A_3177 = tpu.vector_load %arg9[%get3A_3176] {strides = array<i32>} : memref<4096xf32, #tpu.memory_space<vmem>>, vector<16xf32>,
      %get3A_3178 = vector.shape_cast %get3A_3177 : vector<16xf32> to vector<16xf32>
      %sub3A_3179 = arith.subf %get3A_1656, %get3A_3178 : vector<16xf32>
      %mul3A_3180 = arith.mulf %sub3A_3175, %sub3A_3175 : vector<16xf32>
      %mul3A_3181 = arith.mulf %sub3A_3179, %sub3A_3179 : vector<16xf32>
      %add3A_3182 = arith.addf %mul3A_3180, %mul3A_3181 : vector<16xf32>
      %min3A_3183 = arith.minimumf %min3A_3171, %add3A_3182 : vector<16xf32>
      %get3A_3184 = arith.constant 2992 : index
      %get3A_3185 = tpu.vector_load %arg9[%get3A_3184] {strides = array<i32>} : memref<4096xf32, #tpu.memory_space<vmem>>, vector<16xf32>,
      %get3A_3186 = vector.shape_cast %get3A_3185 : vector<16xf32> to vector<16xf32>
      %sub3A_3187 = arith.subf %get3A_1653, %get3A_3186 : vector<16xf32>
      %get3A_3188 = arith.constant 4016 : index
      %get3A_3189 = tpu.vector_load %arg9[%get3A_3188] {strides = array<i32>} : memref<4096xf32, #tpu.memory_space<vmem>>, vector<16xf32>,
      %get3A_3190 = vector.shape_cast %get3A_3189 : vector<16xf32> to vector<16xf32>
      %sub3A_3191 = arith.subf %get3A_1656, %get3A_3190 : vector<16xf32>
      %mul3A_3192 = arith.mulf %sub3A_3187, %sub3A_3187 : vector<16xf32>
      %mul3A_3193 = arith.mulf %sub3A_3191, %sub3A_3191 : vector<16xf32>
      %add3A_3194 = arith.addf %mul3A_3192, %mul3A_3193 : vector<16xf32>
      %min3A_3195 = arith.minimumf %min3A_3183, %add3A_3194 : vector<16xf32>
      %get3A_3196 = arith.constant 3008 : index
      %get3A_3197 = tpu.vector_load %arg9[%get3A_3196] {strides = array<i32>} : memref<4096xf32, #tpu.memory_space<vmem>>, vector<16xf32>,
      %get3A_3198 = vector.shape_cast %get3A_3197 : vector<16xf32> to vector<16xf32>
      %sub3A_3199 = arith.subf %get3A_1653, %get3A_3198 : vector<16xf32>
      %get3A_3200 = arith.constant 4032 : index
      %get3A_3201 = tpu.vector_load %arg9[%get3A_3200] {strides = array<i32>} : memref<4096xf32, #tpu.memory_space<vmem>>, vector<16xf32>,
      %get3A_3202 = vector.shape_cast %get3A_3201 : vector<16xf32> to vector<16xf32>
      %sub3A_3203 = arith.subf %get3A_1656, %get3A_3202 : vector<16xf32>
      %mul3A_3204 = arith.mulf %sub3A_3199, %sub3A_3199 : vector<16xf32>
      %mul3A_3205 = arith.mulf %sub3A_3203, %sub3A_3203 : vector<16xf32>
      %add3A_3206 = arith.addf %mul3A_3204, %mul3A_3205 : vector<16xf32>
      %min3A_3207 = arith.minimumf %min3A_3195, %add3A_3206 : vector<16xf32>
      %get3A_3208 = arith.constant 3024 : index
      %get3A_3209 = tpu.vector_load %arg9[%get3A_3208] {strides = array<i32>} : memref<4096xf32, #tpu.memory_space<vmem>>, vector<16xf32>,
      %get3A_3210 = vector.shape_cast %get3A_3209 : vector<16xf32> to vector<16xf32>
      %sub3A_3211 = arith.subf %get3A_1653, %get3A_3210 : vector<16xf32>
      %get3A_3212 = arith.constant 4048 : index
      %get3A_3213 = tpu.vector_load %arg9[%get3A_3212] {strides = array<i32>} : memref<4096xf32, #tpu.memory_space<vmem>>, vector<16xf32>,
      %get3A_3214 = vector.shape_cast %get3A_3213 : vector<16xf32> to vector<16xf32>
      %sub3A_3215 = arith.subf %get3A_1656, %get3A_3214 : vector<16xf32>
      %mul3A_3216 = arith.mulf %sub3A_3211, %sub3A_3211 : vector<16xf32>
      %mul3A_3217 = arith.mulf %sub3A_3215, %sub3A_3215 : vector<16xf32>
      %add3A_3218 = arith.addf %mul3A_3216, %mul3A_3217 : vector<16xf32>
      %min3A_3219 = arith.minimumf %min3A_3207, %add3A_3218 : vector<16xf32>
      %get3A_3220 = arith.constant 3040 : index
      %get3A_3221 = tpu.vector_load %arg9[%get3A_3220] {strides = array<i32>} : memref<4096xf32, #tpu.memory_space<vmem>>, vector<16xf32>,
      %get3A_3222 = vector.shape_cast %get3A_3221 : vector<16xf32> to vector<16xf32>
      %sub3A_3223 = arith.subf %get3A_1653, %get3A_3222 : vector<16xf32>
      %get3A_3224 = arith.constant 4064 : index
      %get3A_3225 = tpu.vector_load %arg9[%get3A_3224] {strides = array<i32>} : memref<4096xf32, #tpu.memory_space<vmem>>, vector<16xf32>,
      %get3A_3226 = vector.shape_cast %get3A_3225 : vector<16xf32> to vector<16xf32>
      %sub3A_3227 = arith.subf %get3A_1656, %get3A_3226 : vector<16xf32>
      %mul3A_3228 = arith.mulf %sub3A_3223, %sub3A_3223 : vector<16xf32>
      %mul3A_3229 = arith.mulf %sub3A_3227, %sub3A_3227 : vector<16xf32>
      %add3A_3230 = arith.addf %mul3A_3228, %mul3A_3229 : vector<16xf32>
      %min3A_3231 = arith.minimumf %min3A_3219, %add3A_3230 : vector<16xf32>
      %get3A_3232 = arith.constant 3056 : index
      %get3A_3233 = tpu.vector_load %arg9[%get3A_3232] {strides = array<i32>} : memref<4096xf32, #tpu.memory_space<vmem>>, vector<16xf32>,
      %get3A_3234 = vector.shape_cast %get3A_3233 : vector<16xf32> to vector<16xf32>
      %sub3A_3235 = arith.subf %get3A_1653, %get3A_3234 : vector<16xf32>
      %get3A_3236 = arith.constant 4080 : index
      %get3A_3237 = tpu.vector_load %arg9[%get3A_3236] {strides = array<i32>} : memref<4096xf32, #tpu.memory_space<vmem>>, vector<16xf32>,
      %get3A_3238 = vector.shape_cast %get3A_3237 : vector<16xf32> to vector<16xf32>
      %sub3A_3239 = arith.subf %get3A_1656, %get3A_3238 : vector<16xf32>
      %mul3A_3240 = arith.mulf %sub3A_3235, %sub3A_3235 : vector<16xf32>
      %mul3A_3241 = arith.mulf %sub3A_3239, %sub3A_3239 : vector<16xf32>
      %add3A_3242 = arith.addf %mul3A_3240, %mul3A_3241 : vector<16xf32>
      %min3A_3243 = arith.minimumf %min3A_3231, %add3A_3242 : vector<16xf32>
      %max3A_3244 = arith.constant 1.000000e-30 : f32
      %max3A_3245 = vector.broadcast %max3A_3244 : f32 to vector<16xf32>
      %max3A_3246 = arith.maximumf %min3A_3243, %max3A_3245 : vector<16xf32>
      %bitcast_convert_type3A_3247 = tpu.bitcast %max3A_3246 : vector<16xf32> -> vector<16xi32>
      %shift_right_arithmetic3A_3248 = arith.constant 1 : i32
      %shift_right_arithmetic3A_3249 = vector.broadcast %shift_right_arithmetic3A_3248 : i32 to vector<16xi32>
      %shift_right_arithmetic3A_3250 = arith.shrsi %bitcast_convert_type3A_3247, %shift_right_arithmetic3A_3249 : vector<16xi32>
      %sub3A_3251 = arith.constant 1597463007 : i32
      %sub3A_3252 = vector.broadcast %sub3A_3251 : i32 to vector<16xi32>
      %sub3A_3253 = arith.subi %sub3A_3252, %shift_right_arithmetic3A_3250 : vector<16xi32>
      %bitcast_convert_type3A_3254 = tpu.bitcast %sub3A_3253 : vector<16xi32> -> vector<16xf32>
      %mul3A_3255 = arith.constant 5.000000e-01 : f32
      %mul3A_3256 = vector.broadcast %mul3A_3255 : f32 to vector<16xf32>
      %mul3A_3257 = arith.mulf %mul3A_3256, %max3A_3246 : vector<16xf32>
      %mul3A_3258 = arith.mulf %mul3A_3257, %bitcast_convert_type3A_3254 : vector<16xf32>
      %mul3A_3259 = arith.mulf %mul3A_3258, %bitcast_convert_type3A_3254 : vector<16xf32>
      %sub3A_3260 = arith.constant 1.500000e+00 : f32
      %sub3A_3261 = vector.broadcast %sub3A_3260 : f32 to vector<16xf32>
      %sub3A_3262 = arith.subf %sub3A_3261, %mul3A_3259 : vector<16xf32>
      %mul3A_3263 = arith.mulf %bitcast_convert_type3A_3254, %sub3A_3262 : vector<16xf32>
      %mul3A_3264 = arith.constant 5.000000e-01 : f32
      %mul3A_3265 = vector.broadcast %mul3A_3264 : f32 to vector<16xf32>
      %mul3A_3266 = arith.mulf %mul3A_3265, %max3A_3246 : vector<16xf32>
      %mul3A_3267 = arith.mulf %mul3A_3266, %mul3A_3263 : vector<16xf32>
      %mul3A_3268 = arith.mulf %mul3A_3267, %mul3A_3263 : vector<16xf32>
      %sub3A_3269 = arith.constant 1.500000e+00 : f32
      %sub3A_3270 = vector.broadcast %sub3A_3269 : f32 to vector<16xf32>
      %sub3A_3271 = arith.subf %sub3A_3270, %mul3A_3268 : vector<16xf32>
      %mul3A_3272 = arith.mulf %mul3A_3263, %sub3A_3271 : vector<16xf32>
      %mul3A_3273 = arith.constant 5.000000e-01 : f32
      %mul3A_3274 = vector.broadcast %mul3A_3273 : f32 to vector<16xf32>
      %mul3A_3275 = arith.mulf %mul3A_3274, %max3A_3246 : vector<16xf32>
      %mul3A_3276 = arith.mulf %mul3A_3275, %mul3A_3272 : vector<16xf32>
      %mul3A_3277 = arith.mulf %mul3A_3276, %mul3A_3272 : vector<16xf32>
      %sub3A_3278 = arith.constant 1.500000e+00 : f32
      %sub3A_3279 = vector.broadcast %sub3A_3278 : f32 to vector<16xf32>
      %sub3A_3280 = arith.subf %sub3A_3279, %mul3A_3277 : vector<16xf32>
      %mul3A_3281 = arith.mulf %mul3A_3272, %sub3A_3280 : vector<16xf32>
      %mul3A_3282 = arith.mulf %max3A_3246, %mul3A_3281 : vector<16xf32>
      %neg3A_3283 = arith.constant 0.000000e+00 : f32
      %neg3A_3284 = vector.broadcast %neg3A_3283 : f32 to vector<16xf32>
      %neg3A_3285 = arith.subf %neg3A_3284, %mul3A_3282 : vector<16xf32>
      %div3A_3286 = arith.constant 2.000000e-01 : f32
      %div3A_3287 = vector.broadcast %div3A_3286 : f32 to vector<16xf32>
      %div3A_3288 = arith.divf %neg3A_3285, %div3A_3287 : vector<16xf32>
      %exp3A_3289 = math.exp %div3A_3288 : vector<16xf32>
      %mul3A_3290 = arith.constant 1.000000e+01 : f32
      %mul3A_3291 = vector.broadcast %mul3A_3290 : f32 to vector<16xf32>
      %mul3A_3292 = arith.mulf %mul3A_3291, %exp3A_3289 : vector<16xf32>
      %swap3A_3293 = arith.index_cast %mul3A_1650 : i32 to index
      %swap3A_3294 = tpu.vector_load %arg11[%swap3A_3293] {strides = array<i32>} : memref<512xf32, #tpu.memory_space<vmem>>, vector<16xf32>,
      %swap3A_3295 = vector.shape_cast %swap3A_3294 : vector<16xf32> to vector<16xf32>
      %swap3A_3296 = vector.shape_cast %mul3A_3292 : vector<16xf32> to vector<16xf32>
      tpu.vector_store %arg11[%swap3A_3293], %swap3A_3296 {strides = array<i32>} : memref<512xf32, #tpu.memory_space<vmem>>, vector<16xf32>,
    }
    %scan3A_7 = arith.constant 32 : i32
    "tpu.region"() ({
      %run_scoped3A = tpu.sem_alloc : memref<!tpu.dma_semaphore, #tpu.memory_space<semaphore_mem>>
      %dma_start3A = tpu.memref_slice %arg5[%mul3A_2] : memref<16384xf32, #tpu.memory_space<hbm>> -> memref<512xf32, #tpu.memory_space<hbm>>
      %dma_start3A_8 = tpu.memref_slice %arg5[%mul3A_2] : memref<16384xf32, #tpu.memory_space<hbm>> -> memref<512xf32, #tpu.memory_space<hbm>>
      tpu.enqueue_dma source(%arg10 : memref<512xf32, #tpu.memory_space<vmem>>) target(%dma_start3A_8 : memref<512xf32, #tpu.memory_space<hbm>>) target_semaphore(%run_scoped3A : memref<!tpu.dma_semaphore, #tpu.memory_space<semaphore_mem>>)
      %dma_wait3A = tpu.memref_slice %arg5[%mul3A_2] : memref<16384xf32, #tpu.memory_space<hbm>> -> memref<512xf32, #tpu.memory_space<hbm>>
      %dma_wait3A_9 = tpu.memref_slice %arg5[%mul3A_2] : memref<16384xf32, #tpu.memory_space<hbm>> -> memref<512xf32, #tpu.memory_space<hbm>>
      tpu.wait_dma2 semaphore(%run_scoped3A : memref<!tpu.dma_semaphore, #tpu.memory_space<semaphore_mem>>) src(%arg10 : memref<512xf32, #tpu.memory_space<vmem>>) dst(%dma_wait3A_9 : memref<512xf32, #tpu.memory_space<hbm>>)
      tpu.yield
    }) : () -> ()
    "tpu.region"() ({
      %run_scoped3A = tpu.sem_alloc : memref<!tpu.dma_semaphore, #tpu.memory_space<semaphore_mem>>
      %dma_start3A = tpu.memref_slice %arg6[%mul3A_2] : memref<16384xf32, #tpu.memory_space<hbm>> -> memref<512xf32, #tpu.memory_space<hbm>>
      %dma_start3A_8 = tpu.memref_slice %arg6[%mul3A_2] : memref<16384xf32, #tpu.memory_space<hbm>> -> memref<512xf32, #tpu.memory_space<hbm>>
      tpu.enqueue_dma source(%arg11 : memref<512xf32, #tpu.memory_space<vmem>>) target(%dma_start3A_8 : memref<512xf32, #tpu.memory_space<hbm>>) target_semaphore(%run_scoped3A : memref<!tpu.dma_semaphore, #tpu.memory_space<semaphore_mem>>)
      %dma_wait3A = tpu.memref_slice %arg6[%mul3A_2] : memref<16384xf32, #tpu.memory_space<hbm>> -> memref<512xf32, #tpu.memory_space<hbm>>
      %dma_wait3A_9 = tpu.memref_slice %arg6[%mul3A_2] : memref<16384xf32, #tpu.memory_space<hbm>> -> memref<512xf32, #tpu.memory_space<hbm>>
      tpu.wait_dma2 semaphore(%run_scoped3A : memref<!tpu.dma_semaphore, #tpu.memory_space<semaphore_mem>>) src(%arg11 : memref<512xf32, #tpu.memory_space<vmem>>) dst(%dma_wait3A_9 : memref<512xf32, #tpu.memory_space<hbm>>)
      tpu.yield
    }) : () -> ()
    return
  }
}

module attributes {stable_mosaic.version = 14 : i64} {
  func.func @_tc_kernel(%arg0: i32, %arg1: memref<64x2xf32, #tpu.memory_space<smem>>, %arg2: memref<64x2xf32, #tpu.memory_space<smem>>, %arg3: memref<128x128xf32, #tpu.memory_space<vmem>>, %arg4: memref<128x128xf32, #tpu.memory_space<vmem>>, %arg5: memref<128x128xf32, #tpu.memory_space<vmem>>, %arg6: memref<128x128xf32, #tpu.memory_space<vmem>>) attributes {dimension_semantics = [#tpu.dimension_semantics<arbitrary>], iteration_bounds = array<i64: 3>, scalar_prefetch = 0 : i64, scratch_operands = 0 : i64, tpu.core_type = #tpu.core_type<tc>, window_params = [{transform_indices = @transform_0, window_bounds = array<i64: 64, 2>}, {transform_indices = @transform_1, window_bounds = array<i64: 64, 2>}, {transform_indices = @transform_2, window_bounds = array<i64: 128, 128>}, {transform_indices = @transform_3, window_bounds = array<i64: 128, 128>}, {transform_indices = @transform_4, window_bounds = array<i64: 128, 128>}, {transform_indices = @transform_5, window_bounds = array<i64: 128, 128>}]} {
    %get3A = arith.constant 0 : index
    %get3A_0 = arith.constant 0 : index
    %get3A_1 = vector.load %arg3[%get3A, %get3A_0] : memref<128x128xf32, #tpu.memory_space<vmem>>, vector<128x128xf32>
    %get3A_2 = arith.constant 0 : index
    %get3A_3 = arith.constant 0 : index
    %get3A_4 = vector.load %arg4[%get3A_2, %get3A_3] : memref<128x128xf32, #tpu.memory_space<vmem>>, vector<128x128xf32>
    %get3A_5 = arith.constant 0 : index
    %get3A_6 = arith.constant 0 : index
    %get3A_7 = memref.load %arg1[%get3A_5, %get3A_6] : memref<64x2xf32, #tpu.memory_space<smem>>
    %sub3A = vector.broadcast %get3A_7 : f32 to vector<128x128xf32>
    %sub3A_8 = arith.subf %get3A_1, %sub3A : vector<128x128xf32>
    %get3A_9 = arith.constant 0 : index
    %get3A_10 = arith.constant 1 : index
    %get3A_11 = memref.load %arg1[%get3A_9, %get3A_10] : memref<64x2xf32, #tpu.memory_space<smem>>
    %sub3A_12 = vector.broadcast %get3A_11 : f32 to vector<128x128xf32>
    %sub3A_13 = arith.subf %get3A_4, %sub3A_12 : vector<128x128xf32>
    %mul3A = arith.mulf %sub3A_8, %sub3A_8 : vector<128x128xf32>
    %mul3A_14 = arith.mulf %sub3A_13, %sub3A_13 : vector<128x128xf32>
    %add3A = arith.addf %mul3A, %mul3A_14 : vector<128x128xf32>
    %get3A_15 = arith.constant 1 : index
    %get3A_16 = arith.constant 0 : index
    %get3A_17 = memref.load %arg1[%get3A_15, %get3A_16] : memref<64x2xf32, #tpu.memory_space<smem>>
    %sub3A_18 = vector.broadcast %get3A_17 : f32 to vector<128x128xf32>
    %sub3A_19 = arith.subf %get3A_1, %sub3A_18 : vector<128x128xf32>
    %get3A_20 = arith.constant 1 : index
    %get3A_21 = arith.constant 1 : index
    %get3A_22 = memref.load %arg1[%get3A_20, %get3A_21] : memref<64x2xf32, #tpu.memory_space<smem>>
    %sub3A_23 = vector.broadcast %get3A_22 : f32 to vector<128x128xf32>
    %sub3A_24 = arith.subf %get3A_4, %sub3A_23 : vector<128x128xf32>
    %mul3A_25 = arith.mulf %sub3A_19, %sub3A_19 : vector<128x128xf32>
    %mul3A_26 = arith.mulf %sub3A_24, %sub3A_24 : vector<128x128xf32>
    %add3A_27 = arith.addf %mul3A_25, %mul3A_26 : vector<128x128xf32>
    %min3A = arith.minimumf %add3A, %add3A_27 : vector<128x128xf32>
    %get3A_28 = arith.constant 2 : index
    %get3A_29 = arith.constant 0 : index
    %get3A_30 = memref.load %arg1[%get3A_28, %get3A_29] : memref<64x2xf32, #tpu.memory_space<smem>>
    %sub3A_31 = vector.broadcast %get3A_30 : f32 to vector<128x128xf32>
    %sub3A_32 = arith.subf %get3A_1, %sub3A_31 : vector<128x128xf32>
    %get3A_33 = arith.constant 2 : index
    %get3A_34 = arith.constant 1 : index
    %get3A_35 = memref.load %arg1[%get3A_33, %get3A_34] : memref<64x2xf32, #tpu.memory_space<smem>>
    %sub3A_36 = vector.broadcast %get3A_35 : f32 to vector<128x128xf32>
    %sub3A_37 = arith.subf %get3A_4, %sub3A_36 : vector<128x128xf32>
    %mul3A_38 = arith.mulf %sub3A_32, %sub3A_32 : vector<128x128xf32>
    %mul3A_39 = arith.mulf %sub3A_37, %sub3A_37 : vector<128x128xf32>
    %add3A_40 = arith.addf %mul3A_38, %mul3A_39 : vector<128x128xf32>
    %min3A_41 = arith.minimumf %min3A, %add3A_40 : vector<128x128xf32>
    %get3A_42 = arith.constant 3 : index
    %get3A_43 = arith.constant 0 : index
    %get3A_44 = memref.load %arg1[%get3A_42, %get3A_43] : memref<64x2xf32, #tpu.memory_space<smem>>
    %sub3A_45 = vector.broadcast %get3A_44 : f32 to vector<128x128xf32>
    %sub3A_46 = arith.subf %get3A_1, %sub3A_45 : vector<128x128xf32>
    %get3A_47 = arith.constant 3 : index
    %get3A_48 = arith.constant 1 : index
    %get3A_49 = memref.load %arg1[%get3A_47, %get3A_48] : memref<64x2xf32, #tpu.memory_space<smem>>
    %sub3A_50 = vector.broadcast %get3A_49 : f32 to vector<128x128xf32>
    %sub3A_51 = arith.subf %get3A_4, %sub3A_50 : vector<128x128xf32>
    %mul3A_52 = arith.mulf %sub3A_46, %sub3A_46 : vector<128x128xf32>
    %mul3A_53 = arith.mulf %sub3A_51, %sub3A_51 : vector<128x128xf32>
    %add3A_54 = arith.addf %mul3A_52, %mul3A_53 : vector<128x128xf32>
    %min3A_55 = arith.minimumf %min3A_41, %add3A_54 : vector<128x128xf32>
    %get3A_56 = arith.constant 4 : index
    %get3A_57 = arith.constant 0 : index
    %get3A_58 = memref.load %arg1[%get3A_56, %get3A_57] : memref<64x2xf32, #tpu.memory_space<smem>>
    %sub3A_59 = vector.broadcast %get3A_58 : f32 to vector<128x128xf32>
    %sub3A_60 = arith.subf %get3A_1, %sub3A_59 : vector<128x128xf32>
    %get3A_61 = arith.constant 4 : index
    %get3A_62 = arith.constant 1 : index
    %get3A_63 = memref.load %arg1[%get3A_61, %get3A_62] : memref<64x2xf32, #tpu.memory_space<smem>>
    %sub3A_64 = vector.broadcast %get3A_63 : f32 to vector<128x128xf32>
    %sub3A_65 = arith.subf %get3A_4, %sub3A_64 : vector<128x128xf32>
    %mul3A_66 = arith.mulf %sub3A_60, %sub3A_60 : vector<128x128xf32>
    %mul3A_67 = arith.mulf %sub3A_65, %sub3A_65 : vector<128x128xf32>
    %add3A_68 = arith.addf %mul3A_66, %mul3A_67 : vector<128x128xf32>
    %min3A_69 = arith.minimumf %min3A_55, %add3A_68 : vector<128x128xf32>
    %get3A_70 = arith.constant 5 : index
    %get3A_71 = arith.constant 0 : index
    %get3A_72 = memref.load %arg1[%get3A_70, %get3A_71] : memref<64x2xf32, #tpu.memory_space<smem>>
    %sub3A_73 = vector.broadcast %get3A_72 : f32 to vector<128x128xf32>
    %sub3A_74 = arith.subf %get3A_1, %sub3A_73 : vector<128x128xf32>
    %get3A_75 = arith.constant 5 : index
    %get3A_76 = arith.constant 1 : index
    %get3A_77 = memref.load %arg1[%get3A_75, %get3A_76] : memref<64x2xf32, #tpu.memory_space<smem>>
    %sub3A_78 = vector.broadcast %get3A_77 : f32 to vector<128x128xf32>
    %sub3A_79 = arith.subf %get3A_4, %sub3A_78 : vector<128x128xf32>
    %mul3A_80 = arith.mulf %sub3A_74, %sub3A_74 : vector<128x128xf32>
    %mul3A_81 = arith.mulf %sub3A_79, %sub3A_79 : vector<128x128xf32>
    %add3A_82 = arith.addf %mul3A_80, %mul3A_81 : vector<128x128xf32>
    %min3A_83 = arith.minimumf %min3A_69, %add3A_82 : vector<128x128xf32>
    %get3A_84 = arith.constant 6 : index
    %get3A_85 = arith.constant 0 : index
    %get3A_86 = memref.load %arg1[%get3A_84, %get3A_85] : memref<64x2xf32, #tpu.memory_space<smem>>
    %sub3A_87 = vector.broadcast %get3A_86 : f32 to vector<128x128xf32>
    %sub3A_88 = arith.subf %get3A_1, %sub3A_87 : vector<128x128xf32>
    %get3A_89 = arith.constant 6 : index
    %get3A_90 = arith.constant 1 : index
    %get3A_91 = memref.load %arg1[%get3A_89, %get3A_90] : memref<64x2xf32, #tpu.memory_space<smem>>
    %sub3A_92 = vector.broadcast %get3A_91 : f32 to vector<128x128xf32>
    %sub3A_93 = arith.subf %get3A_4, %sub3A_92 : vector<128x128xf32>
    %mul3A_94 = arith.mulf %sub3A_88, %sub3A_88 : vector<128x128xf32>
    %mul3A_95 = arith.mulf %sub3A_93, %sub3A_93 : vector<128x128xf32>
    %add3A_96 = arith.addf %mul3A_94, %mul3A_95 : vector<128x128xf32>
    %min3A_97 = arith.minimumf %min3A_83, %add3A_96 : vector<128x128xf32>
    %get3A_98 = arith.constant 7 : index
    %get3A_99 = arith.constant 0 : index
    %get3A_100 = memref.load %arg1[%get3A_98, %get3A_99] : memref<64x2xf32, #tpu.memory_space<smem>>
    %sub3A_101 = vector.broadcast %get3A_100 : f32 to vector<128x128xf32>
    %sub3A_102 = arith.subf %get3A_1, %sub3A_101 : vector<128x128xf32>
    %get3A_103 = arith.constant 7 : index
    %get3A_104 = arith.constant 1 : index
    %get3A_105 = memref.load %arg1[%get3A_103, %get3A_104] : memref<64x2xf32, #tpu.memory_space<smem>>
    %sub3A_106 = vector.broadcast %get3A_105 : f32 to vector<128x128xf32>
    %sub3A_107 = arith.subf %get3A_4, %sub3A_106 : vector<128x128xf32>
    %mul3A_108 = arith.mulf %sub3A_102, %sub3A_102 : vector<128x128xf32>
    %mul3A_109 = arith.mulf %sub3A_107, %sub3A_107 : vector<128x128xf32>
    %add3A_110 = arith.addf %mul3A_108, %mul3A_109 : vector<128x128xf32>
    %min3A_111 = arith.minimumf %min3A_97, %add3A_110 : vector<128x128xf32>
    %get3A_112 = arith.constant 8 : index
    %get3A_113 = arith.constant 0 : index
    %get3A_114 = memref.load %arg1[%get3A_112, %get3A_113] : memref<64x2xf32, #tpu.memory_space<smem>>
    %sub3A_115 = vector.broadcast %get3A_114 : f32 to vector<128x128xf32>
    %sub3A_116 = arith.subf %get3A_1, %sub3A_115 : vector<128x128xf32>
    %get3A_117 = arith.constant 8 : index
    %get3A_118 = arith.constant 1 : index
    %get3A_119 = memref.load %arg1[%get3A_117, %get3A_118] : memref<64x2xf32, #tpu.memory_space<smem>>
    %sub3A_120 = vector.broadcast %get3A_119 : f32 to vector<128x128xf32>
    %sub3A_121 = arith.subf %get3A_4, %sub3A_120 : vector<128x128xf32>
    %mul3A_122 = arith.mulf %sub3A_116, %sub3A_116 : vector<128x128xf32>
    %mul3A_123 = arith.mulf %sub3A_121, %sub3A_121 : vector<128x128xf32>
    %add3A_124 = arith.addf %mul3A_122, %mul3A_123 : vector<128x128xf32>
    %min3A_125 = arith.minimumf %min3A_111, %add3A_124 : vector<128x128xf32>
    %get3A_126 = arith.constant 9 : index
    %get3A_127 = arith.constant 0 : index
    %get3A_128 = memref.load %arg1[%get3A_126, %get3A_127] : memref<64x2xf32, #tpu.memory_space<smem>>
    %sub3A_129 = vector.broadcast %get3A_128 : f32 to vector<128x128xf32>
    %sub3A_130 = arith.subf %get3A_1, %sub3A_129 : vector<128x128xf32>
    %get3A_131 = arith.constant 9 : index
    %get3A_132 = arith.constant 1 : index
    %get3A_133 = memref.load %arg1[%get3A_131, %get3A_132] : memref<64x2xf32, #tpu.memory_space<smem>>
    %sub3A_134 = vector.broadcast %get3A_133 : f32 to vector<128x128xf32>
    %sub3A_135 = arith.subf %get3A_4, %sub3A_134 : vector<128x128xf32>
    %mul3A_136 = arith.mulf %sub3A_130, %sub3A_130 : vector<128x128xf32>
    %mul3A_137 = arith.mulf %sub3A_135, %sub3A_135 : vector<128x128xf32>
    %add3A_138 = arith.addf %mul3A_136, %mul3A_137 : vector<128x128xf32>
    %min3A_139 = arith.minimumf %min3A_125, %add3A_138 : vector<128x128xf32>
    %get3A_140 = arith.constant 10 : index
    %get3A_141 = arith.constant 0 : index
    %get3A_142 = memref.load %arg1[%get3A_140, %get3A_141] : memref<64x2xf32, #tpu.memory_space<smem>>
    %sub3A_143 = vector.broadcast %get3A_142 : f32 to vector<128x128xf32>
    %sub3A_144 = arith.subf %get3A_1, %sub3A_143 : vector<128x128xf32>
    %get3A_145 = arith.constant 10 : index
    %get3A_146 = arith.constant 1 : index
    %get3A_147 = memref.load %arg1[%get3A_145, %get3A_146] : memref<64x2xf32, #tpu.memory_space<smem>>
    %sub3A_148 = vector.broadcast %get3A_147 : f32 to vector<128x128xf32>
    %sub3A_149 = arith.subf %get3A_4, %sub3A_148 : vector<128x128xf32>
    %mul3A_150 = arith.mulf %sub3A_144, %sub3A_144 : vector<128x128xf32>
    %mul3A_151 = arith.mulf %sub3A_149, %sub3A_149 : vector<128x128xf32>
    %add3A_152 = arith.addf %mul3A_150, %mul3A_151 : vector<128x128xf32>
    %min3A_153 = arith.minimumf %min3A_139, %add3A_152 : vector<128x128xf32>
    %get3A_154 = arith.constant 11 : index
    %get3A_155 = arith.constant 0 : index
    %get3A_156 = memref.load %arg1[%get3A_154, %get3A_155] : memref<64x2xf32, #tpu.memory_space<smem>>
    %sub3A_157 = vector.broadcast %get3A_156 : f32 to vector<128x128xf32>
    %sub3A_158 = arith.subf %get3A_1, %sub3A_157 : vector<128x128xf32>
    %get3A_159 = arith.constant 11 : index
    %get3A_160 = arith.constant 1 : index
    %get3A_161 = memref.load %arg1[%get3A_159, %get3A_160] : memref<64x2xf32, #tpu.memory_space<smem>>
    %sub3A_162 = vector.broadcast %get3A_161 : f32 to vector<128x128xf32>
    %sub3A_163 = arith.subf %get3A_4, %sub3A_162 : vector<128x128xf32>
    %mul3A_164 = arith.mulf %sub3A_158, %sub3A_158 : vector<128x128xf32>
    %mul3A_165 = arith.mulf %sub3A_163, %sub3A_163 : vector<128x128xf32>
    %add3A_166 = arith.addf %mul3A_164, %mul3A_165 : vector<128x128xf32>
    %min3A_167 = arith.minimumf %min3A_153, %add3A_166 : vector<128x128xf32>
    %get3A_168 = arith.constant 12 : index
    %get3A_169 = arith.constant 0 : index
    %get3A_170 = memref.load %arg1[%get3A_168, %get3A_169] : memref<64x2xf32, #tpu.memory_space<smem>>
    %sub3A_171 = vector.broadcast %get3A_170 : f32 to vector<128x128xf32>
    %sub3A_172 = arith.subf %get3A_1, %sub3A_171 : vector<128x128xf32>
    %get3A_173 = arith.constant 12 : index
    %get3A_174 = arith.constant 1 : index
    %get3A_175 = memref.load %arg1[%get3A_173, %get3A_174] : memref<64x2xf32, #tpu.memory_space<smem>>
    %sub3A_176 = vector.broadcast %get3A_175 : f32 to vector<128x128xf32>
    %sub3A_177 = arith.subf %get3A_4, %sub3A_176 : vector<128x128xf32>
    %mul3A_178 = arith.mulf %sub3A_172, %sub3A_172 : vector<128x128xf32>
    %mul3A_179 = arith.mulf %sub3A_177, %sub3A_177 : vector<128x128xf32>
    %add3A_180 = arith.addf %mul3A_178, %mul3A_179 : vector<128x128xf32>
    %min3A_181 = arith.minimumf %min3A_167, %add3A_180 : vector<128x128xf32>
    %get3A_182 = arith.constant 13 : index
    %get3A_183 = arith.constant 0 : index
    %get3A_184 = memref.load %arg1[%get3A_182, %get3A_183] : memref<64x2xf32, #tpu.memory_space<smem>>
    %sub3A_185 = vector.broadcast %get3A_184 : f32 to vector<128x128xf32>
    %sub3A_186 = arith.subf %get3A_1, %sub3A_185 : vector<128x128xf32>
    %get3A_187 = arith.constant 13 : index
    %get3A_188 = arith.constant 1 : index
    %get3A_189 = memref.load %arg1[%get3A_187, %get3A_188] : memref<64x2xf32, #tpu.memory_space<smem>>
    %sub3A_190 = vector.broadcast %get3A_189 : f32 to vector<128x128xf32>
    %sub3A_191 = arith.subf %get3A_4, %sub3A_190 : vector<128x128xf32>
    %mul3A_192 = arith.mulf %sub3A_186, %sub3A_186 : vector<128x128xf32>
    %mul3A_193 = arith.mulf %sub3A_191, %sub3A_191 : vector<128x128xf32>
    %add3A_194 = arith.addf %mul3A_192, %mul3A_193 : vector<128x128xf32>
    %min3A_195 = arith.minimumf %min3A_181, %add3A_194 : vector<128x128xf32>
    %get3A_196 = arith.constant 14 : index
    %get3A_197 = arith.constant 0 : index
    %get3A_198 = memref.load %arg1[%get3A_196, %get3A_197] : memref<64x2xf32, #tpu.memory_space<smem>>
    %sub3A_199 = vector.broadcast %get3A_198 : f32 to vector<128x128xf32>
    %sub3A_200 = arith.subf %get3A_1, %sub3A_199 : vector<128x128xf32>
    %get3A_201 = arith.constant 14 : index
    %get3A_202 = arith.constant 1 : index
    %get3A_203 = memref.load %arg1[%get3A_201, %get3A_202] : memref<64x2xf32, #tpu.memory_space<smem>>
    %sub3A_204 = vector.broadcast %get3A_203 : f32 to vector<128x128xf32>
    %sub3A_205 = arith.subf %get3A_4, %sub3A_204 : vector<128x128xf32>
    %mul3A_206 = arith.mulf %sub3A_200, %sub3A_200 : vector<128x128xf32>
    %mul3A_207 = arith.mulf %sub3A_205, %sub3A_205 : vector<128x128xf32>
    %add3A_208 = arith.addf %mul3A_206, %mul3A_207 : vector<128x128xf32>
    %min3A_209 = arith.minimumf %min3A_195, %add3A_208 : vector<128x128xf32>
    %get3A_210 = arith.constant 15 : index
    %get3A_211 = arith.constant 0 : index
    %get3A_212 = memref.load %arg1[%get3A_210, %get3A_211] : memref<64x2xf32, #tpu.memory_space<smem>>
    %sub3A_213 = vector.broadcast %get3A_212 : f32 to vector<128x128xf32>
    %sub3A_214 = arith.subf %get3A_1, %sub3A_213 : vector<128x128xf32>
    %get3A_215 = arith.constant 15 : index
    %get3A_216 = arith.constant 1 : index
    %get3A_217 = memref.load %arg1[%get3A_215, %get3A_216] : memref<64x2xf32, #tpu.memory_space<smem>>
    %sub3A_218 = vector.broadcast %get3A_217 : f32 to vector<128x128xf32>
    %sub3A_219 = arith.subf %get3A_4, %sub3A_218 : vector<128x128xf32>
    %mul3A_220 = arith.mulf %sub3A_214, %sub3A_214 : vector<128x128xf32>
    %mul3A_221 = arith.mulf %sub3A_219, %sub3A_219 : vector<128x128xf32>
    %add3A_222 = arith.addf %mul3A_220, %mul3A_221 : vector<128x128xf32>
    %min3A_223 = arith.minimumf %min3A_209, %add3A_222 : vector<128x128xf32>
    %get3A_224 = arith.constant 16 : index
    %get3A_225 = arith.constant 0 : index
    %get3A_226 = memref.load %arg1[%get3A_224, %get3A_225] : memref<64x2xf32, #tpu.memory_space<smem>>
    %sub3A_227 = vector.broadcast %get3A_226 : f32 to vector<128x128xf32>
    %sub3A_228 = arith.subf %get3A_1, %sub3A_227 : vector<128x128xf32>
    %get3A_229 = arith.constant 16 : index
    %get3A_230 = arith.constant 1 : index
    %get3A_231 = memref.load %arg1[%get3A_229, %get3A_230] : memref<64x2xf32, #tpu.memory_space<smem>>
    %sub3A_232 = vector.broadcast %get3A_231 : f32 to vector<128x128xf32>
    %sub3A_233 = arith.subf %get3A_4, %sub3A_232 : vector<128x128xf32>
    %mul3A_234 = arith.mulf %sub3A_228, %sub3A_228 : vector<128x128xf32>
    %mul3A_235 = arith.mulf %sub3A_233, %sub3A_233 : vector<128x128xf32>
    %add3A_236 = arith.addf %mul3A_234, %mul3A_235 : vector<128x128xf32>
    %min3A_237 = arith.minimumf %min3A_223, %add3A_236 : vector<128x128xf32>
    %get3A_238 = arith.constant 17 : index
    %get3A_239 = arith.constant 0 : index
    %get3A_240 = memref.load %arg1[%get3A_238, %get3A_239] : memref<64x2xf32, #tpu.memory_space<smem>>
    %sub3A_241 = vector.broadcast %get3A_240 : f32 to vector<128x128xf32>
    %sub3A_242 = arith.subf %get3A_1, %sub3A_241 : vector<128x128xf32>
    %get3A_243 = arith.constant 17 : index
    %get3A_244 = arith.constant 1 : index
    %get3A_245 = memref.load %arg1[%get3A_243, %get3A_244] : memref<64x2xf32, #tpu.memory_space<smem>>
    %sub3A_246 = vector.broadcast %get3A_245 : f32 to vector<128x128xf32>
    %sub3A_247 = arith.subf %get3A_4, %sub3A_246 : vector<128x128xf32>
    %mul3A_248 = arith.mulf %sub3A_242, %sub3A_242 : vector<128x128xf32>
    %mul3A_249 = arith.mulf %sub3A_247, %sub3A_247 : vector<128x128xf32>
    %add3A_250 = arith.addf %mul3A_248, %mul3A_249 : vector<128x128xf32>
    %min3A_251 = arith.minimumf %min3A_237, %add3A_250 : vector<128x128xf32>
    %get3A_252 = arith.constant 18 : index
    %get3A_253 = arith.constant 0 : index
    %get3A_254 = memref.load %arg1[%get3A_252, %get3A_253] : memref<64x2xf32, #tpu.memory_space<smem>>
    %sub3A_255 = vector.broadcast %get3A_254 : f32 to vector<128x128xf32>
    %sub3A_256 = arith.subf %get3A_1, %sub3A_255 : vector<128x128xf32>
    %get3A_257 = arith.constant 18 : index
    %get3A_258 = arith.constant 1 : index
    %get3A_259 = memref.load %arg1[%get3A_257, %get3A_258] : memref<64x2xf32, #tpu.memory_space<smem>>
    %sub3A_260 = vector.broadcast %get3A_259 : f32 to vector<128x128xf32>
    %sub3A_261 = arith.subf %get3A_4, %sub3A_260 : vector<128x128xf32>
    %mul3A_262 = arith.mulf %sub3A_256, %sub3A_256 : vector<128x128xf32>
    %mul3A_263 = arith.mulf %sub3A_261, %sub3A_261 : vector<128x128xf32>
    %add3A_264 = arith.addf %mul3A_262, %mul3A_263 : vector<128x128xf32>
    %min3A_265 = arith.minimumf %min3A_251, %add3A_264 : vector<128x128xf32>
    %get3A_266 = arith.constant 19 : index
    %get3A_267 = arith.constant 0 : index
    %get3A_268 = memref.load %arg1[%get3A_266, %get3A_267] : memref<64x2xf32, #tpu.memory_space<smem>>
    %sub3A_269 = vector.broadcast %get3A_268 : f32 to vector<128x128xf32>
    %sub3A_270 = arith.subf %get3A_1, %sub3A_269 : vector<128x128xf32>
    %get3A_271 = arith.constant 19 : index
    %get3A_272 = arith.constant 1 : index
    %get3A_273 = memref.load %arg1[%get3A_271, %get3A_272] : memref<64x2xf32, #tpu.memory_space<smem>>
    %sub3A_274 = vector.broadcast %get3A_273 : f32 to vector<128x128xf32>
    %sub3A_275 = arith.subf %get3A_4, %sub3A_274 : vector<128x128xf32>
    %mul3A_276 = arith.mulf %sub3A_270, %sub3A_270 : vector<128x128xf32>
    %mul3A_277 = arith.mulf %sub3A_275, %sub3A_275 : vector<128x128xf32>
    %add3A_278 = arith.addf %mul3A_276, %mul3A_277 : vector<128x128xf32>
    %min3A_279 = arith.minimumf %min3A_265, %add3A_278 : vector<128x128xf32>
    %get3A_280 = arith.constant 20 : index
    %get3A_281 = arith.constant 0 : index
    %get3A_282 = memref.load %arg1[%get3A_280, %get3A_281] : memref<64x2xf32, #tpu.memory_space<smem>>
    %sub3A_283 = vector.broadcast %get3A_282 : f32 to vector<128x128xf32>
    %sub3A_284 = arith.subf %get3A_1, %sub3A_283 : vector<128x128xf32>
    %get3A_285 = arith.constant 20 : index
    %get3A_286 = arith.constant 1 : index
    %get3A_287 = memref.load %arg1[%get3A_285, %get3A_286] : memref<64x2xf32, #tpu.memory_space<smem>>
    %sub3A_288 = vector.broadcast %get3A_287 : f32 to vector<128x128xf32>
    %sub3A_289 = arith.subf %get3A_4, %sub3A_288 : vector<128x128xf32>
    %mul3A_290 = arith.mulf %sub3A_284, %sub3A_284 : vector<128x128xf32>
    %mul3A_291 = arith.mulf %sub3A_289, %sub3A_289 : vector<128x128xf32>
    %add3A_292 = arith.addf %mul3A_290, %mul3A_291 : vector<128x128xf32>
    %min3A_293 = arith.minimumf %min3A_279, %add3A_292 : vector<128x128xf32>
    %get3A_294 = arith.constant 21 : index
    %get3A_295 = arith.constant 0 : index
    %get3A_296 = memref.load %arg1[%get3A_294, %get3A_295] : memref<64x2xf32, #tpu.memory_space<smem>>
    %sub3A_297 = vector.broadcast %get3A_296 : f32 to vector<128x128xf32>
    %sub3A_298 = arith.subf %get3A_1, %sub3A_297 : vector<128x128xf32>
    %get3A_299 = arith.constant 21 : index
    %get3A_300 = arith.constant 1 : index
    %get3A_301 = memref.load %arg1[%get3A_299, %get3A_300] : memref<64x2xf32, #tpu.memory_space<smem>>
    %sub3A_302 = vector.broadcast %get3A_301 : f32 to vector<128x128xf32>
    %sub3A_303 = arith.subf %get3A_4, %sub3A_302 : vector<128x128xf32>
    %mul3A_304 = arith.mulf %sub3A_298, %sub3A_298 : vector<128x128xf32>
    %mul3A_305 = arith.mulf %sub3A_303, %sub3A_303 : vector<128x128xf32>
    %add3A_306 = arith.addf %mul3A_304, %mul3A_305 : vector<128x128xf32>
    %min3A_307 = arith.minimumf %min3A_293, %add3A_306 : vector<128x128xf32>
    %get3A_308 = arith.constant 22 : index
    %get3A_309 = arith.constant 0 : index
    %get3A_310 = memref.load %arg1[%get3A_308, %get3A_309] : memref<64x2xf32, #tpu.memory_space<smem>>
    %sub3A_311 = vector.broadcast %get3A_310 : f32 to vector<128x128xf32>
    %sub3A_312 = arith.subf %get3A_1, %sub3A_311 : vector<128x128xf32>
    %get3A_313 = arith.constant 22 : index
    %get3A_314 = arith.constant 1 : index
    %get3A_315 = memref.load %arg1[%get3A_313, %get3A_314] : memref<64x2xf32, #tpu.memory_space<smem>>
    %sub3A_316 = vector.broadcast %get3A_315 : f32 to vector<128x128xf32>
    %sub3A_317 = arith.subf %get3A_4, %sub3A_316 : vector<128x128xf32>
    %mul3A_318 = arith.mulf %sub3A_312, %sub3A_312 : vector<128x128xf32>
    %mul3A_319 = arith.mulf %sub3A_317, %sub3A_317 : vector<128x128xf32>
    %add3A_320 = arith.addf %mul3A_318, %mul3A_319 : vector<128x128xf32>
    %min3A_321 = arith.minimumf %min3A_307, %add3A_320 : vector<128x128xf32>
    %get3A_322 = arith.constant 23 : index
    %get3A_323 = arith.constant 0 : index
    %get3A_324 = memref.load %arg1[%get3A_322, %get3A_323] : memref<64x2xf32, #tpu.memory_space<smem>>
    %sub3A_325 = vector.broadcast %get3A_324 : f32 to vector<128x128xf32>
    %sub3A_326 = arith.subf %get3A_1, %sub3A_325 : vector<128x128xf32>
    %get3A_327 = arith.constant 23 : index
    %get3A_328 = arith.constant 1 : index
    %get3A_329 = memref.load %arg1[%get3A_327, %get3A_328] : memref<64x2xf32, #tpu.memory_space<smem>>
    %sub3A_330 = vector.broadcast %get3A_329 : f32 to vector<128x128xf32>
    %sub3A_331 = arith.subf %get3A_4, %sub3A_330 : vector<128x128xf32>
    %mul3A_332 = arith.mulf %sub3A_326, %sub3A_326 : vector<128x128xf32>
    %mul3A_333 = arith.mulf %sub3A_331, %sub3A_331 : vector<128x128xf32>
    %add3A_334 = arith.addf %mul3A_332, %mul3A_333 : vector<128x128xf32>
    %min3A_335 = arith.minimumf %min3A_321, %add3A_334 : vector<128x128xf32>
    %get3A_336 = arith.constant 24 : index
    %get3A_337 = arith.constant 0 : index
    %get3A_338 = memref.load %arg1[%get3A_336, %get3A_337] : memref<64x2xf32, #tpu.memory_space<smem>>
    %sub3A_339 = vector.broadcast %get3A_338 : f32 to vector<128x128xf32>
    %sub3A_340 = arith.subf %get3A_1, %sub3A_339 : vector<128x128xf32>
    %get3A_341 = arith.constant 24 : index
    %get3A_342 = arith.constant 1 : index
    %get3A_343 = memref.load %arg1[%get3A_341, %get3A_342] : memref<64x2xf32, #tpu.memory_space<smem>>
    %sub3A_344 = vector.broadcast %get3A_343 : f32 to vector<128x128xf32>
    %sub3A_345 = arith.subf %get3A_4, %sub3A_344 : vector<128x128xf32>
    %mul3A_346 = arith.mulf %sub3A_340, %sub3A_340 : vector<128x128xf32>
    %mul3A_347 = arith.mulf %sub3A_345, %sub3A_345 : vector<128x128xf32>
    %add3A_348 = arith.addf %mul3A_346, %mul3A_347 : vector<128x128xf32>
    %min3A_349 = arith.minimumf %min3A_335, %add3A_348 : vector<128x128xf32>
    %get3A_350 = arith.constant 25 : index
    %get3A_351 = arith.constant 0 : index
    %get3A_352 = memref.load %arg1[%get3A_350, %get3A_351] : memref<64x2xf32, #tpu.memory_space<smem>>
    %sub3A_353 = vector.broadcast %get3A_352 : f32 to vector<128x128xf32>
    %sub3A_354 = arith.subf %get3A_1, %sub3A_353 : vector<128x128xf32>
    %get3A_355 = arith.constant 25 : index
    %get3A_356 = arith.constant 1 : index
    %get3A_357 = memref.load %arg1[%get3A_355, %get3A_356] : memref<64x2xf32, #tpu.memory_space<smem>>
    %sub3A_358 = vector.broadcast %get3A_357 : f32 to vector<128x128xf32>
    %sub3A_359 = arith.subf %get3A_4, %sub3A_358 : vector<128x128xf32>
    %mul3A_360 = arith.mulf %sub3A_354, %sub3A_354 : vector<128x128xf32>
    %mul3A_361 = arith.mulf %sub3A_359, %sub3A_359 : vector<128x128xf32>
    %add3A_362 = arith.addf %mul3A_360, %mul3A_361 : vector<128x128xf32>
    %min3A_363 = arith.minimumf %min3A_349, %add3A_362 : vector<128x128xf32>
    %get3A_364 = arith.constant 26 : index
    %get3A_365 = arith.constant 0 : index
    %get3A_366 = memref.load %arg1[%get3A_364, %get3A_365] : memref<64x2xf32, #tpu.memory_space<smem>>
    %sub3A_367 = vector.broadcast %get3A_366 : f32 to vector<128x128xf32>
    %sub3A_368 = arith.subf %get3A_1, %sub3A_367 : vector<128x128xf32>
    %get3A_369 = arith.constant 26 : index
    %get3A_370 = arith.constant 1 : index
    %get3A_371 = memref.load %arg1[%get3A_369, %get3A_370] : memref<64x2xf32, #tpu.memory_space<smem>>
    %sub3A_372 = vector.broadcast %get3A_371 : f32 to vector<128x128xf32>
    %sub3A_373 = arith.subf %get3A_4, %sub3A_372 : vector<128x128xf32>
    %mul3A_374 = arith.mulf %sub3A_368, %sub3A_368 : vector<128x128xf32>
    %mul3A_375 = arith.mulf %sub3A_373, %sub3A_373 : vector<128x128xf32>
    %add3A_376 = arith.addf %mul3A_374, %mul3A_375 : vector<128x128xf32>
    %min3A_377 = arith.minimumf %min3A_363, %add3A_376 : vector<128x128xf32>
    %get3A_378 = arith.constant 27 : index
    %get3A_379 = arith.constant 0 : index
    %get3A_380 = memref.load %arg1[%get3A_378, %get3A_379] : memref<64x2xf32, #tpu.memory_space<smem>>
    %sub3A_381 = vector.broadcast %get3A_380 : f32 to vector<128x128xf32>
    %sub3A_382 = arith.subf %get3A_1, %sub3A_381 : vector<128x128xf32>
    %get3A_383 = arith.constant 27 : index
    %get3A_384 = arith.constant 1 : index
    %get3A_385 = memref.load %arg1[%get3A_383, %get3A_384] : memref<64x2xf32, #tpu.memory_space<smem>>
    %sub3A_386 = vector.broadcast %get3A_385 : f32 to vector<128x128xf32>
    %sub3A_387 = arith.subf %get3A_4, %sub3A_386 : vector<128x128xf32>
    %mul3A_388 = arith.mulf %sub3A_382, %sub3A_382 : vector<128x128xf32>
    %mul3A_389 = arith.mulf %sub3A_387, %sub3A_387 : vector<128x128xf32>
    %add3A_390 = arith.addf %mul3A_388, %mul3A_389 : vector<128x128xf32>
    %min3A_391 = arith.minimumf %min3A_377, %add3A_390 : vector<128x128xf32>
    %get3A_392 = arith.constant 28 : index
    %get3A_393 = arith.constant 0 : index
    %get3A_394 = memref.load %arg1[%get3A_392, %get3A_393] : memref<64x2xf32, #tpu.memory_space<smem>>
    %sub3A_395 = vector.broadcast %get3A_394 : f32 to vector<128x128xf32>
    %sub3A_396 = arith.subf %get3A_1, %sub3A_395 : vector<128x128xf32>
    %get3A_397 = arith.constant 28 : index
    %get3A_398 = arith.constant 1 : index
    %get3A_399 = memref.load %arg1[%get3A_397, %get3A_398] : memref<64x2xf32, #tpu.memory_space<smem>>
    %sub3A_400 = vector.broadcast %get3A_399 : f32 to vector<128x128xf32>
    %sub3A_401 = arith.subf %get3A_4, %sub3A_400 : vector<128x128xf32>
    %mul3A_402 = arith.mulf %sub3A_396, %sub3A_396 : vector<128x128xf32>
    %mul3A_403 = arith.mulf %sub3A_401, %sub3A_401 : vector<128x128xf32>
    %add3A_404 = arith.addf %mul3A_402, %mul3A_403 : vector<128x128xf32>
    %min3A_405 = arith.minimumf %min3A_391, %add3A_404 : vector<128x128xf32>
    %get3A_406 = arith.constant 29 : index
    %get3A_407 = arith.constant 0 : index
    %get3A_408 = memref.load %arg1[%get3A_406, %get3A_407] : memref<64x2xf32, #tpu.memory_space<smem>>
    %sub3A_409 = vector.broadcast %get3A_408 : f32 to vector<128x128xf32>
    %sub3A_410 = arith.subf %get3A_1, %sub3A_409 : vector<128x128xf32>
    %get3A_411 = arith.constant 29 : index
    %get3A_412 = arith.constant 1 : index
    %get3A_413 = memref.load %arg1[%get3A_411, %get3A_412] : memref<64x2xf32, #tpu.memory_space<smem>>
    %sub3A_414 = vector.broadcast %get3A_413 : f32 to vector<128x128xf32>
    %sub3A_415 = arith.subf %get3A_4, %sub3A_414 : vector<128x128xf32>
    %mul3A_416 = arith.mulf %sub3A_410, %sub3A_410 : vector<128x128xf32>
    %mul3A_417 = arith.mulf %sub3A_415, %sub3A_415 : vector<128x128xf32>
    %add3A_418 = arith.addf %mul3A_416, %mul3A_417 : vector<128x128xf32>
    %min3A_419 = arith.minimumf %min3A_405, %add3A_418 : vector<128x128xf32>
    %get3A_420 = arith.constant 30 : index
    %get3A_421 = arith.constant 0 : index
    %get3A_422 = memref.load %arg1[%get3A_420, %get3A_421] : memref<64x2xf32, #tpu.memory_space<smem>>
    %sub3A_423 = vector.broadcast %get3A_422 : f32 to vector<128x128xf32>
    %sub3A_424 = arith.subf %get3A_1, %sub3A_423 : vector<128x128xf32>
    %get3A_425 = arith.constant 30 : index
    %get3A_426 = arith.constant 1 : index
    %get3A_427 = memref.load %arg1[%get3A_425, %get3A_426] : memref<64x2xf32, #tpu.memory_space<smem>>
    %sub3A_428 = vector.broadcast %get3A_427 : f32 to vector<128x128xf32>
    %sub3A_429 = arith.subf %get3A_4, %sub3A_428 : vector<128x128xf32>
    %mul3A_430 = arith.mulf %sub3A_424, %sub3A_424 : vector<128x128xf32>
    %mul3A_431 = arith.mulf %sub3A_429, %sub3A_429 : vector<128x128xf32>
    %add3A_432 = arith.addf %mul3A_430, %mul3A_431 : vector<128x128xf32>
    %min3A_433 = arith.minimumf %min3A_419, %add3A_432 : vector<128x128xf32>
    %get3A_434 = arith.constant 31 : index
    %get3A_435 = arith.constant 0 : index
    %get3A_436 = memref.load %arg1[%get3A_434, %get3A_435] : memref<64x2xf32, #tpu.memory_space<smem>>
    %sub3A_437 = vector.broadcast %get3A_436 : f32 to vector<128x128xf32>
    %sub3A_438 = arith.subf %get3A_1, %sub3A_437 : vector<128x128xf32>
    %get3A_439 = arith.constant 31 : index
    %get3A_440 = arith.constant 1 : index
    %get3A_441 = memref.load %arg1[%get3A_439, %get3A_440] : memref<64x2xf32, #tpu.memory_space<smem>>
    %sub3A_442 = vector.broadcast %get3A_441 : f32 to vector<128x128xf32>
    %sub3A_443 = arith.subf %get3A_4, %sub3A_442 : vector<128x128xf32>
    %mul3A_444 = arith.mulf %sub3A_438, %sub3A_438 : vector<128x128xf32>
    %mul3A_445 = arith.mulf %sub3A_443, %sub3A_443 : vector<128x128xf32>
    %add3A_446 = arith.addf %mul3A_444, %mul3A_445 : vector<128x128xf32>
    %min3A_447 = arith.minimumf %min3A_433, %add3A_446 : vector<128x128xf32>
    %get3A_448 = arith.constant 32 : index
    %get3A_449 = arith.constant 0 : index
    %get3A_450 = memref.load %arg1[%get3A_448, %get3A_449] : memref<64x2xf32, #tpu.memory_space<smem>>
    %sub3A_451 = vector.broadcast %get3A_450 : f32 to vector<128x128xf32>
    %sub3A_452 = arith.subf %get3A_1, %sub3A_451 : vector<128x128xf32>
    %get3A_453 = arith.constant 32 : index
    %get3A_454 = arith.constant 1 : index
    %get3A_455 = memref.load %arg1[%get3A_453, %get3A_454] : memref<64x2xf32, #tpu.memory_space<smem>>
    %sub3A_456 = vector.broadcast %get3A_455 : f32 to vector<128x128xf32>
    %sub3A_457 = arith.subf %get3A_4, %sub3A_456 : vector<128x128xf32>
    %mul3A_458 = arith.mulf %sub3A_452, %sub3A_452 : vector<128x128xf32>
    %mul3A_459 = arith.mulf %sub3A_457, %sub3A_457 : vector<128x128xf32>
    %add3A_460 = arith.addf %mul3A_458, %mul3A_459 : vector<128x128xf32>
    %min3A_461 = arith.minimumf %min3A_447, %add3A_460 : vector<128x128xf32>
    %get3A_462 = arith.constant 33 : index
    %get3A_463 = arith.constant 0 : index
    %get3A_464 = memref.load %arg1[%get3A_462, %get3A_463] : memref<64x2xf32, #tpu.memory_space<smem>>
    %sub3A_465 = vector.broadcast %get3A_464 : f32 to vector<128x128xf32>
    %sub3A_466 = arith.subf %get3A_1, %sub3A_465 : vector<128x128xf32>
    %get3A_467 = arith.constant 33 : index
    %get3A_468 = arith.constant 1 : index
    %get3A_469 = memref.load %arg1[%get3A_467, %get3A_468] : memref<64x2xf32, #tpu.memory_space<smem>>
    %sub3A_470 = vector.broadcast %get3A_469 : f32 to vector<128x128xf32>
    %sub3A_471 = arith.subf %get3A_4, %sub3A_470 : vector<128x128xf32>
    %mul3A_472 = arith.mulf %sub3A_466, %sub3A_466 : vector<128x128xf32>
    %mul3A_473 = arith.mulf %sub3A_471, %sub3A_471 : vector<128x128xf32>
    %add3A_474 = arith.addf %mul3A_472, %mul3A_473 : vector<128x128xf32>
    %min3A_475 = arith.minimumf %min3A_461, %add3A_474 : vector<128x128xf32>
    %get3A_476 = arith.constant 34 : index
    %get3A_477 = arith.constant 0 : index
    %get3A_478 = memref.load %arg1[%get3A_476, %get3A_477] : memref<64x2xf32, #tpu.memory_space<smem>>
    %sub3A_479 = vector.broadcast %get3A_478 : f32 to vector<128x128xf32>
    %sub3A_480 = arith.subf %get3A_1, %sub3A_479 : vector<128x128xf32>
    %get3A_481 = arith.constant 34 : index
    %get3A_482 = arith.constant 1 : index
    %get3A_483 = memref.load %arg1[%get3A_481, %get3A_482] : memref<64x2xf32, #tpu.memory_space<smem>>
    %sub3A_484 = vector.broadcast %get3A_483 : f32 to vector<128x128xf32>
    %sub3A_485 = arith.subf %get3A_4, %sub3A_484 : vector<128x128xf32>
    %mul3A_486 = arith.mulf %sub3A_480, %sub3A_480 : vector<128x128xf32>
    %mul3A_487 = arith.mulf %sub3A_485, %sub3A_485 : vector<128x128xf32>
    %add3A_488 = arith.addf %mul3A_486, %mul3A_487 : vector<128x128xf32>
    %min3A_489 = arith.minimumf %min3A_475, %add3A_488 : vector<128x128xf32>
    %get3A_490 = arith.constant 35 : index
    %get3A_491 = arith.constant 0 : index
    %get3A_492 = memref.load %arg1[%get3A_490, %get3A_491] : memref<64x2xf32, #tpu.memory_space<smem>>
    %sub3A_493 = vector.broadcast %get3A_492 : f32 to vector<128x128xf32>
    %sub3A_494 = arith.subf %get3A_1, %sub3A_493 : vector<128x128xf32>
    %get3A_495 = arith.constant 35 : index
    %get3A_496 = arith.constant 1 : index
    %get3A_497 = memref.load %arg1[%get3A_495, %get3A_496] : memref<64x2xf32, #tpu.memory_space<smem>>
    %sub3A_498 = vector.broadcast %get3A_497 : f32 to vector<128x128xf32>
    %sub3A_499 = arith.subf %get3A_4, %sub3A_498 : vector<128x128xf32>
    %mul3A_500 = arith.mulf %sub3A_494, %sub3A_494 : vector<128x128xf32>
    %mul3A_501 = arith.mulf %sub3A_499, %sub3A_499 : vector<128x128xf32>
    %add3A_502 = arith.addf %mul3A_500, %mul3A_501 : vector<128x128xf32>
    %min3A_503 = arith.minimumf %min3A_489, %add3A_502 : vector<128x128xf32>
    %get3A_504 = arith.constant 36 : index
    %get3A_505 = arith.constant 0 : index
    %get3A_506 = memref.load %arg1[%get3A_504, %get3A_505] : memref<64x2xf32, #tpu.memory_space<smem>>
    %sub3A_507 = vector.broadcast %get3A_506 : f32 to vector<128x128xf32>
    %sub3A_508 = arith.subf %get3A_1, %sub3A_507 : vector<128x128xf32>
    %get3A_509 = arith.constant 36 : index
    %get3A_510 = arith.constant 1 : index
    %get3A_511 = memref.load %arg1[%get3A_509, %get3A_510] : memref<64x2xf32, #tpu.memory_space<smem>>
    %sub3A_512 = vector.broadcast %get3A_511 : f32 to vector<128x128xf32>
    %sub3A_513 = arith.subf %get3A_4, %sub3A_512 : vector<128x128xf32>
    %mul3A_514 = arith.mulf %sub3A_508, %sub3A_508 : vector<128x128xf32>
    %mul3A_515 = arith.mulf %sub3A_513, %sub3A_513 : vector<128x128xf32>
    %add3A_516 = arith.addf %mul3A_514, %mul3A_515 : vector<128x128xf32>
    %min3A_517 = arith.minimumf %min3A_503, %add3A_516 : vector<128x128xf32>
    %get3A_518 = arith.constant 37 : index
    %get3A_519 = arith.constant 0 : index
    %get3A_520 = memref.load %arg1[%get3A_518, %get3A_519] : memref<64x2xf32, #tpu.memory_space<smem>>
    %sub3A_521 = vector.broadcast %get3A_520 : f32 to vector<128x128xf32>
    %sub3A_522 = arith.subf %get3A_1, %sub3A_521 : vector<128x128xf32>
    %get3A_523 = arith.constant 37 : index
    %get3A_524 = arith.constant 1 : index
    %get3A_525 = memref.load %arg1[%get3A_523, %get3A_524] : memref<64x2xf32, #tpu.memory_space<smem>>
    %sub3A_526 = vector.broadcast %get3A_525 : f32 to vector<128x128xf32>
    %sub3A_527 = arith.subf %get3A_4, %sub3A_526 : vector<128x128xf32>
    %mul3A_528 = arith.mulf %sub3A_522, %sub3A_522 : vector<128x128xf32>
    %mul3A_529 = arith.mulf %sub3A_527, %sub3A_527 : vector<128x128xf32>
    %add3A_530 = arith.addf %mul3A_528, %mul3A_529 : vector<128x128xf32>
    %min3A_531 = arith.minimumf %min3A_517, %add3A_530 : vector<128x128xf32>
    %get3A_532 = arith.constant 38 : index
    %get3A_533 = arith.constant 0 : index
    %get3A_534 = memref.load %arg1[%get3A_532, %get3A_533] : memref<64x2xf32, #tpu.memory_space<smem>>
    %sub3A_535 = vector.broadcast %get3A_534 : f32 to vector<128x128xf32>
    %sub3A_536 = arith.subf %get3A_1, %sub3A_535 : vector<128x128xf32>
    %get3A_537 = arith.constant 38 : index
    %get3A_538 = arith.constant 1 : index
    %get3A_539 = memref.load %arg1[%get3A_537, %get3A_538] : memref<64x2xf32, #tpu.memory_space<smem>>
    %sub3A_540 = vector.broadcast %get3A_539 : f32 to vector<128x128xf32>
    %sub3A_541 = arith.subf %get3A_4, %sub3A_540 : vector<128x128xf32>
    %mul3A_542 = arith.mulf %sub3A_536, %sub3A_536 : vector<128x128xf32>
    %mul3A_543 = arith.mulf %sub3A_541, %sub3A_541 : vector<128x128xf32>
    %add3A_544 = arith.addf %mul3A_542, %mul3A_543 : vector<128x128xf32>
    %min3A_545 = arith.minimumf %min3A_531, %add3A_544 : vector<128x128xf32>
    %get3A_546 = arith.constant 39 : index
    %get3A_547 = arith.constant 0 : index
    %get3A_548 = memref.load %arg1[%get3A_546, %get3A_547] : memref<64x2xf32, #tpu.memory_space<smem>>
    %sub3A_549 = vector.broadcast %get3A_548 : f32 to vector<128x128xf32>
    %sub3A_550 = arith.subf %get3A_1, %sub3A_549 : vector<128x128xf32>
    %get3A_551 = arith.constant 39 : index
    %get3A_552 = arith.constant 1 : index
    %get3A_553 = memref.load %arg1[%get3A_551, %get3A_552] : memref<64x2xf32, #tpu.memory_space<smem>>
    %sub3A_554 = vector.broadcast %get3A_553 : f32 to vector<128x128xf32>
    %sub3A_555 = arith.subf %get3A_4, %sub3A_554 : vector<128x128xf32>
    %mul3A_556 = arith.mulf %sub3A_550, %sub3A_550 : vector<128x128xf32>
    %mul3A_557 = arith.mulf %sub3A_555, %sub3A_555 : vector<128x128xf32>
    %add3A_558 = arith.addf %mul3A_556, %mul3A_557 : vector<128x128xf32>
    %min3A_559 = arith.minimumf %min3A_545, %add3A_558 : vector<128x128xf32>
    %get3A_560 = arith.constant 40 : index
    %get3A_561 = arith.constant 0 : index
    %get3A_562 = memref.load %arg1[%get3A_560, %get3A_561] : memref<64x2xf32, #tpu.memory_space<smem>>
    %sub3A_563 = vector.broadcast %get3A_562 : f32 to vector<128x128xf32>
    %sub3A_564 = arith.subf %get3A_1, %sub3A_563 : vector<128x128xf32>
    %get3A_565 = arith.constant 40 : index
    %get3A_566 = arith.constant 1 : index
    %get3A_567 = memref.load %arg1[%get3A_565, %get3A_566] : memref<64x2xf32, #tpu.memory_space<smem>>
    %sub3A_568 = vector.broadcast %get3A_567 : f32 to vector<128x128xf32>
    %sub3A_569 = arith.subf %get3A_4, %sub3A_568 : vector<128x128xf32>
    %mul3A_570 = arith.mulf %sub3A_564, %sub3A_564 : vector<128x128xf32>
    %mul3A_571 = arith.mulf %sub3A_569, %sub3A_569 : vector<128x128xf32>
    %add3A_572 = arith.addf %mul3A_570, %mul3A_571 : vector<128x128xf32>
    %min3A_573 = arith.minimumf %min3A_559, %add3A_572 : vector<128x128xf32>
    %get3A_574 = arith.constant 41 : index
    %get3A_575 = arith.constant 0 : index
    %get3A_576 = memref.load %arg1[%get3A_574, %get3A_575] : memref<64x2xf32, #tpu.memory_space<smem>>
    %sub3A_577 = vector.broadcast %get3A_576 : f32 to vector<128x128xf32>
    %sub3A_578 = arith.subf %get3A_1, %sub3A_577 : vector<128x128xf32>
    %get3A_579 = arith.constant 41 : index
    %get3A_580 = arith.constant 1 : index
    %get3A_581 = memref.load %arg1[%get3A_579, %get3A_580] : memref<64x2xf32, #tpu.memory_space<smem>>
    %sub3A_582 = vector.broadcast %get3A_581 : f32 to vector<128x128xf32>
    %sub3A_583 = arith.subf %get3A_4, %sub3A_582 : vector<128x128xf32>
    %mul3A_584 = arith.mulf %sub3A_578, %sub3A_578 : vector<128x128xf32>
    %mul3A_585 = arith.mulf %sub3A_583, %sub3A_583 : vector<128x128xf32>
    %add3A_586 = arith.addf %mul3A_584, %mul3A_585 : vector<128x128xf32>
    %min3A_587 = arith.minimumf %min3A_573, %add3A_586 : vector<128x128xf32>
    %get3A_588 = arith.constant 42 : index
    %get3A_589 = arith.constant 0 : index
    %get3A_590 = memref.load %arg1[%get3A_588, %get3A_589] : memref<64x2xf32, #tpu.memory_space<smem>>
    %sub3A_591 = vector.broadcast %get3A_590 : f32 to vector<128x128xf32>
    %sub3A_592 = arith.subf %get3A_1, %sub3A_591 : vector<128x128xf32>
    %get3A_593 = arith.constant 42 : index
    %get3A_594 = arith.constant 1 : index
    %get3A_595 = memref.load %arg1[%get3A_593, %get3A_594] : memref<64x2xf32, #tpu.memory_space<smem>>
    %sub3A_596 = vector.broadcast %get3A_595 : f32 to vector<128x128xf32>
    %sub3A_597 = arith.subf %get3A_4, %sub3A_596 : vector<128x128xf32>
    %mul3A_598 = arith.mulf %sub3A_592, %sub3A_592 : vector<128x128xf32>
    %mul3A_599 = arith.mulf %sub3A_597, %sub3A_597 : vector<128x128xf32>
    %add3A_600 = arith.addf %mul3A_598, %mul3A_599 : vector<128x128xf32>
    %min3A_601 = arith.minimumf %min3A_587, %add3A_600 : vector<128x128xf32>
    %get3A_602 = arith.constant 43 : index
    %get3A_603 = arith.constant 0 : index
    %get3A_604 = memref.load %arg1[%get3A_602, %get3A_603] : memref<64x2xf32, #tpu.memory_space<smem>>
    %sub3A_605 = vector.broadcast %get3A_604 : f32 to vector<128x128xf32>
    %sub3A_606 = arith.subf %get3A_1, %sub3A_605 : vector<128x128xf32>
    %get3A_607 = arith.constant 43 : index
    %get3A_608 = arith.constant 1 : index
    %get3A_609 = memref.load %arg1[%get3A_607, %get3A_608] : memref<64x2xf32, #tpu.memory_space<smem>>
    %sub3A_610 = vector.broadcast %get3A_609 : f32 to vector<128x128xf32>
    %sub3A_611 = arith.subf %get3A_4, %sub3A_610 : vector<128x128xf32>
    %mul3A_612 = arith.mulf %sub3A_606, %sub3A_606 : vector<128x128xf32>
    %mul3A_613 = arith.mulf %sub3A_611, %sub3A_611 : vector<128x128xf32>
    %add3A_614 = arith.addf %mul3A_612, %mul3A_613 : vector<128x128xf32>
    %min3A_615 = arith.minimumf %min3A_601, %add3A_614 : vector<128x128xf32>
    %get3A_616 = arith.constant 44 : index
    %get3A_617 = arith.constant 0 : index
    %get3A_618 = memref.load %arg1[%get3A_616, %get3A_617] : memref<64x2xf32, #tpu.memory_space<smem>>
    %sub3A_619 = vector.broadcast %get3A_618 : f32 to vector<128x128xf32>
    %sub3A_620 = arith.subf %get3A_1, %sub3A_619 : vector<128x128xf32>
    %get3A_621 = arith.constant 44 : index
    %get3A_622 = arith.constant 1 : index
    %get3A_623 = memref.load %arg1[%get3A_621, %get3A_622] : memref<64x2xf32, #tpu.memory_space<smem>>
    %sub3A_624 = vector.broadcast %get3A_623 : f32 to vector<128x128xf32>
    %sub3A_625 = arith.subf %get3A_4, %sub3A_624 : vector<128x128xf32>
    %mul3A_626 = arith.mulf %sub3A_620, %sub3A_620 : vector<128x128xf32>
    %mul3A_627 = arith.mulf %sub3A_625, %sub3A_625 : vector<128x128xf32>
    %add3A_628 = arith.addf %mul3A_626, %mul3A_627 : vector<128x128xf32>
    %min3A_629 = arith.minimumf %min3A_615, %add3A_628 : vector<128x128xf32>
    %get3A_630 = arith.constant 45 : index
    %get3A_631 = arith.constant 0 : index
    %get3A_632 = memref.load %arg1[%get3A_630, %get3A_631] : memref<64x2xf32, #tpu.memory_space<smem>>
    %sub3A_633 = vector.broadcast %get3A_632 : f32 to vector<128x128xf32>
    %sub3A_634 = arith.subf %get3A_1, %sub3A_633 : vector<128x128xf32>
    %get3A_635 = arith.constant 45 : index
    %get3A_636 = arith.constant 1 : index
    %get3A_637 = memref.load %arg1[%get3A_635, %get3A_636] : memref<64x2xf32, #tpu.memory_space<smem>>
    %sub3A_638 = vector.broadcast %get3A_637 : f32 to vector<128x128xf32>
    %sub3A_639 = arith.subf %get3A_4, %sub3A_638 : vector<128x128xf32>
    %mul3A_640 = arith.mulf %sub3A_634, %sub3A_634 : vector<128x128xf32>
    %mul3A_641 = arith.mulf %sub3A_639, %sub3A_639 : vector<128x128xf32>
    %add3A_642 = arith.addf %mul3A_640, %mul3A_641 : vector<128x128xf32>
    %min3A_643 = arith.minimumf %min3A_629, %add3A_642 : vector<128x128xf32>
    %get3A_644 = arith.constant 46 : index
    %get3A_645 = arith.constant 0 : index
    %get3A_646 = memref.load %arg1[%get3A_644, %get3A_645] : memref<64x2xf32, #tpu.memory_space<smem>>
    %sub3A_647 = vector.broadcast %get3A_646 : f32 to vector<128x128xf32>
    %sub3A_648 = arith.subf %get3A_1, %sub3A_647 : vector<128x128xf32>
    %get3A_649 = arith.constant 46 : index
    %get3A_650 = arith.constant 1 : index
    %get3A_651 = memref.load %arg1[%get3A_649, %get3A_650] : memref<64x2xf32, #tpu.memory_space<smem>>
    %sub3A_652 = vector.broadcast %get3A_651 : f32 to vector<128x128xf32>
    %sub3A_653 = arith.subf %get3A_4, %sub3A_652 : vector<128x128xf32>
    %mul3A_654 = arith.mulf %sub3A_648, %sub3A_648 : vector<128x128xf32>
    %mul3A_655 = arith.mulf %sub3A_653, %sub3A_653 : vector<128x128xf32>
    %add3A_656 = arith.addf %mul3A_654, %mul3A_655 : vector<128x128xf32>
    %min3A_657 = arith.minimumf %min3A_643, %add3A_656 : vector<128x128xf32>
    %get3A_658 = arith.constant 47 : index
    %get3A_659 = arith.constant 0 : index
    %get3A_660 = memref.load %arg1[%get3A_658, %get3A_659] : memref<64x2xf32, #tpu.memory_space<smem>>
    %sub3A_661 = vector.broadcast %get3A_660 : f32 to vector<128x128xf32>
    %sub3A_662 = arith.subf %get3A_1, %sub3A_661 : vector<128x128xf32>
    %get3A_663 = arith.constant 47 : index
    %get3A_664 = arith.constant 1 : index
    %get3A_665 = memref.load %arg1[%get3A_663, %get3A_664] : memref<64x2xf32, #tpu.memory_space<smem>>
    %sub3A_666 = vector.broadcast %get3A_665 : f32 to vector<128x128xf32>
    %sub3A_667 = arith.subf %get3A_4, %sub3A_666 : vector<128x128xf32>
    %mul3A_668 = arith.mulf %sub3A_662, %sub3A_662 : vector<128x128xf32>
    %mul3A_669 = arith.mulf %sub3A_667, %sub3A_667 : vector<128x128xf32>
    %add3A_670 = arith.addf %mul3A_668, %mul3A_669 : vector<128x128xf32>
    %min3A_671 = arith.minimumf %min3A_657, %add3A_670 : vector<128x128xf32>
    %get3A_672 = arith.constant 48 : index
    %get3A_673 = arith.constant 0 : index
    %get3A_674 = memref.load %arg1[%get3A_672, %get3A_673] : memref<64x2xf32, #tpu.memory_space<smem>>
    %sub3A_675 = vector.broadcast %get3A_674 : f32 to vector<128x128xf32>
    %sub3A_676 = arith.subf %get3A_1, %sub3A_675 : vector<128x128xf32>
    %get3A_677 = arith.constant 48 : index
    %get3A_678 = arith.constant 1 : index
    %get3A_679 = memref.load %arg1[%get3A_677, %get3A_678] : memref<64x2xf32, #tpu.memory_space<smem>>
    %sub3A_680 = vector.broadcast %get3A_679 : f32 to vector<128x128xf32>
    %sub3A_681 = arith.subf %get3A_4, %sub3A_680 : vector<128x128xf32>
    %mul3A_682 = arith.mulf %sub3A_676, %sub3A_676 : vector<128x128xf32>
    %mul3A_683 = arith.mulf %sub3A_681, %sub3A_681 : vector<128x128xf32>
    %add3A_684 = arith.addf %mul3A_682, %mul3A_683 : vector<128x128xf32>
    %min3A_685 = arith.minimumf %min3A_671, %add3A_684 : vector<128x128xf32>
    %get3A_686 = arith.constant 49 : index
    %get3A_687 = arith.constant 0 : index
    %get3A_688 = memref.load %arg1[%get3A_686, %get3A_687] : memref<64x2xf32, #tpu.memory_space<smem>>
    %sub3A_689 = vector.broadcast %get3A_688 : f32 to vector<128x128xf32>
    %sub3A_690 = arith.subf %get3A_1, %sub3A_689 : vector<128x128xf32>
    %get3A_691 = arith.constant 49 : index
    %get3A_692 = arith.constant 1 : index
    %get3A_693 = memref.load %arg1[%get3A_691, %get3A_692] : memref<64x2xf32, #tpu.memory_space<smem>>
    %sub3A_694 = vector.broadcast %get3A_693 : f32 to vector<128x128xf32>
    %sub3A_695 = arith.subf %get3A_4, %sub3A_694 : vector<128x128xf32>
    %mul3A_696 = arith.mulf %sub3A_690, %sub3A_690 : vector<128x128xf32>
    %mul3A_697 = arith.mulf %sub3A_695, %sub3A_695 : vector<128x128xf32>
    %add3A_698 = arith.addf %mul3A_696, %mul3A_697 : vector<128x128xf32>
    %min3A_699 = arith.minimumf %min3A_685, %add3A_698 : vector<128x128xf32>
    %get3A_700 = arith.constant 50 : index
    %get3A_701 = arith.constant 0 : index
    %get3A_702 = memref.load %arg1[%get3A_700, %get3A_701] : memref<64x2xf32, #tpu.memory_space<smem>>
    %sub3A_703 = vector.broadcast %get3A_702 : f32 to vector<128x128xf32>
    %sub3A_704 = arith.subf %get3A_1, %sub3A_703 : vector<128x128xf32>
    %get3A_705 = arith.constant 50 : index
    %get3A_706 = arith.constant 1 : index
    %get3A_707 = memref.load %arg1[%get3A_705, %get3A_706] : memref<64x2xf32, #tpu.memory_space<smem>>
    %sub3A_708 = vector.broadcast %get3A_707 : f32 to vector<128x128xf32>
    %sub3A_709 = arith.subf %get3A_4, %sub3A_708 : vector<128x128xf32>
    %mul3A_710 = arith.mulf %sub3A_704, %sub3A_704 : vector<128x128xf32>
    %mul3A_711 = arith.mulf %sub3A_709, %sub3A_709 : vector<128x128xf32>
    %add3A_712 = arith.addf %mul3A_710, %mul3A_711 : vector<128x128xf32>
    %min3A_713 = arith.minimumf %min3A_699, %add3A_712 : vector<128x128xf32>
    %get3A_714 = arith.constant 51 : index
    %get3A_715 = arith.constant 0 : index
    %get3A_716 = memref.load %arg1[%get3A_714, %get3A_715] : memref<64x2xf32, #tpu.memory_space<smem>>
    %sub3A_717 = vector.broadcast %get3A_716 : f32 to vector<128x128xf32>
    %sub3A_718 = arith.subf %get3A_1, %sub3A_717 : vector<128x128xf32>
    %get3A_719 = arith.constant 51 : index
    %get3A_720 = arith.constant 1 : index
    %get3A_721 = memref.load %arg1[%get3A_719, %get3A_720] : memref<64x2xf32, #tpu.memory_space<smem>>
    %sub3A_722 = vector.broadcast %get3A_721 : f32 to vector<128x128xf32>
    %sub3A_723 = arith.subf %get3A_4, %sub3A_722 : vector<128x128xf32>
    %mul3A_724 = arith.mulf %sub3A_718, %sub3A_718 : vector<128x128xf32>
    %mul3A_725 = arith.mulf %sub3A_723, %sub3A_723 : vector<128x128xf32>
    %add3A_726 = arith.addf %mul3A_724, %mul3A_725 : vector<128x128xf32>
    %min3A_727 = arith.minimumf %min3A_713, %add3A_726 : vector<128x128xf32>
    %get3A_728 = arith.constant 52 : index
    %get3A_729 = arith.constant 0 : index
    %get3A_730 = memref.load %arg1[%get3A_728, %get3A_729] : memref<64x2xf32, #tpu.memory_space<smem>>
    %sub3A_731 = vector.broadcast %get3A_730 : f32 to vector<128x128xf32>
    %sub3A_732 = arith.subf %get3A_1, %sub3A_731 : vector<128x128xf32>
    %get3A_733 = arith.constant 52 : index
    %get3A_734 = arith.constant 1 : index
    %get3A_735 = memref.load %arg1[%get3A_733, %get3A_734] : memref<64x2xf32, #tpu.memory_space<smem>>
    %sub3A_736 = vector.broadcast %get3A_735 : f32 to vector<128x128xf32>
    %sub3A_737 = arith.subf %get3A_4, %sub3A_736 : vector<128x128xf32>
    %mul3A_738 = arith.mulf %sub3A_732, %sub3A_732 : vector<128x128xf32>
    %mul3A_739 = arith.mulf %sub3A_737, %sub3A_737 : vector<128x128xf32>
    %add3A_740 = arith.addf %mul3A_738, %mul3A_739 : vector<128x128xf32>
    %min3A_741 = arith.minimumf %min3A_727, %add3A_740 : vector<128x128xf32>
    %get3A_742 = arith.constant 53 : index
    %get3A_743 = arith.constant 0 : index
    %get3A_744 = memref.load %arg1[%get3A_742, %get3A_743] : memref<64x2xf32, #tpu.memory_space<smem>>
    %sub3A_745 = vector.broadcast %get3A_744 : f32 to vector<128x128xf32>
    %sub3A_746 = arith.subf %get3A_1, %sub3A_745 : vector<128x128xf32>
    %get3A_747 = arith.constant 53 : index
    %get3A_748 = arith.constant 1 : index
    %get3A_749 = memref.load %arg1[%get3A_747, %get3A_748] : memref<64x2xf32, #tpu.memory_space<smem>>
    %sub3A_750 = vector.broadcast %get3A_749 : f32 to vector<128x128xf32>
    %sub3A_751 = arith.subf %get3A_4, %sub3A_750 : vector<128x128xf32>
    %mul3A_752 = arith.mulf %sub3A_746, %sub3A_746 : vector<128x128xf32>
    %mul3A_753 = arith.mulf %sub3A_751, %sub3A_751 : vector<128x128xf32>
    %add3A_754 = arith.addf %mul3A_752, %mul3A_753 : vector<128x128xf32>
    %min3A_755 = arith.minimumf %min3A_741, %add3A_754 : vector<128x128xf32>
    %get3A_756 = arith.constant 54 : index
    %get3A_757 = arith.constant 0 : index
    %get3A_758 = memref.load %arg1[%get3A_756, %get3A_757] : memref<64x2xf32, #tpu.memory_space<smem>>
    %sub3A_759 = vector.broadcast %get3A_758 : f32 to vector<128x128xf32>
    %sub3A_760 = arith.subf %get3A_1, %sub3A_759 : vector<128x128xf32>
    %get3A_761 = arith.constant 54 : index
    %get3A_762 = arith.constant 1 : index
    %get3A_763 = memref.load %arg1[%get3A_761, %get3A_762] : memref<64x2xf32, #tpu.memory_space<smem>>
    %sub3A_764 = vector.broadcast %get3A_763 : f32 to vector<128x128xf32>
    %sub3A_765 = arith.subf %get3A_4, %sub3A_764 : vector<128x128xf32>
    %mul3A_766 = arith.mulf %sub3A_760, %sub3A_760 : vector<128x128xf32>
    %mul3A_767 = arith.mulf %sub3A_765, %sub3A_765 : vector<128x128xf32>
    %add3A_768 = arith.addf %mul3A_766, %mul3A_767 : vector<128x128xf32>
    %min3A_769 = arith.minimumf %min3A_755, %add3A_768 : vector<128x128xf32>
    %get3A_770 = arith.constant 55 : index
    %get3A_771 = arith.constant 0 : index
    %get3A_772 = memref.load %arg1[%get3A_770, %get3A_771] : memref<64x2xf32, #tpu.memory_space<smem>>
    %sub3A_773 = vector.broadcast %get3A_772 : f32 to vector<128x128xf32>
    %sub3A_774 = arith.subf %get3A_1, %sub3A_773 : vector<128x128xf32>
    %get3A_775 = arith.constant 55 : index
    %get3A_776 = arith.constant 1 : index
    %get3A_777 = memref.load %arg1[%get3A_775, %get3A_776] : memref<64x2xf32, #tpu.memory_space<smem>>
    %sub3A_778 = vector.broadcast %get3A_777 : f32 to vector<128x128xf32>
    %sub3A_779 = arith.subf %get3A_4, %sub3A_778 : vector<128x128xf32>
    %mul3A_780 = arith.mulf %sub3A_774, %sub3A_774 : vector<128x128xf32>
    %mul3A_781 = arith.mulf %sub3A_779, %sub3A_779 : vector<128x128xf32>
    %add3A_782 = arith.addf %mul3A_780, %mul3A_781 : vector<128x128xf32>
    %min3A_783 = arith.minimumf %min3A_769, %add3A_782 : vector<128x128xf32>
    %get3A_784 = arith.constant 56 : index
    %get3A_785 = arith.constant 0 : index
    %get3A_786 = memref.load %arg1[%get3A_784, %get3A_785] : memref<64x2xf32, #tpu.memory_space<smem>>
    %sub3A_787 = vector.broadcast %get3A_786 : f32 to vector<128x128xf32>
    %sub3A_788 = arith.subf %get3A_1, %sub3A_787 : vector<128x128xf32>
    %get3A_789 = arith.constant 56 : index
    %get3A_790 = arith.constant 1 : index
    %get3A_791 = memref.load %arg1[%get3A_789, %get3A_790] : memref<64x2xf32, #tpu.memory_space<smem>>
    %sub3A_792 = vector.broadcast %get3A_791 : f32 to vector<128x128xf32>
    %sub3A_793 = arith.subf %get3A_4, %sub3A_792 : vector<128x128xf32>
    %mul3A_794 = arith.mulf %sub3A_788, %sub3A_788 : vector<128x128xf32>
    %mul3A_795 = arith.mulf %sub3A_793, %sub3A_793 : vector<128x128xf32>
    %add3A_796 = arith.addf %mul3A_794, %mul3A_795 : vector<128x128xf32>
    %min3A_797 = arith.minimumf %min3A_783, %add3A_796 : vector<128x128xf32>
    %get3A_798 = arith.constant 57 : index
    %get3A_799 = arith.constant 0 : index
    %get3A_800 = memref.load %arg1[%get3A_798, %get3A_799] : memref<64x2xf32, #tpu.memory_space<smem>>
    %sub3A_801 = vector.broadcast %get3A_800 : f32 to vector<128x128xf32>
    %sub3A_802 = arith.subf %get3A_1, %sub3A_801 : vector<128x128xf32>
    %get3A_803 = arith.constant 57 : index
    %get3A_804 = arith.constant 1 : index
    %get3A_805 = memref.load %arg1[%get3A_803, %get3A_804] : memref<64x2xf32, #tpu.memory_space<smem>>
    %sub3A_806 = vector.broadcast %get3A_805 : f32 to vector<128x128xf32>
    %sub3A_807 = arith.subf %get3A_4, %sub3A_806 : vector<128x128xf32>
    %mul3A_808 = arith.mulf %sub3A_802, %sub3A_802 : vector<128x128xf32>
    %mul3A_809 = arith.mulf %sub3A_807, %sub3A_807 : vector<128x128xf32>
    %add3A_810 = arith.addf %mul3A_808, %mul3A_809 : vector<128x128xf32>
    %min3A_811 = arith.minimumf %min3A_797, %add3A_810 : vector<128x128xf32>
    %get3A_812 = arith.constant 58 : index
    %get3A_813 = arith.constant 0 : index
    %get3A_814 = memref.load %arg1[%get3A_812, %get3A_813] : memref<64x2xf32, #tpu.memory_space<smem>>
    %sub3A_815 = vector.broadcast %get3A_814 : f32 to vector<128x128xf32>
    %sub3A_816 = arith.subf %get3A_1, %sub3A_815 : vector<128x128xf32>
    %get3A_817 = arith.constant 58 : index
    %get3A_818 = arith.constant 1 : index
    %get3A_819 = memref.load %arg1[%get3A_817, %get3A_818] : memref<64x2xf32, #tpu.memory_space<smem>>
    %sub3A_820 = vector.broadcast %get3A_819 : f32 to vector<128x128xf32>
    %sub3A_821 = arith.subf %get3A_4, %sub3A_820 : vector<128x128xf32>
    %mul3A_822 = arith.mulf %sub3A_816, %sub3A_816 : vector<128x128xf32>
    %mul3A_823 = arith.mulf %sub3A_821, %sub3A_821 : vector<128x128xf32>
    %add3A_824 = arith.addf %mul3A_822, %mul3A_823 : vector<128x128xf32>
    %min3A_825 = arith.minimumf %min3A_811, %add3A_824 : vector<128x128xf32>
    %get3A_826 = arith.constant 59 : index
    %get3A_827 = arith.constant 0 : index
    %get3A_828 = memref.load %arg1[%get3A_826, %get3A_827] : memref<64x2xf32, #tpu.memory_space<smem>>
    %sub3A_829 = vector.broadcast %get3A_828 : f32 to vector<128x128xf32>
    %sub3A_830 = arith.subf %get3A_1, %sub3A_829 : vector<128x128xf32>
    %get3A_831 = arith.constant 59 : index
    %get3A_832 = arith.constant 1 : index
    %get3A_833 = memref.load %arg1[%get3A_831, %get3A_832] : memref<64x2xf32, #tpu.memory_space<smem>>
    %sub3A_834 = vector.broadcast %get3A_833 : f32 to vector<128x128xf32>
    %sub3A_835 = arith.subf %get3A_4, %sub3A_834 : vector<128x128xf32>
    %mul3A_836 = arith.mulf %sub3A_830, %sub3A_830 : vector<128x128xf32>
    %mul3A_837 = arith.mulf %sub3A_835, %sub3A_835 : vector<128x128xf32>
    %add3A_838 = arith.addf %mul3A_836, %mul3A_837 : vector<128x128xf32>
    %min3A_839 = arith.minimumf %min3A_825, %add3A_838 : vector<128x128xf32>
    %get3A_840 = arith.constant 60 : index
    %get3A_841 = arith.constant 0 : index
    %get3A_842 = memref.load %arg1[%get3A_840, %get3A_841] : memref<64x2xf32, #tpu.memory_space<smem>>
    %sub3A_843 = vector.broadcast %get3A_842 : f32 to vector<128x128xf32>
    %sub3A_844 = arith.subf %get3A_1, %sub3A_843 : vector<128x128xf32>
    %get3A_845 = arith.constant 60 : index
    %get3A_846 = arith.constant 1 : index
    %get3A_847 = memref.load %arg1[%get3A_845, %get3A_846] : memref<64x2xf32, #tpu.memory_space<smem>>
    %sub3A_848 = vector.broadcast %get3A_847 : f32 to vector<128x128xf32>
    %sub3A_849 = arith.subf %get3A_4, %sub3A_848 : vector<128x128xf32>
    %mul3A_850 = arith.mulf %sub3A_844, %sub3A_844 : vector<128x128xf32>
    %mul3A_851 = arith.mulf %sub3A_849, %sub3A_849 : vector<128x128xf32>
    %add3A_852 = arith.addf %mul3A_850, %mul3A_851 : vector<128x128xf32>
    %min3A_853 = arith.minimumf %min3A_839, %add3A_852 : vector<128x128xf32>
    %get3A_854 = arith.constant 61 : index
    %get3A_855 = arith.constant 0 : index
    %get3A_856 = memref.load %arg1[%get3A_854, %get3A_855] : memref<64x2xf32, #tpu.memory_space<smem>>
    %sub3A_857 = vector.broadcast %get3A_856 : f32 to vector<128x128xf32>
    %sub3A_858 = arith.subf %get3A_1, %sub3A_857 : vector<128x128xf32>
    %get3A_859 = arith.constant 61 : index
    %get3A_860 = arith.constant 1 : index
    %get3A_861 = memref.load %arg1[%get3A_859, %get3A_860] : memref<64x2xf32, #tpu.memory_space<smem>>
    %sub3A_862 = vector.broadcast %get3A_861 : f32 to vector<128x128xf32>
    %sub3A_863 = arith.subf %get3A_4, %sub3A_862 : vector<128x128xf32>
    %mul3A_864 = arith.mulf %sub3A_858, %sub3A_858 : vector<128x128xf32>
    %mul3A_865 = arith.mulf %sub3A_863, %sub3A_863 : vector<128x128xf32>
    %add3A_866 = arith.addf %mul3A_864, %mul3A_865 : vector<128x128xf32>
    %min3A_867 = arith.minimumf %min3A_853, %add3A_866 : vector<128x128xf32>
    %get3A_868 = arith.constant 62 : index
    %get3A_869 = arith.constant 0 : index
    %get3A_870 = memref.load %arg1[%get3A_868, %get3A_869] : memref<64x2xf32, #tpu.memory_space<smem>>
    %sub3A_871 = vector.broadcast %get3A_870 : f32 to vector<128x128xf32>
    %sub3A_872 = arith.subf %get3A_1, %sub3A_871 : vector<128x128xf32>
    %get3A_873 = arith.constant 62 : index
    %get3A_874 = arith.constant 1 : index
    %get3A_875 = memref.load %arg1[%get3A_873, %get3A_874] : memref<64x2xf32, #tpu.memory_space<smem>>
    %sub3A_876 = vector.broadcast %get3A_875 : f32 to vector<128x128xf32>
    %sub3A_877 = arith.subf %get3A_4, %sub3A_876 : vector<128x128xf32>
    %mul3A_878 = arith.mulf %sub3A_872, %sub3A_872 : vector<128x128xf32>
    %mul3A_879 = arith.mulf %sub3A_877, %sub3A_877 : vector<128x128xf32>
    %add3A_880 = arith.addf %mul3A_878, %mul3A_879 : vector<128x128xf32>
    %min3A_881 = arith.minimumf %min3A_867, %add3A_880 : vector<128x128xf32>
    %get3A_882 = arith.constant 63 : index
    %get3A_883 = arith.constant 0 : index
    %get3A_884 = memref.load %arg1[%get3A_882, %get3A_883] : memref<64x2xf32, #tpu.memory_space<smem>>
    %sub3A_885 = vector.broadcast %get3A_884 : f32 to vector<128x128xf32>
    %sub3A_886 = arith.subf %get3A_1, %sub3A_885 : vector<128x128xf32>
    %get3A_887 = arith.constant 63 : index
    %get3A_888 = arith.constant 1 : index
    %get3A_889 = memref.load %arg1[%get3A_887, %get3A_888] : memref<64x2xf32, #tpu.memory_space<smem>>
    %sub3A_890 = vector.broadcast %get3A_889 : f32 to vector<128x128xf32>
    %sub3A_891 = arith.subf %get3A_4, %sub3A_890 : vector<128x128xf32>
    %mul3A_892 = arith.mulf %sub3A_886, %sub3A_886 : vector<128x128xf32>
    %mul3A_893 = arith.mulf %sub3A_891, %sub3A_891 : vector<128x128xf32>
    %add3A_894 = arith.addf %mul3A_892, %mul3A_893 : vector<128x128xf32>
    %min3A_895 = arith.minimumf %min3A_881, %add3A_894 : vector<128x128xf32>
    %sqrt3A = math.sqrt %min3A_895 : vector<128x128xf32>
    %neg3A = arith.constant 0.000000e+00 : f32
    %neg3A_896 = vector.broadcast %neg3A : f32 to vector<128x128xf32>
    %neg3A_897 = arith.subf %neg3A_896, %sqrt3A : vector<128x128xf32>
    %div3A = arith.constant 2.000000e-01 : f32
    %div3A_898 = vector.broadcast %div3A : f32 to vector<128x128xf32>
    %div3A_899 = arith.divf %neg3A_897, %div3A_898 : vector<128x128xf32>
    %exp3A = math.exp %div3A_899 : vector<128x128xf32>
    %mul3A_900 = arith.constant 1.000000e+01 : f32
    %mul3A_901 = vector.broadcast %mul3A_900 : f32 to vector<128x128xf32>
    %mul3A_902 = arith.mulf %mul3A_901, %exp3A : vector<128x128xf32>
    %swap3A = arith.constant 0 : index
    %swap3A_903 = arith.constant 0 : index
    %swap3A_904 = vector.load %arg5[%swap3A, %swap3A_903] : memref<128x128xf32, #tpu.memory_space<vmem>>, vector<128x128xf32>
    tpu.vector_store %arg5[%swap3A, %swap3A_903], %mul3A_902 {strides = array<i32>} : memref<128x128xf32, #tpu.memory_space<vmem>>, vector<128x128xf32>,
    %get3A_905 = arith.constant 0 : index
    %get3A_906 = arith.constant 0 : index
    %get3A_907 = memref.load %arg2[%get3A_905, %get3A_906] : memref<64x2xf32, #tpu.memory_space<smem>>
    %sub3A_908 = vector.broadcast %get3A_907 : f32 to vector<128x128xf32>
    %sub3A_909 = arith.subf %get3A_1, %sub3A_908 : vector<128x128xf32>
    %get3A_910 = arith.constant 0 : index
    %get3A_911 = arith.constant 1 : index
    %get3A_912 = memref.load %arg2[%get3A_910, %get3A_911] : memref<64x2xf32, #tpu.memory_space<smem>>
    %sub3A_913 = vector.broadcast %get3A_912 : f32 to vector<128x128xf32>
    %sub3A_914 = arith.subf %get3A_4, %sub3A_913 : vector<128x128xf32>
    %mul3A_915 = arith.mulf %sub3A_909, %sub3A_909 : vector<128x128xf32>
    %mul3A_916 = arith.mulf %sub3A_914, %sub3A_914 : vector<128x128xf32>
    %add3A_917 = arith.addf %mul3A_915, %mul3A_916 : vector<128x128xf32>
    %get3A_918 = arith.constant 1 : index
    %get3A_919 = arith.constant 0 : index
    %get3A_920 = memref.load %arg2[%get3A_918, %get3A_919] : memref<64x2xf32, #tpu.memory_space<smem>>
    %sub3A_921 = vector.broadcast %get3A_920 : f32 to vector<128x128xf32>
    %sub3A_922 = arith.subf %get3A_1, %sub3A_921 : vector<128x128xf32>
    %get3A_923 = arith.constant 1 : index
    %get3A_924 = arith.constant 1 : index
    %get3A_925 = memref.load %arg2[%get3A_923, %get3A_924] : memref<64x2xf32, #tpu.memory_space<smem>>
    %sub3A_926 = vector.broadcast %get3A_925 : f32 to vector<128x128xf32>
    %sub3A_927 = arith.subf %get3A_4, %sub3A_926 : vector<128x128xf32>
    %mul3A_928 = arith.mulf %sub3A_922, %sub3A_922 : vector<128x128xf32>
    %mul3A_929 = arith.mulf %sub3A_927, %sub3A_927 : vector<128x128xf32>
    %add3A_930 = arith.addf %mul3A_928, %mul3A_929 : vector<128x128xf32>
    %min3A_931 = arith.minimumf %add3A_917, %add3A_930 : vector<128x128xf32>
    %get3A_932 = arith.constant 2 : index
    %get3A_933 = arith.constant 0 : index
    %get3A_934 = memref.load %arg2[%get3A_932, %get3A_933] : memref<64x2xf32, #tpu.memory_space<smem>>
    %sub3A_935 = vector.broadcast %get3A_934 : f32 to vector<128x128xf32>
    %sub3A_936 = arith.subf %get3A_1, %sub3A_935 : vector<128x128xf32>
    %get3A_937 = arith.constant 2 : index
    %get3A_938 = arith.constant 1 : index
    %get3A_939 = memref.load %arg2[%get3A_937, %get3A_938] : memref<64x2xf32, #tpu.memory_space<smem>>
    %sub3A_940 = vector.broadcast %get3A_939 : f32 to vector<128x128xf32>
    %sub3A_941 = arith.subf %get3A_4, %sub3A_940 : vector<128x128xf32>
    %mul3A_942 = arith.mulf %sub3A_936, %sub3A_936 : vector<128x128xf32>
    %mul3A_943 = arith.mulf %sub3A_941, %sub3A_941 : vector<128x128xf32>
    %add3A_944 = arith.addf %mul3A_942, %mul3A_943 : vector<128x128xf32>
    %min3A_945 = arith.minimumf %min3A_931, %add3A_944 : vector<128x128xf32>
    %get3A_946 = arith.constant 3 : index
    %get3A_947 = arith.constant 0 : index
    %get3A_948 = memref.load %arg2[%get3A_946, %get3A_947] : memref<64x2xf32, #tpu.memory_space<smem>>
    %sub3A_949 = vector.broadcast %get3A_948 : f32 to vector<128x128xf32>
    %sub3A_950 = arith.subf %get3A_1, %sub3A_949 : vector<128x128xf32>
    %get3A_951 = arith.constant 3 : index
    %get3A_952 = arith.constant 1 : index
    %get3A_953 = memref.load %arg2[%get3A_951, %get3A_952] : memref<64x2xf32, #tpu.memory_space<smem>>
    %sub3A_954 = vector.broadcast %get3A_953 : f32 to vector<128x128xf32>
    %sub3A_955 = arith.subf %get3A_4, %sub3A_954 : vector<128x128xf32>
    %mul3A_956 = arith.mulf %sub3A_950, %sub3A_950 : vector<128x128xf32>
    %mul3A_957 = arith.mulf %sub3A_955, %sub3A_955 : vector<128x128xf32>
    %add3A_958 = arith.addf %mul3A_956, %mul3A_957 : vector<128x128xf32>
    %min3A_959 = arith.minimumf %min3A_945, %add3A_958 : vector<128x128xf32>
    %get3A_960 = arith.constant 4 : index
    %get3A_961 = arith.constant 0 : index
    %get3A_962 = memref.load %arg2[%get3A_960, %get3A_961] : memref<64x2xf32, #tpu.memory_space<smem>>
    %sub3A_963 = vector.broadcast %get3A_962 : f32 to vector<128x128xf32>
    %sub3A_964 = arith.subf %get3A_1, %sub3A_963 : vector<128x128xf32>
    %get3A_965 = arith.constant 4 : index
    %get3A_966 = arith.constant 1 : index
    %get3A_967 = memref.load %arg2[%get3A_965, %get3A_966] : memref<64x2xf32, #tpu.memory_space<smem>>
    %sub3A_968 = vector.broadcast %get3A_967 : f32 to vector<128x128xf32>
    %sub3A_969 = arith.subf %get3A_4, %sub3A_968 : vector<128x128xf32>
    %mul3A_970 = arith.mulf %sub3A_964, %sub3A_964 : vector<128x128xf32>
    %mul3A_971 = arith.mulf %sub3A_969, %sub3A_969 : vector<128x128xf32>
    %add3A_972 = arith.addf %mul3A_970, %mul3A_971 : vector<128x128xf32>
    %min3A_973 = arith.minimumf %min3A_959, %add3A_972 : vector<128x128xf32>
    %get3A_974 = arith.constant 5 : index
    %get3A_975 = arith.constant 0 : index
    %get3A_976 = memref.load %arg2[%get3A_974, %get3A_975] : memref<64x2xf32, #tpu.memory_space<smem>>
    %sub3A_977 = vector.broadcast %get3A_976 : f32 to vector<128x128xf32>
    %sub3A_978 = arith.subf %get3A_1, %sub3A_977 : vector<128x128xf32>
    %get3A_979 = arith.constant 5 : index
    %get3A_980 = arith.constant 1 : index
    %get3A_981 = memref.load %arg2[%get3A_979, %get3A_980] : memref<64x2xf32, #tpu.memory_space<smem>>
    %sub3A_982 = vector.broadcast %get3A_981 : f32 to vector<128x128xf32>
    %sub3A_983 = arith.subf %get3A_4, %sub3A_982 : vector<128x128xf32>
    %mul3A_984 = arith.mulf %sub3A_978, %sub3A_978 : vector<128x128xf32>
    %mul3A_985 = arith.mulf %sub3A_983, %sub3A_983 : vector<128x128xf32>
    %add3A_986 = arith.addf %mul3A_984, %mul3A_985 : vector<128x128xf32>
    %min3A_987 = arith.minimumf %min3A_973, %add3A_986 : vector<128x128xf32>
    %get3A_988 = arith.constant 6 : index
    %get3A_989 = arith.constant 0 : index
    %get3A_990 = memref.load %arg2[%get3A_988, %get3A_989] : memref<64x2xf32, #tpu.memory_space<smem>>
    %sub3A_991 = vector.broadcast %get3A_990 : f32 to vector<128x128xf32>
    %sub3A_992 = arith.subf %get3A_1, %sub3A_991 : vector<128x128xf32>
    %get3A_993 = arith.constant 6 : index
    %get3A_994 = arith.constant 1 : index
    %get3A_995 = memref.load %arg2[%get3A_993, %get3A_994] : memref<64x2xf32, #tpu.memory_space<smem>>
    %sub3A_996 = vector.broadcast %get3A_995 : f32 to vector<128x128xf32>
    %sub3A_997 = arith.subf %get3A_4, %sub3A_996 : vector<128x128xf32>
    %mul3A_998 = arith.mulf %sub3A_992, %sub3A_992 : vector<128x128xf32>
    %mul3A_999 = arith.mulf %sub3A_997, %sub3A_997 : vector<128x128xf32>
    %add3A_1000 = arith.addf %mul3A_998, %mul3A_999 : vector<128x128xf32>
    %min3A_1001 = arith.minimumf %min3A_987, %add3A_1000 : vector<128x128xf32>
    %get3A_1002 = arith.constant 7 : index
    %get3A_1003 = arith.constant 0 : index
    %get3A_1004 = memref.load %arg2[%get3A_1002, %get3A_1003] : memref<64x2xf32, #tpu.memory_space<smem>>
    %sub3A_1005 = vector.broadcast %get3A_1004 : f32 to vector<128x128xf32>
    %sub3A_1006 = arith.subf %get3A_1, %sub3A_1005 : vector<128x128xf32>
    %get3A_1007 = arith.constant 7 : index
    %get3A_1008 = arith.constant 1 : index
    %get3A_1009 = memref.load %arg2[%get3A_1007, %get3A_1008] : memref<64x2xf32, #tpu.memory_space<smem>>
    %sub3A_1010 = vector.broadcast %get3A_1009 : f32 to vector<128x128xf32>
    %sub3A_1011 = arith.subf %get3A_4, %sub3A_1010 : vector<128x128xf32>
    %mul3A_1012 = arith.mulf %sub3A_1006, %sub3A_1006 : vector<128x128xf32>
    %mul3A_1013 = arith.mulf %sub3A_1011, %sub3A_1011 : vector<128x128xf32>
    %add3A_1014 = arith.addf %mul3A_1012, %mul3A_1013 : vector<128x128xf32>
    %min3A_1015 = arith.minimumf %min3A_1001, %add3A_1014 : vector<128x128xf32>
    %get3A_1016 = arith.constant 8 : index
    %get3A_1017 = arith.constant 0 : index
    %get3A_1018 = memref.load %arg2[%get3A_1016, %get3A_1017] : memref<64x2xf32, #tpu.memory_space<smem>>
    %sub3A_1019 = vector.broadcast %get3A_1018 : f32 to vector<128x128xf32>
    %sub3A_1020 = arith.subf %get3A_1, %sub3A_1019 : vector<128x128xf32>
    %get3A_1021 = arith.constant 8 : index
    %get3A_1022 = arith.constant 1 : index
    %get3A_1023 = memref.load %arg2[%get3A_1021, %get3A_1022] : memref<64x2xf32, #tpu.memory_space<smem>>
    %sub3A_1024 = vector.broadcast %get3A_1023 : f32 to vector<128x128xf32>
    %sub3A_1025 = arith.subf %get3A_4, %sub3A_1024 : vector<128x128xf32>
    %mul3A_1026 = arith.mulf %sub3A_1020, %sub3A_1020 : vector<128x128xf32>
    %mul3A_1027 = arith.mulf %sub3A_1025, %sub3A_1025 : vector<128x128xf32>
    %add3A_1028 = arith.addf %mul3A_1026, %mul3A_1027 : vector<128x128xf32>
    %min3A_1029 = arith.minimumf %min3A_1015, %add3A_1028 : vector<128x128xf32>
    %get3A_1030 = arith.constant 9 : index
    %get3A_1031 = arith.constant 0 : index
    %get3A_1032 = memref.load %arg2[%get3A_1030, %get3A_1031] : memref<64x2xf32, #tpu.memory_space<smem>>
    %sub3A_1033 = vector.broadcast %get3A_1032 : f32 to vector<128x128xf32>
    %sub3A_1034 = arith.subf %get3A_1, %sub3A_1033 : vector<128x128xf32>
    %get3A_1035 = arith.constant 9 : index
    %get3A_1036 = arith.constant 1 : index
    %get3A_1037 = memref.load %arg2[%get3A_1035, %get3A_1036] : memref<64x2xf32, #tpu.memory_space<smem>>
    %sub3A_1038 = vector.broadcast %get3A_1037 : f32 to vector<128x128xf32>
    %sub3A_1039 = arith.subf %get3A_4, %sub3A_1038 : vector<128x128xf32>
    %mul3A_1040 = arith.mulf %sub3A_1034, %sub3A_1034 : vector<128x128xf32>
    %mul3A_1041 = arith.mulf %sub3A_1039, %sub3A_1039 : vector<128x128xf32>
    %add3A_1042 = arith.addf %mul3A_1040, %mul3A_1041 : vector<128x128xf32>
    %min3A_1043 = arith.minimumf %min3A_1029, %add3A_1042 : vector<128x128xf32>
    %get3A_1044 = arith.constant 10 : index
    %get3A_1045 = arith.constant 0 : index
    %get3A_1046 = memref.load %arg2[%get3A_1044, %get3A_1045] : memref<64x2xf32, #tpu.memory_space<smem>>
    %sub3A_1047 = vector.broadcast %get3A_1046 : f32 to vector<128x128xf32>
    %sub3A_1048 = arith.subf %get3A_1, %sub3A_1047 : vector<128x128xf32>
    %get3A_1049 = arith.constant 10 : index
    %get3A_1050 = arith.constant 1 : index
    %get3A_1051 = memref.load %arg2[%get3A_1049, %get3A_1050] : memref<64x2xf32, #tpu.memory_space<smem>>
    %sub3A_1052 = vector.broadcast %get3A_1051 : f32 to vector<128x128xf32>
    %sub3A_1053 = arith.subf %get3A_4, %sub3A_1052 : vector<128x128xf32>
    %mul3A_1054 = arith.mulf %sub3A_1048, %sub3A_1048 : vector<128x128xf32>
    %mul3A_1055 = arith.mulf %sub3A_1053, %sub3A_1053 : vector<128x128xf32>
    %add3A_1056 = arith.addf %mul3A_1054, %mul3A_1055 : vector<128x128xf32>
    %min3A_1057 = arith.minimumf %min3A_1043, %add3A_1056 : vector<128x128xf32>
    %get3A_1058 = arith.constant 11 : index
    %get3A_1059 = arith.constant 0 : index
    %get3A_1060 = memref.load %arg2[%get3A_1058, %get3A_1059] : memref<64x2xf32, #tpu.memory_space<smem>>
    %sub3A_1061 = vector.broadcast %get3A_1060 : f32 to vector<128x128xf32>
    %sub3A_1062 = arith.subf %get3A_1, %sub3A_1061 : vector<128x128xf32>
    %get3A_1063 = arith.constant 11 : index
    %get3A_1064 = arith.constant 1 : index
    %get3A_1065 = memref.load %arg2[%get3A_1063, %get3A_1064] : memref<64x2xf32, #tpu.memory_space<smem>>
    %sub3A_1066 = vector.broadcast %get3A_1065 : f32 to vector<128x128xf32>
    %sub3A_1067 = arith.subf %get3A_4, %sub3A_1066 : vector<128x128xf32>
    %mul3A_1068 = arith.mulf %sub3A_1062, %sub3A_1062 : vector<128x128xf32>
    %mul3A_1069 = arith.mulf %sub3A_1067, %sub3A_1067 : vector<128x128xf32>
    %add3A_1070 = arith.addf %mul3A_1068, %mul3A_1069 : vector<128x128xf32>
    %min3A_1071 = arith.minimumf %min3A_1057, %add3A_1070 : vector<128x128xf32>
    %get3A_1072 = arith.constant 12 : index
    %get3A_1073 = arith.constant 0 : index
    %get3A_1074 = memref.load %arg2[%get3A_1072, %get3A_1073] : memref<64x2xf32, #tpu.memory_space<smem>>
    %sub3A_1075 = vector.broadcast %get3A_1074 : f32 to vector<128x128xf32>
    %sub3A_1076 = arith.subf %get3A_1, %sub3A_1075 : vector<128x128xf32>
    %get3A_1077 = arith.constant 12 : index
    %get3A_1078 = arith.constant 1 : index
    %get3A_1079 = memref.load %arg2[%get3A_1077, %get3A_1078] : memref<64x2xf32, #tpu.memory_space<smem>>
    %sub3A_1080 = vector.broadcast %get3A_1079 : f32 to vector<128x128xf32>
    %sub3A_1081 = arith.subf %get3A_4, %sub3A_1080 : vector<128x128xf32>
    %mul3A_1082 = arith.mulf %sub3A_1076, %sub3A_1076 : vector<128x128xf32>
    %mul3A_1083 = arith.mulf %sub3A_1081, %sub3A_1081 : vector<128x128xf32>
    %add3A_1084 = arith.addf %mul3A_1082, %mul3A_1083 : vector<128x128xf32>
    %min3A_1085 = arith.minimumf %min3A_1071, %add3A_1084 : vector<128x128xf32>
    %get3A_1086 = arith.constant 13 : index
    %get3A_1087 = arith.constant 0 : index
    %get3A_1088 = memref.load %arg2[%get3A_1086, %get3A_1087] : memref<64x2xf32, #tpu.memory_space<smem>>
    %sub3A_1089 = vector.broadcast %get3A_1088 : f32 to vector<128x128xf32>
    %sub3A_1090 = arith.subf %get3A_1, %sub3A_1089 : vector<128x128xf32>
    %get3A_1091 = arith.constant 13 : index
    %get3A_1092 = arith.constant 1 : index
    %get3A_1093 = memref.load %arg2[%get3A_1091, %get3A_1092] : memref<64x2xf32, #tpu.memory_space<smem>>
    %sub3A_1094 = vector.broadcast %get3A_1093 : f32 to vector<128x128xf32>
    %sub3A_1095 = arith.subf %get3A_4, %sub3A_1094 : vector<128x128xf32>
    %mul3A_1096 = arith.mulf %sub3A_1090, %sub3A_1090 : vector<128x128xf32>
    %mul3A_1097 = arith.mulf %sub3A_1095, %sub3A_1095 : vector<128x128xf32>
    %add3A_1098 = arith.addf %mul3A_1096, %mul3A_1097 : vector<128x128xf32>
    %min3A_1099 = arith.minimumf %min3A_1085, %add3A_1098 : vector<128x128xf32>
    %get3A_1100 = arith.constant 14 : index
    %get3A_1101 = arith.constant 0 : index
    %get3A_1102 = memref.load %arg2[%get3A_1100, %get3A_1101] : memref<64x2xf32, #tpu.memory_space<smem>>
    %sub3A_1103 = vector.broadcast %get3A_1102 : f32 to vector<128x128xf32>
    %sub3A_1104 = arith.subf %get3A_1, %sub3A_1103 : vector<128x128xf32>
    %get3A_1105 = arith.constant 14 : index
    %get3A_1106 = arith.constant 1 : index
    %get3A_1107 = memref.load %arg2[%get3A_1105, %get3A_1106] : memref<64x2xf32, #tpu.memory_space<smem>>
    %sub3A_1108 = vector.broadcast %get3A_1107 : f32 to vector<128x128xf32>
    %sub3A_1109 = arith.subf %get3A_4, %sub3A_1108 : vector<128x128xf32>
    %mul3A_1110 = arith.mulf %sub3A_1104, %sub3A_1104 : vector<128x128xf32>
    %mul3A_1111 = arith.mulf %sub3A_1109, %sub3A_1109 : vector<128x128xf32>
    %add3A_1112 = arith.addf %mul3A_1110, %mul3A_1111 : vector<128x128xf32>
    %min3A_1113 = arith.minimumf %min3A_1099, %add3A_1112 : vector<128x128xf32>
    %get3A_1114 = arith.constant 15 : index
    %get3A_1115 = arith.constant 0 : index
    %get3A_1116 = memref.load %arg2[%get3A_1114, %get3A_1115] : memref<64x2xf32, #tpu.memory_space<smem>>
    %sub3A_1117 = vector.broadcast %get3A_1116 : f32 to vector<128x128xf32>
    %sub3A_1118 = arith.subf %get3A_1, %sub3A_1117 : vector<128x128xf32>
    %get3A_1119 = arith.constant 15 : index
    %get3A_1120 = arith.constant 1 : index
    %get3A_1121 = memref.load %arg2[%get3A_1119, %get3A_1120] : memref<64x2xf32, #tpu.memory_space<smem>>
    %sub3A_1122 = vector.broadcast %get3A_1121 : f32 to vector<128x128xf32>
    %sub3A_1123 = arith.subf %get3A_4, %sub3A_1122 : vector<128x128xf32>
    %mul3A_1124 = arith.mulf %sub3A_1118, %sub3A_1118 : vector<128x128xf32>
    %mul3A_1125 = arith.mulf %sub3A_1123, %sub3A_1123 : vector<128x128xf32>
    %add3A_1126 = arith.addf %mul3A_1124, %mul3A_1125 : vector<128x128xf32>
    %min3A_1127 = arith.minimumf %min3A_1113, %add3A_1126 : vector<128x128xf32>
    %get3A_1128 = arith.constant 16 : index
    %get3A_1129 = arith.constant 0 : index
    %get3A_1130 = memref.load %arg2[%get3A_1128, %get3A_1129] : memref<64x2xf32, #tpu.memory_space<smem>>
    %sub3A_1131 = vector.broadcast %get3A_1130 : f32 to vector<128x128xf32>
    %sub3A_1132 = arith.subf %get3A_1, %sub3A_1131 : vector<128x128xf32>
    %get3A_1133 = arith.constant 16 : index
    %get3A_1134 = arith.constant 1 : index
    %get3A_1135 = memref.load %arg2[%get3A_1133, %get3A_1134] : memref<64x2xf32, #tpu.memory_space<smem>>
    %sub3A_1136 = vector.broadcast %get3A_1135 : f32 to vector<128x128xf32>
    %sub3A_1137 = arith.subf %get3A_4, %sub3A_1136 : vector<128x128xf32>
    %mul3A_1138 = arith.mulf %sub3A_1132, %sub3A_1132 : vector<128x128xf32>
    %mul3A_1139 = arith.mulf %sub3A_1137, %sub3A_1137 : vector<128x128xf32>
    %add3A_1140 = arith.addf %mul3A_1138, %mul3A_1139 : vector<128x128xf32>
    %min3A_1141 = arith.minimumf %min3A_1127, %add3A_1140 : vector<128x128xf32>
    %get3A_1142 = arith.constant 17 : index
    %get3A_1143 = arith.constant 0 : index
    %get3A_1144 = memref.load %arg2[%get3A_1142, %get3A_1143] : memref<64x2xf32, #tpu.memory_space<smem>>
    %sub3A_1145 = vector.broadcast %get3A_1144 : f32 to vector<128x128xf32>
    %sub3A_1146 = arith.subf %get3A_1, %sub3A_1145 : vector<128x128xf32>
    %get3A_1147 = arith.constant 17 : index
    %get3A_1148 = arith.constant 1 : index
    %get3A_1149 = memref.load %arg2[%get3A_1147, %get3A_1148] : memref<64x2xf32, #tpu.memory_space<smem>>
    %sub3A_1150 = vector.broadcast %get3A_1149 : f32 to vector<128x128xf32>
    %sub3A_1151 = arith.subf %get3A_4, %sub3A_1150 : vector<128x128xf32>
    %mul3A_1152 = arith.mulf %sub3A_1146, %sub3A_1146 : vector<128x128xf32>
    %mul3A_1153 = arith.mulf %sub3A_1151, %sub3A_1151 : vector<128x128xf32>
    %add3A_1154 = arith.addf %mul3A_1152, %mul3A_1153 : vector<128x128xf32>
    %min3A_1155 = arith.minimumf %min3A_1141, %add3A_1154 : vector<128x128xf32>
    %get3A_1156 = arith.constant 18 : index
    %get3A_1157 = arith.constant 0 : index
    %get3A_1158 = memref.load %arg2[%get3A_1156, %get3A_1157] : memref<64x2xf32, #tpu.memory_space<smem>>
    %sub3A_1159 = vector.broadcast %get3A_1158 : f32 to vector<128x128xf32>
    %sub3A_1160 = arith.subf %get3A_1, %sub3A_1159 : vector<128x128xf32>
    %get3A_1161 = arith.constant 18 : index
    %get3A_1162 = arith.constant 1 : index
    %get3A_1163 = memref.load %arg2[%get3A_1161, %get3A_1162] : memref<64x2xf32, #tpu.memory_space<smem>>
    %sub3A_1164 = vector.broadcast %get3A_1163 : f32 to vector<128x128xf32>
    %sub3A_1165 = arith.subf %get3A_4, %sub3A_1164 : vector<128x128xf32>
    %mul3A_1166 = arith.mulf %sub3A_1160, %sub3A_1160 : vector<128x128xf32>
    %mul3A_1167 = arith.mulf %sub3A_1165, %sub3A_1165 : vector<128x128xf32>
    %add3A_1168 = arith.addf %mul3A_1166, %mul3A_1167 : vector<128x128xf32>
    %min3A_1169 = arith.minimumf %min3A_1155, %add3A_1168 : vector<128x128xf32>
    %get3A_1170 = arith.constant 19 : index
    %get3A_1171 = arith.constant 0 : index
    %get3A_1172 = memref.load %arg2[%get3A_1170, %get3A_1171] : memref<64x2xf32, #tpu.memory_space<smem>>
    %sub3A_1173 = vector.broadcast %get3A_1172 : f32 to vector<128x128xf32>
    %sub3A_1174 = arith.subf %get3A_1, %sub3A_1173 : vector<128x128xf32>
    %get3A_1175 = arith.constant 19 : index
    %get3A_1176 = arith.constant 1 : index
    %get3A_1177 = memref.load %arg2[%get3A_1175, %get3A_1176] : memref<64x2xf32, #tpu.memory_space<smem>>
    %sub3A_1178 = vector.broadcast %get3A_1177 : f32 to vector<128x128xf32>
    %sub3A_1179 = arith.subf %get3A_4, %sub3A_1178 : vector<128x128xf32>
    %mul3A_1180 = arith.mulf %sub3A_1174, %sub3A_1174 : vector<128x128xf32>
    %mul3A_1181 = arith.mulf %sub3A_1179, %sub3A_1179 : vector<128x128xf32>
    %add3A_1182 = arith.addf %mul3A_1180, %mul3A_1181 : vector<128x128xf32>
    %min3A_1183 = arith.minimumf %min3A_1169, %add3A_1182 : vector<128x128xf32>
    %get3A_1184 = arith.constant 20 : index
    %get3A_1185 = arith.constant 0 : index
    %get3A_1186 = memref.load %arg2[%get3A_1184, %get3A_1185] : memref<64x2xf32, #tpu.memory_space<smem>>
    %sub3A_1187 = vector.broadcast %get3A_1186 : f32 to vector<128x128xf32>
    %sub3A_1188 = arith.subf %get3A_1, %sub3A_1187 : vector<128x128xf32>
    %get3A_1189 = arith.constant 20 : index
    %get3A_1190 = arith.constant 1 : index
    %get3A_1191 = memref.load %arg2[%get3A_1189, %get3A_1190] : memref<64x2xf32, #tpu.memory_space<smem>>
    %sub3A_1192 = vector.broadcast %get3A_1191 : f32 to vector<128x128xf32>
    %sub3A_1193 = arith.subf %get3A_4, %sub3A_1192 : vector<128x128xf32>
    %mul3A_1194 = arith.mulf %sub3A_1188, %sub3A_1188 : vector<128x128xf32>
    %mul3A_1195 = arith.mulf %sub3A_1193, %sub3A_1193 : vector<128x128xf32>
    %add3A_1196 = arith.addf %mul3A_1194, %mul3A_1195 : vector<128x128xf32>
    %min3A_1197 = arith.minimumf %min3A_1183, %add3A_1196 : vector<128x128xf32>
    %get3A_1198 = arith.constant 21 : index
    %get3A_1199 = arith.constant 0 : index
    %get3A_1200 = memref.load %arg2[%get3A_1198, %get3A_1199] : memref<64x2xf32, #tpu.memory_space<smem>>
    %sub3A_1201 = vector.broadcast %get3A_1200 : f32 to vector<128x128xf32>
    %sub3A_1202 = arith.subf %get3A_1, %sub3A_1201 : vector<128x128xf32>
    %get3A_1203 = arith.constant 21 : index
    %get3A_1204 = arith.constant 1 : index
    %get3A_1205 = memref.load %arg2[%get3A_1203, %get3A_1204] : memref<64x2xf32, #tpu.memory_space<smem>>
    %sub3A_1206 = vector.broadcast %get3A_1205 : f32 to vector<128x128xf32>
    %sub3A_1207 = arith.subf %get3A_4, %sub3A_1206 : vector<128x128xf32>
    %mul3A_1208 = arith.mulf %sub3A_1202, %sub3A_1202 : vector<128x128xf32>
    %mul3A_1209 = arith.mulf %sub3A_1207, %sub3A_1207 : vector<128x128xf32>
    %add3A_1210 = arith.addf %mul3A_1208, %mul3A_1209 : vector<128x128xf32>
    %min3A_1211 = arith.minimumf %min3A_1197, %add3A_1210 : vector<128x128xf32>
    %get3A_1212 = arith.constant 22 : index
    %get3A_1213 = arith.constant 0 : index
    %get3A_1214 = memref.load %arg2[%get3A_1212, %get3A_1213] : memref<64x2xf32, #tpu.memory_space<smem>>
    %sub3A_1215 = vector.broadcast %get3A_1214 : f32 to vector<128x128xf32>
    %sub3A_1216 = arith.subf %get3A_1, %sub3A_1215 : vector<128x128xf32>
    %get3A_1217 = arith.constant 22 : index
    %get3A_1218 = arith.constant 1 : index
    %get3A_1219 = memref.load %arg2[%get3A_1217, %get3A_1218] : memref<64x2xf32, #tpu.memory_space<smem>>
    %sub3A_1220 = vector.broadcast %get3A_1219 : f32 to vector<128x128xf32>
    %sub3A_1221 = arith.subf %get3A_4, %sub3A_1220 : vector<128x128xf32>
    %mul3A_1222 = arith.mulf %sub3A_1216, %sub3A_1216 : vector<128x128xf32>
    %mul3A_1223 = arith.mulf %sub3A_1221, %sub3A_1221 : vector<128x128xf32>
    %add3A_1224 = arith.addf %mul3A_1222, %mul3A_1223 : vector<128x128xf32>
    %min3A_1225 = arith.minimumf %min3A_1211, %add3A_1224 : vector<128x128xf32>
    %get3A_1226 = arith.constant 23 : index
    %get3A_1227 = arith.constant 0 : index
    %get3A_1228 = memref.load %arg2[%get3A_1226, %get3A_1227] : memref<64x2xf32, #tpu.memory_space<smem>>
    %sub3A_1229 = vector.broadcast %get3A_1228 : f32 to vector<128x128xf32>
    %sub3A_1230 = arith.subf %get3A_1, %sub3A_1229 : vector<128x128xf32>
    %get3A_1231 = arith.constant 23 : index
    %get3A_1232 = arith.constant 1 : index
    %get3A_1233 = memref.load %arg2[%get3A_1231, %get3A_1232] : memref<64x2xf32, #tpu.memory_space<smem>>
    %sub3A_1234 = vector.broadcast %get3A_1233 : f32 to vector<128x128xf32>
    %sub3A_1235 = arith.subf %get3A_4, %sub3A_1234 : vector<128x128xf32>
    %mul3A_1236 = arith.mulf %sub3A_1230, %sub3A_1230 : vector<128x128xf32>
    %mul3A_1237 = arith.mulf %sub3A_1235, %sub3A_1235 : vector<128x128xf32>
    %add3A_1238 = arith.addf %mul3A_1236, %mul3A_1237 : vector<128x128xf32>
    %min3A_1239 = arith.minimumf %min3A_1225, %add3A_1238 : vector<128x128xf32>
    %get3A_1240 = arith.constant 24 : index
    %get3A_1241 = arith.constant 0 : index
    %get3A_1242 = memref.load %arg2[%get3A_1240, %get3A_1241] : memref<64x2xf32, #tpu.memory_space<smem>>
    %sub3A_1243 = vector.broadcast %get3A_1242 : f32 to vector<128x128xf32>
    %sub3A_1244 = arith.subf %get3A_1, %sub3A_1243 : vector<128x128xf32>
    %get3A_1245 = arith.constant 24 : index
    %get3A_1246 = arith.constant 1 : index
    %get3A_1247 = memref.load %arg2[%get3A_1245, %get3A_1246] : memref<64x2xf32, #tpu.memory_space<smem>>
    %sub3A_1248 = vector.broadcast %get3A_1247 : f32 to vector<128x128xf32>
    %sub3A_1249 = arith.subf %get3A_4, %sub3A_1248 : vector<128x128xf32>
    %mul3A_1250 = arith.mulf %sub3A_1244, %sub3A_1244 : vector<128x128xf32>
    %mul3A_1251 = arith.mulf %sub3A_1249, %sub3A_1249 : vector<128x128xf32>
    %add3A_1252 = arith.addf %mul3A_1250, %mul3A_1251 : vector<128x128xf32>
    %min3A_1253 = arith.minimumf %min3A_1239, %add3A_1252 : vector<128x128xf32>
    %get3A_1254 = arith.constant 25 : index
    %get3A_1255 = arith.constant 0 : index
    %get3A_1256 = memref.load %arg2[%get3A_1254, %get3A_1255] : memref<64x2xf32, #tpu.memory_space<smem>>
    %sub3A_1257 = vector.broadcast %get3A_1256 : f32 to vector<128x128xf32>
    %sub3A_1258 = arith.subf %get3A_1, %sub3A_1257 : vector<128x128xf32>
    %get3A_1259 = arith.constant 25 : index
    %get3A_1260 = arith.constant 1 : index
    %get3A_1261 = memref.load %arg2[%get3A_1259, %get3A_1260] : memref<64x2xf32, #tpu.memory_space<smem>>
    %sub3A_1262 = vector.broadcast %get3A_1261 : f32 to vector<128x128xf32>
    %sub3A_1263 = arith.subf %get3A_4, %sub3A_1262 : vector<128x128xf32>
    %mul3A_1264 = arith.mulf %sub3A_1258, %sub3A_1258 : vector<128x128xf32>
    %mul3A_1265 = arith.mulf %sub3A_1263, %sub3A_1263 : vector<128x128xf32>
    %add3A_1266 = arith.addf %mul3A_1264, %mul3A_1265 : vector<128x128xf32>
    %min3A_1267 = arith.minimumf %min3A_1253, %add3A_1266 : vector<128x128xf32>
    %get3A_1268 = arith.constant 26 : index
    %get3A_1269 = arith.constant 0 : index
    %get3A_1270 = memref.load %arg2[%get3A_1268, %get3A_1269] : memref<64x2xf32, #tpu.memory_space<smem>>
    %sub3A_1271 = vector.broadcast %get3A_1270 : f32 to vector<128x128xf32>
    %sub3A_1272 = arith.subf %get3A_1, %sub3A_1271 : vector<128x128xf32>
    %get3A_1273 = arith.constant 26 : index
    %get3A_1274 = arith.constant 1 : index
    %get3A_1275 = memref.load %arg2[%get3A_1273, %get3A_1274] : memref<64x2xf32, #tpu.memory_space<smem>>
    %sub3A_1276 = vector.broadcast %get3A_1275 : f32 to vector<128x128xf32>
    %sub3A_1277 = arith.subf %get3A_4, %sub3A_1276 : vector<128x128xf32>
    %mul3A_1278 = arith.mulf %sub3A_1272, %sub3A_1272 : vector<128x128xf32>
    %mul3A_1279 = arith.mulf %sub3A_1277, %sub3A_1277 : vector<128x128xf32>
    %add3A_1280 = arith.addf %mul3A_1278, %mul3A_1279 : vector<128x128xf32>
    %min3A_1281 = arith.minimumf %min3A_1267, %add3A_1280 : vector<128x128xf32>
    %get3A_1282 = arith.constant 27 : index
    %get3A_1283 = arith.constant 0 : index
    %get3A_1284 = memref.load %arg2[%get3A_1282, %get3A_1283] : memref<64x2xf32, #tpu.memory_space<smem>>
    %sub3A_1285 = vector.broadcast %get3A_1284 : f32 to vector<128x128xf32>
    %sub3A_1286 = arith.subf %get3A_1, %sub3A_1285 : vector<128x128xf32>
    %get3A_1287 = arith.constant 27 : index
    %get3A_1288 = arith.constant 1 : index
    %get3A_1289 = memref.load %arg2[%get3A_1287, %get3A_1288] : memref<64x2xf32, #tpu.memory_space<smem>>
    %sub3A_1290 = vector.broadcast %get3A_1289 : f32 to vector<128x128xf32>
    %sub3A_1291 = arith.subf %get3A_4, %sub3A_1290 : vector<128x128xf32>
    %mul3A_1292 = arith.mulf %sub3A_1286, %sub3A_1286 : vector<128x128xf32>
    %mul3A_1293 = arith.mulf %sub3A_1291, %sub3A_1291 : vector<128x128xf32>
    %add3A_1294 = arith.addf %mul3A_1292, %mul3A_1293 : vector<128x128xf32>
    %min3A_1295 = arith.minimumf %min3A_1281, %add3A_1294 : vector<128x128xf32>
    %get3A_1296 = arith.constant 28 : index
    %get3A_1297 = arith.constant 0 : index
    %get3A_1298 = memref.load %arg2[%get3A_1296, %get3A_1297] : memref<64x2xf32, #tpu.memory_space<smem>>
    %sub3A_1299 = vector.broadcast %get3A_1298 : f32 to vector<128x128xf32>
    %sub3A_1300 = arith.subf %get3A_1, %sub3A_1299 : vector<128x128xf32>
    %get3A_1301 = arith.constant 28 : index
    %get3A_1302 = arith.constant 1 : index
    %get3A_1303 = memref.load %arg2[%get3A_1301, %get3A_1302] : memref<64x2xf32, #tpu.memory_space<smem>>
    %sub3A_1304 = vector.broadcast %get3A_1303 : f32 to vector<128x128xf32>
    %sub3A_1305 = arith.subf %get3A_4, %sub3A_1304 : vector<128x128xf32>
    %mul3A_1306 = arith.mulf %sub3A_1300, %sub3A_1300 : vector<128x128xf32>
    %mul3A_1307 = arith.mulf %sub3A_1305, %sub3A_1305 : vector<128x128xf32>
    %add3A_1308 = arith.addf %mul3A_1306, %mul3A_1307 : vector<128x128xf32>
    %min3A_1309 = arith.minimumf %min3A_1295, %add3A_1308 : vector<128x128xf32>
    %get3A_1310 = arith.constant 29 : index
    %get3A_1311 = arith.constant 0 : index
    %get3A_1312 = memref.load %arg2[%get3A_1310, %get3A_1311] : memref<64x2xf32, #tpu.memory_space<smem>>
    %sub3A_1313 = vector.broadcast %get3A_1312 : f32 to vector<128x128xf32>
    %sub3A_1314 = arith.subf %get3A_1, %sub3A_1313 : vector<128x128xf32>
    %get3A_1315 = arith.constant 29 : index
    %get3A_1316 = arith.constant 1 : index
    %get3A_1317 = memref.load %arg2[%get3A_1315, %get3A_1316] : memref<64x2xf32, #tpu.memory_space<smem>>
    %sub3A_1318 = vector.broadcast %get3A_1317 : f32 to vector<128x128xf32>
    %sub3A_1319 = arith.subf %get3A_4, %sub3A_1318 : vector<128x128xf32>
    %mul3A_1320 = arith.mulf %sub3A_1314, %sub3A_1314 : vector<128x128xf32>
    %mul3A_1321 = arith.mulf %sub3A_1319, %sub3A_1319 : vector<128x128xf32>
    %add3A_1322 = arith.addf %mul3A_1320, %mul3A_1321 : vector<128x128xf32>
    %min3A_1323 = arith.minimumf %min3A_1309, %add3A_1322 : vector<128x128xf32>
    %get3A_1324 = arith.constant 30 : index
    %get3A_1325 = arith.constant 0 : index
    %get3A_1326 = memref.load %arg2[%get3A_1324, %get3A_1325] : memref<64x2xf32, #tpu.memory_space<smem>>
    %sub3A_1327 = vector.broadcast %get3A_1326 : f32 to vector<128x128xf32>
    %sub3A_1328 = arith.subf %get3A_1, %sub3A_1327 : vector<128x128xf32>
    %get3A_1329 = arith.constant 30 : index
    %get3A_1330 = arith.constant 1 : index
    %get3A_1331 = memref.load %arg2[%get3A_1329, %get3A_1330] : memref<64x2xf32, #tpu.memory_space<smem>>
    %sub3A_1332 = vector.broadcast %get3A_1331 : f32 to vector<128x128xf32>
    %sub3A_1333 = arith.subf %get3A_4, %sub3A_1332 : vector<128x128xf32>
    %mul3A_1334 = arith.mulf %sub3A_1328, %sub3A_1328 : vector<128x128xf32>
    %mul3A_1335 = arith.mulf %sub3A_1333, %sub3A_1333 : vector<128x128xf32>
    %add3A_1336 = arith.addf %mul3A_1334, %mul3A_1335 : vector<128x128xf32>
    %min3A_1337 = arith.minimumf %min3A_1323, %add3A_1336 : vector<128x128xf32>
    %get3A_1338 = arith.constant 31 : index
    %get3A_1339 = arith.constant 0 : index
    %get3A_1340 = memref.load %arg2[%get3A_1338, %get3A_1339] : memref<64x2xf32, #tpu.memory_space<smem>>
    %sub3A_1341 = vector.broadcast %get3A_1340 : f32 to vector<128x128xf32>
    %sub3A_1342 = arith.subf %get3A_1, %sub3A_1341 : vector<128x128xf32>
    %get3A_1343 = arith.constant 31 : index
    %get3A_1344 = arith.constant 1 : index
    %get3A_1345 = memref.load %arg2[%get3A_1343, %get3A_1344] : memref<64x2xf32, #tpu.memory_space<smem>>
    %sub3A_1346 = vector.broadcast %get3A_1345 : f32 to vector<128x128xf32>
    %sub3A_1347 = arith.subf %get3A_4, %sub3A_1346 : vector<128x128xf32>
    %mul3A_1348 = arith.mulf %sub3A_1342, %sub3A_1342 : vector<128x128xf32>
    %mul3A_1349 = arith.mulf %sub3A_1347, %sub3A_1347 : vector<128x128xf32>
    %add3A_1350 = arith.addf %mul3A_1348, %mul3A_1349 : vector<128x128xf32>
    %min3A_1351 = arith.minimumf %min3A_1337, %add3A_1350 : vector<128x128xf32>
    %get3A_1352 = arith.constant 32 : index
    %get3A_1353 = arith.constant 0 : index
    %get3A_1354 = memref.load %arg2[%get3A_1352, %get3A_1353] : memref<64x2xf32, #tpu.memory_space<smem>>
    %sub3A_1355 = vector.broadcast %get3A_1354 : f32 to vector<128x128xf32>
    %sub3A_1356 = arith.subf %get3A_1, %sub3A_1355 : vector<128x128xf32>
    %get3A_1357 = arith.constant 32 : index
    %get3A_1358 = arith.constant 1 : index
    %get3A_1359 = memref.load %arg2[%get3A_1357, %get3A_1358] : memref<64x2xf32, #tpu.memory_space<smem>>
    %sub3A_1360 = vector.broadcast %get3A_1359 : f32 to vector<128x128xf32>
    %sub3A_1361 = arith.subf %get3A_4, %sub3A_1360 : vector<128x128xf32>
    %mul3A_1362 = arith.mulf %sub3A_1356, %sub3A_1356 : vector<128x128xf32>
    %mul3A_1363 = arith.mulf %sub3A_1361, %sub3A_1361 : vector<128x128xf32>
    %add3A_1364 = arith.addf %mul3A_1362, %mul3A_1363 : vector<128x128xf32>
    %min3A_1365 = arith.minimumf %min3A_1351, %add3A_1364 : vector<128x128xf32>
    %get3A_1366 = arith.constant 33 : index
    %get3A_1367 = arith.constant 0 : index
    %get3A_1368 = memref.load %arg2[%get3A_1366, %get3A_1367] : memref<64x2xf32, #tpu.memory_space<smem>>
    %sub3A_1369 = vector.broadcast %get3A_1368 : f32 to vector<128x128xf32>
    %sub3A_1370 = arith.subf %get3A_1, %sub3A_1369 : vector<128x128xf32>
    %get3A_1371 = arith.constant 33 : index
    %get3A_1372 = arith.constant 1 : index
    %get3A_1373 = memref.load %arg2[%get3A_1371, %get3A_1372] : memref<64x2xf32, #tpu.memory_space<smem>>
    %sub3A_1374 = vector.broadcast %get3A_1373 : f32 to vector<128x128xf32>
    %sub3A_1375 = arith.subf %get3A_4, %sub3A_1374 : vector<128x128xf32>
    %mul3A_1376 = arith.mulf %sub3A_1370, %sub3A_1370 : vector<128x128xf32>
    %mul3A_1377 = arith.mulf %sub3A_1375, %sub3A_1375 : vector<128x128xf32>
    %add3A_1378 = arith.addf %mul3A_1376, %mul3A_1377 : vector<128x128xf32>
    %min3A_1379 = arith.minimumf %min3A_1365, %add3A_1378 : vector<128x128xf32>
    %get3A_1380 = arith.constant 34 : index
    %get3A_1381 = arith.constant 0 : index
    %get3A_1382 = memref.load %arg2[%get3A_1380, %get3A_1381] : memref<64x2xf32, #tpu.memory_space<smem>>
    %sub3A_1383 = vector.broadcast %get3A_1382 : f32 to vector<128x128xf32>
    %sub3A_1384 = arith.subf %get3A_1, %sub3A_1383 : vector<128x128xf32>
    %get3A_1385 = arith.constant 34 : index
    %get3A_1386 = arith.constant 1 : index
    %get3A_1387 = memref.load %arg2[%get3A_1385, %get3A_1386] : memref<64x2xf32, #tpu.memory_space<smem>>
    %sub3A_1388 = vector.broadcast %get3A_1387 : f32 to vector<128x128xf32>
    %sub3A_1389 = arith.subf %get3A_4, %sub3A_1388 : vector<128x128xf32>
    %mul3A_1390 = arith.mulf %sub3A_1384, %sub3A_1384 : vector<128x128xf32>
    %mul3A_1391 = arith.mulf %sub3A_1389, %sub3A_1389 : vector<128x128xf32>
    %add3A_1392 = arith.addf %mul3A_1390, %mul3A_1391 : vector<128x128xf32>
    %min3A_1393 = arith.minimumf %min3A_1379, %add3A_1392 : vector<128x128xf32>
    %get3A_1394 = arith.constant 35 : index
    %get3A_1395 = arith.constant 0 : index
    %get3A_1396 = memref.load %arg2[%get3A_1394, %get3A_1395] : memref<64x2xf32, #tpu.memory_space<smem>>
    %sub3A_1397 = vector.broadcast %get3A_1396 : f32 to vector<128x128xf32>
    %sub3A_1398 = arith.subf %get3A_1, %sub3A_1397 : vector<128x128xf32>
    %get3A_1399 = arith.constant 35 : index
    %get3A_1400 = arith.constant 1 : index
    %get3A_1401 = memref.load %arg2[%get3A_1399, %get3A_1400] : memref<64x2xf32, #tpu.memory_space<smem>>
    %sub3A_1402 = vector.broadcast %get3A_1401 : f32 to vector<128x128xf32>
    %sub3A_1403 = arith.subf %get3A_4, %sub3A_1402 : vector<128x128xf32>
    %mul3A_1404 = arith.mulf %sub3A_1398, %sub3A_1398 : vector<128x128xf32>
    %mul3A_1405 = arith.mulf %sub3A_1403, %sub3A_1403 : vector<128x128xf32>
    %add3A_1406 = arith.addf %mul3A_1404, %mul3A_1405 : vector<128x128xf32>
    %min3A_1407 = arith.minimumf %min3A_1393, %add3A_1406 : vector<128x128xf32>
    %get3A_1408 = arith.constant 36 : index
    %get3A_1409 = arith.constant 0 : index
    %get3A_1410 = memref.load %arg2[%get3A_1408, %get3A_1409] : memref<64x2xf32, #tpu.memory_space<smem>>
    %sub3A_1411 = vector.broadcast %get3A_1410 : f32 to vector<128x128xf32>
    %sub3A_1412 = arith.subf %get3A_1, %sub3A_1411 : vector<128x128xf32>
    %get3A_1413 = arith.constant 36 : index
    %get3A_1414 = arith.constant 1 : index
    %get3A_1415 = memref.load %arg2[%get3A_1413, %get3A_1414] : memref<64x2xf32, #tpu.memory_space<smem>>
    %sub3A_1416 = vector.broadcast %get3A_1415 : f32 to vector<128x128xf32>
    %sub3A_1417 = arith.subf %get3A_4, %sub3A_1416 : vector<128x128xf32>
    %mul3A_1418 = arith.mulf %sub3A_1412, %sub3A_1412 : vector<128x128xf32>
    %mul3A_1419 = arith.mulf %sub3A_1417, %sub3A_1417 : vector<128x128xf32>
    %add3A_1420 = arith.addf %mul3A_1418, %mul3A_1419 : vector<128x128xf32>
    %min3A_1421 = arith.minimumf %min3A_1407, %add3A_1420 : vector<128x128xf32>
    %get3A_1422 = arith.constant 37 : index
    %get3A_1423 = arith.constant 0 : index
    %get3A_1424 = memref.load %arg2[%get3A_1422, %get3A_1423] : memref<64x2xf32, #tpu.memory_space<smem>>
    %sub3A_1425 = vector.broadcast %get3A_1424 : f32 to vector<128x128xf32>
    %sub3A_1426 = arith.subf %get3A_1, %sub3A_1425 : vector<128x128xf32>
    %get3A_1427 = arith.constant 37 : index
    %get3A_1428 = arith.constant 1 : index
    %get3A_1429 = memref.load %arg2[%get3A_1427, %get3A_1428] : memref<64x2xf32, #tpu.memory_space<smem>>
    %sub3A_1430 = vector.broadcast %get3A_1429 : f32 to vector<128x128xf32>
    %sub3A_1431 = arith.subf %get3A_4, %sub3A_1430 : vector<128x128xf32>
    %mul3A_1432 = arith.mulf %sub3A_1426, %sub3A_1426 : vector<128x128xf32>
    %mul3A_1433 = arith.mulf %sub3A_1431, %sub3A_1431 : vector<128x128xf32>
    %add3A_1434 = arith.addf %mul3A_1432, %mul3A_1433 : vector<128x128xf32>
    %min3A_1435 = arith.minimumf %min3A_1421, %add3A_1434 : vector<128x128xf32>
    %get3A_1436 = arith.constant 38 : index
    %get3A_1437 = arith.constant 0 : index
    %get3A_1438 = memref.load %arg2[%get3A_1436, %get3A_1437] : memref<64x2xf32, #tpu.memory_space<smem>>
    %sub3A_1439 = vector.broadcast %get3A_1438 : f32 to vector<128x128xf32>
    %sub3A_1440 = arith.subf %get3A_1, %sub3A_1439 : vector<128x128xf32>
    %get3A_1441 = arith.constant 38 : index
    %get3A_1442 = arith.constant 1 : index
    %get3A_1443 = memref.load %arg2[%get3A_1441, %get3A_1442] : memref<64x2xf32, #tpu.memory_space<smem>>
    %sub3A_1444 = vector.broadcast %get3A_1443 : f32 to vector<128x128xf32>
    %sub3A_1445 = arith.subf %get3A_4, %sub3A_1444 : vector<128x128xf32>
    %mul3A_1446 = arith.mulf %sub3A_1440, %sub3A_1440 : vector<128x128xf32>
    %mul3A_1447 = arith.mulf %sub3A_1445, %sub3A_1445 : vector<128x128xf32>
    %add3A_1448 = arith.addf %mul3A_1446, %mul3A_1447 : vector<128x128xf32>
    %min3A_1449 = arith.minimumf %min3A_1435, %add3A_1448 : vector<128x128xf32>
    %get3A_1450 = arith.constant 39 : index
    %get3A_1451 = arith.constant 0 : index
    %get3A_1452 = memref.load %arg2[%get3A_1450, %get3A_1451] : memref<64x2xf32, #tpu.memory_space<smem>>
    %sub3A_1453 = vector.broadcast %get3A_1452 : f32 to vector<128x128xf32>
    %sub3A_1454 = arith.subf %get3A_1, %sub3A_1453 : vector<128x128xf32>
    %get3A_1455 = arith.constant 39 : index
    %get3A_1456 = arith.constant 1 : index
    %get3A_1457 = memref.load %arg2[%get3A_1455, %get3A_1456] : memref<64x2xf32, #tpu.memory_space<smem>>
    %sub3A_1458 = vector.broadcast %get3A_1457 : f32 to vector<128x128xf32>
    %sub3A_1459 = arith.subf %get3A_4, %sub3A_1458 : vector<128x128xf32>
    %mul3A_1460 = arith.mulf %sub3A_1454, %sub3A_1454 : vector<128x128xf32>
    %mul3A_1461 = arith.mulf %sub3A_1459, %sub3A_1459 : vector<128x128xf32>
    %add3A_1462 = arith.addf %mul3A_1460, %mul3A_1461 : vector<128x128xf32>
    %min3A_1463 = arith.minimumf %min3A_1449, %add3A_1462 : vector<128x128xf32>
    %get3A_1464 = arith.constant 40 : index
    %get3A_1465 = arith.constant 0 : index
    %get3A_1466 = memref.load %arg2[%get3A_1464, %get3A_1465] : memref<64x2xf32, #tpu.memory_space<smem>>
    %sub3A_1467 = vector.broadcast %get3A_1466 : f32 to vector<128x128xf32>
    %sub3A_1468 = arith.subf %get3A_1, %sub3A_1467 : vector<128x128xf32>
    %get3A_1469 = arith.constant 40 : index
    %get3A_1470 = arith.constant 1 : index
    %get3A_1471 = memref.load %arg2[%get3A_1469, %get3A_1470] : memref<64x2xf32, #tpu.memory_space<smem>>
    %sub3A_1472 = vector.broadcast %get3A_1471 : f32 to vector<128x128xf32>
    %sub3A_1473 = arith.subf %get3A_4, %sub3A_1472 : vector<128x128xf32>
    %mul3A_1474 = arith.mulf %sub3A_1468, %sub3A_1468 : vector<128x128xf32>
    %mul3A_1475 = arith.mulf %sub3A_1473, %sub3A_1473 : vector<128x128xf32>
    %add3A_1476 = arith.addf %mul3A_1474, %mul3A_1475 : vector<128x128xf32>
    %min3A_1477 = arith.minimumf %min3A_1463, %add3A_1476 : vector<128x128xf32>
    %get3A_1478 = arith.constant 41 : index
    %get3A_1479 = arith.constant 0 : index
    %get3A_1480 = memref.load %arg2[%get3A_1478, %get3A_1479] : memref<64x2xf32, #tpu.memory_space<smem>>
    %sub3A_1481 = vector.broadcast %get3A_1480 : f32 to vector<128x128xf32>
    %sub3A_1482 = arith.subf %get3A_1, %sub3A_1481 : vector<128x128xf32>
    %get3A_1483 = arith.constant 41 : index
    %get3A_1484 = arith.constant 1 : index
    %get3A_1485 = memref.load %arg2[%get3A_1483, %get3A_1484] : memref<64x2xf32, #tpu.memory_space<smem>>
    %sub3A_1486 = vector.broadcast %get3A_1485 : f32 to vector<128x128xf32>
    %sub3A_1487 = arith.subf %get3A_4, %sub3A_1486 : vector<128x128xf32>
    %mul3A_1488 = arith.mulf %sub3A_1482, %sub3A_1482 : vector<128x128xf32>
    %mul3A_1489 = arith.mulf %sub3A_1487, %sub3A_1487 : vector<128x128xf32>
    %add3A_1490 = arith.addf %mul3A_1488, %mul3A_1489 : vector<128x128xf32>
    %min3A_1491 = arith.minimumf %min3A_1477, %add3A_1490 : vector<128x128xf32>
    %get3A_1492 = arith.constant 42 : index
    %get3A_1493 = arith.constant 0 : index
    %get3A_1494 = memref.load %arg2[%get3A_1492, %get3A_1493] : memref<64x2xf32, #tpu.memory_space<smem>>
    %sub3A_1495 = vector.broadcast %get3A_1494 : f32 to vector<128x128xf32>
    %sub3A_1496 = arith.subf %get3A_1, %sub3A_1495 : vector<128x128xf32>
    %get3A_1497 = arith.constant 42 : index
    %get3A_1498 = arith.constant 1 : index
    %get3A_1499 = memref.load %arg2[%get3A_1497, %get3A_1498] : memref<64x2xf32, #tpu.memory_space<smem>>
    %sub3A_1500 = vector.broadcast %get3A_1499 : f32 to vector<128x128xf32>
    %sub3A_1501 = arith.subf %get3A_4, %sub3A_1500 : vector<128x128xf32>
    %mul3A_1502 = arith.mulf %sub3A_1496, %sub3A_1496 : vector<128x128xf32>
    %mul3A_1503 = arith.mulf %sub3A_1501, %sub3A_1501 : vector<128x128xf32>
    %add3A_1504 = arith.addf %mul3A_1502, %mul3A_1503 : vector<128x128xf32>
    %min3A_1505 = arith.minimumf %min3A_1491, %add3A_1504 : vector<128x128xf32>
    %get3A_1506 = arith.constant 43 : index
    %get3A_1507 = arith.constant 0 : index
    %get3A_1508 = memref.load %arg2[%get3A_1506, %get3A_1507] : memref<64x2xf32, #tpu.memory_space<smem>>
    %sub3A_1509 = vector.broadcast %get3A_1508 : f32 to vector<128x128xf32>
    %sub3A_1510 = arith.subf %get3A_1, %sub3A_1509 : vector<128x128xf32>
    %get3A_1511 = arith.constant 43 : index
    %get3A_1512 = arith.constant 1 : index
    %get3A_1513 = memref.load %arg2[%get3A_1511, %get3A_1512] : memref<64x2xf32, #tpu.memory_space<smem>>
    %sub3A_1514 = vector.broadcast %get3A_1513 : f32 to vector<128x128xf32>
    %sub3A_1515 = arith.subf %get3A_4, %sub3A_1514 : vector<128x128xf32>
    %mul3A_1516 = arith.mulf %sub3A_1510, %sub3A_1510 : vector<128x128xf32>
    %mul3A_1517 = arith.mulf %sub3A_1515, %sub3A_1515 : vector<128x128xf32>
    %add3A_1518 = arith.addf %mul3A_1516, %mul3A_1517 : vector<128x128xf32>
    %min3A_1519 = arith.minimumf %min3A_1505, %add3A_1518 : vector<128x128xf32>
    %get3A_1520 = arith.constant 44 : index
    %get3A_1521 = arith.constant 0 : index
    %get3A_1522 = memref.load %arg2[%get3A_1520, %get3A_1521] : memref<64x2xf32, #tpu.memory_space<smem>>
    %sub3A_1523 = vector.broadcast %get3A_1522 : f32 to vector<128x128xf32>
    %sub3A_1524 = arith.subf %get3A_1, %sub3A_1523 : vector<128x128xf32>
    %get3A_1525 = arith.constant 44 : index
    %get3A_1526 = arith.constant 1 : index
    %get3A_1527 = memref.load %arg2[%get3A_1525, %get3A_1526] : memref<64x2xf32, #tpu.memory_space<smem>>
    %sub3A_1528 = vector.broadcast %get3A_1527 : f32 to vector<128x128xf32>
    %sub3A_1529 = arith.subf %get3A_4, %sub3A_1528 : vector<128x128xf32>
    %mul3A_1530 = arith.mulf %sub3A_1524, %sub3A_1524 : vector<128x128xf32>
    %mul3A_1531 = arith.mulf %sub3A_1529, %sub3A_1529 : vector<128x128xf32>
    %add3A_1532 = arith.addf %mul3A_1530, %mul3A_1531 : vector<128x128xf32>
    %min3A_1533 = arith.minimumf %min3A_1519, %add3A_1532 : vector<128x128xf32>
    %get3A_1534 = arith.constant 45 : index
    %get3A_1535 = arith.constant 0 : index
    %get3A_1536 = memref.load %arg2[%get3A_1534, %get3A_1535] : memref<64x2xf32, #tpu.memory_space<smem>>
    %sub3A_1537 = vector.broadcast %get3A_1536 : f32 to vector<128x128xf32>
    %sub3A_1538 = arith.subf %get3A_1, %sub3A_1537 : vector<128x128xf32>
    %get3A_1539 = arith.constant 45 : index
    %get3A_1540 = arith.constant 1 : index
    %get3A_1541 = memref.load %arg2[%get3A_1539, %get3A_1540] : memref<64x2xf32, #tpu.memory_space<smem>>
    %sub3A_1542 = vector.broadcast %get3A_1541 : f32 to vector<128x128xf32>
    %sub3A_1543 = arith.subf %get3A_4, %sub3A_1542 : vector<128x128xf32>
    %mul3A_1544 = arith.mulf %sub3A_1538, %sub3A_1538 : vector<128x128xf32>
    %mul3A_1545 = arith.mulf %sub3A_1543, %sub3A_1543 : vector<128x128xf32>
    %add3A_1546 = arith.addf %mul3A_1544, %mul3A_1545 : vector<128x128xf32>
    %min3A_1547 = arith.minimumf %min3A_1533, %add3A_1546 : vector<128x128xf32>
    %get3A_1548 = arith.constant 46 : index
    %get3A_1549 = arith.constant 0 : index
    %get3A_1550 = memref.load %arg2[%get3A_1548, %get3A_1549] : memref<64x2xf32, #tpu.memory_space<smem>>
    %sub3A_1551 = vector.broadcast %get3A_1550 : f32 to vector<128x128xf32>
    %sub3A_1552 = arith.subf %get3A_1, %sub3A_1551 : vector<128x128xf32>
    %get3A_1553 = arith.constant 46 : index
    %get3A_1554 = arith.constant 1 : index
    %get3A_1555 = memref.load %arg2[%get3A_1553, %get3A_1554] : memref<64x2xf32, #tpu.memory_space<smem>>
    %sub3A_1556 = vector.broadcast %get3A_1555 : f32 to vector<128x128xf32>
    %sub3A_1557 = arith.subf %get3A_4, %sub3A_1556 : vector<128x128xf32>
    %mul3A_1558 = arith.mulf %sub3A_1552, %sub3A_1552 : vector<128x128xf32>
    %mul3A_1559 = arith.mulf %sub3A_1557, %sub3A_1557 : vector<128x128xf32>
    %add3A_1560 = arith.addf %mul3A_1558, %mul3A_1559 : vector<128x128xf32>
    %min3A_1561 = arith.minimumf %min3A_1547, %add3A_1560 : vector<128x128xf32>
    %get3A_1562 = arith.constant 47 : index
    %get3A_1563 = arith.constant 0 : index
    %get3A_1564 = memref.load %arg2[%get3A_1562, %get3A_1563] : memref<64x2xf32, #tpu.memory_space<smem>>
    %sub3A_1565 = vector.broadcast %get3A_1564 : f32 to vector<128x128xf32>
    %sub3A_1566 = arith.subf %get3A_1, %sub3A_1565 : vector<128x128xf32>
    %get3A_1567 = arith.constant 47 : index
    %get3A_1568 = arith.constant 1 : index
    %get3A_1569 = memref.load %arg2[%get3A_1567, %get3A_1568] : memref<64x2xf32, #tpu.memory_space<smem>>
    %sub3A_1570 = vector.broadcast %get3A_1569 : f32 to vector<128x128xf32>
    %sub3A_1571 = arith.subf %get3A_4, %sub3A_1570 : vector<128x128xf32>
    %mul3A_1572 = arith.mulf %sub3A_1566, %sub3A_1566 : vector<128x128xf32>
    %mul3A_1573 = arith.mulf %sub3A_1571, %sub3A_1571 : vector<128x128xf32>
    %add3A_1574 = arith.addf %mul3A_1572, %mul3A_1573 : vector<128x128xf32>
    %min3A_1575 = arith.minimumf %min3A_1561, %add3A_1574 : vector<128x128xf32>
    %get3A_1576 = arith.constant 48 : index
    %get3A_1577 = arith.constant 0 : index
    %get3A_1578 = memref.load %arg2[%get3A_1576, %get3A_1577] : memref<64x2xf32, #tpu.memory_space<smem>>
    %sub3A_1579 = vector.broadcast %get3A_1578 : f32 to vector<128x128xf32>
    %sub3A_1580 = arith.subf %get3A_1, %sub3A_1579 : vector<128x128xf32>
    %get3A_1581 = arith.constant 48 : index
    %get3A_1582 = arith.constant 1 : index
    %get3A_1583 = memref.load %arg2[%get3A_1581, %get3A_1582] : memref<64x2xf32, #tpu.memory_space<smem>>
    %sub3A_1584 = vector.broadcast %get3A_1583 : f32 to vector<128x128xf32>
    %sub3A_1585 = arith.subf %get3A_4, %sub3A_1584 : vector<128x128xf32>
    %mul3A_1586 = arith.mulf %sub3A_1580, %sub3A_1580 : vector<128x128xf32>
    %mul3A_1587 = arith.mulf %sub3A_1585, %sub3A_1585 : vector<128x128xf32>
    %add3A_1588 = arith.addf %mul3A_1586, %mul3A_1587 : vector<128x128xf32>
    %min3A_1589 = arith.minimumf %min3A_1575, %add3A_1588 : vector<128x128xf32>
    %get3A_1590 = arith.constant 49 : index
    %get3A_1591 = arith.constant 0 : index
    %get3A_1592 = memref.load %arg2[%get3A_1590, %get3A_1591] : memref<64x2xf32, #tpu.memory_space<smem>>
    %sub3A_1593 = vector.broadcast %get3A_1592 : f32 to vector<128x128xf32>
    %sub3A_1594 = arith.subf %get3A_1, %sub3A_1593 : vector<128x128xf32>
    %get3A_1595 = arith.constant 49 : index
    %get3A_1596 = arith.constant 1 : index
    %get3A_1597 = memref.load %arg2[%get3A_1595, %get3A_1596] : memref<64x2xf32, #tpu.memory_space<smem>>
    %sub3A_1598 = vector.broadcast %get3A_1597 : f32 to vector<128x128xf32>
    %sub3A_1599 = arith.subf %get3A_4, %sub3A_1598 : vector<128x128xf32>
    %mul3A_1600 = arith.mulf %sub3A_1594, %sub3A_1594 : vector<128x128xf32>
    %mul3A_1601 = arith.mulf %sub3A_1599, %sub3A_1599 : vector<128x128xf32>
    %add3A_1602 = arith.addf %mul3A_1600, %mul3A_1601 : vector<128x128xf32>
    %min3A_1603 = arith.minimumf %min3A_1589, %add3A_1602 : vector<128x128xf32>
    %get3A_1604 = arith.constant 50 : index
    %get3A_1605 = arith.constant 0 : index
    %get3A_1606 = memref.load %arg2[%get3A_1604, %get3A_1605] : memref<64x2xf32, #tpu.memory_space<smem>>
    %sub3A_1607 = vector.broadcast %get3A_1606 : f32 to vector<128x128xf32>
    %sub3A_1608 = arith.subf %get3A_1, %sub3A_1607 : vector<128x128xf32>
    %get3A_1609 = arith.constant 50 : index
    %get3A_1610 = arith.constant 1 : index
    %get3A_1611 = memref.load %arg2[%get3A_1609, %get3A_1610] : memref<64x2xf32, #tpu.memory_space<smem>>
    %sub3A_1612 = vector.broadcast %get3A_1611 : f32 to vector<128x128xf32>
    %sub3A_1613 = arith.subf %get3A_4, %sub3A_1612 : vector<128x128xf32>
    %mul3A_1614 = arith.mulf %sub3A_1608, %sub3A_1608 : vector<128x128xf32>
    %mul3A_1615 = arith.mulf %sub3A_1613, %sub3A_1613 : vector<128x128xf32>
    %add3A_1616 = arith.addf %mul3A_1614, %mul3A_1615 : vector<128x128xf32>
    %min3A_1617 = arith.minimumf %min3A_1603, %add3A_1616 : vector<128x128xf32>
    %get3A_1618 = arith.constant 51 : index
    %get3A_1619 = arith.constant 0 : index
    %get3A_1620 = memref.load %arg2[%get3A_1618, %get3A_1619] : memref<64x2xf32, #tpu.memory_space<smem>>
    %sub3A_1621 = vector.broadcast %get3A_1620 : f32 to vector<128x128xf32>
    %sub3A_1622 = arith.subf %get3A_1, %sub3A_1621 : vector<128x128xf32>
    %get3A_1623 = arith.constant 51 : index
    %get3A_1624 = arith.constant 1 : index
    %get3A_1625 = memref.load %arg2[%get3A_1623, %get3A_1624] : memref<64x2xf32, #tpu.memory_space<smem>>
    %sub3A_1626 = vector.broadcast %get3A_1625 : f32 to vector<128x128xf32>
    %sub3A_1627 = arith.subf %get3A_4, %sub3A_1626 : vector<128x128xf32>
    %mul3A_1628 = arith.mulf %sub3A_1622, %sub3A_1622 : vector<128x128xf32>
    %mul3A_1629 = arith.mulf %sub3A_1627, %sub3A_1627 : vector<128x128xf32>
    %add3A_1630 = arith.addf %mul3A_1628, %mul3A_1629 : vector<128x128xf32>
    %min3A_1631 = arith.minimumf %min3A_1617, %add3A_1630 : vector<128x128xf32>
    %get3A_1632 = arith.constant 52 : index
    %get3A_1633 = arith.constant 0 : index
    %get3A_1634 = memref.load %arg2[%get3A_1632, %get3A_1633] : memref<64x2xf32, #tpu.memory_space<smem>>
    %sub3A_1635 = vector.broadcast %get3A_1634 : f32 to vector<128x128xf32>
    %sub3A_1636 = arith.subf %get3A_1, %sub3A_1635 : vector<128x128xf32>
    %get3A_1637 = arith.constant 52 : index
    %get3A_1638 = arith.constant 1 : index
    %get3A_1639 = memref.load %arg2[%get3A_1637, %get3A_1638] : memref<64x2xf32, #tpu.memory_space<smem>>
    %sub3A_1640 = vector.broadcast %get3A_1639 : f32 to vector<128x128xf32>
    %sub3A_1641 = arith.subf %get3A_4, %sub3A_1640 : vector<128x128xf32>
    %mul3A_1642 = arith.mulf %sub3A_1636, %sub3A_1636 : vector<128x128xf32>
    %mul3A_1643 = arith.mulf %sub3A_1641, %sub3A_1641 : vector<128x128xf32>
    %add3A_1644 = arith.addf %mul3A_1642, %mul3A_1643 : vector<128x128xf32>
    %min3A_1645 = arith.minimumf %min3A_1631, %add3A_1644 : vector<128x128xf32>
    %get3A_1646 = arith.constant 53 : index
    %get3A_1647 = arith.constant 0 : index
    %get3A_1648 = memref.load %arg2[%get3A_1646, %get3A_1647] : memref<64x2xf32, #tpu.memory_space<smem>>
    %sub3A_1649 = vector.broadcast %get3A_1648 : f32 to vector<128x128xf32>
    %sub3A_1650 = arith.subf %get3A_1, %sub3A_1649 : vector<128x128xf32>
    %get3A_1651 = arith.constant 53 : index
    %get3A_1652 = arith.constant 1 : index
    %get3A_1653 = memref.load %arg2[%get3A_1651, %get3A_1652] : memref<64x2xf32, #tpu.memory_space<smem>>
    %sub3A_1654 = vector.broadcast %get3A_1653 : f32 to vector<128x128xf32>
    %sub3A_1655 = arith.subf %get3A_4, %sub3A_1654 : vector<128x128xf32>
    %mul3A_1656 = arith.mulf %sub3A_1650, %sub3A_1650 : vector<128x128xf32>
    %mul3A_1657 = arith.mulf %sub3A_1655, %sub3A_1655 : vector<128x128xf32>
    %add3A_1658 = arith.addf %mul3A_1656, %mul3A_1657 : vector<128x128xf32>
    %min3A_1659 = arith.minimumf %min3A_1645, %add3A_1658 : vector<128x128xf32>
    %get3A_1660 = arith.constant 54 : index
    %get3A_1661 = arith.constant 0 : index
    %get3A_1662 = memref.load %arg2[%get3A_1660, %get3A_1661] : memref<64x2xf32, #tpu.memory_space<smem>>
    %sub3A_1663 = vector.broadcast %get3A_1662 : f32 to vector<128x128xf32>
    %sub3A_1664 = arith.subf %get3A_1, %sub3A_1663 : vector<128x128xf32>
    %get3A_1665 = arith.constant 54 : index
    %get3A_1666 = arith.constant 1 : index
    %get3A_1667 = memref.load %arg2[%get3A_1665, %get3A_1666] : memref<64x2xf32, #tpu.memory_space<smem>>
    %sub3A_1668 = vector.broadcast %get3A_1667 : f32 to vector<128x128xf32>
    %sub3A_1669 = arith.subf %get3A_4, %sub3A_1668 : vector<128x128xf32>
    %mul3A_1670 = arith.mulf %sub3A_1664, %sub3A_1664 : vector<128x128xf32>
    %mul3A_1671 = arith.mulf %sub3A_1669, %sub3A_1669 : vector<128x128xf32>
    %add3A_1672 = arith.addf %mul3A_1670, %mul3A_1671 : vector<128x128xf32>
    %min3A_1673 = arith.minimumf %min3A_1659, %add3A_1672 : vector<128x128xf32>
    %get3A_1674 = arith.constant 55 : index
    %get3A_1675 = arith.constant 0 : index
    %get3A_1676 = memref.load %arg2[%get3A_1674, %get3A_1675] : memref<64x2xf32, #tpu.memory_space<smem>>
    %sub3A_1677 = vector.broadcast %get3A_1676 : f32 to vector<128x128xf32>
    %sub3A_1678 = arith.subf %get3A_1, %sub3A_1677 : vector<128x128xf32>
    %get3A_1679 = arith.constant 55 : index
    %get3A_1680 = arith.constant 1 : index
    %get3A_1681 = memref.load %arg2[%get3A_1679, %get3A_1680] : memref<64x2xf32, #tpu.memory_space<smem>>
    %sub3A_1682 = vector.broadcast %get3A_1681 : f32 to vector<128x128xf32>
    %sub3A_1683 = arith.subf %get3A_4, %sub3A_1682 : vector<128x128xf32>
    %mul3A_1684 = arith.mulf %sub3A_1678, %sub3A_1678 : vector<128x128xf32>
    %mul3A_1685 = arith.mulf %sub3A_1683, %sub3A_1683 : vector<128x128xf32>
    %add3A_1686 = arith.addf %mul3A_1684, %mul3A_1685 : vector<128x128xf32>
    %min3A_1687 = arith.minimumf %min3A_1673, %add3A_1686 : vector<128x128xf32>
    %get3A_1688 = arith.constant 56 : index
    %get3A_1689 = arith.constant 0 : index
    %get3A_1690 = memref.load %arg2[%get3A_1688, %get3A_1689] : memref<64x2xf32, #tpu.memory_space<smem>>
    %sub3A_1691 = vector.broadcast %get3A_1690 : f32 to vector<128x128xf32>
    %sub3A_1692 = arith.subf %get3A_1, %sub3A_1691 : vector<128x128xf32>
    %get3A_1693 = arith.constant 56 : index
    %get3A_1694 = arith.constant 1 : index
    %get3A_1695 = memref.load %arg2[%get3A_1693, %get3A_1694] : memref<64x2xf32, #tpu.memory_space<smem>>
    %sub3A_1696 = vector.broadcast %get3A_1695 : f32 to vector<128x128xf32>
    %sub3A_1697 = arith.subf %get3A_4, %sub3A_1696 : vector<128x128xf32>
    %mul3A_1698 = arith.mulf %sub3A_1692, %sub3A_1692 : vector<128x128xf32>
    %mul3A_1699 = arith.mulf %sub3A_1697, %sub3A_1697 : vector<128x128xf32>
    %add3A_1700 = arith.addf %mul3A_1698, %mul3A_1699 : vector<128x128xf32>
    %min3A_1701 = arith.minimumf %min3A_1687, %add3A_1700 : vector<128x128xf32>
    %get3A_1702 = arith.constant 57 : index
    %get3A_1703 = arith.constant 0 : index
    %get3A_1704 = memref.load %arg2[%get3A_1702, %get3A_1703] : memref<64x2xf32, #tpu.memory_space<smem>>
    %sub3A_1705 = vector.broadcast %get3A_1704 : f32 to vector<128x128xf32>
    %sub3A_1706 = arith.subf %get3A_1, %sub3A_1705 : vector<128x128xf32>
    %get3A_1707 = arith.constant 57 : index
    %get3A_1708 = arith.constant 1 : index
    %get3A_1709 = memref.load %arg2[%get3A_1707, %get3A_1708] : memref<64x2xf32, #tpu.memory_space<smem>>
    %sub3A_1710 = vector.broadcast %get3A_1709 : f32 to vector<128x128xf32>
    %sub3A_1711 = arith.subf %get3A_4, %sub3A_1710 : vector<128x128xf32>
    %mul3A_1712 = arith.mulf %sub3A_1706, %sub3A_1706 : vector<128x128xf32>
    %mul3A_1713 = arith.mulf %sub3A_1711, %sub3A_1711 : vector<128x128xf32>
    %add3A_1714 = arith.addf %mul3A_1712, %mul3A_1713 : vector<128x128xf32>
    %min3A_1715 = arith.minimumf %min3A_1701, %add3A_1714 : vector<128x128xf32>
    %get3A_1716 = arith.constant 58 : index
    %get3A_1717 = arith.constant 0 : index
    %get3A_1718 = memref.load %arg2[%get3A_1716, %get3A_1717] : memref<64x2xf32, #tpu.memory_space<smem>>
    %sub3A_1719 = vector.broadcast %get3A_1718 : f32 to vector<128x128xf32>
    %sub3A_1720 = arith.subf %get3A_1, %sub3A_1719 : vector<128x128xf32>
    %get3A_1721 = arith.constant 58 : index
    %get3A_1722 = arith.constant 1 : index
    %get3A_1723 = memref.load %arg2[%get3A_1721, %get3A_1722] : memref<64x2xf32, #tpu.memory_space<smem>>
    %sub3A_1724 = vector.broadcast %get3A_1723 : f32 to vector<128x128xf32>
    %sub3A_1725 = arith.subf %get3A_4, %sub3A_1724 : vector<128x128xf32>
    %mul3A_1726 = arith.mulf %sub3A_1720, %sub3A_1720 : vector<128x128xf32>
    %mul3A_1727 = arith.mulf %sub3A_1725, %sub3A_1725 : vector<128x128xf32>
    %add3A_1728 = arith.addf %mul3A_1726, %mul3A_1727 : vector<128x128xf32>
    %min3A_1729 = arith.minimumf %min3A_1715, %add3A_1728 : vector<128x128xf32>
    %get3A_1730 = arith.constant 59 : index
    %get3A_1731 = arith.constant 0 : index
    %get3A_1732 = memref.load %arg2[%get3A_1730, %get3A_1731] : memref<64x2xf32, #tpu.memory_space<smem>>
    %sub3A_1733 = vector.broadcast %get3A_1732 : f32 to vector<128x128xf32>
    %sub3A_1734 = arith.subf %get3A_1, %sub3A_1733 : vector<128x128xf32>
    %get3A_1735 = arith.constant 59 : index
    %get3A_1736 = arith.constant 1 : index
    %get3A_1737 = memref.load %arg2[%get3A_1735, %get3A_1736] : memref<64x2xf32, #tpu.memory_space<smem>>
    %sub3A_1738 = vector.broadcast %get3A_1737 : f32 to vector<128x128xf32>
    %sub3A_1739 = arith.subf %get3A_4, %sub3A_1738 : vector<128x128xf32>
    %mul3A_1740 = arith.mulf %sub3A_1734, %sub3A_1734 : vector<128x128xf32>
    %mul3A_1741 = arith.mulf %sub3A_1739, %sub3A_1739 : vector<128x128xf32>
    %add3A_1742 = arith.addf %mul3A_1740, %mul3A_1741 : vector<128x128xf32>
    %min3A_1743 = arith.minimumf %min3A_1729, %add3A_1742 : vector<128x128xf32>
    %get3A_1744 = arith.constant 60 : index
    %get3A_1745 = arith.constant 0 : index
    %get3A_1746 = memref.load %arg2[%get3A_1744, %get3A_1745] : memref<64x2xf32, #tpu.memory_space<smem>>
    %sub3A_1747 = vector.broadcast %get3A_1746 : f32 to vector<128x128xf32>
    %sub3A_1748 = arith.subf %get3A_1, %sub3A_1747 : vector<128x128xf32>
    %get3A_1749 = arith.constant 60 : index
    %get3A_1750 = arith.constant 1 : index
    %get3A_1751 = memref.load %arg2[%get3A_1749, %get3A_1750] : memref<64x2xf32, #tpu.memory_space<smem>>
    %sub3A_1752 = vector.broadcast %get3A_1751 : f32 to vector<128x128xf32>
    %sub3A_1753 = arith.subf %get3A_4, %sub3A_1752 : vector<128x128xf32>
    %mul3A_1754 = arith.mulf %sub3A_1748, %sub3A_1748 : vector<128x128xf32>
    %mul3A_1755 = arith.mulf %sub3A_1753, %sub3A_1753 : vector<128x128xf32>
    %add3A_1756 = arith.addf %mul3A_1754, %mul3A_1755 : vector<128x128xf32>
    %min3A_1757 = arith.minimumf %min3A_1743, %add3A_1756 : vector<128x128xf32>
    %get3A_1758 = arith.constant 61 : index
    %get3A_1759 = arith.constant 0 : index
    %get3A_1760 = memref.load %arg2[%get3A_1758, %get3A_1759] : memref<64x2xf32, #tpu.memory_space<smem>>
    %sub3A_1761 = vector.broadcast %get3A_1760 : f32 to vector<128x128xf32>
    %sub3A_1762 = arith.subf %get3A_1, %sub3A_1761 : vector<128x128xf32>
    %get3A_1763 = arith.constant 61 : index
    %get3A_1764 = arith.constant 1 : index
    %get3A_1765 = memref.load %arg2[%get3A_1763, %get3A_1764] : memref<64x2xf32, #tpu.memory_space<smem>>
    %sub3A_1766 = vector.broadcast %get3A_1765 : f32 to vector<128x128xf32>
    %sub3A_1767 = arith.subf %get3A_4, %sub3A_1766 : vector<128x128xf32>
    %mul3A_1768 = arith.mulf %sub3A_1762, %sub3A_1762 : vector<128x128xf32>
    %mul3A_1769 = arith.mulf %sub3A_1767, %sub3A_1767 : vector<128x128xf32>
    %add3A_1770 = arith.addf %mul3A_1768, %mul3A_1769 : vector<128x128xf32>
    %min3A_1771 = arith.minimumf %min3A_1757, %add3A_1770 : vector<128x128xf32>
    %get3A_1772 = arith.constant 62 : index
    %get3A_1773 = arith.constant 0 : index
    %get3A_1774 = memref.load %arg2[%get3A_1772, %get3A_1773] : memref<64x2xf32, #tpu.memory_space<smem>>
    %sub3A_1775 = vector.broadcast %get3A_1774 : f32 to vector<128x128xf32>
    %sub3A_1776 = arith.subf %get3A_1, %sub3A_1775 : vector<128x128xf32>
    %get3A_1777 = arith.constant 62 : index
    %get3A_1778 = arith.constant 1 : index
    %get3A_1779 = memref.load %arg2[%get3A_1777, %get3A_1778] : memref<64x2xf32, #tpu.memory_space<smem>>
    %sub3A_1780 = vector.broadcast %get3A_1779 : f32 to vector<128x128xf32>
    %sub3A_1781 = arith.subf %get3A_4, %sub3A_1780 : vector<128x128xf32>
    %mul3A_1782 = arith.mulf %sub3A_1776, %sub3A_1776 : vector<128x128xf32>
    %mul3A_1783 = arith.mulf %sub3A_1781, %sub3A_1781 : vector<128x128xf32>
    %add3A_1784 = arith.addf %mul3A_1782, %mul3A_1783 : vector<128x128xf32>
    %min3A_1785 = arith.minimumf %min3A_1771, %add3A_1784 : vector<128x128xf32>
    %get3A_1786 = arith.constant 63 : index
    %get3A_1787 = arith.constant 0 : index
    %get3A_1788 = memref.load %arg2[%get3A_1786, %get3A_1787] : memref<64x2xf32, #tpu.memory_space<smem>>
    %sub3A_1789 = vector.broadcast %get3A_1788 : f32 to vector<128x128xf32>
    %sub3A_1790 = arith.subf %get3A_1, %sub3A_1789 : vector<128x128xf32>
    %get3A_1791 = arith.constant 63 : index
    %get3A_1792 = arith.constant 1 : index
    %get3A_1793 = memref.load %arg2[%get3A_1791, %get3A_1792] : memref<64x2xf32, #tpu.memory_space<smem>>
    %sub3A_1794 = vector.broadcast %get3A_1793 : f32 to vector<128x128xf32>
    %sub3A_1795 = arith.subf %get3A_4, %sub3A_1794 : vector<128x128xf32>
    %mul3A_1796 = arith.mulf %sub3A_1790, %sub3A_1790 : vector<128x128xf32>
    %mul3A_1797 = arith.mulf %sub3A_1795, %sub3A_1795 : vector<128x128xf32>
    %add3A_1798 = arith.addf %mul3A_1796, %mul3A_1797 : vector<128x128xf32>
    %min3A_1799 = arith.minimumf %min3A_1785, %add3A_1798 : vector<128x128xf32>
    %sqrt3A_1800 = math.sqrt %min3A_1799 : vector<128x128xf32>
    %neg3A_1801 = arith.constant 0.000000e+00 : f32
    %neg3A_1802 = vector.broadcast %neg3A_1801 : f32 to vector<128x128xf32>
    %neg3A_1803 = arith.subf %neg3A_1802, %sqrt3A_1800 : vector<128x128xf32>
    %div3A_1804 = arith.constant 2.000000e-01 : f32
    %div3A_1805 = vector.broadcast %div3A_1804 : f32 to vector<128x128xf32>
    %div3A_1806 = arith.divf %neg3A_1803, %div3A_1805 : vector<128x128xf32>
    %exp3A_1807 = math.exp %div3A_1806 : vector<128x128xf32>
    %mul3A_1808 = arith.constant 1.000000e+01 : f32
    %mul3A_1809 = vector.broadcast %mul3A_1808 : f32 to vector<128x128xf32>
    %mul3A_1810 = arith.mulf %mul3A_1809, %exp3A_1807 : vector<128x128xf32>
    %swap3A_1811 = arith.constant 0 : index
    %swap3A_1812 = arith.constant 0 : index
    %swap3A_1813 = vector.load %arg6[%swap3A_1811, %swap3A_1812] : memref<128x128xf32, #tpu.memory_space<vmem>>, vector<128x128xf32>
    tpu.vector_store %arg6[%swap3A_1811, %swap3A_1812], %mul3A_1810 {strides = array<i32>} : memref<128x128xf32, #tpu.memory_space<vmem>>, vector<128x128xf32>,
    return
  }
  func.func @transform_0(%arg0: i32) -> (i32, i32) {
    %c0_i32 = arith.constant 0 : i32
    %c0_i32_0 = arith.constant 0 : i32
    %c0_i32_1 = arith.constant 0 : i32
    return %c0_i32, %c0_i32_0 : i32, i32
  }
  func.func @transform_1(%arg0: i32) -> (i32, i32) {
    %c0_i32 = arith.constant 0 : i32
    %c0_i32_0 = arith.constant 0 : i32
    %c0_i32_1 = arith.constant 0 : i32
    return %c0_i32, %c0_i32_0 : i32, i32
  }
  func.func @transform_2(%arg0: i32) -> (i32, i32) {
    %add3A = arith.constant 1 : i32
    %add3A_0 = arith.addi %arg0, %add3A : i32
    %c0_i32 = arith.constant 0 : i32
    %c0_i32_1 = arith.constant 0 : i32
    return %add3A_0, %c0_i32 : i32, i32
  }
  func.func @transform_3(%arg0: i32) -> (i32, i32) {
    %add3A = arith.constant 1 : i32
    %add3A_0 = arith.addi %arg0, %add3A : i32
    %c0_i32 = arith.constant 0 : i32
    %c0_i32_1 = arith.constant 0 : i32
    return %add3A_0, %c0_i32 : i32, i32
  }
  func.func @transform_4(%arg0: i32) -> (i32, i32) {
    %c0_i32 = arith.constant 0 : i32
    %c0_i32_0 = arith.constant 0 : i32
    return %arg0, %c0_i32 : i32, i32
  }
  func.func @transform_5(%arg0: i32) -> (i32, i32) {
    %c0_i32 = arith.constant 0 : i32
    %c0_i32_0 = arith.constant 0 : i32
    return %arg0, %c0_i32 : i32, i32
  }
}

</mosaic_0001>

<sc_bundles>
// kernel: kernel.4.cloned.1.call-start
scs
__scs_entry_jumppad:
0x0: {  	(pc) =	sbr.rel $0x88, $3  }
0x1: {  	(tag) =	ssettag $0x0;
	lr =	simm.s32 $0x1  }
0x2: {  	[smem:$0x3F9E] =	sst lr;
	_ =	strace $0xD0000000  }
0x3: {  	_ = 	snop  }
0x4: {  	_ = 	snop  }
0x5: {  	_ = 	snop  }
0x6: {  	_ = 	snop  }
0x7: {  	_ = 	snop  }
__scs_overlays_trampoline_lowered:
0x8: {  	[smem:$0x3FAD] =	sst s0  }
0x9: {  	[smem:$0x3FAE] =	sst s1  }
0xa: {  	[smem:$0x3FAF] =	sst s2  }
0xb: {  	[smem:$0x3FB0] =	sst s3  }
0xc: {  	[smem:$0x3FB1] =	sst s4  }
0xd: {  	[smem:$0x3FB2] =	sst s5  }
0xe: {  	[smem:$0x3FB3] =	sst s6  }
0xf: {  	[smem:$0x3FB4] =	sst s7  }
0x10: {  	[smem:$0x3FB5] =	sst s8  }
0x11: {  	[smem:$0x3FB6] =	sst s9;
	s0 =	simm.s32 @!p0 $0x0  }
0x12: {  	s1 =	sld [smem:$0x3F9C];
	s0 =	simm.s32 @p0 $0x1  }
0x13: {  	[smem:$0x3FB7] =	sst s0;
	s0 =	simm.s32 @!p1 $0x0  }
0x14: {  	s2 =	sld [smem:$0x3F9B];
	s0 =	simm.s32 @p1 $0x1  }
0x15: {  	[smem:$0x3FB8] =	sst s0;
	s0 =	simm.s32 @!p2 $0x0  }
0x16: {  	s3 =	sld [smem:$0x3FDB];
	s0 =	simm.s32 @p2 $0x1  }
0x17: {  	s4 =	simm.s32 $0x1BF5;
	[smem:$0x3FBA] =	sst s0  }
0x18: {  	s0 =	sld [smem:$0x3F9D];
	_ =	swait.ge [sflag:s4], $0x0  }
0x19: {  	s7 =	sld [smem:$0x3F9E]  }
0x1a: {  	s8 =	sadd.s32 $0xFFFFE003, lr  }
0x1b: {  	s9 =	sadd.s32 $0xFFFFFEF7, lr;
	s5 =	simm.s32 $0xFFFFFFFF;
	p2 =	slt.u32 s8, $0xFFFFF086  }
0x1c: {  	p1 =	slt.u32 s9, $0xF7A;
	s5 =	simm.s32 @!p2 $0x0  }
0x1d: {  	s5 =	simm.s32 @p1 $0x1;
	p0 =	seq.s32 s7, s2  }
0x1e: {  	s7 =	smul.u32 @!p0 $0xF7A, s2;
	p2 =	seq.s32 @!p0 s5, $0x0  }
0x1f: {  	s9 =	smul.u32 $0xF7A, s1;
	s8 =	simm.s32 @!p0 $0x1BF5;
	p2 =	por !p2, p0  }
0x20: {  	[sflag:s8] =	ssyncset.s32 @!p0 $0xFFFFF086;
	s6 =	sadd.s32 @!p0 s3, s7;
	s7 =	simm.s32 @!p0 $0x108  }
0x21: {  	s3 =	sadd.s32 s3, s9;
	s6 =	sadd.s32 @!p0 $0x88, s6;
	s7 =	simm.s32 @p2 $0x1082  }
0x22: {  	[simem:s7], [sflag:s8] =	dma.local @!p0 [hbm:s6], $0xF7A  }
0x23: {  	s9 =	sor.u32 $0xD0000000, s2;
	s6 =	simm.s32 $0x108;
	_ =	swait.ge @!p0 [sflag:s8], $0x0  }
0x24: {  	s3 =	sadd.s32 $0x88, s3;
	s6 =	simm.s32 @!p1 $0x1082;
	[sflag:s4] =	ssyncset.s32 $0xFFFFF086  }
0x25: {  	[simem:s6], [sflag:s4] =	dma.local [hbm:s3], $0xF7A  }
0x26: {  	[smem:$0x3F9E] =	sst s1;
	(tag) =	ssettag s2;
	_ =	strace s9  }
0x27: {  	s1 =	sld [smem:$0x3FAE]  }
0x28: {  	s2 =	sld [smem:$0x3FAF]  }
0x29: {  	s4 =	sld [smem:$0x3FB1]  }
0x2a: {  	p0 =	seq.s32 s5, $0x0;
	s5 =	sld [smem:$0x3FB2]  }
0x2b: {  	s6 =	sld [smem:$0x3FB3]  }
0x2c: {  	s7 =	sld [smem:$0x3FB4]  }
0x2d: {  	s3 =	simm.s32 $0x108;
	s8 =	sld [smem:$0x3FB5]  }
0x2e: {  	s3 =	simm.s32 @!p0 $0x1082;
	s9 =	sld [smem:$0x3FB6]  }
0x2f: {  	lr =	sadd.s32 s0, s3;
	s0 =	sld [smem:$0x3FAD]  }
0x30: {  	s3 =	sld [smem:$0x3FB0]  }
0x31: {  	[smem:$0x3FB9] =	sst s10  }
0x32: {  	s10 =	sld [smem:$0x3FB7];
	_ =	sdelay $0x3  }
0x33: {  	p0 =	seq.s32 s10, $0x1;
	s10 =	sld [smem:$0x3FB9];
	_ =	sdelay $0x3  }
0x34: {  	[smem:$0x3FB9] =	sst s10  }
0x35: {  	s10 =	sld [smem:$0x3FB8];
	_ =	sdelay $0x3  }
0x36: {  	p1 =	seq.s32 s10, $0x1;
	s10 =	sld [smem:$0x3FB9];
	_ =	sdelay $0x3  }
0x37: {  	[smem:$0x3FB9] =	sst s10  }
0x38: {  	s10 =	sld [smem:$0x3FBA]  }
0x39: {  	_ = 	snop;
	(pc) =	sbr.ind lr, $3  }
0x3a: {  	_ = 	snop  }
0x3b: {  	_ = 	snop  }
0x3c: {  	p2 =	seq.s32 s10, $0x1;
	s10 =	sld [smem:$0x3FB9]  }
0x3d: {  	_ =	shalt  }
0x3e: {  	_ =	shalt  }
0x3f: {  	_ =	shalt  }
0x40: {  	_ =	shalt  }
0x41: {  	_ =	shalt  }
0x42: {  	_ =	shalt  }
0x43: {  	_ =	shalt  }
0x44: {  	_ =	shalt  }
0x45: {  	_ =	shalt  }
0x46: {  	_ =	shalt  }
0x47: {  	_ =	shalt  }
0x48: {  	_ =	shalt  }
0x49: {  	_ =	shalt  }
0x4a: {  	_ =	shalt  }
0x4b: {  	_ =	shalt  }
0x4c: {  	_ =	shalt  }
0x4d: {  	_ =	shalt  }
0x4e: {  	_ =	shalt  }
0x4f: {  	_ =	shalt  }
0x50: {  	_ =	shalt  }
0x51: {  	_ =	shalt  }
0x52: {  	_ =	shalt  }
0x53: {  	_ =	shalt  }
0x54: {  	_ =	shalt  }
0x55: {  	_ =	shalt  }
0x56: {  	_ =	shalt  }
0x57: {  	_ =	shalt  }
0x58: {  	_ =	shalt  }
0x59: {  	_ =	shalt  }
0x5a: {  	_ =	shalt  }
0x5b: {  	_ =	shalt  }
0x5c: {  	_ =	shalt  }
0x5d: {  	_ =	shalt  }
0x5e: {  	_ =	shalt  }
0x5f: {  	_ =	shalt  }
0x60: {  	_ =	shalt  }
0x61: {  	_ =	shalt  }
0x62: {  	_ =	shalt  }
0x63: {  	_ =	shalt  }
0x64: {  	_ =	shalt  }
0x65: {  	_ =	shalt  }
0x66: {  	_ =	shalt  }
0x67: {  	_ =	shalt  }
0x68: {  	_ =	shalt  }
0x69: {  	_ =	shalt  }
0x6a: {  	_ =	shalt  }
0x6b: {  	_ =	shalt  }
0x6c: {  	_ =	shalt  }
0x6d: {  	_ =	shalt  }
0x6e: {  	_ =	shalt  }
0x6f: {  	_ =	shalt  }
0x70: {  	_ =	shalt  }
0x71: {  	_ =	shalt  }
0x72: {  	_ =	shalt  }
0x73: {  	_ =	shalt  }
0x74: {  	_ =	shalt  }
0x75: {  	_ =	shalt  }
0x76: {  	_ =	shalt  }
0x77: {  	_ =	shalt  }
0x78: {  	_ =	shalt  }
0x79: {  	_ =	shalt  }
0x7a: {  	_ =	shalt  }
0x7b: {  	_ =	shalt  }
0x7c: {  	_ =	shalt  }
0x7d: {  	_ =	shalt  }
0x7e: {  	_ =	shalt  }
0x7f: {  	_ =	shalt  }
0x80: {  	_ =	shalt  }
0x81: {  	_ =	shalt  }
0x82: {  	_ =	shalt  }
0x83: {  	_ =	shalt  }
0x84: {  	_ =	shalt  }
0x85: {  	_ =	shalt  }
0x86: {  	_ =	shalt  }
0x87: {  	_ =	shalt  }
.Lfunc_end0:
.L_simem_size_0:
called_computation_lowered:
.L_overlay_start_0:
0x88: {  	s2 =	sld [smem:$0x3FD9]  }
0x89: {  	s3 =	sld [smem:$0x3FFE];
	_ =	sdelay $0x1  }
0x8a: {  	s1 =	srdreg.scid  }
0x8b: {  	s0 =	sand.u32 $0x1, s1  }
0x8c: {  	s17 =	sshll.u32 s0, $0xA;
	s2 =	sadd.s32 s3, s2  }
0x8d: {  	s2 =	sadd.s32 s2, s17  }
0x8e: {  	[smem:$0x3FC5] =	sst s2  }
0x8f: {  	_ = 	snop  }
0x90: {  	s2 =	sld [smem:$0x3FD0];
	(tm) =	ssettm $0x1  }
0x91: {  	s18 =	sld [smem:$0x3FFB];
	_ =	sdelay $0x3  }
0x92: {  	_ =	strace s18  }
0x93: {  	s3 =	sld [smem:$0x3FFC];
	_ =	sdelay $0x3  }
0x94: {  	_ =	strace s3  }
0x95: {  	s3 =	sld [smem:$0x3FFD];
	_ =	sdelay $0x3  }
0x96: {  	_ =	strace s3  }
0x97: {  	_ =	strace $0x8FFFFFFF  }
0x98: {  	s19 =	sld [smem:$0x3FDB];
	_ =	sdelay $0x1  }
0x99: {  	s4 =	simm.s32 $_scs_section_size  }
0x9a: {  	s5 =	simm.s32 $_size__tile_overlayer_lowered;
	s6 =	simm.s32 $_tile_overlayer_lowered  }
0x9b: {  	s22 =	simm.s32 $0x1BFF;
	s21 =	sshll.u32 s6, $0x1;
	s3 =	sadd.s32 s4, s19  }
0x9c: {  	s7 =	simm.s32 $0x0;
	s20 =	sshll.u32 s5, $0x1;
	s5 =	sadd.s32 s21, s3  }
0x9d: {  	[timem:s7], [sflag:s22] =	dma.local [hbm:s5], s20  }
0x9e: {  	_ =	swait.ge [sflag:s22], s20  }
0x9f: {  	s4 =	ssub.s32 $0x0, s20;
	[sflag:s22] =	ssyncset.done $0x0  }
0xa0: {  	[sflag:s22] =	ssyncadd.s32 s4;
	_ =	sdelay $0x1  }
0xa1: {  	s23 =	simm.s32 $0x1B8B  }
0xa2: {  	_ =	swait.ge [sflag:s23], $0x1  }
0xa3: {  	[sflag:s23] =	ssyncset.done $0x0  }
0xa4: {  	s25 =	simm.s32 $0x1B8E;
	s24 =	sld [smem:$0x3FFE];
	[sflag:s23] =	ssyncadd.s32 $0xFFFFFFFF  }
0xa5: {  	s26 =	simm.s32 $execute0_lowered;
	[smem:$0x3FD2] =	sst s25  }
0xa6: {  	s5 =	sshll.u32 s26, $0x1;
	_ =	strace $0x80000046;
	[dreg:$0x1] =	wrdreg $0xFFFFFFFF  }
0xa7: {  	s28 =	simm.s32 $_size_execute0_lowered;
	s3 =	sadd.s32 s3, s5;
	[dreg:$0x0] =	wrdreg $0x0  }
0xa8: {  	s5 =	sshll.u32 s28, $0x1;
	[dreg:$0x2] =	wrdreg s3  }
0xa9: {  	[dreg:$0x3] =	wrdreg s5  }
0xaa: {  	[dreg:$0x4] =	wrdreg $0xC0  }
0xab: {  	_ =	task [dreg:s7], $0x5FFFF  }
0xac: {  	[dreg:$0x1] =	wrdreg $0xFFFFFFFF  }
0xad: {  	[dreg:$0x0] =	wrdreg $0x60  }
0xae: {  	[dreg:$0x2] =	wrdreg s24  }
0xaf: {  	[dreg:$0x3] =	wrdreg s2  }
0xb0: {  	[dreg:$0x4] =	wrdreg $0x9  }
0xb1: {  	_ =	task.clear_ibuf [dreg:s7], $0x5FFFF;
	_ =	strace $0x90000046  }
0xb2: {  	s29 =	simm.s32 $0x9;
	_ =	strace $0x80000048  }
0xb3: {  	_ =	swait.ge [sflag:s29], $0x1  }
0xb4: {  	[sflag:s29] =	ssyncadd.s32 $0xFFFFFFFF  }
0xb5: {  	_ =	strace $0x90000048  }
0xb6: {  	_ =	sfence  }
0xb7: {  	s30 =	sld [smem:$0x0];
	_ =	sdelay $0x2  }
0xb8: {  	s31 =	sshll.u32 s1, $0xD;
	s1 =	sshrl.u32 s1, $0x2  }
0xb9: {  	s3 =	sand.u32 $0x4000, s31;
	s1 =	sadd.s32 s1, s30  }
0xba: {  	s0 =	sor.u32 s3, s0;
	s1 =	sshll.u32 s1, $0x11  }
0xbb: {  	s0 =	sor.u32 s1, s0  }
0xbc: {  	s0 =	sadd.s32 $0x8F2B, s0  }
0xbd: {  	[sflag:s0] =	ssyncadd.remote.s32 $0x1  }
0xbe: {  	_ =	sfence.sel $0xFFFF  }
0xbf: {  	[dreg:$0x0] =	wrdreg $0xFFFFFFFF;
	(pc) =	sbr.abs _section_cstart, $3  }
0xc0: {  	[dreg:$0x1] =	wrdreg $0xFFFFFFFF  }
0xc1: {  	_ =	task.clear_ibuf [dreg:s7], $0x2FFFF;
	_ =	strace $0x9FFFFFFF  }
0xc2: {  	(tm) =	ssettm $0x7FFFFFFF  }
0xc3: {  	_ =	shalt  }
tec
execute0_lowered:
.L_overlay_start_1:
0x0: {  	(tag) =	ssettag $0x1  }
0x1: {  	s4 =	rddreg [dreg:$0x0]  }
0x2: {  	s5 =	rddreg [dreg:$0x1];
	s1 =	simm.s32 $0x0  }
0x3: {  	[smem:$0x7FF] =	sst s1  }
0x4: {  	s0 =	rddreg [dreg:$0x2];
	v0 =	vimm.f32 $2.000000030e-01;
	_ =	strace $0x80000047  }
0x5: {  	(erf) = vrcp.f32 v0;
	_ =	sdelay $0x1  }
0x6: {  	s3 =	srdreg.scid  }
0x7: {  	s2 =	stileid.u32;
	s10 =	simm.s32 $0x200;
	s11 =	simm.s32 $0x400  }
0x8: {  	s12 =	simm.s32 $0x1400;
	s13 =	simm.s32 $0x1600;
	s3 =	sand.u32 $0x1, s3  }
0x9: {  	s6 =	sshll.u32 s2, $0x7;
	s7 =	sshll.u32 s3, $0x6;
	s30 =	ssub.s32 $0x2, s3  }
0xa: {  	s14 =	simm.s32 $0x0;
	s6 =	sor.u32 s7, s6;
	s31 =	sshrl.u32 s30, $0x1  }
0xb: {  	s3 =	sadd.s32 $0x3800, s4;
	s8 =	sadd.s32 s6, s4;
	s9 =	ssub.s32 s30, s31  }
0xc: {  	s5 =	sadd.s32 s5, s6;
	s4 =	sadd.s32 $0x1800, s8;
	s6 =	sadd.s32 $0x4200, s8  }
0xd: {  	s7 =	sadd.s32 $0x3A00, s8;
	s8 =	smax.u32 s9, $0x1;
	s9 =	simm.s32 $0x1;
	v0 =	vpop (erf)  }
.LBB2_1:
0xe: {  	[tilespmem:s1], [sflag:$0x1] =	stream.linear.gather [hbm4b:s4+s1], $0x200, $0x38;
	[tilespmem:$0x1800] =	vst v63  }
0xf: {  	_ =	swait.ge [sflag:s9], $0x200  }
0x10: {  	[sflag:s9] =	ssyncset.done $0x0  }
0x11: {  	[sflag:s9] =	ssyncadd.s32 $0xFFFFFE00  }
0x12: {  	[tilespmem:s10], [sflag:$0x1] =	stream.linear.gather [hbm4b:s5+s1], $0x200, $0x38;
	[tilespmem:$0x1800] =	vst v63  }
0x13: {  	_ =	swait.ge [sflag:s9], $0x200  }
0x14: {  	[sflag:s9] =	ssyncset.done $0x0  }
0x15: {  	[sflag:s9] =	ssyncadd.s32 $0xFFFFFE00  }
0x16: {  	[tilespmem:s11], [sflag:$0x1] =	stream.linear.gather [hbm4b:s3+s1], $0x1000, $0x38;
	[tilespmem:$0x1800] =	vst v63  }
0x17: {  	s15 =	simm.s32 $0xFFFFFFFE;
	_ =	swait.ge [sflag:s9], $0x1000  }
0x18: {  	s16 =	simm.s32 $0x1610;
	s17 =	simm.s32 $0x1410;
	[sflag:s9] =	ssyncset.done $0x0  }
0x19: {  	s18 =	simm.s32 $0x210;
	s19 =	simm.s32 $0x10;
	[sflag:s9] =	ssyncadd.s32 $0xFFFFF000  }
.LBB2_2:
0x1a: {  	v1 =	vld [tilespmem:s19+$0xFFFFFFF0]  }
0x1b: {  	v2 =	vld [tilespmem:s18+$0xFFFFFFF0]  }
0x1c: {  	v3 =	vld [tilespmem:$0x400]  }
0x1d: {  	v4 =	vld [tilespmem:$0x800]  }
0x1e: {  	v5 =	vld [tilespmem:$0x410]  }
0x1f: {  	v6 =	vld [tilespmem:$0x810]  }
0x20: {  	v7 =	vld [tilespmem:$0x420]  }
0x21: {  	v8 =	vld [tilespmem:$0x820]  }
0x22: {  	v9 =	vld [tilespmem:$0x430]  }
0x23: {  	v10 =	vld [tilespmem:$0x830]  }
0x24: {  	v11 =	vld [tilespmem:$0x440]  }
0x25: {  	v12 =	vld [tilespmem:$0x840]  }
0x26: {  	v13 =	vld [tilespmem:$0x450]  }
0x27: {  	v14 =	vld [tilespmem:$0x850]  }
0x28: {  	v32 =	vld [tilespmem:$0x460]  }
0x29: {  	v35 =	vld [tilespmem:$0x860]  }
0x2a: {  	v36 =	vld [tilespmem:$0x470]  }
0x2b: {  	v38 =	vld [tilespmem:$0x870]  }
0x2c: {  	v42 =	vld [tilespmem:$0x480]  }
0x2d: {  	v44 =	vld [tilespmem:$0x880]  }
0x2e: {  	v45 =	vld [tilespmem:$0x490]  }
0x2f: {  	v15 =	vld [tilespmem:$0x890]  }
0x30: {  	v47 =	vld [tilespmem:$0x4A0]  }
0x31: {  	v48 =	vld [tilespmem:$0x8A0];
	v3 =	vsub.f32 v1, v3  }
0x32: {  	v50 =	vld [tilespmem:$0x4B0];
	v4 =	vsub.f32 v2, v4;
	v5 =	vsub.f32 v1, v5  }
0x33: {  	v52 =	vld [tilespmem:$0x8B0];
	v6 =	vsub.f32 v2, v6;
	v7 =	vsub.f32 v1, v7  }
0x34: {  	v56 =	vld [tilespmem:$0x4C0];
	v8 =	vsub.f32 v2, v8;
	v9 =	vsub.f32 v1, v9  }
0x35: {  	v58 =	vld [tilespmem:$0x8C0];
	v10 =	vsub.f32 v2, v10;
	v39 =	vsub.f32 v1, v11  }
0x36: {  	v59 =	vld [tilespmem:$0x4D0];
	v40 =	vsub.f32 v2, v12;
	v41 =	vsub.f32 v1, v13  }
0x37: {  	v60 =	vld [tilespmem:$0x8D0];
	v43 =	vsub.f32 v2, v14;
	v53 =	vsub.f32 v1, v42  }
0x38: {  	v54 =	vsub.f32 v2, v44;
	v55 =	vsub.f32 v1, v45  }
0x39: {  	v24 =	vld [tilespmem:$0x500];
	v57 =	vsub.f32 v2, v15;
	v21 =	vsub.f32 v1, v56  }
0x3a: {  	v28 =	vld [tilespmem:$0x910];
	v22 =	vsub.f32 v2, v58;
	v3 =	vmul.f32 v3, v3;
	v4 =	vmul.f32 v4, v4  }
0x3b: {  	v23 =	vsub.f32 v1, v59;
	v5 =	vmul.f32 v5, v5;
	v6 =	vmul.f32 v6, v6  }
0x3c: {  	v25 =	vsub.f32 v2, v60;
	v30 =	vmul.f32 v7, v7;
	v31 =	vmul.f32 v8, v8  }
0x3d: {  	v33 =	vmul.f32 v9, v9;
	v34 =	vmul.f32 v10, v10;
	v8 =	vsub.f32 v1, v32  }
0x3e: {  	v27 =	vld [tilespmem:$0x510];
	v9 =	vmul.f32 v40, v40;
	v10 =	vsub.f32 v2, v35;
	v7 =	vsub.f32 v1, v36  }
0x3f: {  	v12 =	vmul.f32 v43, v43;
	v36 =	vsub.f32 v1, v24;
	v40 =	vsub.f32 v2, v28  }
0x40: {  	v11 =	vmul.f32 v57, v57;
	v3 =	vadd.f32 v4, v3;
	v5 =	vadd.f32 v6, v5  }
0x41: {  	v63 =	vld [tilespmem:$0x4E0];
	v4 =	vadd.f32 v31, v30;
	v37 =	vadd.f32 v34, v33;
	v8 =	vmul.f32 v8, v8  }
0x42: {  	v18 =	vld [tilespmem:$0x4F0];
	v6 =	vsub.f32 v2, v38;
	v46 =	vmul.f32 v10, v10;
	v7 =	vmul.f32 v7, v7  }
0x43: {  	v20 =	vld [tilespmem:$0x8F0];
	v10 =	vsub.f32 v1, v47;
	v38 =	vsub.f32 v1, v27;
	v3 =	vmin.f32 v3, v5  }
0x44: {  	v26 =	vld [tilespmem:$0x900];
	v5 =	vmul.f32 v41, v41;
	v6 =	vmul.f32 v6, v6;
	v49 =	vadd.f32 v46, v8  }
0x45: {  	v42 =	vld [tilespmem:$0x550];
	v8 =	vsub.f32 v1, v50;
	v61 =	vmul.f32 v10, v10;
	v10 =	vmul.f32 v25, v25  }
0x46: {  	v41 =	vld [tilespmem:$0x940];
	v3 =	vmin.f32 v3, v4;
	v4 =	vmul.f32 v39, v39;
	v5 =	vadd.f32 v12, v5  }
0x47: {  	v43 =	vld [tilespmem:$0x950];
	v3 =	vmin.f32 v3, v37;
	v51 =	vadd.f32 v6, v7;
	v12 =	vsub.f32 v2, v48  }
0x48: {  	v30 =	vld [tilespmem:$0x520];
	v7 =	vmul.f32 v54, v54;
	v6 =	vsub.f32 v2, v52;
	v4 =	vadd.f32 v9, v4  }
0x49: {  	v57 =	vld [tilespmem:$0x590];
	v8 =	vmul.f32 v8, v8;
	v37 =	vsub.f32 v2, v26;
	v62 =	vmul.f32 v12, v12  }
0x4a: {  	v58 =	vld [tilespmem:$0x990];
	v6 =	vmul.f32 v6, v6;
	v12 =	vsub.f32 v1, v63;
	v3 =	vmin.f32 v3, v4  }
0x4b: {  	v54 =	vld [tilespmem:$0x580];
	v4 =	vmul.f32 v53, v53;
	v52 =	vsub.f32 v2, v41;
	v53 =	vsub.f32 v1, v42  }
0x4c: {  	v16 =	vld [tilespmem:$0x8E0];
	v3 =	vmin.f32 v3, v5;
	v17 =	vadd.f32 v62, v61;
	v19 =	vadd.f32 v6, v8  }
0x4d: {  	v39 =	vld [tilespmem:$0x540];
	v6 =	vsub.f32 v2, v20;
	v29 =	vmul.f32 v12, v12;
	v12 =	vsub.f32 v1, v30  }
0x4e: {  	v45 =	vld [tilespmem:$0x560];
	v5 =	vmul.f32 v55, v55;
	v55 =	vsub.f32 v2, v43;
	v20 =	vsub.f32 v1, v57  }
0x4f: {  	v60 =	vld [tilespmem:$0x5A0];
	v8 =	vmul.f32 v22, v22;
	v22 =	vsub.f32 v2, v58;
	v4 =	vadd.f32 v7, v4  }
0x50: {  	v35 =	vld [tilespmem:$0x930];
	v3 =	vmin.f32 v3, v49;
	v7 =	vsub.f32 v1, v18;
	v18 =	vsub.f32 v1, v54  }
0x51: {  	v33 =	vld [tilespmem:$0x530];
	v3 =	vmin.f32 v3, v51;
	v5 =	vadd.f32 v11, v5;
	v11 =	vsub.f32 v2, v16  }
0x52: {  	v24 =	vld [tilespmem:$0x5D0];
	v6 =	vmul.f32 v6, v6;
	v44 =	vmul.f32 v12, v12;
	v51 =	vsub.f32 v1, v39  }
0x53: {  	v25 =	vld [tilespmem:$0x9D0];
	v12 =	vsub.f32 v1, v45;
	v3 =	vmin.f32 v3, v4;
	v4 =	vmul.f32 v21, v21  }
0x54: {  	v31 =	vld [tilespmem:$0x920];
	v7 =	vmul.f32 v7, v7;
	v3 =	vmin.f32 v3, v5;
	v5 =	vmul.f32 v23, v23  }
0x55: {  	v56 =	vld [tilespmem:$0x980];
	v59 =	vmul.f32 v12, v12;
	v12 =	vsub.f32 v1, v60;
	v4 =	vadd.f32 v8, v4  }
0x56: {  	v27 =	vld [tilespmem:$0x5E0];
	v11 =	vmul.f32 v11, v11;
	v34 =	vadd.f32 v6, v7;
	v8 =	vsub.f32 v1, v33  }
0x57: {  	v50 =	vld [tilespmem:$0x970];
	v3 =	vmin.f32 v3, v17;
	v6 =	vsub.f32 v2, v35;
	v35 =	vsub.f32 v1, v24  }
0x58: {  	v21 =	vld [tilespmem:$0x5C0];
	v7 =	vmul.f32 v37, v37;
	v37 =	vsub.f32 v2, v25;
	v5 =	vadd.f32 v10, v5  }
0x59: {  	v42 =	vld [tilespmem:$0x620];
	v3 =	vmin.f32 v3, v19;
	v32 =	vadd.f32 v11, v29;
	v10 =	vsub.f32 v2, v31  }
0x5a: {  	v48 =	vld [tilespmem:$0x570];
	v11 =	vmul.f32 v40, v40;
	v19 =	vsub.f32 v2, v56;
	v26 =	vmul.f32 v12, v12  }
0x5b: {  	v39 =	vld [tilespmem:$0x610];
	v12 =	vsub.f32 v1, v27;
	v3 =	vmin.f32 v3, v4;
	v4 =	vmul.f32 v36, v36  }
0x5c: {  	v46 =	vld [tilespmem:$0x960];
	v8 =	vmul.f32 v8, v8;
	v6 =	vmul.f32 v6, v6;
	v3 =	vmin.f32 v3, v5  }
0x5d: {  	v23 =	vld [tilespmem:$0x9C0];
	v5 =	vmul.f32 v38, v38;
	v10 =	vmul.f32 v10, v10;
	v33 =	vsub.f32 v1, v21  }
0x5e: {  	v57 =	vld [tilespmem:$0x660];
	v41 =	vmul.f32 v12, v12;
	v12 =	vsub.f32 v1, v42;
	v4 =	vadd.f32 v7, v4  }
0x5f: {  	v24 =	vld [tilespmem:$0x6A0];
	v3 =	vmin.f32 v3, v32;
	v49 =	vadd.f32 v6, v8;
	v7 =	vsub.f32 v1, v48  }
0x60: {  	v40 =	vld [tilespmem:$0xA10];
	v8 =	vmul.f32 v52, v52;
	v6 =	vsub.f32 v2, v50;
	v50 =	vsub.f32 v1, v39  }
0x61: {  	v36 =	vld [tilespmem:$0x600];
	v3 =	vmin.f32 v3, v34;
	v5 =	vadd.f32 v11, v5;
	v47 =	vadd.f32 v10, v44  }
0x62: {  	v63 =	vld [tilespmem:$0x5B0];
	v11 =	vsub.f32 v2, v46;
	v10 =	vmul.f32 v55, v55;
	v34 =	vsub.f32 v2, v23  }
0x63: {  	v17 =	vld [tilespmem:$0x9B0];
	v56 =	vmul.f32 v12, v12;
	v3 =	vmin.f32 v3, v4;
	v4 =	vmul.f32 v51, v51  }
0x64: {  	v54 =	vld [tilespmem:$0x650];
	v12 =	vsub.f32 v1, v57;
	v7 =	vmul.f32 v7, v7;
	v6 =	vmul.f32 v6, v6  }
0x65: {  	v61 =	vld [tilespmem:$0x9A0];
	v52 =	vsub.f32 v2, v40;
	v3 =	vmin.f32 v3, v5;
	v5 =	vmul.f32 v53, v53  }
0x66: {  	v38 =	vld [tilespmem:$0xA00];
	v48 =	vsub.f32 v1, v36;
	v23 =	vmul.f32 v12, v12;
	v12 =	vsub.f32 v1, v24  }
0x67: {  	v39 =	vld [tilespmem:$0x6E0];
	v11 =	vmul.f32 v11, v11;
	v4 =	vadd.f32 v8, v4;
	v16 =	vadd.f32 v6, v7  }
0x68: {  	v55 =	vld [tilespmem:$0xA50];
	v3 =	vmin.f32 v3, v47;
	v8 =	vsub.f32 v1, v63;
	v6 =	vsub.f32 v2, v17  }
0x69: {  	v51 =	vld [tilespmem:$0x640];
	v7 =	vmul.f32 v19, v19;
	v17 =	vsub.f32 v1, v54;
	v5 =	vadd.f32 v10, v5  }
0x6a: {  	v30 =	vld [tilespmem:$0x5F0];
	v3 =	vmin.f32 v3, v49;
	v62 =	vadd.f32 v11, v59;
	v10 =	vsub.f32 v2, v61  }
0x6b: {  	v32 =	vld [tilespmem:$0x9F0];
	v11 =	vmul.f32 v22, v22;
	v49 =	vsub.f32 v2, v38;
	v38 =	vmul.f32 v12, v12  }
0x6c: {  	v21 =	vld [tilespmem:$0x690];
	v12 =	vsub.f32 v1, v39;
	v3 =	vmin.f32 v3, v4;
	v4 =	vmul.f32 v18, v18  }
0x6d: {  	v28 =	vld [tilespmem:$0x9E0];
	v8 =	vmul.f32 v8, v8;
	v6 =	vmul.f32 v6, v6;
	v19 =	vsub.f32 v2, v55  }
0x6e: {  	v53 =	vld [tilespmem:$0xA40];
	v3 =	vmin.f32 v3, v5;
	v5 =	vmul.f32 v20, v20;
	v63 =	vsub.f32 v1, v51  }
0x6f: {  	v54 =	vld [tilespmem:$0x720];
	v10 =	vmul.f32 v10, v10;
	v4 =	vadd.f32 v7, v4;
	v31 =	vadd.f32 v6, v8  }
0x70: {  	v22 =	vld [tilespmem:$0xA90];
	v3 =	vmin.f32 v3, v62;
	v7 =	vsub.f32 v1, v30;
	v6 =	vsub.f32 v2, v32  }
0x71: {  	v45 =	vld [tilespmem:$0x630];
	v8 =	vmul.f32 v34, v34;
	v32 =	vsub.f32 v1, v21;
	v5 =	vadd.f32 v11, v5  }
0x72: {  	v18 =	vld [tilespmem:$0x680];
	v3 =	vmin.f32 v3, v16;
	v29 =	vadd.f32 v10, v26;
	v11 =	vsub.f32 v2, v28  }
0x73: {  	v36 =	vld [tilespmem:$0x6D0];
	v10 =	vmul.f32 v37, v37;
	v16 =	vsub.f32 v2, v53;
	v53 =	vmul.f32 v12, v12  }
0x74: {  	v47 =	vld [tilespmem:$0xA30];
	v12 =	vsub.f32 v1, v54;
	v3 =	vmin.f32 v3, v4;
	v4 =	vmul.f32 v33, v33  }
0x75: {  	v43 =	vld [tilespmem:$0xA20];
	v7 =	vmul.f32 v7, v7;
	v6 =	vmul.f32 v6, v6;
	v34 =	vsub.f32 v2, v22  }
0x76: {  	v20 =	vld [tilespmem:$0xA80];
	v3 =	vmin.f32 v3, v5;
	v5 =	vmul.f32 v35, v35;
	v11 =	vmul.f32 v11, v11  }
0x77: {  	v37 =	vld [tilespmem:$0xAD0];
	v30 =	vsub.f32 v1, v18;
	v21 =	vmul.f32 v12, v12;
	v4 =	vadd.f32 v8, v4  }
0x78: {  	v33 =	vld [tilespmem:$0x6C0];
	v3 =	vmin.f32 v3, v29;
	v46 =	vadd.f32 v6, v7;
	v8 =	vsub.f32 v1, v45  }
0x79: {  	v22 =	vld [tilespmem:$0x760];
	v7 =	vmul.f32 v49, v49;
	v6 =	vsub.f32 v2, v47;
	v47 =	vsub.f32 v1, v36  }
0x7a: {  	v60 =	vld [tilespmem:$0x670];
	v3 =	vmin.f32 v3, v31;
	v5 =	vadd.f32 v10, v5;
	v44 =	vadd.f32 v11, v41  }
0x7b: {  	v62 =	vld [tilespmem:$0xA70];
	v10 =	vsub.f32 v2, v43;
	v11 =	vmul.f32 v52, v52;
	v31 =	vsub.f32 v2, v20  }
0x7c: {  	v51 =	vld [tilespmem:$0x710];
	v3 =	vmin.f32 v3, v4;
	v4 =	vmul.f32 v48, v48;
	v8 =	vmul.f32 v8, v8  }
0x7d: {  	v58 =	vld [tilespmem:$0xA60];
	v6 =	vmul.f32 v6, v6;
	v49 =	vsub.f32 v2, v37;
	v3 =	vmin.f32 v3, v5  }
0x7e: {  	v35 =	vld [tilespmem:$0xAC0];
	v5 =	vmul.f32 v50, v50;
	v45 =	vsub.f32 v1, v33;
	v12 =	vsub.f32 v1, v22  }
0x7f: {  	v52 =	vld [tilespmem:$0xB10];
	v10 =	vmul.f32 v10, v10;
	v4 =	vadd.f32 v7, v4;
	v61 =	vadd.f32 v6, v8  }
0x80: {  	v48 =	vld [tilespmem:$0x700];
	v3 =	vmin.f32 v3, v44;
	v7 =	vsub.f32 v1, v60;
	v6 =	vsub.f32 v2, v62  }
0x81: {  	v37 =	vld [tilespmem:$0x7A0];
	v8 =	vmul.f32 v16, v16;
	v62 =	vsub.f32 v1, v51;
	v5 =	vadd.f32 v11, v5  }
0x82: {  	v27 =	vld [tilespmem:$0x6B0];
	v3 =	vmin.f32 v3, v46;
	v59 =	vadd.f32 v10, v56;
	v11 =	vsub.f32 v2, v58  }
0x83: {  	v29 =	vld [tilespmem:$0xAB0];
	v10 =	vmul.f32 v19, v19;
	v46 =	vsub.f32 v2, v35;
	v36 =	vmul.f32 v12, v12  }
0x84: {  	v18 =	vld [tilespmem:$0xB40];
	v3 =	vmin.f32 v3, v4;
	v4 =	vmul.f32 v63, v63;
	v7 =	vmul.f32 v7, v7  }
0x85: {  	v25 =	vld [tilespmem:$0xAA0];
	v6 =	vmul.f32 v6, v6;
	v3 =	vmin.f32 v3, v5;
	v60 =	vsub.f32 v1, v48  }
0x86: {  	v50 =	vld [tilespmem:$0xB00];
	v5 =	vmul.f32 v17, v17;
	v17 =	vsub.f32 v2, v52;
	v12 =	vsub.f32 v1, v37  }
0x87: {  	v42 =	vld [tilespmem:$0x6F0];
	v11 =	vmul.f32 v11, v11;
	v4 =	vadd.f32 v8, v4;
	v28 =	vadd.f32 v6, v7  }
0x88: {  	v19 =	vld [tilespmem:$0x750];
	v3 =	vmin.f32 v3, v59;
	v8 =	vsub.f32 v1, v27;
	v6 =	vsub.f32 v2, v29  }
0x89: {  	v20 =	vld [tilespmem:$0xB50];
	v7 =	vmul.f32 v31, v31;
	v29 =	vsub.f32 v2, v18;
	v5 =	vadd.f32 v10, v5  }
0x8a: {  	v57 =	vld [tilespmem:$0x730];
	v3 =	vmin.f32 v3, v61;
	v26 =	vadd.f32 v11, v23;
	v10 =	vsub.f32 v2, v25  }
0x8b: {  	v44 =	vld [tilespmem:$0xAF0];
	v11 =	vmul.f32 v34, v34;
	v61 =	vsub.f32 v2, v50;
	v51 =	vmul.f32 v12, v12  }
0x8c: {  	v33 =	vld [tilespmem:$0xB80];
	v3 =	vmin.f32 v3, v4;
	v4 =	vmul.f32 v30, v30;
	v8 =	vmul.f32 v8, v8  }
0x8d: {  	v40 =	vld [tilespmem:$0xAE0];
	v6 =	vmul.f32 v6, v6;
	v30 =	vsub.f32 v1, v19;
	v3 =	vmin.f32 v3, v5  }
0x8e: {  	v63 =	vld [tilespmem:$0x740];
	v5 =	vmul.f32 v32, v32;
	v10 =	vmul.f32 v10, v10;
	v32 =	vsub.f32 v2, v20  }
0x8f: {  	v34 =	vld [tilespmem:$0x790];
	v3 =	vmin.f32 v3, v26;
	v4 =	vadd.f32 v7, v4;
	v43 =	vadd.f32 v6, v8  }
0x90: {  	v35 =	vld [tilespmem:$0xB90];
	v8 =	vmul.f32 v46, v46;
	v7 =	vsub.f32 v1, v42;
	v6 =	vsub.f32 v2, v44  }
0x91: {  	v48 =	vld [tilespmem:$0xBC0];
	v44 =	vsub.f32 v2, v33;
	v3 =	vmin.f32 v3, v28;
	v5 =	vadd.f32 v11, v5  }
0x92: {  	v59 =	vld [tilespmem:$0xB30];
	v41 =	vadd.f32 v10, v38;
	v11 =	vsub.f32 v2, v40;
	v10 =	vmul.f32 v49, v49  }
0x93: {  	v50 =	vld [tilespmem:$0xBD0];
	v28 =	vsub.f32 v1, v63;
	v3 =	vmin.f32 v3, v4;
	v4 =	vmul.f32 v45, v45  }
0x94: {  	v55 =	vld [tilespmem:$0xB20];
	v7 =	vmul.f32 v7, v7;
	v6 =	vmul.f32 v6, v6;
	v45 =	vsub.f32 v1, v34  }
0x95: {  	v31 =	vld [tilespmem:$0x780];
	v3 =	vmin.f32 v3, v5;
	v5 =	vmul.f32 v47, v47;
	v47 =	vsub.f32 v2, v35  }
0x96: {  	v11 =	vmul.f32 v11, v11;
	v4 =	vadd.f32 v8, v4;
	v58 =	vadd.f32 v6, v7  }
0x97: {  	v49 =	vld [tilespmem:$0x7D0];
	v3 =	vmin.f32 v3, v41;
	v8 =	vsub.f32 v1, v57;
	v6 =	vsub.f32 v2, v59  }
0x98: {  	v7 =	vmul.f32 v61, v61;
	v59 =	vsub.f32 v2, v48;
	v61 =	vsub.f32 v2, v50  }
0x99: {  	v52 =	vld [tilespmem:$0x7E0];
	v3 =	vmin.f32 v3, v43;
	v5 =	vadd.f32 v10, v5;
	v56 =	vadd.f32 v11, v53  }
0x9a: {  	v25 =	vld [tilespmem:$0x770];
	v10 =	vsub.f32 v2, v55;
	v11 =	vmul.f32 v17, v17;
	v43 =	vsub.f32 v1, v31  }
0x9b: {  	v27 =	vld [tilespmem:$0xB70];
	v3 =	vmin.f32 v3, v4;
	v4 =	vmul.f32 v60, v60;
	v8 =	vmul.f32 v8, v8  }
0x9c: {  	v23 =	vld [tilespmem:$0xB60];
	v6 =	vmul.f32 v6, v6;
	v60 =	vsub.f32 v1, v49;
	v9 =	vmul.f32 v61, v61  }
0x9d: {  	v3 =	vmin.f32 v3, v5;
	v5 =	vmul.f32 v62, v62;
	v10 =	vmul.f32 v10, v10  }
0x9e: {  	v62 =	vsub.f32 v1, v52;
	v3 =	vmin.f32 v3, v56;
	v4 =	vadd.f32 v7, v4  }
0x9f: {  	v26 =	vadd.f32 v6, v8;
	v8 =	vmul.f32 v29, v29;
	v7 =	vsub.f32 v1, v25  }
0xa0: {  	v40 =	vld [tilespmem:$0x7B0];
	v6 =	vsub.f32 v2, v27;
	v3 =	vmin.f32 v3, v58;
	v5 =	vadd.f32 v11, v5  }
0xa1: {  	v42 =	vld [tilespmem:$0xBB0];
	v24 =	vadd.f32 v10, v21;
	v11 =	vsub.f32 v2, v23;
	v10 =	vmul.f32 v32, v32  }
0xa2: {  	v38 =	vld [tilespmem:$0xBA0];
	v63 =	vmul.f32 v62, v62;
	v3 =	vmin.f32 v3, v4;
	v4 =	vmul.f32 v28, v28  }
0xa3: {  	v7 =	vmul.f32 v7, v7;
	v6 =	vmul.f32 v6, v6;
	v3 =	vmin.f32 v3, v5  }
0xa4: {  	v46 =	vld [tilespmem:$0x7C0];
	v5 =	vmul.f32 v30, v30;
	v11 =	vmul.f32 v11, v11;
	v4 =	vadd.f32 v8, v4  }
0xa5: {  	v3 =	vmin.f32 v3, v24;
	v41 =	vadd.f32 v6, v7;
	v8 =	vsub.f32 v1, v40  }
0xa6: {  	v57 =	vld [tilespmem:$0xBF0];
	v7 =	vmul.f32 v44, v44;
	v6 =	vsub.f32 v2, v42;
	v5 =	vadd.f32 v10, v5  }
0xa7: {  	v55 =	vld [tilespmem:$0x7F0];
	v3 =	vmin.f32 v3, v26;
	v39 =	vadd.f32 v11, v36;
	v10 =	vsub.f32 v2, v38  }
0xa8: {  	v11 =	vmul.f32 v47, v47;
	v3 =	vmin.f32 v3, v4;
	v4 =	vmul.f32 v43, v43  }
0xa9: {  	v53 =	vld [tilespmem:$0xBE0];
	v58 =	vsub.f32 v1, v46;
	v8 =	vmul.f32 v8, v8;
	v6 =	vmul.f32 v6, v6  }
0xaa: {  	v3 =	vmin.f32 v3, v5;
	v5 =	vmul.f32 v45, v45;
	v10 =	vmul.f32 v10, v10  }
0xab: {  	v3 =	vmin.f32 v3, v39;
	v4 =	vadd.f32 v7, v4;
	v56 =	vadd.f32 v6, v8  }
0xac: {  	v8 =	vmul.f32 v59, v59;
	v7 =	vsub.f32 v1, v55;
	v6 =	vsub.f32 v2, v57  }
0xad: {  	v3 =	vmin.f32 v3, v41;
	v5 =	vadd.f32 v11, v5;
	v54 =	vadd.f32 v10, v51  }
0xae: {  	v11 =	vsub.f32 v2, v53;
	v3 =	vmin.f32 v3, v4;
	v4 =	vmul.f32 v58, v58  }
0xaf: {  	v7 =	vmul.f32 v7, v7;
	v3 =	vmin.f32 v3, v5;
	v5 =	vmul.f32 v60, v60  }
0xb0: {  	v12 =	vmul.f32 v11, v11;
	v3 =	vmin.f32 v3, v54;
	v4 =	vadd.f32 v8, v4  }
0xb1: {  	v6 =	vmul.f32 v6, v6;
	v3 =	vmin.f32 v3, v56;
	v5 =	vadd.f32 v9, v5  }
0xb2: {  	v13 =	vadd.f32 v12, v63;
	v3 =	vmin.f32 v3, v4  }
0xb3: {  	v14 =	vadd.f32 v6, v7;
	v3 =	vmin.f32 v3, v5  }
0xb4: {  	v3 =	vmin.f32 v3, v13  }
0xb5: {  	v3 =	vmin.f32 v3, v14  }
0xb6: {  	v3 =	vmax.f32 v3, $1.000000000e-30  }
0xb7: {  	v15 =	vshra.s32 v3, $0x1;
	v16 =	vmul.f32 $5.000000000e-01, v3  }
0xb8: {  	v4 =	vsub.s32 $0x5F3759DF, v15  }
0xb9: {  	v17 =	vmul.f32 v4, v16;
	_ =	sdelay $0x1  }
0xba: {  	v6 =	vmul.f32 v4, v17;
	_ =	sdelay $0x1  }
0xbb: {  	v6 =	vsub.f32 $1.500000000e+00, v6;
	_ =	sdelay $0x1  }
0xbc: {  	v4 =	vmul.f32 v4, v6;
	_ =	sdelay $0x1  }
0xbd: {  	v6 =	vmul.f32 v4, v16;
	_ =	sdelay $0x1  }
0xbe: {  	v6 =	vmul.f32 v6, v4;
	_ =	sdelay $0x1  }
0xbf: {  	v6 =	vsub.f32 $1.500000000e+00, v6;
	_ =	sdelay $0x1  }
0xc0: {  	v4 =	vmul.f32 v6, v4;
	_ =	sdelay $0x1  }
0xc1: {  	v5 =	vmul.f32 v4, v16;
	_ =	sdelay $0x1  }
0xc2: {  	v5 =	vmul.f32 v5, v4;
	_ =	sdelay $0x1  }
0xc3: {  	v5 =	vsub.f32 $1.500000000e+00, v5;
	_ =	sdelay $0x1  }
0xc4: {  	v4 =	vmul.f32 v5, v4;
	_ =	sdelay $0x1  }
0xc5: {  	v3 =	vmul.f32 v4, v3;
	_ =	sdelay $0x1  }
0xc6: {  	v3 =	vsub.f32 $0.0e+00, v3;
	_ =	sdelay $0x1  }
0xc7: {  	v3 =	vmul.f32 v3, v0;
	_ =	sdelay $0x1  }
0xc8: {  	v3 =	vmul.f32 $1.442695020e+00, v3;
	_ =	sdelay $0x1  }
0xc9: {  	(erf) = vpow2.f32 v3;
	_ =	sdelay $0x8  }
0xca: {  	v3 =	vpop (erf)  }
0xcb: {  	v3 =	vmul.f32 $1.000000000e+01, v3;
	_ =	sdelay $0x1  }
0xcc: {  	[tilespmem:s17+$0xFFFFFFF0] =	vst v3  }
0xcd: {  	v3 =	vld [tilespmem:$0xC00]  }
0xce: {  	v18 =	vld [tilespmem:$0x1000]  }
0xcf: {  	v19 =	vld [tilespmem:$0xC10]  }
0xd0: {  	v20 =	vld [tilespmem:$0x1010]  }
0xd1: {  	v21 =	vld [tilespmem:$0xC20]  }
0xd2: {  	v22 =	vld [tilespmem:$0x1020]  }
0xd3: {  	v23 =	vld [tilespmem:$0xC30]  }
0xd4: {  	v24 =	vld [tilespmem:$0x1030]  }
0xd5: {  	v25 =	vld [tilespmem:$0xC40]  }
0xd6: {  	v26 =	vld [tilespmem:$0x1040]  }
0xd7: {  	v27 =	vld [tilespmem:$0xC50]  }
0xd8: {  	v28 =	vld [tilespmem:$0x1050]  }
0xd9: {  	v31 =	vld [tilespmem:$0xC60]  }
0xda: {  	v34 =	vld [tilespmem:$0x1060]  }
0xdb: {  	v41 =	vld [tilespmem:$0xC80]  }
0xdc: {  	v43 =	vld [tilespmem:$0x1080];
	v3 =	vsub.f32 v1, v3  }
0xdd: {  	v44 =	vld [tilespmem:$0xC90];
	v4 =	vsub.f32 v2, v18;
	v5 =	vsub.f32 v1, v19  }
0xde: {  	v45 =	vld [tilespmem:$0x1090];
	v6 =	vsub.f32 v2, v20;
	v7 =	vsub.f32 v1, v21  }
0xdf: {  	v56 =	vld [tilespmem:$0xCC0];
	v8 =	vsub.f32 v2, v22;
	v9 =	vsub.f32 v1, v23  }
0xe0: {  	v58 =	vld [tilespmem:$0x10C0];
	v10 =	vsub.f32 v2, v24;
	v38 =	vsub.f32 v1, v25  }
0xe1: {  	v59 =	vld [tilespmem:$0xCD0];
	v39 =	vsub.f32 v2, v26;
	v40 =	vsub.f32 v1, v27  }
0xe2: {  	v60 =	vld [tilespmem:$0x10D0];
	v42 =	vsub.f32 v2, v28;
	v53 =	vsub.f32 v1, v41  }
0xe3: {  	v35 =	vld [tilespmem:$0xC70];
	v54 =	vsub.f32 v2, v43;
	v55 =	vsub.f32 v1, v44  }
0xe4: {  	v37 =	vld [tilespmem:$0x1070];
	v57 =	vsub.f32 v2, v45;
	v21 =	vsub.f32 v1, v56  }
0xe5: {  	v47 =	vld [tilespmem:$0xCA0];
	v22 =	vsub.f32 v2, v58;
	v3 =	vmul.f32 v3, v3;
	v4 =	vmul.f32 v4, v4  }
0xe6: {  	v48 =	vld [tilespmem:$0x10A0];
	v23 =	vsub.f32 v1, v59;
	v5 =	vmul.f32 v5, v5;
	v6 =	vmul.f32 v6, v6  }
0xe7: {  	v50 =	vld [tilespmem:$0xCB0];
	v25 =	vsub.f32 v2, v60;
	v29 =	vmul.f32 v7, v7;
	v30 =	vmul.f32 v8, v8  }
0xe8: {  	v26 =	vld [tilespmem:$0x1100];
	v32 =	vmul.f32 v9, v9;
	v33 =	vmul.f32 v10, v10;
	v8 =	vsub.f32 v1, v31  }
0xe9: {  	v52 =	vld [tilespmem:$0x10B0];
	v9 =	vmul.f32 v39, v39;
	v10 =	vsub.f32 v2, v34;
	v7 =	vsub.f32 v1, v35  }
0xea: {  	v63 =	vld [tilespmem:$0xCE0];
	v12 =	vmul.f32 v42, v42;
	v3 =	vadd.f32 v4, v3;
	v5 =	vadd.f32 v6, v5  }
0xeb: {  	v28 =	vld [tilespmem:$0x1110];
	v11 =	vmul.f32 v57, v57;
	v4 =	vadd.f32 v30, v29;
	v36 =	vadd.f32 v33, v32  }
0xec: {  	v27 =	vld [tilespmem:$0xD10];
	v6 =	vsub.f32 v2, v37;
	v8 =	vmul.f32 v8, v8;
	v46 =	vmul.f32 v10, v10  }
0xed: {  	v18 =	vld [tilespmem:$0xCF0];
	v7 =	vmul.f32 v7, v7;
	v10 =	vsub.f32 v1, v47;
	v37 =	vsub.f32 v2, v26  }
0xee: {  	v24 =	vld [tilespmem:$0xD00];
	v3 =	vmin.f32 v3, v5;
	v5 =	vmul.f32 v40, v40;
	v6 =	vmul.f32 v6, v6  }
0xef: {  	v41 =	vld [tilespmem:$0x1140];
	v49 =	vadd.f32 v46, v8;
	v8 =	vsub.f32 v1, v50;
	v61 =	vmul.f32 v10, v10  }
0xf0: {  	v20 =	vld [tilespmem:$0x10F0];
	v10 =	vmul.f32 v25, v25;
	v40 =	vsub.f32 v2, v28;
	v3 =	vmin.f32 v3, v4  }
0xf1: {  	v42 =	vld [tilespmem:$0xD50];
	v4 =	vmul.f32 v38, v38;
	v38 =	vsub.f32 v1, v27;
	v5 =	vadd.f32 v12, v5  }
0xf2: {  	v43 =	vld [tilespmem:$0x1150];
	v3 =	vmin.f32 v3, v36;
	v51 =	vadd.f32 v6, v7;
	v12 =	vsub.f32 v2, v48  }
0xf3: {  	v30 =	vld [tilespmem:$0xD20];
	v7 =	vmul.f32 v54, v54;
	v6 =	vsub.f32 v2, v52;
	v36 =	vsub.f32 v1, v24  }
0xf4: {  	v57 =	vld [tilespmem:$0xD90];
	v8 =	vmul.f32 v8, v8;
	v52 =	vsub.f32 v2, v41;
	v4 =	vadd.f32 v9, v4  }
0xf5: {  	v58 =	vld [tilespmem:$0x1190];
	v62 =	vmul.f32 v12, v12;
	v6 =	vmul.f32 v6, v6;
	v12 =	vsub.f32 v1, v63  }
0xf6: {  	v54 =	vld [tilespmem:$0xD80];
	v3 =	vmin.f32 v3, v4;
	v4 =	vmul.f32 v53, v53;
	v53 =	vsub.f32 v1, v42  }
0xf7: {  	v16 =	vld [tilespmem:$0x10E0];
	v3 =	vmin.f32 v3, v5;
	v17 =	vadd.f32 v62, v61;
	v19 =	vadd.f32 v6, v8  }
0xf8: {  	v39 =	vld [tilespmem:$0xD40];
	v6 =	vsub.f32 v2, v20;
	v29 =	vmul.f32 v12, v12;
	v12 =	vsub.f32 v1, v30  }
0xf9: {  	v45 =	vld [tilespmem:$0xD60];
	v5 =	vmul.f32 v55, v55;
	v55 =	vsub.f32 v2, v43;
	v20 =	vsub.f32 v1, v57  }
0xfa: {  	v60 =	vld [tilespmem:$0xDA0];
	v8 =	vmul.f32 v22, v22;
	v22 =	vsub.f32 v2, v58;
	v4 =	vadd.f32 v7, v4  }
0xfb: {  	v35 =	vld [tilespmem:$0x1130];
	v3 =	vmin.f32 v3, v49;
	v7 =	vsub.f32 v1, v18;
	v18 =	vsub.f32 v1, v54  }
0xfc: {  	v33 =	vld [tilespmem:$0xD30];
	v3 =	vmin.f32 v3, v51;
	v5 =	vadd.f32 v11, v5;
	v11 =	vsub.f32 v2, v16  }
0xfd: {  	v24 =	vld [tilespmem:$0xDD0];
	v6 =	vmul.f32 v6, v6;
	v44 =	vmul.f32 v12, v12;
	v51 =	vsub.f32 v1, v39  }
0xfe: {  	v25 =	vld [tilespmem:$0x11D0];
	v12 =	vsub.f32 v1, v45;
	v3 =	vmin.f32 v3, v4;
	v4 =	vmul.f32 v21, v21  }
0xff: {  	v31 =	vld [tilespmem:$0x1120];
	v7 =	vmul.f32 v7, v7;
	v3 =	vmin.f32 v3, v5;
	v5 =	vmul.f32 v23, v23  }
0x100: {  	v56 =	vld [tilespmem:$0x1180];
	v59 =	vmul.f32 v12, v12;
	v12 =	vsub.f32 v1, v60;
	v4 =	vadd.f32 v8, v4  }
0x101: {  	v27 =	vld [tilespmem:$0xDE0];
	v11 =	vmul.f32 v11, v11;
	v34 =	vadd.f32 v6, v7;
	v8 =	vsub.f32 v1, v33  }
0x102: {  	v50 =	vld [tilespmem:$0x1170];
	v3 =	vmin.f32 v3, v17;
	v6 =	vsub.f32 v2, v35;
	v35 =	vsub.f32 v1, v24  }
0x103: {  	v21 =	vld [tilespmem:$0xDC0];
	v7 =	vmul.f32 v37, v37;
	v37 =	vsub.f32 v2, v25;
	v5 =	vadd.f32 v10, v5  }
0x104: {  	v42 =	vld [tilespmem:$0xE20];
	v3 =	vmin.f32 v3, v19;
	v32 =	vadd.f32 v11, v29;
	v10 =	vsub.f32 v2, v31  }
0x105: {  	v48 =	vld [tilespmem:$0xD70];
	v11 =	vmul.f32 v40, v40;
	v19 =	vsub.f32 v2, v56;
	v26 =	vmul.f32 v12, v12  }
0x106: {  	v39 =	vld [tilespmem:$0xE10];
	v12 =	vsub.f32 v1, v27;
	v3 =	vmin.f32 v3, v4;
	v4 =	vmul.f32 v36, v36  }
0x107: {  	v46 =	vld [tilespmem:$0x1160];
	v8 =	vmul.f32 v8, v8;
	v6 =	vmul.f32 v6, v6;
	v3 =	vmin.f32 v3, v5  }
0x108: {  	v23 =	vld [tilespmem:$0x11C0];
	v5 =	vmul.f32 v38, v38;
	v10 =	vmul.f32 v10, v10;
	v33 =	vsub.f32 v1, v21  }
0x109: {  	v57 =	vld [tilespmem:$0xE60];
	v41 =	vmul.f32 v12, v12;
	v12 =	vsub.f32 v1, v42;
	v4 =	vadd.f32 v7, v4  }
0x10a: {  	v24 =	vld [tilespmem:$0xEA0];
	v3 =	vmin.f32 v3, v32;
	v49 =	vadd.f32 v6, v8;
	v7 =	vsub.f32 v1, v48  }
0x10b: {  	v40 =	vld [tilespmem:$0x1210];
	v8 =	vmul.f32 v52, v52;
	v6 =	vsub.f32 v2, v50;
	v50 =	vsub.f32 v1, v39  }
0x10c: {  	v36 =	vld [tilespmem:$0xE00];
	v3 =	vmin.f32 v3, v34;
	v5 =	vadd.f32 v11, v5;
	v47 =	vadd.f32 v10, v44  }
0x10d: {  	v63 =	vld [tilespmem:$0xDB0];
	v11 =	vsub.f32 v2, v46;
	v10 =	vmul.f32 v55, v55;
	v34 =	vsub.f32 v2, v23  }
0x10e: {  	v17 =	vld [tilespmem:$0x11B0];
	v56 =	vmul.f32 v12, v12;
	v3 =	vmin.f32 v3, v4;
	v4 =	vmul.f32 v51, v51  }
0x10f: {  	v54 =	vld [tilespmem:$0xE50];
	v12 =	vsub.f32 v1, v57;
	v7 =	vmul.f32 v7, v7;
	v6 =	vmul.f32 v6, v6  }
0x110: {  	v61 =	vld [tilespmem:$0x11A0];
	v52 =	vsub.f32 v2, v40;
	v3 =	vmin.f32 v3, v5;
	v5 =	vmul.f32 v53, v53  }
0x111: {  	v38 =	vld [tilespmem:$0x1200];
	v48 =	vsub.f32 v1, v36;
	v23 =	vmul.f32 v12, v12;
	v12 =	vsub.f32 v1, v24  }
0x112: {  	v39 =	vld [tilespmem:$0xEE0];
	v11 =	vmul.f32 v11, v11;
	v4 =	vadd.f32 v8, v4;
	v16 =	vadd.f32 v6, v7  }
0x113: {  	v55 =	vld [tilespmem:$0x1250];
	v3 =	vmin.f32 v3, v47;
	v8 =	vsub.f32 v1, v63;
	v6 =	vsub.f32 v2, v17  }
0x114: {  	v51 =	vld [tilespmem:$0xE40];
	v7 =	vmul.f32 v19, v19;
	v17 =	vsub.f32 v1, v54;
	v5 =	vadd.f32 v10, v5  }
0x115: {  	v30 =	vld [tilespmem:$0xDF0];
	v3 =	vmin.f32 v3, v49;
	v62 =	vadd.f32 v11, v59;
	v10 =	vsub.f32 v2, v61  }
0x116: {  	v32 =	vld [tilespmem:$0x11F0];
	v11 =	vmul.f32 v22, v22;
	v49 =	vsub.f32 v2, v38;
	v38 =	vmul.f32 v12, v12  }
0x117: {  	v21 =	vld [tilespmem:$0xE90];
	v12 =	vsub.f32 v1, v39;
	v3 =	vmin.f32 v3, v4;
	v4 =	vmul.f32 v18, v18  }
0x118: {  	v28 =	vld [tilespmem:$0x11E0];
	v8 =	vmul.f32 v8, v8;
	v6 =	vmul.f32 v6, v6;
	v19 =	vsub.f32 v2, v55  }
0x119: {  	v53 =	vld [tilespmem:$0x1240];
	v3 =	vmin.f32 v3, v5;
	v5 =	vmul.f32 v20, v20;
	v63 =	vsub.f32 v1, v51  }
0x11a: {  	v54 =	vld [tilespmem:$0xF20];
	v10 =	vmul.f32 v10, v10;
	v4 =	vadd.f32 v7, v4;
	v31 =	vadd.f32 v6, v8  }
0x11b: {  	v22 =	vld [tilespmem:$0x1290];
	v3 =	vmin.f32 v3, v62;
	v7 =	vsub.f32 v1, v30;
	v6 =	vsub.f32 v2, v32  }
0x11c: {  	v45 =	vld [tilespmem:$0xE30];
	v8 =	vmul.f32 v34, v34;
	v32 =	vsub.f32 v1, v21;
	v5 =	vadd.f32 v11, v5  }
0x11d: {  	v18 =	vld [tilespmem:$0xE80];
	v3 =	vmin.f32 v3, v16;
	v29 =	vadd.f32 v10, v26;
	v11 =	vsub.f32 v2, v28  }
0x11e: {  	v36 =	vld [tilespmem:$0xED0];
	v10 =	vmul.f32 v37, v37;
	v16 =	vsub.f32 v2, v53;
	v53 =	vmul.f32 v12, v12  }
0x11f: {  	v47 =	vld [tilespmem:$0x1230];
	v12 =	vsub.f32 v1, v54;
	v3 =	vmin.f32 v3, v4;
	v4 =	vmul.f32 v33, v33  }
0x120: {  	v43 =	vld [tilespmem:$0x1220];
	v7 =	vmul.f32 v7, v7;
	v6 =	vmul.f32 v6, v6;
	v34 =	vsub.f32 v2, v22  }
0x121: {  	v20 =	vld [tilespmem:$0x1280];
	v3 =	vmin.f32 v3, v5;
	v5 =	vmul.f32 v35, v35;
	v11 =	vmul.f32 v11, v11  }
0x122: {  	v21 =	vld [tilespmem:$0x1350];
	v30 =	vsub.f32 v1, v18;
	v22 =	vmul.f32 v12, v12;
	v4 =	vadd.f32 v8, v4  }
0x123: {  	v37 =	vld [tilespmem:$0x12D0];
	v3 =	vmin.f32 v3, v29;
	v46 =	vadd.f32 v6, v7;
	v8 =	vsub.f32 v1, v45  }
0x124: {  	v33 =	vld [tilespmem:$0xEC0];
	v7 =	vmul.f32 v49, v49;
	v6 =	vsub.f32 v2, v47;
	v47 =	vsub.f32 v1, v36  }
0x125: {  	v60 =	vld [tilespmem:$0xE70];
	v3 =	vmin.f32 v3, v31;
	v5 =	vadd.f32 v10, v5;
	v44 =	vadd.f32 v11, v41  }
0x126: {  	v62 =	vld [tilespmem:$0x1270];
	v10 =	vsub.f32 v2, v43;
	v11 =	vmul.f32 v52, v52;
	v31 =	vsub.f32 v2, v20  }
0x127: {  	v51 =	vld [tilespmem:$0xF10];
	v3 =	vmin.f32 v3, v4;
	v4 =	vmul.f32 v48, v48;
	v8 =	vmul.f32 v8, v8  }
0x128: {  	v58 =	vld [tilespmem:$0x1260];
	v6 =	vmul.f32 v6, v6;
	v49 =	vsub.f32 v2, v37;
	v3 =	vmin.f32 v3, v5  }
0x129: {  	v35 =	vld [tilespmem:$0x12C0];
	v5 =	vmul.f32 v50, v50;
	v45 =	vsub.f32 v1, v33;
	v33 =	vsub.f32 v2, v21  }
0x12a: {  	v36 =	vld [tilespmem:$0x1390];
	v10 =	vmul.f32 v10, v10;
	v4 =	vadd.f32 v7, v4;
	v61 =	vadd.f32 v6, v8  }
0x12b: {  	v52 =	vld [tilespmem:$0x1310];
	v3 =	vmin.f32 v3, v44;
	v7 =	vsub.f32 v1, v60;
	v6 =	vsub.f32 v2, v62  }
0x12c: {  	v48 =	vld [tilespmem:$0xF00];
	v8 =	vmul.f32 v16, v16;
	v62 =	vsub.f32 v1, v51;
	v5 =	vadd.f32 v11, v5  }
0x12d: {  	v27 =	vld [tilespmem:$0xEB0];
	v3 =	vmin.f32 v3, v46;
	v59 =	vadd.f32 v10, v56;
	v11 =	vsub.f32 v2, v58  }
0x12e: {  	v29 =	vld [tilespmem:$0x12B0];
	v10 =	vmul.f32 v19, v19;
	v3 =	vmin.f32 v3, v4;
	v4 =	vmul.f32 v63, v63  }
0x12f: {  	v20 =	vld [tilespmem:$0xF50];
	v46 =	vsub.f32 v2, v35;
	v7 =	vmul.f32 v7, v7;
	v6 =	vmul.f32 v6, v6  }
0x130: {  	v25 =	vld [tilespmem:$0x12A0];
	v18 =	vsub.f32 v2, v52;
	v3 =	vmin.f32 v3, v5;
	v5 =	vmul.f32 v17, v17  }
0x131: {  	v50 =	vld [tilespmem:$0x1300];
	v11 =	vmul.f32 v11, v11;
	v60 =	vsub.f32 v1, v48;
	v48 =	vsub.f32 v2, v36  }
0x132: {  	v19 =	vld [tilespmem:$0x1340];
	v3 =	vmin.f32 v3, v59;
	v4 =	vadd.f32 v8, v4;
	v28 =	vadd.f32 v6, v7  }
0x133: {  	v63 =	vld [tilespmem:$0xF40];
	v7 =	vmul.f32 v31, v31;
	v8 =	vsub.f32 v1, v27;
	v6 =	vsub.f32 v2, v29  }
0x134: {  	v42 =	vld [tilespmem:$0xEF0];
	v31 =	vsub.f32 v1, v20;
	v3 =	vmin.f32 v3, v61;
	v5 =	vadd.f32 v10, v5  }
0x135: {  	v44 =	vld [tilespmem:$0x12F0];
	v26 =	vadd.f32 v11, v23;
	v10 =	vsub.f32 v2, v25;
	v11 =	vmul.f32 v34, v34  }
0x136: {  	v35 =	vld [tilespmem:$0xF90];
	v61 =	vsub.f32 v2, v50;
	v3 =	vmin.f32 v3, v4;
	v4 =	vmul.f32 v30, v30  }
0x137: {  	v40 =	vld [tilespmem:$0x12E0];
	v8 =	vmul.f32 v8, v8;
	v6 =	vmul.f32 v6, v6;
	v30 =	vsub.f32 v2, v19  }
0x138: {  	v3 =	vmin.f32 v3, v5;
	v5 =	vmul.f32 v32, v32;
	v29 =	vsub.f32 v1, v63  }
0x139: {  	v23 =	vld [tilespmem:$0xF60];
	v10 =	vmul.f32 v10, v10;
	v4 =	vadd.f32 v7, v4;
	v43 =	vadd.f32 v6, v8  }
0x13a: {  	v34 =	vld [tilespmem:$0x1380];
	v3 =	vmin.f32 v3, v26;
	v7 =	vsub.f32 v1, v42;
	v6 =	vsub.f32 v2, v44  }
0x13b: {  	v57 =	vld [tilespmem:$0xF30];
	v8 =	vmul.f32 v46, v46;
	v46 =	vsub.f32 v1, v35;
	v5 =	vadd.f32 v11, v5  }
0x13c: {  	v59 =	vld [tilespmem:$0x1330];
	v3 =	vmin.f32 v3, v28;
	v41 =	vadd.f32 v10, v38;
	v11 =	vsub.f32 v2, v40  }
0x13d: {  	v32 =	vld [tilespmem:$0xF80];
	v10 =	vmul.f32 v49, v49;
	v3 =	vmin.f32 v3, v4;
	v4 =	vmul.f32 v45, v45  }
0x13e: {  	v50 =	vld [tilespmem:$0xFD0];
	v7 =	vmul.f32 v7, v7;
	v6 =	vmul.f32 v6, v6;
	v12 =	vsub.f32 v1, v23  }
0x13f: {  	v55 =	vld [tilespmem:$0x1320];
	v45 =	vsub.f32 v2, v34;
	v3 =	vmin.f32 v3, v5;
	v5 =	vmul.f32 v47, v47  }
0x140: {  	v38 =	vld [tilespmem:$0xFA0];
	v11 =	vmul.f32 v11, v11;
	v3 =	vmin.f32 v3, v41;
	v4 =	vadd.f32 v8, v4  }
0x141: {  	v49 =	vld [tilespmem:$0x13C0];
	v58 =	vadd.f32 v6, v7;
	v7 =	vmul.f32 v61, v61;
	v8 =	vsub.f32 v1, v57  }
0x142: {  	v51 =	vld [tilespmem:$0x13D0];
	v6 =	vsub.f32 v2, v59;
	v37 =	vmul.f32 v12, v12;
	v44 =	vsub.f32 v1, v32  }
0x143: {  	v26 =	vld [tilespmem:$0xF70];
	v61 =	vsub.f32 v1, v50;
	v3 =	vmin.f32 v3, v43;
	v5 =	vadd.f32 v10, v5  }
0x144: {  	v28 =	vld [tilespmem:$0x1370];
	v56 =	vadd.f32 v11, v53;
	v10 =	vsub.f32 v2, v55;
	v11 =	vmul.f32 v18, v18  }
0x145: {  	v47 =	vld [tilespmem:$0xFC0];
	v3 =	vmin.f32 v3, v4;
	v4 =	vmul.f32 v60, v60;
	v8 =	vmul.f32 v8, v8  }
0x146: {  	v6 =	vmul.f32 v6, v6;
	v12 =	vsub.f32 v1, v38;
	v60 =	vsub.f32 v2, v49  }
0x147: {  	v24 =	vld [tilespmem:$0x1360];
	v3 =	vmin.f32 v3, v5;
	v5 =	vmul.f32 v62, v62;
	v10 =	vmul.f32 v10, v10  }
0x148: {  	v62 =	vsub.f32 v2, v51;
	v3 =	vmin.f32 v3, v56;
	v4 =	vadd.f32 v7, v4  }
0x149: {  	v53 =	vld [tilespmem:$0xFE0];
	v27 =	vadd.f32 v6, v8;
	v8 =	vmul.f32 v30, v30;
	v7 =	vsub.f32 v1, v26  }
0x14a: {  	v6 =	vsub.f32 v2, v28;
	v52 =	vmul.f32 v12, v12;
	v59 =	vsub.f32 v1, v47  }
0x14b: {  	v41 =	vld [tilespmem:$0xFB0];
	v3 =	vmin.f32 v3, v58;
	v5 =	vadd.f32 v11, v5;
	v25 =	vadd.f32 v10, v22  }
0x14c: {  	v43 =	vld [tilespmem:$0x13B0];
	v11 =	vsub.f32 v2, v24;
	v10 =	vmul.f32 v33, v33;
	v9 =	vmul.f32 v62, v62  }
0x14d: {  	v39 =	vld [tilespmem:$0x13A0];
	v3 =	vmin.f32 v3, v4;
	v4 =	vmul.f32 v29, v29;
	v7 =	vmul.f32 v7, v7  }
0x14e: {  	v6 =	vmul.f32 v6, v6;
	v63 =	vsub.f32 v1, v53;
	v3 =	vmin.f32 v3, v5  }
0x14f: {  	v56 =	vld [tilespmem:$0xFF0];
	v5 =	vmul.f32 v31, v31;
	v11 =	vmul.f32 v11, v11;
	v4 =	vadd.f32 v8, v4  }
0x150: {  	v3 =	vmin.f32 v3, v25;
	v42 =	vadd.f32 v6, v7;
	v8 =	vsub.f32 v1, v41  }
0x151: {  	v7 =	vmul.f32 v45, v45;
	v6 =	vsub.f32 v2, v43;
	v5 =	vadd.f32 v10, v5  }
0x152: {  	v3 =	vmin.f32 v3, v27;
	v40 =	vadd.f32 v11, v37;
	v10 =	vsub.f32 v2, v39  }
0x153: {  	v54 =	vld [tilespmem:$0x13E0];
	v11 =	vmul.f32 v48, v48;
	v3 =	vmin.f32 v3, v4;
	v4 =	vmul.f32 v44, v44  }
0x154: {  	v58 =	vld [tilespmem:$0x13F0];
	v1 =	vsub.f32 v1, v56;
	v8 =	vmul.f32 v8, v8;
	v6 =	vmul.f32 v6, v6  }
0x155: {  	v3 =	vmin.f32 v3, v5;
	v5 =	vmul.f32 v46, v46;
	v10 =	vmul.f32 v10, v10  }
0x156: {  	v1 =	vmul.f32 v1, v1;
	v3 =	vmin.f32 v3, v40;
	v4 =	vadd.f32 v7, v4  }
0x157: {  	v57 =	vadd.f32 v6, v8;
	v8 =	vmul.f32 v60, v60;
	v5 =	vadd.f32 v11, v5  }
0x158: {  	v3 =	vmin.f32 v3, v42;
	v55 =	vadd.f32 v10, v52;
	v11 =	vsub.f32 v2, v54  }
0x159: {  	v2 =	vsub.f32 v2, v58;
	v3 =	vmin.f32 v3, v4;
	v4 =	vmul.f32 v59, v59  }
0x15a: {  	v10 =	vmul.f32 v63, v63;
	v3 =	vmin.f32 v3, v5;
	v5 =	vmul.f32 v61, v61  }
0x15b: {  	v12 =	vmul.f32 v11, v11;
	v3 =	vmin.f32 v3, v55;
	v4 =	vadd.f32 v8, v4  }
0x15c: {  	v2 =	vmul.f32 v2, v2;
	v3 =	vmin.f32 v3, v57;
	v5 =	vadd.f32 v9, v5  }
0x15d: {  	v13 =	vadd.f32 v12, v10;
	v3 =	vmin.f32 v3, v4  }
0x15e: {  	v1 =	vadd.f32 v2, v1;
	v3 =	vmin.f32 v3, v5  }
0x15f: {  	v2 =	vmin.f32 v3, v13  }
0x160: {  	v1 =	vmin.f32 v2, v1  }
0x161: {  	v1 =	vmax.f32 v1, $1.000000000e-30  }
0x162: {  	v2 =	vshra.s32 v1, $0x1;
	v3 =	vmul.f32 $5.000000000e-01, v1  }
0x163: {  	v2 =	vsub.s32 $0x5F3759DF, v2  }
0x164: {  	v14 =	vmul.f32 v2, v3;
	_ =	sdelay $0x1  }
0x165: {  	v4 =	vmul.f32 v2, v14;
	_ =	sdelay $0x1  }
0x166: {  	v4 =	vsub.f32 $1.500000000e+00, v4;
	_ =	sdelay $0x1  }
0x167: {  	v2 =	vmul.f32 v2, v4;
	_ =	sdelay $0x1  }
0x168: {  	v4 =	vmul.f32 v2, v3;
	_ =	sdelay $0x1  }
0x169: {  	v4 =	vmul.f32 v4, v2;
	_ =	sdelay $0x1  }
0x16a: {  	v4 =	vsub.f32 $1.500000000e+00, v4;
	_ =	sdelay $0x1  }
0x16b: {  	v2 =	vmul.f32 v4, v2;
	_ =	sdelay $0x1  }
0x16c: {  	v3 =	vmul.f32 v2, v3;
	_ =	sdelay $0x1  }
0x16d: {  	v3 =	vmul.f32 v3, v2;
	_ =	sdelay $0x1  }
0x16e: {  	v3 =	vsub.f32 $1.500000000e+00, v3;
	_ =	sdelay $0x1  }
0x16f: {  	v2 =	vmul.f32 v3, v2;
	_ =	sdelay $0x1  }
0x170: {  	v1 =	vmul.f32 v2, v1;
	_ =	sdelay $0x1  }
0x171: {  	v1 =	vsub.f32 $0.0e+00, v1;
	_ =	sdelay $0x1  }
0x172: {  	v1 =	vmul.f32 v1, v0;
	_ =	sdelay $0x1  }
0x173: {  	v1 =	vmul.f32 $1.442695020e+00, v1;
	_ =	sdelay $0x1  }
0x174: {  	(erf) = vpow2.f32 v1;
	_ =	sdelay $0x8  }
0x175: {  	v1 =	vpop (erf)  }
0x176: {  	v1 =	vmul.f32 $1.000000000e+01, v1;
	_ =	sdelay $0x1  }
0x177: {  	[tilespmem:s16+$0xFFFFFFF0] =	vst v1  }
0x178: {  	v2 =	vld [tilespmem:s19+$0x0]  }
0x179: {  	v1 =	vld [tilespmem:s18+$0x0]  }
0x17a: {  	v3 =	vld [tilespmem:$0x400]  }
0x17b: {  	v15 =	vld [tilespmem:$0x800]  }
0x17c: {  	v16 =	vld [tilespmem:$0x410]  }
0x17d: {  	v17 =	vld [tilespmem:$0x810]  }
0x17e: {  	v18 =	vld [tilespmem:$0x420]  }
0x17f: {  	v19 =	vld [tilespmem:$0x820]  }
0x180: {  	v20 =	vld [tilespmem:$0x430]  }
0x181: {  	v21 =	vld [tilespmem:$0x830]  }
0x182: {  	v22 =	vld [tilespmem:$0x440]  }
0x183: {  	v23 =	vld [tilespmem:$0x840]  }
0x184: {  	v24 =	vld [tilespmem:$0x450]  }
0x185: {  	v25 =	vld [tilespmem:$0x850]  }
0x186: {  	v28 =	vld [tilespmem:$0x460]  }
0x187: {  	v31 =	vld [tilespmem:$0x860]  }
0x188: {  	v38 =	vld [tilespmem:$0x480]  }
0x189: {  	v40 =	vld [tilespmem:$0x880];
	v3 =	vsub.f32 v2, v3  }
0x18a: {  	v41 =	vld [tilespmem:$0x490];
	v4 =	vsub.f32 v1, v15;
	v5 =	vsub.f32 v2, v16  }
0x18b: {  	v42 =	vld [tilespmem:$0x890];
	v6 =	vsub.f32 v1, v17;
	v7 =	vsub.f32 v2, v18  }
0x18c: {  	v53 =	vld [tilespmem:$0x4C0];
	v8 =	vsub.f32 v1, v19;
	v9 =	vsub.f32 v2, v20  }
0x18d: {  	v55 =	vld [tilespmem:$0x8C0];
	v10 =	vsub.f32 v1, v21;
	v35 =	vsub.f32 v2, v22  }
0x18e: {  	v56 =	vld [tilespmem:$0x4D0];
	v36 =	vsub.f32 v1, v23;
	v37 =	vsub.f32 v2, v24  }
0x18f: {  	v57 =	vld [tilespmem:$0x8D0];
	v39 =	vsub.f32 v1, v25;
	v50 =	vsub.f32 v2, v38  }
0x190: {  	v32 =	vld [tilespmem:$0x470];
	v51 =	vsub.f32 v1, v40;
	v52 =	vsub.f32 v2, v41  }
0x191: {  	v34 =	vld [tilespmem:$0x870];
	v54 =	vsub.f32 v1, v42;
	v18 =	vsub.f32 v2, v53  }
0x192: {  	v44 =	vld [tilespmem:$0x4A0];
	v19 =	vsub.f32 v1, v55;
	v3 =	vmul.f32 v3, v3;
	v4 =	vmul.f32 v4, v4  }
0x193: {  	v45 =	vld [tilespmem:$0x8A0];
	v20 =	vsub.f32 v2, v56;
	v5 =	vmul.f32 v5, v5;
	v6 =	vmul.f32 v6, v6  }
0x194: {  	v47 =	vld [tilespmem:$0x4B0];
	v22 =	vsub.f32 v1, v57;
	v26 =	vmul.f32 v7, v7;
	v27 =	vmul.f32 v8, v8  }
0x195: {  	v23 =	vld [tilespmem:$0x900];
	v29 =	vmul.f32 v9, v9;
	v30 =	vmul.f32 v10, v10;
	v8 =	vsub.f32 v2, v28  }
0x196: {  	v49 =	vld [tilespmem:$0x8B0];
	v9 =	vmul.f32 v36, v36;
	v10 =	vsub.f32 v1, v31;
	v7 =	vsub.f32 v2, v32  }
0x197: {  	v60 =	vld [tilespmem:$0x4E0];
	v12 =	vmul.f32 v39, v39;
	v3 =	vadd.f32 v4, v3;
	v5 =	vadd.f32 v6, v5  }
0x198: {  	v25 =	vld [tilespmem:$0x910];
	v11 =	vmul.f32 v54, v54;
	v4 =	vadd.f32 v27, v26;
	v33 =	vadd.f32 v30, v29  }
0x199: {  	v24 =	vld [tilespmem:$0x510];
	v6 =	vsub.f32 v1, v34;
	v8 =	vmul.f32 v8, v8;
	v43 =	vmul.f32 v10, v10  }
0x19a: {  	v63 =	vld [tilespmem:$0x4F0];
	v7 =	vmul.f32 v7, v7;
	v10 =	vsub.f32 v2, v44;
	v34 =	vsub.f32 v1, v23  }
0x19b: {  	v21 =	vld [tilespmem:$0x500];
	v3 =	vmin.f32 v3, v5;
	v5 =	vmul.f32 v37, v37;
	v6 =	vmul.f32 v6, v6  }
0x19c: {  	v38 =	vld [tilespmem:$0x940];
	v46 =	vadd.f32 v43, v8;
	v8 =	vsub.f32 v2, v47;
	v58 =	vmul.f32 v10, v10  }
0x19d: {  	v17 =	vld [tilespmem:$0x8F0];
	v10 =	vmul.f32 v22, v22;
	v37 =	vsub.f32 v1, v25;
	v3 =	vmin.f32 v3, v4  }
0x19e: {  	v39 =	vld [tilespmem:$0x550];
	v4 =	vmul.f32 v35, v35;
	v35 =	vsub.f32 v2, v24;
	v5 =	vadd.f32 v12, v5  }
0x19f: {  	v40 =	vld [tilespmem:$0x950];
	v3 =	vmin.f32 v3, v33;
	v48 =	vadd.f32 v6, v7;
	v12 =	vsub.f32 v1, v45  }
0x1a0: {  	v27 =	vld [tilespmem:$0x520];
	v7 =	vmul.f32 v51, v51;
	v6 =	vsub.f32 v1, v49;
	v33 =	vsub.f32 v2, v21  }
0x1a1: {  	v54 =	vld [tilespmem:$0x590];
	v8 =	vmul.f32 v8, v8;
	v49 =	vsub.f32 v1, v38;
	v4 =	vadd.f32 v9, v4  }
0x1a2: {  	v55 =	vld [tilespmem:$0x990];
	v59 =	vmul.f32 v12, v12;
	v6 =	vmul.f32 v6, v6;
	v12 =	vsub.f32 v2, v60  }
0x1a3: {  	v51 =	vld [tilespmem:$0x580];
	v3 =	vmin.f32 v3, v4;
	v4 =	vmul.f32 v50, v50;
	v50 =	vsub.f32 v2, v39  }
0x1a4: {  	v61 =	vld [tilespmem:$0x8E0];
	v3 =	vmin.f32 v3, v5;
	v62 =	vadd.f32 v59, v58;
	v16 =	vadd.f32 v6, v8  }
0x1a5: {  	v36 =	vld [tilespmem:$0x540];
	v6 =	vsub.f32 v1, v17;
	v26 =	vmul.f32 v12, v12;
	v12 =	vsub.f32 v2, v27  }
0x1a6: {  	v42 =	vld [tilespmem:$0x560];
	v5 =	vmul.f32 v52, v52;
	v52 =	vsub.f32 v1, v40;
	v17 =	vsub.f32 v2, v54  }
0x1a7: {  	v57 =	vld [tilespmem:$0x5A0];
	v8 =	vmul.f32 v19, v19;
	v19 =	vsub.f32 v1, v55;
	v4 =	vadd.f32 v7, v4  }
0x1a8: {  	v32 =	vld [tilespmem:$0x930];
	v3 =	vmin.f32 v3, v46;
	v7 =	vsub.f32 v2, v63;
	v63 =	vsub.f32 v2, v51  }
0x1a9: {  	v30 =	vld [tilespmem:$0x530];
	v3 =	vmin.f32 v3, v48;
	v5 =	vadd.f32 v11, v5;
	v11 =	vsub.f32 v1, v61  }
0x1aa: {  	v21 =	vld [tilespmem:$0x5D0];
	v6 =	vmul.f32 v6, v6;
	v41 =	vmul.f32 v12, v12;
	v48 =	vsub.f32 v2, v36  }
0x1ab: {  	v22 =	vld [tilespmem:$0x9D0];
	v12 =	vsub.f32 v2, v42;
	v3 =	vmin.f32 v3, v4;
	v4 =	vmul.f32 v18, v18  }
0x1ac: {  	v28 =	vld [tilespmem:$0x920];
	v7 =	vmul.f32 v7, v7;
	v3 =	vmin.f32 v3, v5;
	v5 =	vmul.f32 v20, v20  }
0x1ad: {  	v53 =	vld [tilespmem:$0x980];
	v56 =	vmul.f32 v12, v12;
	v12 =	vsub.f32 v2, v57;
	v4 =	vadd.f32 v8, v4  }
0x1ae: {  	v24 =	vld [tilespmem:$0x5E0];
	v11 =	vmul.f32 v11, v11;
	v31 =	vadd.f32 v6, v7;
	v8 =	vsub.f32 v2, v30  }
0x1af: {  	v47 =	vld [tilespmem:$0x970];
	v3 =	vmin.f32 v3, v62;
	v6 =	vsub.f32 v1, v32;
	v32 =	vsub.f32 v2, v21  }
0x1b0: {  	v18 =	vld [tilespmem:$0x5C0];
	v7 =	vmul.f32 v34, v34;
	v34 =	vsub.f32 v1, v22;
	v5 =	vadd.f32 v10, v5  }
0x1b1: {  	v39 =	vld [tilespmem:$0x620];
	v3 =	vmin.f32 v3, v16;
	v29 =	vadd.f32 v11, v26;
	v10 =	vsub.f32 v1, v28  }
0x1b2: {  	v45 =	vld [tilespmem:$0x570];
	v11 =	vmul.f32 v37, v37;
	v16 =	vsub.f32 v1, v53;
	v23 =	vmul.f32 v12, v12  }
0x1b3: {  	v36 =	vld [tilespmem:$0x610];
	v12 =	vsub.f32 v2, v24;
	v3 =	vmin.f32 v3, v4;
	v4 =	vmul.f32 v33, v33  }
0x1b4: {  	v43 =	vld [tilespmem:$0x960];
	v8 =	vmul.f32 v8, v8;
	v6 =	vmul.f32 v6, v6;
	v3 =	vmin.f32 v3, v5  }
0x1b5: {  	v20 =	vld [tilespmem:$0x9C0];
	v5 =	vmul.f32 v35, v35;
	v10 =	vmul.f32 v10, v10;
	v30 =	vsub.f32 v2, v18  }
0x1b6: {  	v54 =	vld [tilespmem:$0x660];
	v38 =	vmul.f32 v12, v12;
	v12 =	vsub.f32 v2, v39;
	v4 =	vadd.f32 v7, v4  }
0x1b7: {  	v22 =	vld [tilespmem:$0x6A0];
	v3 =	vmin.f32 v3, v29;
	v46 =	vadd.f32 v6, v8;
	v7 =	vsub.f32 v2, v45  }
0x1b8: {  	v37 =	vld [tilespmem:$0xA10];
	v8 =	vmul.f32 v49, v49;
	v6 =	vsub.f32 v1, v47;
	v47 =	vsub.f32 v2, v36  }
0x1b9: {  	v33 =	vld [tilespmem:$0x600];
	v3 =	vmin.f32 v3, v31;
	v5 =	vadd.f32 v11, v5;
	v44 =	vadd.f32 v10, v41  }
0x1ba: {  	v60 =	vld [tilespmem:$0x5B0];
	v11 =	vsub.f32 v1, v43;
	v10 =	vmul.f32 v52, v52;
	v31 =	vsub.f32 v1, v20  }
0x1bb: {  	v62 =	vld [tilespmem:$0x9B0];
	v53 =	vmul.f32 v12, v12;
	v3 =	vmin.f32 v3, v4;
	v4 =	vmul.f32 v48, v48  }
0x1bc: {  	v51 =	vld [tilespmem:$0x650];
	v12 =	vsub.f32 v2, v54;
	v7 =	vmul.f32 v7, v7;
	v6 =	vmul.f32 v6, v6  }
0x1bd: {  	v58 =	vld [tilespmem:$0x9A0];
	v49 =	vsub.f32 v1, v37;
	v3 =	vmin.f32 v3, v5;
	v5 =	vmul.f32 v50, v50  }
0x1be: {  	v35 =	vld [tilespmem:$0xA00];
	v45 =	vsub.f32 v2, v33;
	v21 =	vmul.f32 v12, v12;
	v12 =	vsub.f32 v2, v22  }
0x1bf: {  	v52 =	vld [tilespmem:$0xA50];
	v11 =	vmul.f32 v11, v11;
	v4 =	vadd.f32 v8, v4;
	v61 =	vadd.f32 v6, v7  }
0x1c0: {  	v48 =	vld [tilespmem:$0x640];
	v3 =	vmin.f32 v3, v44;
	v8 =	vsub.f32 v2, v60;
	v6 =	vsub.f32 v1, v62  }
0x1c1: {  	v37 =	vld [tilespmem:$0x6E0];
	v7 =	vmul.f32 v16, v16;
	v62 =	vsub.f32 v2, v51;
	v5 =	vadd.f32 v10, v5  }
0x1c2: {  	v27 =	vld [tilespmem:$0x5F0];
	v3 =	vmin.f32 v3, v46;
	v59 =	vadd.f32 v11, v56;
	v10 =	vsub.f32 v1, v58  }
0x1c3: {  	v29 =	vld [tilespmem:$0x9F0];
	v11 =	vmul.f32 v19, v19;
	v46 =	vsub.f32 v1, v35;
	v36 =	vmul.f32 v12, v12  }
0x1c4: {  	v18 =	vld [tilespmem:$0xA80];
	v3 =	vmin.f32 v3, v4;
	v4 =	vmul.f32 v63, v63;
	v8 =	vmul.f32 v8, v8  }
0x1c5: {  	v25 =	vld [tilespmem:$0x9E0];
	v6 =	vmul.f32 v6, v6;
	v3 =	vmin.f32 v3, v5;
	v60 =	vsub.f32 v2, v48  }
0x1c6: {  	v50 =	vld [tilespmem:$0xA40];
	v5 =	vmul.f32 v17, v17;
	v17 =	vsub.f32 v1, v52;
	v12 =	vsub.f32 v2, v37  }
0x1c7: {  	v42 =	vld [tilespmem:$0x630];
	v10 =	vmul.f32 v10, v10;
	v4 =	vadd.f32 v7, v4;
	v28 =	vadd.f32 v6, v8  }
0x1c8: {  	v19 =	vld [tilespmem:$0x690];
	v3 =	vmin.f32 v3, v59;
	v7 =	vsub.f32 v2, v27;
	v6 =	vsub.f32 v1, v29  }
0x1c9: {  	v20 =	vld [tilespmem:$0xA90];
	v8 =	vmul.f32 v31, v31;
	v29 =	vsub.f32 v1, v18;
	v5 =	vadd.f32 v11, v5  }
0x1ca: {  	v33 =	vld [tilespmem:$0xAC0];
	v3 =	vmin.f32 v3, v61;
	v26 =	vadd.f32 v10, v23;
	v11 =	vsub.f32 v1, v25  }
0x1cb: {  	v44 =	vld [tilespmem:$0xA30];
	v10 =	vmul.f32 v34, v34;
	v61 =	vsub.f32 v1, v50;
	v51 =	vmul.f32 v12, v12  }
0x1cc: {  	v52 =	vld [tilespmem:$0x720];
	v3 =	vmin.f32 v3, v4;
	v4 =	vmul.f32 v30, v30;
	v7 =	vmul.f32 v7, v7  }
0x1cd: {  	v40 =	vld [tilespmem:$0xA20];
	v6 =	vmul.f32 v6, v6;
	v30 =	vsub.f32 v2, v19;
	v3 =	vmin.f32 v3, v5  }
0x1ce: {  	v55 =	vld [tilespmem:$0xA60];
	v5 =	vmul.f32 v32, v32;
	v32 =	vsub.f32 v1, v20;
	v4 =	vadd.f32 v8, v4  }
0x1cf: {  	v63 =	vld [tilespmem:$0x680];
	v11 =	vmul.f32 v11, v11;
	v43 =	vadd.f32 v6, v7;
	v8 =	vsub.f32 v2, v42  }
0x1d0: {  	v34 =	vld [tilespmem:$0x6D0];
	v3 =	vmin.f32 v3, v26;
	v6 =	vsub.f32 v1, v44;
	v44 =	vsub.f32 v1, v33  }
0x1d1: {  	v35 =	vld [tilespmem:$0xAD0];
	v7 =	vmul.f32 v46, v46;
	v12 =	vsub.f32 v2, v52;
	v5 =	vadd.f32 v10, v5  }
0x1d2: {  	v57 =	vld [tilespmem:$0x670];
	v3 =	vmin.f32 v3, v28;
	v41 =	vadd.f32 v11, v38;
	v10 =	vsub.f32 v1, v40  }
0x1d3: {  	v59 =	vld [tilespmem:$0xA70];
	v11 =	vmul.f32 v49, v49;
	v3 =	vmin.f32 v3, v4;
	v4 =	vmul.f32 v45, v45  }
0x1d4: {  	v48 =	vld [tilespmem:$0xB00];
	v28 =	vsub.f32 v2, v63;
	v8 =	vmul.f32 v8, v8;
	v6 =	vmul.f32 v6, v6  }
0x1d5: {  	v27 =	vld [tilespmem:$0xAB0];
	v45 =	vsub.f32 v2, v34;
	v20 =	vmul.f32 v12, v12;
	v3 =	vmin.f32 v3, v5  }
0x1d6: {  	v31 =	vld [tilespmem:$0x6C0];
	v5 =	vmul.f32 v47, v47;
	v10 =	vmul.f32 v10, v10;
	v47 =	vsub.f32 v1, v35  }
0x1d7: {  	v19 =	vld [tilespmem:$0xB50];
	v3 =	vmin.f32 v3, v41;
	v4 =	vadd.f32 v7, v4;
	v58 =	vadd.f32 v6, v8  }
0x1d8: {  	v49 =	vld [tilespmem:$0x710];
	v8 =	vmul.f32 v61, v61;
	v7 =	vsub.f32 v2, v57;
	v6 =	vsub.f32 v1, v59  }
0x1d9: {  	v50 =	vld [tilespmem:$0xB10];
	v59 =	vsub.f32 v1, v48;
	v3 =	vmin.f32 v3, v43;
	v5 =	vadd.f32 v11, v5  }
0x1da: {  	v25 =	vld [tilespmem:$0x6B0];
	v56 =	vadd.f32 v10, v53;
	v11 =	vsub.f32 v1, v55;
	v10 =	vmul.f32 v17, v17  }
0x1db: {  	v18 =	vld [tilespmem:$0x750];
	v43 =	vsub.f32 v2, v31;
	v3 =	vmin.f32 v3, v4;
	v4 =	vmul.f32 v60, v60  }
0x1dc: {  	v23 =	vld [tilespmem:$0xAA0];
	v31 =	vsub.f32 v1, v19;
	v7 =	vmul.f32 v7, v7;
	v6 =	vmul.f32 v6, v6  }
0x1dd: {  	v46 =	vld [tilespmem:$0x700];
	v60 =	vsub.f32 v2, v49;
	v3 =	vmin.f32 v3, v5;
	v5 =	vmul.f32 v62, v62  }
0x1de: {  	v61 =	vld [tilespmem:$0x740];
	v11 =	vmul.f32 v11, v11;
	v62 =	vsub.f32 v1, v50;
	v4 =	vadd.f32 v8, v4  }
0x1df: {  	v34 =	vld [tilespmem:$0xB90];
	v3 =	vmin.f32 v3, v56;
	v26 =	vadd.f32 v6, v7;
	v8 =	vsub.f32 v2, v25  }
0x1e0: {  	v63 =	vld [tilespmem:$0xB40];
	v7 =	vmul.f32 v29, v29;
	v6 =	vsub.f32 v1, v27;
	v29 =	vsub.f32 v2, v18  }
0x1e1: {  	v42 =	vld [tilespmem:$0xAF0];
	v3 =	vmin.f32 v3, v58;
	v5 =	vadd.f32 v10, v5;
	v24 =	vadd.f32 v11, v21  }
0x1e2: {  	v40 =	vld [tilespmem:$0x6F0];
	v10 =	vsub.f32 v1, v23;
	v11 =	vmul.f32 v32, v32;
	v58 =	vsub.f32 v2, v46  }
0x1e3: {  	v33 =	vld [tilespmem:$0x790];
	v27 =	vsub.f32 v2, v61;
	v3 =	vmin.f32 v3, v4;
	v4 =	vmul.f32 v28, v28  }
0x1e4: {  	v38 =	vld [tilespmem:$0xAE0];
	v46 =	vsub.f32 v1, v34;
	v8 =	vmul.f32 v8, v8;
	v6 =	vmul.f32 v6, v6  }
0x1e5: {  	v28 =	vsub.f32 v1, v63;
	v3 =	vmin.f32 v3, v5;
	v5 =	vmul.f32 v30, v30  }
0x1e6: {  	v21 =	vld [tilespmem:$0x760];
	v10 =	vmul.f32 v10, v10;
	v4 =	vadd.f32 v7, v4;
	v41 =	vadd.f32 v6, v8  }
0x1e7: {  	v32 =	vld [tilespmem:$0xB80];
	v3 =	vmin.f32 v3, v24;
	v7 =	vsub.f32 v2, v40;
	v6 =	vsub.f32 v1, v42  }
0x1e8: {  	v57 =	vld [tilespmem:$0xB30];
	v8 =	vmul.f32 v44, v44;
	v44 =	vsub.f32 v2, v33;
	v5 =	vadd.f32 v11, v5  }
0x1e9: {  	v55 =	vld [tilespmem:$0x730];
	v3 =	vmin.f32 v3, v26;
	v39 =	vadd.f32 v10, v36;
	v11 =	vsub.f32 v1, v38  }
0x1ea: {  	v30 =	vld [tilespmem:$0x780];
	v10 =	vmul.f32 v47, v47;
	v3 =	vmin.f32 v3, v4;
	v4 =	vmul.f32 v43, v43  }
0x1eb: {  	v48 =	vld [tilespmem:$0x7D0];
	v7 =	vmul.f32 v7, v7;
	v6 =	vmul.f32 v6, v6;
	v12 =	vsub.f32 v2, v21  }
0x1ec: {  	v53 =	vld [tilespmem:$0xB20];
	v43 =	vsub.f32 v1, v32;
	v3 =	vmin.f32 v3, v5;
	v5 =	vmul.f32 v45, v45  }
0x1ed: {  	v36 =	vld [tilespmem:$0x7A0];
	v11 =	vmul.f32 v11, v11;
	v3 =	vmin.f32 v3, v39;
	v4 =	vadd.f32 v8, v4  }
0x1ee: {  	v47 =	vld [tilespmem:$0xBC0];
	v56 =	vadd.f32 v6, v7;
	v7 =	vmul.f32 v59, v59;
	v8 =	vsub.f32 v2, v55  }
0x1ef: {  	v6 =	vsub.f32 v1, v57;
	v35 =	vmul.f32 v12, v12;
	v42 =	vsub.f32 v2, v30  }
0x1f0: {  	v49 =	vld [tilespmem:$0xBD0];
	v59 =	vsub.f32 v2, v48;
	v3 =	vmin.f32 v3, v41;
	v5 =	vadd.f32 v10, v5  }
0x1f1: {  	v24 =	vld [tilespmem:$0x770];
	v54 =	vadd.f32 v11, v51;
	v10 =	vsub.f32 v1, v53;
	v11 =	vmul.f32 v62, v62  }
0x1f2: {  	v26 =	vld [tilespmem:$0xB70];
	v3 =	vmin.f32 v3, v4;
	v4 =	vmul.f32 v58, v58;
	v8 =	vmul.f32 v8, v8  }
0x1f3: {  	v6 =	vmul.f32 v6, v6;
	v12 =	vsub.f32 v2, v36;
	v58 =	vsub.f32 v1, v47  }
0x1f4: {  	v3 =	vmin.f32 v3, v5;
	v5 =	vmul.f32 v60, v60;
	v10 =	vmul.f32 v10, v10  }
0x1f5: {  	v22 =	vld [tilespmem:$0xB60];
	v60 =	vsub.f32 v1, v49;
	v3 =	vmin.f32 v3, v54;
	v4 =	vadd.f32 v7, v4  }
0x1f6: {  	v51 =	vld [tilespmem:$0x7E0];
	v25 =	vadd.f32 v6, v8;
	v8 =	vmul.f32 v28, v28;
	v7 =	vsub.f32 v2, v24  }
0x1f7: {  	v6 =	vsub.f32 v1, v26;
	v50 =	vmul.f32 v12, v12;
	v3 =	vmin.f32 v3, v56  }
0x1f8: {  	v39 =	vld [tilespmem:$0x7B0];
	v5 =	vadd.f32 v11, v5;
	v23 =	vadd.f32 v10, v20;
	v10 =	vmul.f32 v31, v31  }
0x1f9: {  	v41 =	vld [tilespmem:$0xBB0];
	v9 =	vmul.f32 v60, v60;
	v3 =	vmin.f32 v3, v4;
	v4 =	vmul.f32 v27, v27  }
0x1fa: {  	v37 =	vld [tilespmem:$0xBA0];
	v11 =	vsub.f32 v1, v22;
	v7 =	vmul.f32 v7, v7;
	v6 =	vmul.f32 v6, v6  }
0x1fb: {  	v61 =	vsub.f32 v2, v51;
	v3 =	vmin.f32 v3, v5;
	v5 =	vmul.f32 v29, v29  }
0x1fc: {  	v45 =	vld [tilespmem:$0x7C0];
	v11 =	vmul.f32 v11, v11;
	v3 =	vmin.f32 v3, v23;
	v4 =	vadd.f32 v8, v4  }
0x1fd: {  	v40 =	vadd.f32 v6, v7;
	v7 =	vmul.f32 v43, v43;
	v8 =	vsub.f32 v2, v39  }
0x1fe: {  	v54 =	vld [tilespmem:$0x7F0];
	v6 =	vsub.f32 v1, v41;
	v62 =	vmul.f32 v61, v61;
	v5 =	vadd.f32 v10, v5  }
0x1ff: {  	v56 =	vld [tilespmem:$0xBF0];
	v3 =	vmin.f32 v3, v25;
	v38 =	vadd.f32 v11, v35;
	v10 =	vsub.f32 v1, v37  }
0x200: {  	v11 =	vmul.f32 v46, v46;
	v3 =	vmin.f32 v3, v4;
	v4 =	vmul.f32 v42, v42  }
0x201: {  	v52 =	vld [tilespmem:$0xBE0];
	v57 =	vsub.f32 v2, v45;
	v8 =	vmul.f32 v8, v8;
	v6 =	vmul.f32 v6, v6  }
0x202: {  	v3 =	vmin.f32 v3, v5;
	v5 =	vmul.f32 v44, v44;
	v10 =	vmul.f32 v10, v10  }
0x203: {  	v3 =	vmin.f32 v3, v38;
	v4 =	vadd.f32 v7, v4;
	v55 =	vadd.f32 v6, v8  }
0x204: {  	v8 =	vmul.f32 v58, v58;
	v7 =	vsub.f32 v2, v54;
	v6 =	vsub.f32 v1, v56  }
0x205: {  	v3 =	vmin.f32 v3, v40;
	v5 =	vadd.f32 v11, v5;
	v53 =	vadd.f32 v10, v50  }
0x206: {  	v11 =	vsub.f32 v1, v52;
	v3 =	vmin.f32 v3, v4;
	v4 =	vmul.f32 v57, v57  }
0x207: {  	v7 =	vmul.f32 v7, v7;
	v3 =	vmin.f32 v3, v5;
	v5 =	vmul.f32 v59, v59  }
0x208: {  	v63 =	vmul.f32 v11, v11;
	v3 =	vmin.f32 v3, v53;
	v4 =	vadd.f32 v8, v4  }
0x209: {  	v6 =	vmul.f32 v6, v6;
	v3 =	vmin.f32 v3, v55;
	v5 =	vadd.f32 v9, v5  }
0x20a: {  	v8 =	vadd.f32 v63, v62;
	v3 =	vmin.f32 v3, v4  }
0x20b: {  	v9 =	vadd.f32 v6, v7;
	v3 =	vmin.f32 v3, v5  }
0x20c: {  	v3 =	vmin.f32 v3, v8  }
0x20d: {  	v3 =	vmin.f32 v3, v9  }
0x20e: {  	v3 =	vmax.f32 v3, $1.000000000e-30  }
0x20f: {  	v10 =	vshra.s32 v3, $0x1;
	v11 =	vmul.f32 $5.000000000e-01, v3  }
0x210: {  	v4 =	vsub.s32 $0x5F3759DF, v10  }
0x211: {  	v12 =	vmul.f32 v4, v11;
	_ =	sdelay $0x1  }
0x212: {  	v6 =	vmul.f32 v4, v12;
	_ =	sdelay $0x1  }
0x213: {  	v6 =	vsub.f32 $1.500000000e+00, v6;
	_ =	sdelay $0x1  }
0x214: {  	v4 =	vmul.f32 v4, v6;
	_ =	sdelay $0x1  }
0x215: {  	v6 =	vmul.f32 v4, v11;
	_ =	sdelay $0x1  }
0x216: {  	v6 =	vmul.f32 v6, v4;
	_ =	sdelay $0x1  }
0x217: {  	v6 =	vsub.f32 $1.500000000e+00, v6;
	_ =	sdelay $0x1  }
0x218: {  	v4 =	vmul.f32 v6, v4;
	_ =	sdelay $0x1  }
0x219: {  	v5 =	vmul.f32 v4, v11;
	_ =	sdelay $0x1  }
0x21a: {  	v5 =	vmul.f32 v5, v4;
	_ =	sdelay $0x1  }
0x21b: {  	v5 =	vsub.f32 $1.500000000e+00, v5;
	_ =	sdelay $0x1  }
0x21c: {  	v4 =	vmul.f32 v5, v4;
	_ =	sdelay $0x1  }
0x21d: {  	v3 =	vmul.f32 v4, v3;
	_ =	sdelay $0x1  }
0x21e: {  	v3 =	vsub.f32 $0.0e+00, v3;
	_ =	sdelay $0x1  }
0x21f: {  	v3 =	vmul.f32 v3, v0;
	_ =	sdelay $0x1  }
0x220: {  	v3 =	vmul.f32 $1.442695020e+00, v3;
	_ =	sdelay $0x1  }
0x221: {  	(erf) = vpow2.f32 v3;
	_ =	sdelay $0x8  }
0x222: {  	v3 =	vpop (erf)  }
0x223: {  	v3 =	vmul.f32 $1.000000000e+01, v3;
	_ =	sdelay $0x1  }
0x224: {  	[tilespmem:s17+$0x0] =	vst v3  }
0x225: {  	v3 =	vld [tilespmem:$0xC00]  }
0x226: {  	v13 =	vld [tilespmem:$0x1000]  }
0x227: {  	v14 =	vld [tilespmem:$0xC10]  }
0x228: {  	v15 =	vld [tilespmem:$0x1010]  }
0x229: {  	v16 =	vld [tilespmem:$0xC20]  }
0x22a: {  	v17 =	vld [tilespmem:$0x1020]  }
0x22b: {  	v18 =	vld [tilespmem:$0xC30]  }
0x22c: {  	v19 =	vld [tilespmem:$0x1030]  }
0x22d: {  	v20 =	vld [tilespmem:$0xC40]  }
0x22e: {  	v21 =	vld [tilespmem:$0x1040]  }
0x22f: {  	v22 =	vld [tilespmem:$0xC50]  }
0x230: {  	v23 =	vld [tilespmem:$0x1050]  }
0x231: {  	v25 =	vld [tilespmem:$0xC60]  }
0x232: {  	v27 =	vld [tilespmem:$0x1060]  }
0x233: {  	v31 =	vld [tilespmem:$0xC70]  }
0x234: {  	v33 =	vld [tilespmem:$0x1070]  }
0x235: {  	v36 =	vld [tilespmem:$0xC80];
	v3 =	vsub.f32 v2, v3  }
0x236: {  	v37 =	vld [tilespmem:$0x1080];
	v4 =	vsub.f32 v1, v13;
	v5 =	vsub.f32 v2, v14  }
0x237: {  	v40 =	vld [tilespmem:$0xC90];
	v6 =	vsub.f32 v1, v15;
	v7 =	vsub.f32 v2, v16  }
0x238: {  	v41 =	vld [tilespmem:$0x1090];
	v8 =	vsub.f32 v1, v17;
	v28 =	vsub.f32 v2, v18  }
0x239: {  	v48 =	vld [tilespmem:$0xCB0];
	v29 =	vsub.f32 v1, v19;
	v30 =	vsub.f32 v2, v20  }
0x23a: {  	v50 =	vld [tilespmem:$0x10B0];
	v32 =	vsub.f32 v1, v21;
	v34 =	vsub.f32 v2, v22  }
0x23b: {  	v51 =	vld [tilespmem:$0xCC0];
	v35 =	vsub.f32 v1, v23;
	v45 =	vsub.f32 v2, v31  }
0x23c: {  	v52 =	vld [tilespmem:$0x10C0];
	v46 =	vsub.f32 v1, v33;
	v47 =	vsub.f32 v2, v36  }
0x23d: {  	v54 =	vld [tilespmem:$0xCD0];
	v49 =	vsub.f32 v1, v37;
	v13 =	vsub.f32 v2, v40  }
0x23e: {  	v43 =	vld [tilespmem:$0xCA0];
	v60 =	vsub.f32 v2, v48;
	v3 =	vmul.f32 v3, v3;
	v4 =	vmul.f32 v4, v4  }
0x23f: {  	v63 =	vld [tilespmem:$0xCF0];
	v61 =	vsub.f32 v1, v50;
	v5 =	vmul.f32 v5, v5;
	v6 =	vmul.f32 v6, v6  }
0x240: {  	v62 =	vsub.f32 v2, v51;
	v18 =	vld [tilespmem:$0x10F0];
	v7 =	vmul.f32 v7, v7;
	v8 =	vmul.f32 v8, v8  }
0x241: {  	v17 =	vsub.f32 v1, v52;
	v19 =	vld [tilespmem:$0xD00];
	v10 =	vmul.f32 v32, v32;
	v38 =	vmul.f32 v34, v34  }
0x242: {  	v20 =	vld [tilespmem:$0x1100];
	v39 =	vmul.f32 v35, v35;
	v53 =	vmul.f32 v13, v13;
	v13 =	vsub.f32 v2, v54  }
0x243: {  	v22 =	vld [tilespmem:$0xD10];
	v11 =	vmul.f32 v49, v49;
	v3 =	vadd.f32 v4, v3;
	v24 =	vadd.f32 v6, v5  }
0x244: {  	v44 =	vld [tilespmem:$0x10A0];
	v26 =	vadd.f32 v8, v7;
	v4 =	vmul.f32 v28, v28;
	v5 =	vsub.f32 v2, v25  }
0x245: {  	v55 =	vld [tilespmem:$0x10D0];
	v8 =	vmul.f32 v29, v29;
	v7 =	vsub.f32 v1, v27;
	v42 =	vadd.f32 v39, v38  }
0x246: {  	v31 =	vld [tilespmem:$0xD30];
	v6 =	vmul.f32 v30, v30;
	v28 =	vsub.f32 v2, v63;
	v29 =	vsub.f32 v1, v18  }
0x247: {  	v33 =	vld [tilespmem:$0x1130];
	v21 =	vmul.f32 v13, v13;
	v30 =	vsub.f32 v2, v19;
	v32 =	vsub.f32 v1, v20  }
0x248: {  	v37 =	vld [tilespmem:$0xD50];
	v13 =	vsub.f32 v2, v22;
	v3 =	vmin.f32 v3, v24;
	v4 =	vadd.f32 v8, v4  }
0x249: {  	v34 =	vld [tilespmem:$0xD40];
	v6 =	vadd.f32 v10, v6;
	v5 =	vmul.f32 v5, v5;
	v7 =	vmul.f32 v7, v7  }
0x24a: {  	v52 =	vld [tilespmem:$0xD90];
	v10 =	vsub.f32 v1, v41;
	v8 =	vsub.f32 v2, v43;
	v3 =	vmin.f32 v3, v26  }
0x24b: {  	v57 =	vld [tilespmem:$0xCE0];
	v43 =	vsub.f32 v2, v31;
	v36 =	vmul.f32 v13, v13;
	v3 =	vmin.f32 v3, v4  }
0x24c: {  	v19 =	vld [tilespmem:$0x11C0];
	v5 =	vadd.f32 v7, v5;
	v4 =	vmul.f32 v45, v45;
	v7 =	vmul.f32 v46, v46  }
0x24d: {  	v59 =	vld [tilespmem:$0x10E0];
	v13 =	vsub.f32 v2, v37;
	v10 =	vmul.f32 v10, v10;
	v8 =	vmul.f32 v8, v8  }
0x24e: {  	v35 =	vld [tilespmem:$0x1140];
	v45 =	vsub.f32 v2, v34;
	v3 =	vmin.f32 v3, v6;
	v6 =	vsub.f32 v1, v44  }
0x24f: {  	v49 =	vld [tilespmem:$0xD80];
	v44 =	vsub.f32 v1, v33;
	v51 =	vmul.f32 v13, v13;
	v13 =	vsub.f32 v2, v52  }
0x250: {  	v23 =	vld [tilespmem:$0x1110];
	v3 =	vmin.f32 v3, v42;
	v4 =	vadd.f32 v7, v4;
	v56 =	vadd.f32 v10, v53  }
0x251: {  	v48 =	vld [tilespmem:$0x1170];
	v10 =	vmul.f32 v17, v17;
	v7 =	vsub.f32 v2, v57;
	v31 =	vsub.f32 v1, v19  }
0x252: {  	v50 =	vld [tilespmem:$0x1180];
	v3 =	vmin.f32 v3, v5;
	v5 =	vmul.f32 v47, v47;
	v6 =	vmul.f32 v6, v6  }
0x253: {  	v25 =	vld [tilespmem:$0xD20];
	v47 =	vsub.f32 v1, v35;
	v20 =	vmul.f32 v13, v13;
	v3 =	vmin.f32 v3, v4  }
0x254: {  	v27 =	vld [tilespmem:$0x1120];
	v4 =	vmul.f32 v60, v60;
	v60 =	vsub.f32 v2, v49;
	v5 =	vadd.f32 v11, v5  }
0x255: {  	v63 =	vld [tilespmem:$0x11B0];
	v58 =	vadd.f32 v6, v8;
	v8 =	vmul.f32 v61, v61;
	v11 =	vsub.f32 v1, v55  }
0x256: {  	v18 =	vld [tilespmem:$0xDC0];
	v7 =	vmul.f32 v7, v7;
	v6 =	vsub.f32 v1, v59;
	v59 =	vsub.f32 v1, v48  }
0x257: {  	v46 =	vld [tilespmem:$0xD70];
	v3 =	vmin.f32 v3, v5;
	v5 =	vmul.f32 v62, v62;
	v4 =	vadd.f32 v8, v4  }
0x258: {  	v34 =	vld [tilespmem:$0x1200];
	v11 =	vmul.f32 v11, v11;
	v6 =	vmul.f32 v6, v6;
	v8 =	vsub.f32 v2, v25  }
0x259: {  	v61 =	vld [tilespmem:$0xDB0];
	v62 =	vsub.f32 v1, v50;
	v3 =	vmin.f32 v3, v56;
	v5 =	vadd.f32 v10, v5  }
0x25a: {  	v49 =	vld [tilespmem:$0x1240];
	v3 =	vmin.f32 v3, v58;
	v24 =	vadd.f32 v11, v21;
	v26 =	vadd.f32 v6, v7  }
0x25b: {  	v7 =	vmul.f32 v29, v29;
	v10 =	vsub.f32 v1, v23;
	v11 =	vmul.f32 v32, v32  }
0x25c: {  	v40 =	vld [tilespmem:$0xD60];
	v6 =	vsub.f32 v1, v27;
	v8 =	vmul.f32 v8, v8;
	v58 =	vsub.f32 v2, v46  }
0x25d: {  	v38 =	vld [tilespmem:$0x1150];
	v29 =	vsub.f32 v2, v18;
	v46 =	vsub.f32 v1, v34;
	v3 =	vmin.f32 v3, v4  }
0x25e: {  	v33 =	vld [tilespmem:$0xE00];
	v4 =	vmul.f32 v28, v28;
	v27 =	vsub.f32 v2, v61;
	v28 =	vsub.f32 v1, v63  }
0x25f: {  	v42 =	vld [tilespmem:$0x1160];
	v61 =	vsub.f32 v1, v49;
	v3 =	vmin.f32 v3, v5;
	v5 =	vmul.f32 v30, v30  }
0x260: {  	v21 =	vld [tilespmem:$0xDD0];
	v10 =	vmul.f32 v10, v10;
	v6 =	vmul.f32 v6, v6;
	v4 =	vadd.f32 v7, v4  }
0x261: {  	v32 =	vld [tilespmem:$0x11F0];
	v3 =	vmin.f32 v3, v24;
	v7 =	vsub.f32 v2, v40;
	v5 =	vadd.f32 v11, v5  }
0x262: {  	v55 =	vld [tilespmem:$0xDA0];
	v3 =	vmin.f32 v3, v26;
	v39 =	vadd.f32 v10, v36;
	v41 =	vadd.f32 v6, v8  }
0x263: {  	v30 =	vld [tilespmem:$0xDF0];
	v8 =	vmul.f32 v44, v44;
	v11 =	vsub.f32 v1, v38;
	v10 =	vmul.f32 v47, v47  }
0x264: {  	v18 =	vld [tilespmem:$0x1280];
	v6 =	vsub.f32 v1, v42;
	v44 =	vsub.f32 v2, v33;
	v3 =	vmin.f32 v3, v4  }
0x265: {  	v53 =	vld [tilespmem:$0x1190];
	v4 =	vmul.f32 v43, v43;
	v7 =	vmul.f32 v7, v7;
	v13 =	vsub.f32 v2, v21  }
0x266: {  	v57 =	vld [tilespmem:$0x11A0];
	v43 =	vsub.f32 v1, v32;
	v3 =	vmin.f32 v3, v5;
	v5 =	vmul.f32 v45, v45  }
0x267: {  	v48 =	vld [tilespmem:$0xE40];
	v11 =	vmul.f32 v11, v11;
	v6 =	vmul.f32 v6, v6;
	v4 =	vadd.f32 v8, v4  }
0x268: {  	v36 =	vld [tilespmem:$0xE10];
	v3 =	vmin.f32 v3, v39;
	v8 =	vsub.f32 v2, v55;
	v42 =	vsub.f32 v2, v30  }
0x269: {  	v47 =	vld [tilespmem:$0x1230];
	v35 =	vmul.f32 v13, v13;
	v30 =	vsub.f32 v1, v18;
	v5 =	vadd.f32 v10, v5  }
0x26a: {  	v24 =	vld [tilespmem:$0xDE0];
	v3 =	vmin.f32 v3, v41;
	v54 =	vadd.f32 v11, v51;
	v56 =	vadd.f32 v6, v7  }
0x26b: {  	v45 =	vld [tilespmem:$0xE30];
	v7 =	vmul.f32 v59, v59;
	v10 =	vsub.f32 v1, v53;
	v11 =	vmul.f32 v62, v62  }
0x26c: {  	v33 =	vld [tilespmem:$0x12C0];
	v6 =	vsub.f32 v1, v57;
	v59 =	vsub.f32 v2, v48;
	v3 =	vmin.f32 v3, v4  }
0x26d: {  	v22 =	vld [tilespmem:$0x11D0];
	v4 =	vmul.f32 v58, v58;
	v8 =	vmul.f32 v8, v8;
	v13 =	vsub.f32 v2, v36  }
0x26e: {  	v63 =	vld [tilespmem:$0xE80];
	v58 =	vsub.f32 v1, v47;
	v3 =	vmin.f32 v3, v5;
	v5 =	vmul.f32 v60, v60  }
0x26f: {  	v26 =	vld [tilespmem:$0x11E0];
	v10 =	vmul.f32 v10, v10;
	v6 =	vmul.f32 v6, v6;
	v4 =	vadd.f32 v7, v4  }
0x270: {  	v51 =	vld [tilespmem:$0xE50];
	v3 =	vmin.f32 v3, v54;
	v7 =	vsub.f32 v2, v24;
	v57 =	vsub.f32 v2, v45  }
0x271: {  	v62 =	vld [tilespmem:$0x1270];
	v50 =	vmul.f32 v13, v13;
	v45 =	vsub.f32 v1, v33;
	v5 =	vadd.f32 v11, v5  }
0x272: {  	v39 =	vld [tilespmem:$0xE20];
	v3 =	vmin.f32 v3, v56;
	v23 =	vadd.f32 v10, v20;
	v25 =	vadd.f32 v6, v8  }
0x273: {  	v60 =	vld [tilespmem:$0xE70];
	v8 =	vmul.f32 v28, v28;
	v11 =	vsub.f32 v1, v22;
	v10 =	vmul.f32 v31, v31  }
0x274: {  	v48 =	vld [tilespmem:$0x1300];
	v6 =	vsub.f32 v1, v26;
	v28 =	vsub.f32 v2, v63;
	v3 =	vmin.f32 v3, v4  }
0x275: {  	v37 =	vld [tilespmem:$0x1210];
	v4 =	vmul.f32 v27, v27;
	v7 =	vmul.f32 v7, v7;
	v13 =	vsub.f32 v2, v51  }
0x276: {  	v32 =	vld [tilespmem:$0xEC0];
	v27 =	vsub.f32 v1, v62;
	v3 =	vmin.f32 v3, v5;
	v5 =	vmul.f32 v29, v29  }
0x277: {  	v41 =	vld [tilespmem:$0x1220];
	v11 =	vmul.f32 v11, v11;
	v6 =	vmul.f32 v6, v6;
	v4 =	vadd.f32 v8, v4  }
0x278: {  	v20 =	vld [tilespmem:$0xE90];
	v3 =	vmin.f32 v3, v23;
	v8 =	vsub.f32 v2, v39;
	v26 =	vsub.f32 v2, v60  }
0x279: {  	v31 =	vld [tilespmem:$0x12B0];
	v19 =	vmul.f32 v13, v13;
	v60 =	vsub.f32 v1, v48;
	v5 =	vadd.f32 v10, v5  }
0x27a: {  	v52 =	vld [tilespmem:$0x1250];
	v3 =	vmin.f32 v3, v25;
	v38 =	vadd.f32 v11, v35;
	v40 =	vadd.f32 v6, v7  }
0x27b: {  	v54 =	vld [tilespmem:$0xE60];
	v7 =	vmul.f32 v43, v43;
	v10 =	vsub.f32 v1, v37;
	v11 =	vmul.f32 v46, v46  }
0x27c: {  	v29 =	vld [tilespmem:$0xEB0];
	v6 =	vsub.f32 v1, v41;
	v43 =	vsub.f32 v2, v32;
	v3 =	vmin.f32 v3, v4  }
0x27d: {  	v47 =	vld [tilespmem:$0xF00];
	v4 =	vmul.f32 v42, v42;
	v8 =	vmul.f32 v8, v8;
	v13 =	vsub.f32 v2, v20  }
0x27e: {  	v56 =	vld [tilespmem:$0x1260];
	v42 =	vsub.f32 v1, v31;
	v3 =	vmin.f32 v3, v5;
	v5 =	vmul.f32 v44, v44  }
0x27f: {  	v35 =	vld [tilespmem:$0xED0];
	v10 =	vmul.f32 v10, v10;
	v6 =	vmul.f32 v6, v6;
	v3 =	vmin.f32 v3, v38  }
0x280: {  	v46 =	vld [tilespmem:$0x12F0];
	v4 =	vadd.f32 v7, v4;
	v7 =	vsub.f32 v2, v54;
	v34 =	vmul.f32 v13, v13  }
0x281: {  	v17 =	vld [tilespmem:$0xF50];
	v41 =	vsub.f32 v2, v29;
	v3 =	vmin.f32 v3, v40;
	v5 =	vadd.f32 v11, v5  }
0x282: {  	v23 =	vld [tilespmem:$0xEA0];
	v53 =	vadd.f32 v10, v50;
	v55 =	vadd.f32 v6, v8;
	v8 =	vmul.f32 v58, v58  }
0x283: {  	v44 =	vld [tilespmem:$0xEF0];
	v11 =	vsub.f32 v1, v52;
	v10 =	vmul.f32 v61, v61;
	v6 =	vsub.f32 v1, v56  }
0x284: {  	v21 =	vld [tilespmem:$0x1290];
	v58 =	vsub.f32 v2, v47;
	v3 =	vmin.f32 v3, v4;
	v4 =	vmul.f32 v57, v57  }
0x285: {  	v36 =	vld [tilespmem:$0x12D0];
	v7 =	vmul.f32 v7, v7;
	v13 =	vsub.f32 v2, v35;
	v57 =	vsub.f32 v1, v46  }
0x286: {  	v25 =	vld [tilespmem:$0x12A0];
	v3 =	vmin.f32 v3, v5;
	v5 =	vmul.f32 v59, v59;
	v11 =	vmul.f32 v11, v11  }
0x287: {  	v50 =	vld [tilespmem:$0xF10];
	v6 =	vmul.f32 v6, v6;
	v3 =	vmin.f32 v3, v53;
	v4 =	vadd.f32 v8, v4  }
0x288: {  	v62 =	vld [tilespmem:$0xF40];
	v8 =	vsub.f32 v2, v23;
	v49 =	vmul.f32 v13, v13;
	v56 =	vsub.f32 v2, v44  }
0x289: {  	v63 =	vld [tilespmem:$0x1340];
	v3 =	vmin.f32 v3, v55;
	v5 =	vadd.f32 v10, v5;
	v22 =	vadd.f32 v11, v19  }
0x28a: {  	v38 =	vld [tilespmem:$0xEE0];
	v24 =	vadd.f32 v6, v7;
	v7 =	vmul.f32 v27, v27;
	v10 =	vsub.f32 v1, v21  }
0x28b: {  	v59 =	vld [tilespmem:$0xF30];
	v11 =	vmul.f32 v30, v30;
	v6 =	vsub.f32 v1, v25;
	v3 =	vmin.f32 v3, v4  }
0x28c: {  	v32 =	vld [tilespmem:$0x1390];
	v4 =	vmul.f32 v26, v26;
	v8 =	vmul.f32 v8, v8;
	v13 =	vsub.f32 v2, v50  }
0x28d: {  	v40 =	vld [tilespmem:$0x12E0];
	v26 =	vsub.f32 v2, v62;
	v3 =	vmin.f32 v3, v5;
	v5 =	vmul.f32 v28, v28  }
0x28e: {  	v61 =	vld [tilespmem:$0x1330];
	v10 =	vmul.f32 v10, v10;
	v6 =	vmul.f32 v6, v6;
	v28 =	vsub.f32 v1, v63  }
0x28f: {  	v29 =	vld [tilespmem:$0xF80];
	v3 =	vmin.f32 v3, v22;
	v4 =	vadd.f32 v7, v4;
	v7 =	vsub.f32 v2, v38  }
0x290: {  	v25 =	vld [tilespmem:$0xF70];
	v16 =	vmul.f32 v13, v13;
	v23 =	vsub.f32 v2, v59;
	v13 =	vsub.f32 v2, v17  }
0x291: {  	v30 =	vld [tilespmem:$0x1380];
	v3 =	vmin.f32 v3, v24;
	v5 =	vadd.f32 v11, v5;
	v37 =	vadd.f32 v10, v34  }
0x292: {  	v51 =	vld [tilespmem:$0x1310];
	v39 =	vadd.f32 v6, v8;
	v8 =	vmul.f32 v42, v42;
	v11 =	vsub.f32 v1, v36  }
0x293: {  	v48 =	vld [tilespmem:$0xFE0];
	v10 =	vmul.f32 v45, v45;
	v6 =	vsub.f32 v1, v40;
	v24 =	vsub.f32 v1, v61  }
0x294: {  	v53 =	vld [tilespmem:$0xF20];
	v12 =	vmul.f32 v28, v28;
	v3 =	vmin.f32 v3, v4;
	v4 =	vmul.f32 v41, v41  }
0x295: {  	v46 =	vld [tilespmem:$0xFD0];
	v7 =	vmul.f32 v7, v7;
	v38 =	vsub.f32 v2, v25;
	v41 =	vsub.f32 v2, v29  }
0x296: {  	v55 =	vld [tilespmem:$0x1320];
	v31 =	vmul.f32 v13, v13;
	v42 =	vsub.f32 v1, v30;
	v13 =	vsub.f32 v1, v32  }
0x297: {  	v27 =	vld [tilespmem:$0x1370];
	v3 =	vmin.f32 v3, v5;
	v5 =	vmul.f32 v43, v43;
	v11 =	vmul.f32 v11, v11  }
0x298: {  	v40 =	vld [tilespmem:$0x13B0];
	v6 =	vmul.f32 v6, v6;
	v3 =	vmin.f32 v3, v37;
	v4 =	vadd.f32 v8, v4  }
0x299: {  	v45 =	vld [tilespmem:$0x13C0];
	v8 =	vsub.f32 v2, v53;
	v13 =	vmul.f32 v13, v13;
	v5 =	vadd.f32 v10, v5  }
0x29a: {  	v3 =	vmin.f32 v3, v39;
	v52 =	vadd.f32 v11, v49;
	v54 =	vadd.f32 v6, v7  }
0x29b: {  	v17 =	vld [tilespmem:$0x13D0];
	v7 =	vmul.f32 v57, v57;
	v10 =	vsub.f32 v1, v51;
	v6 =	vsub.f32 v1, v55  }
0x29c: {  	v20 =	vld [tilespmem:$0xF60];
	v11 =	vmul.f32 v60, v60;
	v39 =	vsub.f32 v1, v27;
	v57 =	vsub.f32 v2, v48  }
0x29d: {  	v18 =	vld [tilespmem:$0x1350];
	v3 =	vmin.f32 v3, v4;
	v4 =	vmul.f32 v56, v56;
	v9 =	vsub.f32 v1, v40  }
0x29e: {  	v44 =	vld [tilespmem:$0xFC0];
	v8 =	vmul.f32 v8, v8;
	v55 =	vsub.f32 v1, v45;
	v56 =	vsub.f32 v2, v46  }
0x29f: {  	v22 =	vld [tilespmem:$0x1360];
	v3 =	vmin.f32 v3, v5;
	v5 =	vmul.f32 v58, v58;
	v10 =	vmul.f32 v10, v10  }
0x2a0: {  	v6 =	vmul.f32 v6, v6;
	v58 =	vsub.f32 v1, v17;
	v3 =	vmin.f32 v3, v52  }
0x2a1: {  	v51 =	vld [tilespmem:$0x13E0];
	v4 =	vadd.f32 v7, v4;
	v7 =	vsub.f32 v2, v20;
	v9 =	vmul.f32 v9, v9  }
0x2a2: {  	v3 =	vmin.f32 v3, v54;
	v5 =	vadd.f32 v11, v5;
	v19 =	vadd.f32 v10, v16  }
0x2a3: {  	v35 =	vld [tilespmem:$0x13A0];
	v21 =	vadd.f32 v6, v8;
	v8 =	vmul.f32 v24, v24;
	v11 =	vsub.f32 v1, v18  }
0x2a4: {  	v33 =	vld [tilespmem:$0xFA0];
	v6 =	vsub.f32 v1, v22;
	v10 =	vmul.f32 v42, v42;
	v54 =	vsub.f32 v2, v44  }
0x2a5: {  	v37 =	vld [tilespmem:$0xFB0];
	v3 =	vmin.f32 v3, v4;
	v4 =	vmul.f32 v23, v23;
	v7 =	vmul.f32 v7, v7  }
0x2a6: {  	v16 =	vld [tilespmem:$0xF90];
	v59 =	vsub.f32 v1, v51;
	v3 =	vmin.f32 v3, v5;
	v5 =	vmul.f32 v26, v26  }
0x2a7: {  	v11 =	vmul.f32 v11, v11;
	v6 =	vmul.f32 v6, v6;
	v4 =	vadd.f32 v8, v4  }
0x2a8: {  	v3 =	vmin.f32 v3, v19;
	v8 =	vsub.f32 v1, v35;
	v5 =	vadd.f32 v12, v5  }
0x2a9: {  	v3 =	vmin.f32 v3, v21;
	v34 =	vadd.f32 v11, v31;
	v36 =	vadd.f32 v6, v7  }
0x2aa: {  	v7 =	vmul.f32 v39, v39;
	v12 =	vsub.f32 v2, v33;
	v6 =	vsub.f32 v2, v37  }
0x2ab: {  	v53 =	vld [tilespmem:$0x13F0];
	v3 =	vmin.f32 v3, v4;
	v4 =	vmul.f32 v38, v38;
	v43 =	vsub.f32 v2, v16  }
0x2ac: {  	v49 =	vld [tilespmem:$0xFF0];
	v8 =	vmul.f32 v8, v8;
	v3 =	vmin.f32 v3, v5;
	v5 =	vmul.f32 v41, v41  }
0x2ad: {  	v3 =	vmin.f32 v3, v34;
	v11 =	vmul.f32 v43, v43;
	v4 =	vadd.f32 v7, v4  }
0x2ae: {  	v47 =	vmul.f32 v12, v12;
	v3 =	vmin.f32 v3, v36;
	v5 =	vadd.f32 v10, v5  }
0x2af: {  	v6 =	vmul.f32 v6, v6;
	v3 =	vmin.f32 v3, v4;
	v50 =	vadd.f32 v13, v11  }
0x2b0: {  	v1 =	vsub.f32 v1, v53;
	v52 =	vadd.f32 v8, v47;
	v3 =	vmin.f32 v3, v5  }
0x2b1: {  	v2 =	vsub.f32 v2, v49;
	v6 =	vadd.f32 v9, v6;
	v3 =	vmin.f32 v3, v50  }
0x2b2: {  	v8 =	vmul.f32 v55, v55;
	v4 =	vmul.f32 v54, v54;
	v3 =	vmin.f32 v3, v52  }
0x2b3: {  	v5 =	vmul.f32 v56, v56;
	v3 =	vmin.f32 v3, v6;
	v6 =	vmul.f32 v58, v58  }
0x2b4: {  	v60 =	vmul.f32 v57, v57;
	v61 =	vmul.f32 v59, v59;
	v4 =	vadd.f32 v8, v4  }
0x2b5: {  	v1 =	vmul.f32 v1, v1;
	v2 =	vmul.f32 v2, v2;
	v5 =	vadd.f32 v6, v5  }
0x2b6: {  	v62 =	vadd.f32 v61, v60;
	v3 =	vmin.f32 v3, v4  }
0x2b7: {  	v1 =	vadd.f32 v1, v2;
	v3 =	vmin.f32 v3, v5  }
0x2b8: {  	v2 =	vmin.f32 v3, v62  }
0x2b9: {  	v1 =	vmin.f32 v2, v1  }
0x2ba: {  	v1 =	vmax.f32 v1, $1.000000000e-30  }
0x2bb: {  	v2 =	vshra.s32 v1, $0x1;
	v3 =	vmul.f32 $5.000000000e-01, v1  }
0x2bc: {  	v2 =	vsub.s32 $0x5F3759DF, v2  }
0x2bd: {  	v63 =	vmul.f32 v2, v3;
	_ =	sdelay $0x1  }
0x2be: {  	v4 =	vmul.f32 v2, v63;
	_ =	sdelay $0x1  }
0x2bf: {  	v4 =	vsub.f32 $1.500000000e+00, v4;
	_ =	sdelay $0x1  }
0x2c0: {  	v2 =	vmul.f32 v2, v4;
	_ =	sdelay $0x1  }
0x2c1: {  	v4 =	vmul.f32 v2, v3;
	_ =	sdelay $0x1  }
0x2c2: {  	v4 =	vmul.f32 v4, v2;
	_ =	sdelay $0x1  }
0x2c3: {  	v4 =	vsub.f32 $1.500000000e+00, v4;
	_ =	sdelay $0x1  }
0x2c4: {  	v2 =	vmul.f32 v4, v2;
	_ =	sdelay $0x1  }
0x2c5: {  	v3 =	vmul.f32 v2, v3;
	_ =	sdelay $0x1  }
0x2c6: {  	v3 =	vmul.f32 v3, v2;
	_ =	sdelay $0x1  }
0x2c7: {  	v3 =	vsub.f32 $1.500000000e+00, v3;
	_ =	sdelay $0x1  }
0x2c8: {  	v2 =	vmul.f32 v3, v2;
	_ =	sdelay $0x1  }
0x2c9: {  	v1 =	vmul.f32 v2, v1;
	_ =	sdelay $0x1  }
0x2ca: {  	v1 =	vsub.f32 $0.0e+00, v1;
	_ =	sdelay $0x1  }
0x2cb: {  	v1 =	vmul.f32 v1, v0;
	_ =	sdelay $0x1  }
0x2cc: {  	v1 =	vmul.f32 $1.442695020e+00, v1;
	_ =	sdelay $0x1  }
0x2cd: {  	(erf) = vpow2.f32 v1;
	_ =	sdelay $0x5  }
0x2ce: {  	s15 =	sadd.s32 $0x2, s15  }
0x2cf: {  	p0 =	slt.u32 s15, $0x1E  }
.Ltmp0:
0x2d0: {  	_ = 	snop;
	(pc) =	sbr.rel @p0 .LBB2_2-.Ltmp0, $4  }
0x2d1: {  	v1 =	vpop (erf)  }
0x2d2: {  	v1 =	vmul.f32 $1.000000000e+01, v1  }
0x2d3: {  	s18 =	sadd.s32 $0x20, s18  }
0x2d4: {  	s19 =	sadd.s32 $0x20, s19;
	s17 =	sadd.s32 $0x20, s17;
	[tilespmem:s16+$0x0] =	vst v1;
	s16 =	sadd.s32 $0x20, s16  }
0x2d5: {  	[hbm4b:s6+s1] =	stream.linear.scatter [tilespmem:s12], [sflag:$0x1], $0x200, $0x38;
	[tilespmem:$0x1800] =	vst v63  }
0x2d6: {  	s14 =	sadd.s32 $0x1, s14;
	_ =	swait.ge [sflag:s9], $0x200  }
0x2d7: {  	p0 =	sne.s32 s14, s8;
	[sflag:s9] =	ssyncset.done $0x0  }
.Ltmp1:
0x2d8: {  	[sflag:s9] =	ssyncadd.s32 $0xFFFFFE00;
	(pc) =	sbr.rel @p0 .LBB2_1-.Ltmp1, $4  }
0x2d9: {  	[hbm4b:s7+s1] =	stream.linear.scatter [tilespmem:s13], [sflag:$0x1], $0x200, $0x38;
	[tilespmem:$0x1800] =	vst v63  }
0x2da: {  	_ =	swait.ge [sflag:s9], $0x200  }
0x2db: {  	[sflag:s9] =	ssyncset.done $0x0  }
0x2dc: {  	[sflag:s9] =	ssyncadd.s32 $0xFFFFFE00  }
0x2dd: {  	_ =	sfence.sel $0x180000  }
0x2de: {  	[bflag:$0x0] =	sbarrier.arrive $0xFFFF  }
0x2df: {  	p0 =	sne.s32 s2, $0x0;
	_ =	strace $0x90000047  }
0x2e0: {  	s0 =	sadd.s32 @!p0 $0x100000, s0;
	[bflag:$0x2] =	sbarrier.arrive $0xFFFF  }
0x2e1: {  	[sflag:s0] =	ssyncadd.tile.s32 @!p0 $0x1;
	_ =	shalt  }
.Lfunc_end2:
_tile_overlayer_lowered:
.L_overlay_start_2:
0x2e2: {  	(tag) =	ssettag $0x2  }
0x2e3: {  	s0 =	rddreg [dreg:$0x0];
	s2 =	stileid.u32  }
0x2e4: {  	s1 =	rddreg [dreg:$0x1];
	p0 =	sne.s32 s2, $0x0  }
0x2e5: {  	s3 =	rddreg [dreg:$0x2];
	[bflag:$0x3] =	sbarrier.arrive $0xFFFF;
	s2 =	simm.s32 @!p0 $0x1C01  }
0x2e6: {  	[timem:s3], [sflag:s2] =	dma.local @!p0 [hbm:s0], s1  }
0x2e7: {  	s0 =	simm.s32 @!p0 $0x1  }
0x2e8: {  	_ =	swait.ge @!p0 [sflag:s0], s1  }
0x2e9: {  	s1 =	ssub.s32 @!p0 $0x0, s1;
	[sflag:s0] =	ssyncset.done @!p0 $0x0  }
0x2ea: {  	[sflag:s0] =	ssyncadd.s32 @!p0 s1  }
0x2eb: {  	[bflag:$0x3] =	sbarrier.arrive $0xFFFF  }
0x2ec: {  	_ =	shalt  }

</sc_bundles>
